<compile_context>
chip_gen: v7x
topology: tpu7x:2x2x1
jax: 0.10.2.dev20260603
libtpu: 0.0.44.dev20260713+nightly
codegen_flags: <defaults>
</compile_context>

<pallas_src>
import functools

import jax
import jax.numpy as jnp
from jax import lax
from jax.experimental import pallas as pl
from jax.experimental.pallas import tpu as pltpu
from jax.experimental.pallas import tpu_sc as plsc

N = 4096
TM = 512
N_TC = 3584
N_SC = N - N_TC
NW = 32
RPW = N_SC // NW
GRP = 8
NEG_INF = float("-inf")



def _tc_body(prev_ref, nblk_ref, ntT_ref, a_ref, wphi_ref, wth_ref, out_ref):
    i = pl.program_id(0)
    w0 = wth_ref[0, 0]
    w1 = wth_ref[1, 0]
    w2 = wth_ref[2, 0]
    c0 = w0 * w0
    c1 = w1 * w1
    c2 = w2 * w2

    x0 = ntT_ref[0:1, :]
    x1 = ntT_ref[1:2, :]
    x2 = ntT_ref[2:3, :]
    g0 = x0 * (-2.0 * c0)
    g1 = x1 * (-2.0 * c1)
    g2 = x2 * (-2.0 * c2)
    sq = x0 * x0 * c0 + x1 * x1 * c1 + x2 * x2 * c2

    y0 = nblk_ref[:, 0:1]
    y1 = nblk_ref[:, 1:2]
    y2 = nblk_ref[:, 2:3]

    z = ((sq + y0 * g0) + y1 * g1) + y2 * g2

    mask = a_ref[:, :] != 0
    m = jnp.max(jnp.where(mask, z, NEG_INF), axis=1, keepdims=True)
    mrow = m.T
    xi0 = ntT_ref[0:1, pl.ds(i * TM, TM)]
    xi1 = ntT_ref[1:2, pl.ds(i * TM, TM)]
    xi2 = ntT_ref[2:3, pl.ds(i * TM, TM)]
    sqi = xi0 * xi0 * c0 + xi1 * xi1 * c1 + xi2 * xi2 * c2
    d2 = sqi + mrow
    maxd = jnp.where(mrow == NEG_INF, NEG_INF, jnp.sqrt(jnp.maximum(d2, 0.0)))

    half_wmean = 0.5 * jnp.mean(wphi_ref[0, :])
    out_ref[0:1, :] = 0.5 * prev_ref[0:1, :] + maxd * half_wmean


def _tc_part(prev, nodes, ntT, adjacency, wphi, wth):
    grid = (N_TC // TM,)
    return pl.pallas_call(
        _tc_body,
        grid=grid,
        in_specs=[
            pl.BlockSpec((1, TM), lambda i: (0, i)),
            pl.BlockSpec((TM, 3), lambda i: (i, 0)),
            pl.BlockSpec((3, N), lambda i: (0, 0)),
            pl.BlockSpec((TM, N), lambda i: (i, 0)),
            pl.BlockSpec((1, wphi.shape[1]), lambda i: (0, 0)),
            pl.BlockSpec((3, 1), lambda i: (0, 0)),
        ],
        out_specs=pl.BlockSpec((1, TM), lambda i: (0, i)),
        out_shape=jax.ShapeDtypeStruct((1, N_TC), jnp.float32),
    )(prev, nodes, ntT, adjacency, wphi, wth)



def _sc_body(adj_hbm, ntT_hbm, prev_hbm, wphi_hbm, wth_hbm, out_hbm,
             xs_v, ts_v, a_v, prev_v, out_v, wphi_v, wth_v):
    wid = lax.axis_index("c") * 16 + lax.axis_index("s")
    base = N_TC + wid * RPW
    lane = lax.iota(jnp.int32, 16)

    pltpu.sync_copy(ntT_hbm, xs_v)
    pltpu.sync_copy(prev_hbm.at[pl.ds(base, RPW)], prev_v)
    pltpu.sync_copy(wphi_hbm, wphi_v)
    pltpu.sync_copy(wth_hbm, wth_v)

    def _take(vec, idx):
        dn = lax.GatherDimensionNumbers(
            offset_dims=(), collapsed_slice_dims=(0,), start_index_map=(0,))
        return lax.gather(vec, idx[:, None], dn, (1,),
                          mode=lax.GatherScatterMode.PROMISE_IN_BOUNDS)

    def _bcast_lane(vec, pos):
        return _take(vec, jnp.full((16,), pos, jnp.int32))

    def _bcast_max(vec):
        for k in (8, 4, 2, 1):
            vec = jnp.maximum(vec, _take(vec, lane ^ k))
        return vec

    def _bcast_sum(vec):
        for k in (8, 4, 2, 1):
            vec = vec + _take(vec, lane ^ k)
        return vec

    wv = wth_v[:]
    w0 = _bcast_lane(wv, 0)
    w1 = _bcast_lane(wv, 1)
    w2 = _bcast_lane(wv, 2)
    c0 = w0 * w0
    c1 = w1 * w1
    c2 = w2 * w2

    def _wsum(i, acc):
        return acc + wphi_v[pl.ds(i * 16, 16)]
    wacc = lax.fori_loop(0, 16, _wsum, jnp.zeros((16,), jnp.float32))
    half_wmean = _bcast_sum(wacc) * jnp.float32(0.5 / 256.0)

    def _pre(cidx, carry):
        sl = pl.ds(cidx * 16, 16)
        x0c = xs_v[0, sl]
        x1c = xs_v[1, sl]
        x2c = xs_v[2, sl]
        t0 = x0c * c0
        t1 = x1c * c1
        t2 = x2c * c2
        ts_v[0, sl] = t0
        ts_v[1, sl] = t1
        ts_v[2, sl] = t2
        ts_v[3, sl] = t0 * x0c + t1 * x1c + t2 * x2c
        return carry
    lax.fori_loop(0, N // 16, _pre, jnp.int32(0))

    outvec = jnp.zeros((16,), jnp.float32)
    for g in range(RPW // GRP):
        row0 = base + g * GRP
        pltpu.sync_copy(adj_hbm.at[pl.ds(row0, GRP), :], a_v)

        ys = []
        for r in range(GRP):
            lr = g * GRP + r
            pos = lr % 16
            cs = base + (lr // 16) * 16
            y0 = _bcast_lane(xs_v[0, pl.ds(cs, 16)], pos)
            y1 = _bcast_lane(xs_v[1, pl.ds(cs, 16)], pos)
            y2 = _bcast_lane(xs_v[2, pl.ds(cs, 16)], pos)
            ys.append((y0 * (-2.0), y1 * (-2.0), y2 * (-2.0),
                       y0 * y0 * c0 + y1 * y1 * c1 + y2 * y2 * c2))

        def _chunk(cidx, accs):
            sl = pl.ds(cidx * 16, 16)
            t0 = ts_v[0, sl]
            t1 = ts_v[1, sl]
            t2 = ts_v[2, sl]
            sqc = ts_v[3, sl]
            new = []
            for r in range(GRP):
                y0n, y1n, y2n, _ = ys[r]
                z = ((sqc + t0 * y0n) + t1 * y1n) + t2 * y2n
                va = a_v[r, sl]
                new.append(
                    jnp.maximum(accs[r], jnp.where(va != 0, z, NEG_INF)))
            return tuple(new)

        accs = lax.fori_loop(
            0, N // 16, _chunk,
            tuple(jnp.full((16,), NEG_INF, jnp.float32)
                  for _ in range(GRP)))

        for r in range(GRP):
            lr = g * GRP + r
            _, _, _, sqi = ys[r]
            m = _bcast_max(accs[r])
            d2 = m + sqi
            dd = jnp.where(d2 > 0.0, d2, 1.0)
            s = (dd + 1.0) * 0.5
            for _ in range(20):
                s = (s + dd / s) * 0.5
            maxd = jnp.where(d2 == NEG_INF, NEG_INF,
                             jnp.where(d2 > 0.0, s, 0.0))
            pc = prev_v[pl.ds((lr // 16) * 16, 16)]
            prv = _bcast_lane(pc, lr % 16)
            res = prv * 0.5 + maxd * half_wmean
            outvec = jnp.where(lane == (lr % 16), res, outvec)
            if lr % 16 == 15:
                out_v[pl.ds(lr - 15, 16)] = outvec
                outvec = jnp.zeros((16,), jnp.float32)

    pltpu.sync_copy(out_v, out_hbm.at[pl.ds(wid * RPW, RPW)])


def _sc_part(prev, ntT, adjacency, wphi, wth):
    mesh = plsc.VectorSubcoreMesh(core_axis_name="c", subcore_axis_name="s")
    fn = functools.partial(
        pl.kernel,
        mesh=mesh,
        out_type=jax.ShapeDtypeStruct((N_SC,), jnp.float32),
        scratch_types=[
            pltpu.VMEM((3, N), jnp.float32),
            pltpu.VMEM((4, N), jnp.float32),
            pltpu.VMEM((GRP, N), jnp.int32),
            pltpu.VMEM((RPW,), jnp.float32),
            pltpu.VMEM((RPW,), jnp.float32),
            pltpu.VMEM((256,), jnp.float32),
            pltpu.VMEM((16,), jnp.float32),
        ],
    )(_sc_body)
    return fn(adjacency, ntT, prev, wphi, wth)



@jax.jit
def _run(prev, nodes, adjacency, wphi, wth):
    prev2 = prev.reshape(1, N)
    wphi2 = wphi.reshape(1, -1)
    ntT = nodes.T
    wth16 = jnp.pad(wth.reshape(3), (0, 13))
    sc = _sc_part(prev, ntT, adjacency, wphi, wth16)
    tc = _tc_part(prev2, nodes, ntT, adjacency, wphi2, wth)
    return jnp.concatenate([tc.reshape(N_TC), sc])


def kernel(previous_inclusion_score, nodes, adjacency_matrix, W_phi, W_theta):
    return _run(previous_inclusion_score, nodes, adjacency_matrix, W_phi,
                W_theta)

# --- scband reference (transcript-rebuilt; emitter-appended) ---
"""Pipeline reference for scband-dev-conv-18872086298691 (READ-ONLY COPY).

The authoritative reference and input builder live on the scoring server;
editing this copy changes nothing except your own understanding.
"""

import jax, jax.numpy as jnp
import numpy as np

N = 4096
OUT_DIM = 256

def setup_inputs(seed: int = 0) -> dict:
    key = jax.random.key(seed)
    k1, k2, k3, k4, k5 = jax.random.split(key, 5)
    previous_inclusion_score = jax.random.normal(k1, (N,), dtype=jnp.float32)
    nodes = jax.random.normal(k2, (N, 3), dtype=jnp.float32)
    adjacency_matrix = jax.random.randint(k3, (N, N), 0, 2, dtype=jnp.int32)
    W_phi = jax.random.normal(k4, (OUT_DIM,), dtype=jnp.float32)
    W_theta = jax.random.normal(k5, (3, 1), dtype=jnp.float32)
    return {
        'previous_inclusion_score': previous_inclusion_score,
        'nodes': nodes,
        'adjacency_matrix': adjacency_matrix,
        'W_phi': W_phi,
        'W_theta': W_theta,
    }

def reference(previous_inclusion_score, nodes, adjacency_matrix, W_phi, W_theta):
    # Per node i: dist(i,j) = || W_theta^T * (x_i - x_j) ||_2 over neighbors j,
    # inc_score[i] = W_phi * max_j dist(i,j).
    # Vectorized via the Gram trick: scale coords by W_theta first, then
    # ||y_i - y_j||^2 = |y_i|^2 + |y_j|^2 - 2 y_i . y_j  (identical math to the loop).
    w = W_theta.reshape(-1)                      # [3]
    y = nodes * w[None, :]                       # [N, 3]
    sq = jnp.sum(y * y, axis=1)                  # [N]
    d2 = sq[:, None] + sq[None, :] - 2.0 * (y @ y.T)   # [N, N]
    dist = jnp.sqrt(jnp.maximum(d2, 0.0))        # [N, N]
    mask = adjacency_matrix != 0                 # neighbors = nonzero entries
    masked = jnp.where(mask, dist, -jnp.inf)
    max_dist = jnp.max(masked, axis=1)           # [N]
    list_inc_score = max_dist[:, None] * W_phi[None, :]   # [N, OUT_DIM]
    # previous_inclusion_score is non-empty and OUT_DIM != 1 -> mean over dim 1
    list_inc_score = jnp.mean(list_inc_score, axis=1)     # [N]
    result = jnp.mean(jnp.stack([previous_inclusion_score, list_inc_score]), axis=0)
    return result

if __name__ == "__main__":
    import jax
    _d = setup_inputs()
    print(jax.jit(kernel)(*tuple(_d.values())))

</pallas_src>

<mosaic_0001>
#map = affine_map<(d0, d1) -> (0, 0)>
#map1 = affine_map<(d0, d1) -> (0)>
module attributes {stable_mosaic.version = 14 : i64} {
  func.func @_sc_body(%arg0: i32, %arg1: i32, %arg2: memref<4096x4096xi32, #tpu.memory_space<hbm>>, %arg3: memref<3x4096xf32, #tpu.memory_space<hbm>>, %arg4: memref<4096xf32, #tpu.memory_space<hbm>>, %arg5: memref<256xf32, #tpu.memory_space<hbm>>, %arg6: memref<16xf32, #tpu.memory_space<hbm>>, %arg7: memref<512xf32, #tpu.memory_space<hbm>>, %arg8: memref<3x4096xf32, #tpu.memory_space<vmem>>, %arg9: memref<4x4096xf32, #tpu.memory_space<vmem>>, %arg10: memref<8x4096xi32, #tpu.memory_space<vmem>>, %arg11: memref<16xf32, #tpu.memory_space<vmem>>, %arg12: memref<16xf32, #tpu.memory_space<vmem>>, %arg13: memref<256xf32, #tpu.memory_space<vmem>>, %arg14: memref<16xf32, #tpu.memory_space<vmem>>) attributes {dimension_semantics = [#tpu.dimension_semantics<core_parallel>, #tpu.dimension_semantics<subcore_parallel>], iteration_bounds = array<i64: 2, 16>, scalar_prefetch = 0 : i64, scratch_operands = 7 : i64, tpu.core_type = #tpu.core_type<sc_vector_subcore>, window_params = [{transform_indices = #map}, {transform_indices = #map}, {transform_indices = #map1}, {transform_indices = #map1}, {transform_indices = #map1}, {transform_indices = #map1}]} {
    %mul3A = arith.constant 16 : i32
    %mul3A_0 = arith.muli %arg0, %mul3A : i32
    %add3A = arith.addi %mul3A_0, %arg1 : i32
    %mul3A_1 = arith.constant 16 : i32
    %mul3A_2 = arith.muli %add3A, %mul3A_1 : i32
    %add3A_3 = arith.constant 3584 : i32
    %add3A_4 = arith.addi %add3A_3, %mul3A_2 : i32
    %iota3A = tpu.iota {dimensions = array<i32: 0>} : vector<16xi32>
    "tpu.region"() ({
      %run_scoped3A = tpu.sem_alloc : memref<!tpu.dma_semaphore, #tpu.memory_space<semaphore_mem>>
      tpu.enqueue_dma source(%arg3 : memref<3x4096xf32, #tpu.memory_space<hbm>>) target(%arg8 : memref<3x4096xf32, #tpu.memory_space<vmem>>) target_semaphore(%run_scoped3A : memref<!tpu.dma_semaphore, #tpu.memory_space<semaphore_mem>>)
      tpu.wait_dma2 semaphore(%run_scoped3A : memref<!tpu.dma_semaphore, #tpu.memory_space<semaphore_mem>>) src(%arg3 : memref<3x4096xf32, #tpu.memory_space<hbm>>) dst(%arg8 : memref<3x4096xf32, #tpu.memory_space<vmem>>)
      tpu.yield
    }) : () -> ()
    "tpu.region"() ({
      %run_scoped3A = tpu.sem_alloc : memref<!tpu.dma_semaphore, #tpu.memory_space<semaphore_mem>>
      %dma_start3A = tpu.memref_slice %arg4[%add3A_4] : memref<4096xf32, #tpu.memory_space<hbm>> -> memref<16xf32, #tpu.memory_space<hbm>>
      %dma_start3A_3621 = tpu.memref_slice %arg4[%add3A_4] : memref<4096xf32, #tpu.memory_space<hbm>> -> memref<16xf32, #tpu.memory_space<hbm>>
      tpu.enqueue_dma source(%dma_start3A_3621 : memref<16xf32, #tpu.memory_space<hbm>>) target(%arg11 : memref<16xf32, #tpu.memory_space<vmem>>) target_semaphore(%run_scoped3A : memref<!tpu.dma_semaphore, #tpu.memory_space<semaphore_mem>>)
      %dma_wait3A = tpu.memref_slice %arg4[%add3A_4] : memref<4096xf32, #tpu.memory_space<hbm>> -> memref<16xf32, #tpu.memory_space<hbm>>
      %dma_wait3A_3622 = tpu.memref_slice %arg4[%add3A_4] : memref<4096xf32, #tpu.memory_space<hbm>> -> memref<16xf32, #tpu.memory_space<hbm>>
      tpu.wait_dma2 semaphore(%run_scoped3A : memref<!tpu.dma_semaphore, #tpu.memory_space<semaphore_mem>>) src(%dma_wait3A_3622 : memref<16xf32, #tpu.memory_space<hbm>>) dst(%arg11 : memref<16xf32, #tpu.memory_space<vmem>>)
      tpu.yield
    }) : () -> ()
    "tpu.region"() ({
      %run_scoped3A = tpu.sem_alloc : memref<!tpu.dma_semaphore, #tpu.memory_space<semaphore_mem>>
      tpu.enqueue_dma source(%arg5 : memref<256xf32, #tpu.memory_space<hbm>>) target(%arg13 : memref<256xf32, #tpu.memory_space<vmem>>) target_semaphore(%run_scoped3A : memref<!tpu.dma_semaphore, #tpu.memory_space<semaphore_mem>>)
      tpu.wait_dma2 semaphore(%run_scoped3A : memref<!tpu.dma_semaphore, #tpu.memory_space<semaphore_mem>>) src(%arg5 : memref<256xf32, #tpu.memory_space<hbm>>) dst(%arg13 : memref<256xf32, #tpu.memory_space<vmem>>)
      tpu.yield
    }) : () -> ()
    "tpu.region"() ({
      %run_scoped3A = tpu.sem_alloc : memref<!tpu.dma_semaphore, #tpu.memory_space<semaphore_mem>>
      tpu.enqueue_dma source(%arg6 : memref<16xf32, #tpu.memory_space<hbm>>) target(%arg14 : memref<16xf32, #tpu.memory_space<vmem>>) target_semaphore(%run_scoped3A : memref<!tpu.dma_semaphore, #tpu.memory_space<semaphore_mem>>)
      tpu.wait_dma2 semaphore(%run_scoped3A : memref<!tpu.dma_semaphore, #tpu.memory_space<semaphore_mem>>) src(%arg6 : memref<16xf32, #tpu.memory_space<hbm>>) dst(%arg14 : memref<16xf32, #tpu.memory_space<vmem>>)
      tpu.yield
    }) : () -> ()
    %get3A = arith.constant 0 : index
    %get3A_5 = tpu.vector_load %arg14[%get3A] {strides = array<i32>} : memref<16xf32, #tpu.memory_space<vmem>>, vector<16xf32>,
    %get3A_6 = vector.shape_cast %get3A_5 : vector<16xf32> to vector<16xf32>
    %broadcast_in_dim3A = arith.constant 0 : i32
    %broadcast_in_dim3A_7 = vector.broadcast %broadcast_in_dim3A : i32 to vector<16xi32>
    %broadcast_in_dim3A_8 = vector.shape_cast %broadcast_in_dim3A_7 : vector<16xi32> to vector<16x1xi32>
    %gather3A = vector.shape_cast %broadcast_in_dim3A_8 : vector<16x1xi32> to vector<16xi32>
    %gather3A_9 = tpu.dynamic_gather %get3A_6[%gather3A] in [0] : vector<16xf32>, vector<16xi32> -> vector<16xf32>
    %broadcast_in_dim3A_10 = arith.constant 1 : i32
    %broadcast_in_dim3A_11 = vector.broadcast %broadcast_in_dim3A_10 : i32 to vector<16xi32>
    %broadcast_in_dim3A_12 = vector.shape_cast %broadcast_in_dim3A_11 : vector<16xi32> to vector<16x1xi32>
    %gather3A_13 = vector.shape_cast %broadcast_in_dim3A_12 : vector<16x1xi32> to vector<16xi32>
    %gather3A_14 = tpu.dynamic_gather %get3A_6[%gather3A_13] in [0] : vector<16xf32>, vector<16xi32> -> vector<16xf32>
    %broadcast_in_dim3A_15 = arith.constant 2 : i32
    %broadcast_in_dim3A_16 = vector.broadcast %broadcast_in_dim3A_15 : i32 to vector<16xi32>
    %broadcast_in_dim3A_17 = vector.shape_cast %broadcast_in_dim3A_16 : vector<16xi32> to vector<16x1xi32>
    %gather3A_18 = vector.shape_cast %broadcast_in_dim3A_17 : vector<16x1xi32> to vector<16xi32>
    %gather3A_19 = tpu.dynamic_gather %get3A_6[%gather3A_18] in [0] : vector<16xf32>, vector<16xi32> -> vector<16xf32>
    %mul3A_20 = arith.mulf %gather3A_9, %gather3A_9 : vector<16xf32>
    %mul3A_21 = arith.mulf %gather3A_14, %gather3A_14 : vector<16xf32>
    %mul3A_22 = arith.mulf %gather3A_19, %gather3A_19 : vector<16xf32>
    %broadcast_in_dim3A_23 = arith.constant 0.000000e+00 : f32
    %broadcast_in_dim3A_24 = vector.broadcast %broadcast_in_dim3A_23 : f32 to vector<16xf32>
    %scan3A = arith.constant 0 : i32
    %scan3A_25 = arith.constant 16 : i32
    %scan3A_26 = arith.addi %scan3A, %scan3A_25 : i32
    %scan3A_27 = arith.constant 1 : i32
    %scan3A_28 = scf.for %scan3A_3621 = %scan3A to %scan3A_26 step %scan3A_27 iter_args(%scan3A_3622 = %broadcast_in_dim3A_24) -> (vector<16xf32>)  : i32 {
      %mul3A_3623 = arith.constant 16 : i32
      %mul3A_3624 = arith.muli %scan3A_3621, %mul3A_3623 : i32
      %get3A_3625 = arith.index_cast %mul3A_3624 : i32 to index
      %get3A_3626 = tpu.vector_load %arg13[%get3A_3625] {strides = array<i32>} : memref<256xf32, #tpu.memory_space<vmem>>, vector<16xf32>,
      %get3A_3627 = vector.shape_cast %get3A_3626 : vector<16xf32> to vector<16xf32>
      %add3A_3628 = arith.addf %scan3A_3622, %get3A_3627 : vector<16xf32>
      scf.yield %add3A_3628 : vector<16xf32>
    }
    %scan3A_29 = arith.constant 16 : i32
    %xor3A = arith.constant 8 : i32
    %xor3A_30 = vector.broadcast %xor3A : i32 to vector<16xi32>
    %xor3A_31 = arith.xori %iota3A, %xor3A_30 : vector<16xi32>
    %broadcast_in_dim3A_32 = vector.shape_cast %xor3A_31 : vector<16xi32> to vector<16x1xi32>
    %gather3A_33 = vector.shape_cast %broadcast_in_dim3A_32 : vector<16x1xi32> to vector<16xi32>
    %gather3A_34 = tpu.dynamic_gather %scan3A_28[%gather3A_33] in [0] : vector<16xf32>, vector<16xi32> -> vector<16xf32>
    %add3A_35 = arith.addf %scan3A_28, %gather3A_34 : vector<16xf32>
    %xor3A_36 = arith.constant 4 : i32
    %xor3A_37 = vector.broadcast %xor3A_36 : i32 to vector<16xi32>
    %xor3A_38 = arith.xori %iota3A, %xor3A_37 : vector<16xi32>
    %broadcast_in_dim3A_39 = vector.shape_cast %xor3A_38 : vector<16xi32> to vector<16x1xi32>
    %gather3A_40 = vector.shape_cast %broadcast_in_dim3A_39 : vector<16x1xi32> to vector<16xi32>
    %gather3A_41 = tpu.dynamic_gather %add3A_35[%gather3A_40] in [0] : vector<16xf32>, vector<16xi32> -> vector<16xf32>
    %add3A_42 = arith.addf %add3A_35, %gather3A_41 : vector<16xf32>
    %xor3A_43 = arith.constant 2 : i32
    %xor3A_44 = vector.broadcast %xor3A_43 : i32 to vector<16xi32>
    %xor3A_45 = arith.xori %iota3A, %xor3A_44 : vector<16xi32>
    %broadcast_in_dim3A_46 = vector.shape_cast %xor3A_45 : vector<16xi32> to vector<16x1xi32>
    %gather3A_47 = vector.shape_cast %broadcast_in_dim3A_46 : vector<16x1xi32> to vector<16xi32>
    %gather3A_48 = tpu.dynamic_gather %add3A_42[%gather3A_47] in [0] : vector<16xf32>, vector<16xi32> -> vector<16xf32>
    %add3A_49 = arith.addf %add3A_42, %gather3A_48 : vector<16xf32>
    %xor3A_50 = arith.constant 1 : i32
    %xor3A_51 = vector.broadcast %xor3A_50 : i32 to vector<16xi32>
    %xor3A_52 = arith.xori %iota3A, %xor3A_51 : vector<16xi32>
    %broadcast_in_dim3A_53 = vector.shape_cast %xor3A_52 : vector<16xi32> to vector<16x1xi32>
    %gather3A_54 = vector.shape_cast %broadcast_in_dim3A_53 : vector<16x1xi32> to vector<16xi32>
    %gather3A_55 = tpu.dynamic_gather %add3A_49[%gather3A_54] in [0] : vector<16xf32>, vector<16xi32> -> vector<16xf32>
    %add3A_56 = arith.addf %add3A_49, %gather3A_55 : vector<16xf32>
    %mul3A_57 = arith.constant 0.001953125 : f32
    %mul3A_58 = vector.broadcast %mul3A_57 : f32 to vector<16xf32>
    %mul3A_59 = arith.mulf %add3A_56, %mul3A_58 : vector<16xf32>
    %scan3A_60 = arith.constant 0 : i32
    %scan3A_61 = arith.constant 0 : i32
    %scan3A_62 = arith.constant 256 : i32
    %scan3A_63 = arith.addi %scan3A_61, %scan3A_62 : i32
    %scan3A_64 = arith.constant 1 : i32
    scf.for %scan3A_3621 = %scan3A_61 to %scan3A_63 step %scan3A_64  : i32 {
      %mul3A_3622 = arith.constant 16 : i32
      %mul3A_3623 = arith.muli %scan3A_3621, %mul3A_3622 : i32
      %get3A_3624 = arith.constant 0 : i32
      %get3A_3625 = arith.index_cast %get3A_3624 : i32 to index
      %get3A_3626 = arith.index_cast %mul3A_3623 : i32 to index
      %get3A_3627 = tpu.vector_load %arg8[%get3A_3625, %get3A_3626] {strides = array<i32>} : memref<3x4096xf32, #tpu.memory_space<vmem>>, vector<1x16xf32>,
      %get3A_3628 = vector.shape_cast %get3A_3627 : vector<1x16xf32> to vector<16xf32>
      %get3A_3629 = arith.constant 1 : i32
      %get3A_3630 = arith.index_cast %get3A_3629 : i32 to index
      %get3A_3631 = arith.index_cast %mul3A_3623 : i32 to index
      %get3A_3632 = tpu.vector_load %arg8[%get3A_3630, %get3A_3631] {strides = array<i32>} : memref<3x4096xf32, #tpu.memory_space<vmem>>, vector<1x16xf32>,
      %get3A_3633 = vector.shape_cast %get3A_3632 : vector<1x16xf32> to vector<16xf32>
      %get3A_3634 = arith.constant 2 : i32
      %get3A_3635 = arith.index_cast %get3A_3634 : i32 to index
      %get3A_3636 = arith.index_cast %mul3A_3623 : i32 to index
      %get3A_3637 = tpu.vector_load %arg8[%get3A_3635, %get3A_3636] {strides = array<i32>} : memref<3x4096xf32, #tpu.memory_space<vmem>>, vector<1x16xf32>,
      %get3A_3638 = vector.shape_cast %get3A_3637 : vector<1x16xf32> to vector<16xf32>
      %mul3A_3639 = arith.mulf %get3A_3628, %mul3A_20 : vector<16xf32>
      %mul3A_3640 = arith.mulf %get3A_3633, %mul3A_21 : vector<16xf32>
      %mul3A_3641 = arith.mulf %get3A_3638, %mul3A_22 : vector<16xf32>
      %swap3A_3642 = arith.constant 0 : i32
      %swap3A_3643 = arith.index_cast %swap3A_3642 : i32 to index
      %swap3A_3644 = arith.index_cast %mul3A_3623 : i32 to index
      %swap3A_3645 = tpu.vector_load %arg9[%swap3A_3643, %swap3A_3644] {strides = array<i32>} : memref<4x4096xf32, #tpu.memory_space<vmem>>, vector<1x16xf32>,
      %swap3A_3646 = vector.shape_cast %swap3A_3645 : vector<1x16xf32> to vector<16xf32>
      %swap3A_3647 = vector.shape_cast %mul3A_3639 : vector<16xf32> to vector<1x16xf32>
      tpu.vector_store %arg9[%swap3A_3643, %swap3A_3644], %swap3A_3647 {strides = array<i32>} : memref<4x4096xf32, #tpu.memory_space<vmem>>, vector<1x16xf32>,
      %swap3A_3648 = arith.constant 1 : i32
      %swap3A_3649 = arith.index_cast %swap3A_3648 : i32 to index
      %swap3A_3650 = arith.index_cast %mul3A_3623 : i32 to index
      %swap3A_3651 = tpu.vector_load %arg9[%swap3A_3649, %swap3A_3650] {strides = array<i32>} : memref<4x4096xf32, #tpu.memory_space<vmem>>, vector<1x16xf32>,
      %swap3A_3652 = vector.shape_cast %swap3A_3651 : vector<1x16xf32> to vector<16xf32>
      %swap3A_3653 = vector.shape_cast %mul3A_3640 : vector<16xf32> to vector<1x16xf32>
      tpu.vector_store %arg9[%swap3A_3649, %swap3A_3650], %swap3A_3653 {strides = array<i32>} : memref<4x4096xf32, #tpu.memory_space<vmem>>, vector<1x16xf32>,
      %swap3A_3654 = arith.constant 2 : i32
      %swap3A_3655 = arith.index_cast %swap3A_3654 : i32 to index
      %swap3A_3656 = arith.index_cast %mul3A_3623 : i32 to index
      %swap3A_3657 = tpu.vector_load %arg9[%swap3A_3655, %swap3A_3656] {strides = array<i32>} : memref<4x4096xf32, #tpu.memory_space<vmem>>, vector<1x16xf32>,
      %swap3A_3658 = vector.shape_cast %swap3A_3657 : vector<1x16xf32> to vector<16xf32>
      %swap3A_3659 = vector.shape_cast %mul3A_3641 : vector<16xf32> to vector<1x16xf32>
      tpu.vector_store %arg9[%swap3A_3655, %swap3A_3656], %swap3A_3659 {strides = array<i32>} : memref<4x4096xf32, #tpu.memory_space<vmem>>, vector<1x16xf32>,
      %mul3A_3660 = arith.mulf %mul3A_3639, %get3A_3628 : vector<16xf32>
      %mul3A_3661 = arith.mulf %mul3A_3640, %get3A_3633 : vector<16xf32>
      %add3A_3662 = arith.addf %mul3A_3660, %mul3A_3661 : vector<16xf32>
      %mul3A_3663 = arith.mulf %mul3A_3641, %get3A_3638 : vector<16xf32>
      %add3A_3664 = arith.addf %add3A_3662, %mul3A_3663 : vector<16xf32>
      %swap3A_3665 = arith.constant 3 : i32
      %swap3A_3666 = arith.index_cast %swap3A_3665 : i32 to index
      %swap3A_3667 = arith.index_cast %mul3A_3623 : i32 to index
      %swap3A_3668 = tpu.vector_load %arg9[%swap3A_3666, %swap3A_3667] {strides = array<i32>} : memref<4x4096xf32, #tpu.memory_space<vmem>>, vector<1x16xf32>,
      %swap3A_3669 = vector.shape_cast %swap3A_3668 : vector<1x16xf32> to vector<16xf32>
      %swap3A_3670 = vector.shape_cast %add3A_3664 : vector<16xf32> to vector<1x16xf32>
      tpu.vector_store %arg9[%swap3A_3666, %swap3A_3667], %swap3A_3670 {strides = array<i32>} : memref<4x4096xf32, #tpu.memory_space<vmem>>, vector<1x16xf32>,
    }
    %scan3A_65 = arith.constant 256 : i32
    %broadcast_in_dim3A_66 = arith.constant 0.000000e+00 : f32
    %broadcast_in_dim3A_67 = vector.broadcast %broadcast_in_dim3A_66 : f32 to vector<16xf32>
    %add3A_68 = arith.constant 0 : i32
    %add3A_69 = arith.addi %add3A_4, %add3A_68 : i32
    "tpu.region"() ({
      %run_scoped3A = tpu.sem_alloc : memref<!tpu.dma_semaphore, #tpu.memory_space<semaphore_mem>>
      %dma_start3A = arith.constant 0 : i32
      %dma_start3A_3621 = tpu.memref_slice %arg2[%add3A_69, %dma_start3A] : memref<4096x4096xi32, #tpu.memory_space<hbm>> -> memref<8x4096xi32, #tpu.memory_space<hbm>>
      %dma_start3A_3622 = arith.constant 0 : i32
      %dma_start3A_3623 = tpu.memref_slice %arg2[%add3A_69, %dma_start3A_3622] : memref<4096x4096xi32, #tpu.memory_space<hbm>> -> memref<8x4096xi32, #tpu.memory_space<hbm>>
      tpu.enqueue_dma source(%dma_start3A_3623 : memref<8x4096xi32, #tpu.memory_space<hbm>>) target(%arg10 : memref<8x4096xi32, #tpu.memory_space<vmem>>) target_semaphore(%run_scoped3A : memref<!tpu.dma_semaphore, #tpu.memory_space<semaphore_mem>>)
      %dma_wait3A = arith.constant 0 : i32
      %dma_wait3A_3624 = tpu.memref_slice %arg2[%add3A_69, %dma_wait3A] : memref<4096x4096xi32, #tpu.memory_space<hbm>> -> memref<8x4096xi32, #tpu.memory_space<hbm>>
      %dma_wait3A_3625 = arith.constant 0 : i32
      %dma_wait3A_3626 = tpu.memref_slice %arg2[%add3A_69, %dma_wait3A_3625] : memref<4096x4096xi32, #tpu.memory_space<hbm>> -> memref<8x4096xi32, #tpu.memory_space<hbm>>
      tpu.wait_dma2 semaphore(%run_scoped3A : memref<!tpu.dma_semaphore, #tpu.memory_space<semaphore_mem>>) src(%dma_wait3A_3626 : memref<8x4096xi32, #tpu.memory_space<hbm>>) dst(%arg10 : memref<8x4096xi32, #tpu.memory_space<vmem>>)
      tpu.yield
    }) : () -> ()
    %add3A_70 = arith.constant 0 : i32
    %add3A_71 = arith.addi %add3A_4, %add3A_70 : i32
    %get3A_72 = arith.constant 0 : i32
    %get3A_73 = arith.index_cast %get3A_72 : i32 to index
    %get3A_74 = arith.index_cast %add3A_71 : i32 to index
    %get3A_75 = tpu.vector_load %arg8[%get3A_73, %get3A_74] {strides = array<i32>} : memref<3x4096xf32, #tpu.memory_space<vmem>>, vector<1x16xf32>,
    %get3A_76 = vector.shape_cast %get3A_75 : vector<1x16xf32> to vector<16xf32>
    %broadcast_in_dim3A_77 = arith.constant 0 : i32
    %broadcast_in_dim3A_78 = vector.broadcast %broadcast_in_dim3A_77 : i32 to vector<16xi32>
    %broadcast_in_dim3A_79 = vector.shape_cast %broadcast_in_dim3A_78 : vector<16xi32> to vector<16x1xi32>
    %gather3A_80 = vector.shape_cast %broadcast_in_dim3A_79 : vector<16x1xi32> to vector<16xi32>
    %gather3A_81 = tpu.dynamic_gather %get3A_76[%gather3A_80] in [0] : vector<16xf32>, vector<16xi32> -> vector<16xf32>
    %get3A_82 = arith.constant 1 : i32
    %get3A_83 = arith.index_cast %get3A_82 : i32 to index
    %get3A_84 = arith.index_cast %add3A_71 : i32 to index
    %get3A_85 = tpu.vector_load %arg8[%get3A_83, %get3A_84] {strides = array<i32>} : memref<3x4096xf32, #tpu.memory_space<vmem>>, vector<1x16xf32>,
    %get3A_86 = vector.shape_cast %get3A_85 : vector<1x16xf32> to vector<16xf32>
    %broadcast_in_dim3A_87 = arith.constant 0 : i32
    %broadcast_in_dim3A_88 = vector.broadcast %broadcast_in_dim3A_87 : i32 to vector<16xi32>
    %broadcast_in_dim3A_89 = vector.shape_cast %broadcast_in_dim3A_88 : vector<16xi32> to vector<16x1xi32>
    %gather3A_90 = vector.shape_cast %broadcast_in_dim3A_89 : vector<16x1xi32> to vector<16xi32>
    %gather3A_91 = tpu.dynamic_gather %get3A_86[%gather3A_90] in [0] : vector<16xf32>, vector<16xi32> -> vector<16xf32>
    %get3A_92 = arith.constant 2 : i32
    %get3A_93 = arith.index_cast %get3A_92 : i32 to index
    %get3A_94 = arith.index_cast %add3A_71 : i32 to index
    %get3A_95 = tpu.vector_load %arg8[%get3A_93, %get3A_94] {strides = array<i32>} : memref<3x4096xf32, #tpu.memory_space<vmem>>, vector<1x16xf32>,
    %get3A_96 = vector.shape_cast %get3A_95 : vector<1x16xf32> to vector<16xf32>
    %broadcast_in_dim3A_97 = arith.constant 0 : i32
    %broadcast_in_dim3A_98 = vector.broadcast %broadcast_in_dim3A_97 : i32 to vector<16xi32>
    %broadcast_in_dim3A_99 = vector.shape_cast %broadcast_in_dim3A_98 : vector<16xi32> to vector<16x1xi32>
    %gather3A_100 = vector.shape_cast %broadcast_in_dim3A_99 : vector<16x1xi32> to vector<16xi32>
    %gather3A_101 = tpu.dynamic_gather %get3A_96[%gather3A_100] in [0] : vector<16xf32>, vector<16xi32> -> vector<16xf32>
    %mul3A_102 = arith.constant -2.000000e+00 : f32
    %mul3A_103 = vector.broadcast %mul3A_102 : f32 to vector<16xf32>
    %mul3A_104 = arith.mulf %gather3A_81, %mul3A_103 : vector<16xf32>
    %mul3A_105 = arith.constant -2.000000e+00 : f32
    %mul3A_106 = vector.broadcast %mul3A_105 : f32 to vector<16xf32>
    %mul3A_107 = arith.mulf %gather3A_91, %mul3A_106 : vector<16xf32>
    %mul3A_108 = arith.constant -2.000000e+00 : f32
    %mul3A_109 = vector.broadcast %mul3A_108 : f32 to vector<16xf32>
    %mul3A_110 = arith.mulf %gather3A_101, %mul3A_109 : vector<16xf32>
    %mul3A_111 = arith.mulf %gather3A_81, %gather3A_81 : vector<16xf32>
    %mul3A_112 = arith.mulf %mul3A_111, %mul3A_20 : vector<16xf32>
    %mul3A_113 = arith.mulf %gather3A_91, %gather3A_91 : vector<16xf32>
    %mul3A_114 = arith.mulf %mul3A_113, %mul3A_21 : vector<16xf32>
    %add3A_115 = arith.addf %mul3A_112, %mul3A_114 : vector<16xf32>
    %mul3A_116 = arith.mulf %gather3A_101, %gather3A_101 : vector<16xf32>
    %mul3A_117 = arith.mulf %mul3A_116, %mul3A_22 : vector<16xf32>
    %add3A_118 = arith.addf %add3A_115, %mul3A_117 : vector<16xf32>
    %add3A_119 = arith.constant 0 : i32
    %add3A_120 = arith.addi %add3A_4, %add3A_119 : i32
    %get3A_121 = arith.constant 0 : i32
    %get3A_122 = arith.index_cast %get3A_121 : i32 to index
    %get3A_123 = arith.index_cast %add3A_120 : i32 to index
    %get3A_124 = tpu.vector_load %arg8[%get3A_122, %get3A_123] {strides = array<i32>} : memref<3x4096xf32, #tpu.memory_space<vmem>>, vector<1x16xf32>,
    %get3A_125 = vector.shape_cast %get3A_124 : vector<1x16xf32> to vector<16xf32>
    %broadcast_in_dim3A_126 = arith.constant 1 : i32
    %broadcast_in_dim3A_127 = vector.broadcast %broadcast_in_dim3A_126 : i32 to vector<16xi32>
    %broadcast_in_dim3A_128 = vector.shape_cast %broadcast_in_dim3A_127 : vector<16xi32> to vector<16x1xi32>
    %gather3A_129 = vector.shape_cast %broadcast_in_dim3A_128 : vector<16x1xi32> to vector<16xi32>
    %gather3A_130 = tpu.dynamic_gather %get3A_125[%gather3A_129] in [0] : vector<16xf32>, vector<16xi32> -> vector<16xf32>
    %get3A_131 = arith.constant 1 : i32
    %get3A_132 = arith.index_cast %get3A_131 : i32 to index
    %get3A_133 = arith.index_cast %add3A_120 : i32 to index
    %get3A_134 = tpu.vector_load %arg8[%get3A_132, %get3A_133] {strides = array<i32>} : memref<3x4096xf32, #tpu.memory_space<vmem>>, vector<1x16xf32>,
    %get3A_135 = vector.shape_cast %get3A_134 : vector<1x16xf32> to vector<16xf32>
    %broadcast_in_dim3A_136 = arith.constant 1 : i32
    %broadcast_in_dim3A_137 = vector.broadcast %broadcast_in_dim3A_136 : i32 to vector<16xi32>
    %broadcast_in_dim3A_138 = vector.shape_cast %broadcast_in_dim3A_137 : vector<16xi32> to vector<16x1xi32>
    %gather3A_139 = vector.shape_cast %broadcast_in_dim3A_138 : vector<16x1xi32> to vector<16xi32>
    %gather3A_140 = tpu.dynamic_gather %get3A_135[%gather3A_139] in [0] : vector<16xf32>, vector<16xi32> -> vector<16xf32>
    %get3A_141 = arith.constant 2 : i32
    %get3A_142 = arith.index_cast %get3A_141 : i32 to index
    %get3A_143 = arith.index_cast %add3A_120 : i32 to index
    %get3A_144 = tpu.vector_load %arg8[%get3A_142, %get3A_143] {strides = array<i32>} : memref<3x4096xf32, #tpu.memory_space<vmem>>, vector<1x16xf32>,
    %get3A_145 = vector.shape_cast %get3A_144 : vector<1x16xf32> to vector<16xf32>
    %broadcast_in_dim3A_146 = arith.constant 1 : i32
    %broadcast_in_dim3A_147 = vector.broadcast %broadcast_in_dim3A_146 : i32 to vector<16xi32>
    %broadcast_in_dim3A_148 = vector.shape_cast %broadcast_in_dim3A_147 : vector<16xi32> to vector<16x1xi32>
    %gather3A_149 = vector.shape_cast %broadcast_in_dim3A_148 : vector<16x1xi32> to vector<16xi32>
    %gather3A_150 = tpu.dynamic_gather %get3A_145[%gather3A_149] in [0] : vector<16xf32>, vector<16xi32> -> vector<16xf32>
    %mul3A_151 = arith.constant -2.000000e+00 : f32
    %mul3A_152 = vector.broadcast %mul3A_151 : f32 to vector<16xf32>
    %mul3A_153 = arith.mulf %gather3A_130, %mul3A_152 : vector<16xf32>
    %mul3A_154 = arith.constant -2.000000e+00 : f32
    %mul3A_155 = vector.broadcast %mul3A_154 : f32 to vector<16xf32>
    %mul3A_156 = arith.mulf %gather3A_140, %mul3A_155 : vector<16xf32>
    %mul3A_157 = arith.constant -2.000000e+00 : f32
    %mul3A_158 = vector.broadcast %mul3A_157 : f32 to vector<16xf32>
    %mul3A_159 = arith.mulf %gather3A_150, %mul3A_158 : vector<16xf32>
    %mul3A_160 = arith.mulf %gather3A_130, %gather3A_130 : vector<16xf32>
    %mul3A_161 = arith.mulf %mul3A_160, %mul3A_20 : vector<16xf32>
    %mul3A_162 = arith.mulf %gather3A_140, %gather3A_140 : vector<16xf32>
    %mul3A_163 = arith.mulf %mul3A_162, %mul3A_21 : vector<16xf32>
    %add3A_164 = arith.addf %mul3A_161, %mul3A_163 : vector<16xf32>
    %mul3A_165 = arith.mulf %gather3A_150, %gather3A_150 : vector<16xf32>
    %mul3A_166 = arith.mulf %mul3A_165, %mul3A_22 : vector<16xf32>
    %add3A_167 = arith.addf %add3A_164, %mul3A_166 : vector<16xf32>
    %add3A_168 = arith.constant 0 : i32
    %add3A_169 = arith.addi %add3A_4, %add3A_168 : i32
    %get3A_170 = arith.constant 0 : i32
    %get3A_171 = arith.index_cast %get3A_170 : i32 to index
    %get3A_172 = arith.index_cast %add3A_169 : i32 to index
    %get3A_173 = tpu.vector_load %arg8[%get3A_171, %get3A_172] {strides = array<i32>} : memref<3x4096xf32, #tpu.memory_space<vmem>>, vector<1x16xf32>,
    %get3A_174 = vector.shape_cast %get3A_173 : vector<1x16xf32> to vector<16xf32>
    %broadcast_in_dim3A_175 = arith.constant 2 : i32
    %broadcast_in_dim3A_176 = vector.broadcast %broadcast_in_dim3A_175 : i32 to vector<16xi32>
    %broadcast_in_dim3A_177 = vector.shape_cast %broadcast_in_dim3A_176 : vector<16xi32> to vector<16x1xi32>
    %gather3A_178 = vector.shape_cast %broadcast_in_dim3A_177 : vector<16x1xi32> to vector<16xi32>
    %gather3A_179 = tpu.dynamic_gather %get3A_174[%gather3A_178] in [0] : vector<16xf32>, vector<16xi32> -> vector<16xf32>
    %get3A_180 = arith.constant 1 : i32
    %get3A_181 = arith.index_cast %get3A_180 : i32 to index
    %get3A_182 = arith.index_cast %add3A_169 : i32 to index
    %get3A_183 = tpu.vector_load %arg8[%get3A_181, %get3A_182] {strides = array<i32>} : memref<3x4096xf32, #tpu.memory_space<vmem>>, vector<1x16xf32>,
    %get3A_184 = vector.shape_cast %get3A_183 : vector<1x16xf32> to vector<16xf32>
    %broadcast_in_dim3A_185 = arith.constant 2 : i32
    %broadcast_in_dim3A_186 = vector.broadcast %broadcast_in_dim3A_185 : i32 to vector<16xi32>
    %broadcast_in_dim3A_187 = vector.shape_cast %broadcast_in_dim3A_186 : vector<16xi32> to vector<16x1xi32>
    %gather3A_188 = vector.shape_cast %broadcast_in_dim3A_187 : vector<16x1xi32> to vector<16xi32>
    %gather3A_189 = tpu.dynamic_gather %get3A_184[%gather3A_188] in [0] : vector<16xf32>, vector<16xi32> -> vector<16xf32>
    %get3A_190 = arith.constant 2 : i32
    %get3A_191 = arith.index_cast %get3A_190 : i32 to index
    %get3A_192 = arith.index_cast %add3A_169 : i32 to index
    %get3A_193 = tpu.vector_load %arg8[%get3A_191, %get3A_192] {strides = array<i32>} : memref<3x4096xf32, #tpu.memory_space<vmem>>, vector<1x16xf32>,
    %get3A_194 = vector.shape_cast %get3A_193 : vector<1x16xf32> to vector<16xf32>
    %broadcast_in_dim3A_195 = arith.constant 2 : i32
    %broadcast_in_dim3A_196 = vector.broadcast %broadcast_in_dim3A_195 : i32 to vector<16xi32>
    %broadcast_in_dim3A_197 = vector.shape_cast %broadcast_in_dim3A_196 : vector<16xi32> to vector<16x1xi32>
    %gather3A_198 = vector.shape_cast %broadcast_in_dim3A_197 : vector<16x1xi32> to vector<16xi32>
    %gather3A_199 = tpu.dynamic_gather %get3A_194[%gather3A_198] in [0] : vector<16xf32>, vector<16xi32> -> vector<16xf32>
    %mul3A_200 = arith.constant -2.000000e+00 : f32
    %mul3A_201 = vector.broadcast %mul3A_200 : f32 to vector<16xf32>
    %mul3A_202 = arith.mulf %gather3A_179, %mul3A_201 : vector<16xf32>
    %mul3A_203 = arith.constant -2.000000e+00 : f32
    %mul3A_204 = vector.broadcast %mul3A_203 : f32 to vector<16xf32>
    %mul3A_205 = arith.mulf %gather3A_189, %mul3A_204 : vector<16xf32>
    %mul3A_206 = arith.constant -2.000000e+00 : f32
    %mul3A_207 = vector.broadcast %mul3A_206 : f32 to vector<16xf32>
    %mul3A_208 = arith.mulf %gather3A_199, %mul3A_207 : vector<16xf32>
    %mul3A_209 = arith.mulf %gather3A_179, %gather3A_179 : vector<16xf32>
    %mul3A_210 = arith.mulf %mul3A_209, %mul3A_20 : vector<16xf32>
    %mul3A_211 = arith.mulf %gather3A_189, %gather3A_189 : vector<16xf32>
    %mul3A_212 = arith.mulf %mul3A_211, %mul3A_21 : vector<16xf32>
    %add3A_213 = arith.addf %mul3A_210, %mul3A_212 : vector<16xf32>
    %mul3A_214 = arith.mulf %gather3A_199, %gather3A_199 : vector<16xf32>
    %mul3A_215 = arith.mulf %mul3A_214, %mul3A_22 : vector<16xf32>
    %add3A_216 = arith.addf %add3A_213, %mul3A_215 : vector<16xf32>
    %add3A_217 = arith.constant 0 : i32
    %add3A_218 = arith.addi %add3A_4, %add3A_217 : i32
    %get3A_219 = arith.constant 0 : i32
    %get3A_220 = arith.index_cast %get3A_219 : i32 to index
    %get3A_221 = arith.index_cast %add3A_218 : i32 to index
    %get3A_222 = tpu.vector_load %arg8[%get3A_220, %get3A_221] {strides = array<i32>} : memref<3x4096xf32, #tpu.memory_space<vmem>>, vector<1x16xf32>,
    %get3A_223 = vector.shape_cast %get3A_222 : vector<1x16xf32> to vector<16xf32>
    %broadcast_in_dim3A_224 = arith.constant 3 : i32
    %broadcast_in_dim3A_225 = vector.broadcast %broadcast_in_dim3A_224 : i32 to vector<16xi32>
    %broadcast_in_dim3A_226 = vector.shape_cast %broadcast_in_dim3A_225 : vector<16xi32> to vector<16x1xi32>
    %gather3A_227 = vector.shape_cast %broadcast_in_dim3A_226 : vector<16x1xi32> to vector<16xi32>
    %gather3A_228 = tpu.dynamic_gather %get3A_223[%gather3A_227] in [0] : vector<16xf32>, vector<16xi32> -> vector<16xf32>
    %get3A_229 = arith.constant 1 : i32
    %get3A_230 = arith.index_cast %get3A_229 : i32 to index
    %get3A_231 = arith.index_cast %add3A_218 : i32 to index
    %get3A_232 = tpu.vector_load %arg8[%get3A_230, %get3A_231] {strides = array<i32>} : memref<3x4096xf32, #tpu.memory_space<vmem>>, vector<1x16xf32>,
    %get3A_233 = vector.shape_cast %get3A_232 : vector<1x16xf32> to vector<16xf32>
    %broadcast_in_dim3A_234 = arith.constant 3 : i32
    %broadcast_in_dim3A_235 = vector.broadcast %broadcast_in_dim3A_234 : i32 to vector<16xi32>
    %broadcast_in_dim3A_236 = vector.shape_cast %broadcast_in_dim3A_235 : vector<16xi32> to vector<16x1xi32>
    %gather3A_237 = vector.shape_cast %broadcast_in_dim3A_236 : vector<16x1xi32> to vector<16xi32>
    %gather3A_238 = tpu.dynamic_gather %get3A_233[%gather3A_237] in [0] : vector<16xf32>, vector<16xi32> -> vector<16xf32>
    %get3A_239 = arith.constant 2 : i32
    %get3A_240 = arith.index_cast %get3A_239 : i32 to index
    %get3A_241 = arith.index_cast %add3A_218 : i32 to index
    %get3A_242 = tpu.vector_load %arg8[%get3A_240, %get3A_241] {strides = array<i32>} : memref<3x4096xf32, #tpu.memory_space<vmem>>, vector<1x16xf32>,
    %get3A_243 = vector.shape_cast %get3A_242 : vector<1x16xf32> to vector<16xf32>
    %broadcast_in_dim3A_244 = arith.constant 3 : i32
    %broadcast_in_dim3A_245 = vector.broadcast %broadcast_in_dim3A_244 : i32 to vector<16xi32>
    %broadcast_in_dim3A_246 = vector.shape_cast %broadcast_in_dim3A_245 : vector<16xi32> to vector<16x1xi32>
    %gather3A_247 = vector.shape_cast %broadcast_in_dim3A_246 : vector<16x1xi32> to vector<16xi32>
    %gather3A_248 = tpu.dynamic_gather %get3A_243[%gather3A_247] in [0] : vector<16xf32>, vector<16xi32> -> vector<16xf32>
    %mul3A_249 = arith.constant -2.000000e+00 : f32
    %mul3A_250 = vector.broadcast %mul3A_249 : f32 to vector<16xf32>
    %mul3A_251 = arith.mulf %gather3A_228, %mul3A_250 : vector<16xf32>
    %mul3A_252 = arith.constant -2.000000e+00 : f32
    %mul3A_253 = vector.broadcast %mul3A_252 : f32 to vector<16xf32>
    %mul3A_254 = arith.mulf %gather3A_238, %mul3A_253 : vector<16xf32>
    %mul3A_255 = arith.constant -2.000000e+00 : f32
    %mul3A_256 = vector.broadcast %mul3A_255 : f32 to vector<16xf32>
    %mul3A_257 = arith.mulf %gather3A_248, %mul3A_256 : vector<16xf32>
    %mul3A_258 = arith.mulf %gather3A_228, %gather3A_228 : vector<16xf32>
    %mul3A_259 = arith.mulf %mul3A_258, %mul3A_20 : vector<16xf32>
    %mul3A_260 = arith.mulf %gather3A_238, %gather3A_238 : vector<16xf32>
    %mul3A_261 = arith.mulf %mul3A_260, %mul3A_21 : vector<16xf32>
    %add3A_262 = arith.addf %mul3A_259, %mul3A_261 : vector<16xf32>
    %mul3A_263 = arith.mulf %gather3A_248, %gather3A_248 : vector<16xf32>
    %mul3A_264 = arith.mulf %mul3A_263, %mul3A_22 : vector<16xf32>
    %add3A_265 = arith.addf %add3A_262, %mul3A_264 : vector<16xf32>
    %add3A_266 = arith.constant 0 : i32
    %add3A_267 = arith.addi %add3A_4, %add3A_266 : i32
    %get3A_268 = arith.constant 0 : i32
    %get3A_269 = arith.index_cast %get3A_268 : i32 to index
    %get3A_270 = arith.index_cast %add3A_267 : i32 to index
    %get3A_271 = tpu.vector_load %arg8[%get3A_269, %get3A_270] {strides = array<i32>} : memref<3x4096xf32, #tpu.memory_space<vmem>>, vector<1x16xf32>,
    %get3A_272 = vector.shape_cast %get3A_271 : vector<1x16xf32> to vector<16xf32>
    %broadcast_in_dim3A_273 = arith.constant 4 : i32
    %broadcast_in_dim3A_274 = vector.broadcast %broadcast_in_dim3A_273 : i32 to vector<16xi32>
    %broadcast_in_dim3A_275 = vector.shape_cast %broadcast_in_dim3A_274 : vector<16xi32> to vector<16x1xi32>
    %gather3A_276 = vector.shape_cast %broadcast_in_dim3A_275 : vector<16x1xi32> to vector<16xi32>
    %gather3A_277 = tpu.dynamic_gather %get3A_272[%gather3A_276] in [0] : vector<16xf32>, vector<16xi32> -> vector<16xf32>
    %get3A_278 = arith.constant 1 : i32
    %get3A_279 = arith.index_cast %get3A_278 : i32 to index
    %get3A_280 = arith.index_cast %add3A_267 : i32 to index
    %get3A_281 = tpu.vector_load %arg8[%get3A_279, %get3A_280] {strides = array<i32>} : memref<3x4096xf32, #tpu.memory_space<vmem>>, vector<1x16xf32>,
    %get3A_282 = vector.shape_cast %get3A_281 : vector<1x16xf32> to vector<16xf32>
    %broadcast_in_dim3A_283 = arith.constant 4 : i32
    %broadcast_in_dim3A_284 = vector.broadcast %broadcast_in_dim3A_283 : i32 to vector<16xi32>
    %broadcast_in_dim3A_285 = vector.shape_cast %broadcast_in_dim3A_284 : vector<16xi32> to vector<16x1xi32>
    %gather3A_286 = vector.shape_cast %broadcast_in_dim3A_285 : vector<16x1xi32> to vector<16xi32>
    %gather3A_287 = tpu.dynamic_gather %get3A_282[%gather3A_286] in [0] : vector<16xf32>, vector<16xi32> -> vector<16xf32>
    %get3A_288 = arith.constant 2 : i32
    %get3A_289 = arith.index_cast %get3A_288 : i32 to index
    %get3A_290 = arith.index_cast %add3A_267 : i32 to index
    %get3A_291 = tpu.vector_load %arg8[%get3A_289, %get3A_290] {strides = array<i32>} : memref<3x4096xf32, #tpu.memory_space<vmem>>, vector<1x16xf32>,
    %get3A_292 = vector.shape_cast %get3A_291 : vector<1x16xf32> to vector<16xf32>
    %broadcast_in_dim3A_293 = arith.constant 4 : i32
    %broadcast_in_dim3A_294 = vector.broadcast %broadcast_in_dim3A_293 : i32 to vector<16xi32>
    %broadcast_in_dim3A_295 = vector.shape_cast %broadcast_in_dim3A_294 : vector<16xi32> to vector<16x1xi32>
    %gather3A_296 = vector.shape_cast %broadcast_in_dim3A_295 : vector<16x1xi32> to vector<16xi32>
    %gather3A_297 = tpu.dynamic_gather %get3A_292[%gather3A_296] in [0] : vector<16xf32>, vector<16xi32> -> vector<16xf32>
    %mul3A_298 = arith.constant -2.000000e+00 : f32
    %mul3A_299 = vector.broadcast %mul3A_298 : f32 to vector<16xf32>
    %mul3A_300 = arith.mulf %gather3A_277, %mul3A_299 : vector<16xf32>
    %mul3A_301 = arith.constant -2.000000e+00 : f32
    %mul3A_302 = vector.broadcast %mul3A_301 : f32 to vector<16xf32>
    %mul3A_303 = arith.mulf %gather3A_287, %mul3A_302 : vector<16xf32>
    %mul3A_304 = arith.constant -2.000000e+00 : f32
    %mul3A_305 = vector.broadcast %mul3A_304 : f32 to vector<16xf32>
    %mul3A_306 = arith.mulf %gather3A_297, %mul3A_305 : vector<16xf32>
    %mul3A_307 = arith.mulf %gather3A_277, %gather3A_277 : vector<16xf32>
    %mul3A_308 = arith.mulf %mul3A_307, %mul3A_20 : vector<16xf32>
    %mul3A_309 = arith.mulf %gather3A_287, %gather3A_287 : vector<16xf32>
    %mul3A_310 = arith.mulf %mul3A_309, %mul3A_21 : vector<16xf32>
    %add3A_311 = arith.addf %mul3A_308, %mul3A_310 : vector<16xf32>
    %mul3A_312 = arith.mulf %gather3A_297, %gather3A_297 : vector<16xf32>
    %mul3A_313 = arith.mulf %mul3A_312, %mul3A_22 : vector<16xf32>
    %add3A_314 = arith.addf %add3A_311, %mul3A_313 : vector<16xf32>
    %add3A_315 = arith.constant 0 : i32
    %add3A_316 = arith.addi %add3A_4, %add3A_315 : i32
    %get3A_317 = arith.constant 0 : i32
    %get3A_318 = arith.index_cast %get3A_317 : i32 to index
    %get3A_319 = arith.index_cast %add3A_316 : i32 to index
    %get3A_320 = tpu.vector_load %arg8[%get3A_318, %get3A_319] {strides = array<i32>} : memref<3x4096xf32, #tpu.memory_space<vmem>>, vector<1x16xf32>,
    %get3A_321 = vector.shape_cast %get3A_320 : vector<1x16xf32> to vector<16xf32>
    %broadcast_in_dim3A_322 = arith.constant 5 : i32
    %broadcast_in_dim3A_323 = vector.broadcast %broadcast_in_dim3A_322 : i32 to vector<16xi32>
    %broadcast_in_dim3A_324 = vector.shape_cast %broadcast_in_dim3A_323 : vector<16xi32> to vector<16x1xi32>
    %gather3A_325 = vector.shape_cast %broadcast_in_dim3A_324 : vector<16x1xi32> to vector<16xi32>
    %gather3A_326 = tpu.dynamic_gather %get3A_321[%gather3A_325] in [0] : vector<16xf32>, vector<16xi32> -> vector<16xf32>
    %get3A_327 = arith.constant 1 : i32
    %get3A_328 = arith.index_cast %get3A_327 : i32 to index
    %get3A_329 = arith.index_cast %add3A_316 : i32 to index
    %get3A_330 = tpu.vector_load %arg8[%get3A_328, %get3A_329] {strides = array<i32>} : memref<3x4096xf32, #tpu.memory_space<vmem>>, vector<1x16xf32>,
    %get3A_331 = vector.shape_cast %get3A_330 : vector<1x16xf32> to vector<16xf32>
    %broadcast_in_dim3A_332 = arith.constant 5 : i32
    %broadcast_in_dim3A_333 = vector.broadcast %broadcast_in_dim3A_332 : i32 to vector<16xi32>
    %broadcast_in_dim3A_334 = vector.shape_cast %broadcast_in_dim3A_333 : vector<16xi32> to vector<16x1xi32>
    %gather3A_335 = vector.shape_cast %broadcast_in_dim3A_334 : vector<16x1xi32> to vector<16xi32>
    %gather3A_336 = tpu.dynamic_gather %get3A_331[%gather3A_335] in [0] : vector<16xf32>, vector<16xi32> -> vector<16xf32>
    %get3A_337 = arith.constant 2 : i32
    %get3A_338 = arith.index_cast %get3A_337 : i32 to index
    %get3A_339 = arith.index_cast %add3A_316 : i32 to index
    %get3A_340 = tpu.vector_load %arg8[%get3A_338, %get3A_339] {strides = array<i32>} : memref<3x4096xf32, #tpu.memory_space<vmem>>, vector<1x16xf32>,
    %get3A_341 = vector.shape_cast %get3A_340 : vector<1x16xf32> to vector<16xf32>
    %broadcast_in_dim3A_342 = arith.constant 5 : i32
    %broadcast_in_dim3A_343 = vector.broadcast %broadcast_in_dim3A_342 : i32 to vector<16xi32>
    %broadcast_in_dim3A_344 = vector.shape_cast %broadcast_in_dim3A_343 : vector<16xi32> to vector<16x1xi32>
    %gather3A_345 = vector.shape_cast %broadcast_in_dim3A_344 : vector<16x1xi32> to vector<16xi32>
    %gather3A_346 = tpu.dynamic_gather %get3A_341[%gather3A_345] in [0] : vector<16xf32>, vector<16xi32> -> vector<16xf32>
    %mul3A_347 = arith.constant -2.000000e+00 : f32
    %mul3A_348 = vector.broadcast %mul3A_347 : f32 to vector<16xf32>
    %mul3A_349 = arith.mulf %gather3A_326, %mul3A_348 : vector<16xf32>
    %mul3A_350 = arith.constant -2.000000e+00 : f32
    %mul3A_351 = vector.broadcast %mul3A_350 : f32 to vector<16xf32>
    %mul3A_352 = arith.mulf %gather3A_336, %mul3A_351 : vector<16xf32>
    %mul3A_353 = arith.constant -2.000000e+00 : f32
    %mul3A_354 = vector.broadcast %mul3A_353 : f32 to vector<16xf32>
    %mul3A_355 = arith.mulf %gather3A_346, %mul3A_354 : vector<16xf32>
    %mul3A_356 = arith.mulf %gather3A_326, %gather3A_326 : vector<16xf32>
    %mul3A_357 = arith.mulf %mul3A_356, %mul3A_20 : vector<16xf32>
    %mul3A_358 = arith.mulf %gather3A_336, %gather3A_336 : vector<16xf32>
    %mul3A_359 = arith.mulf %mul3A_358, %mul3A_21 : vector<16xf32>
    %add3A_360 = arith.addf %mul3A_357, %mul3A_359 : vector<16xf32>
    %mul3A_361 = arith.mulf %gather3A_346, %gather3A_346 : vector<16xf32>
    %mul3A_362 = arith.mulf %mul3A_361, %mul3A_22 : vector<16xf32>
    %add3A_363 = arith.addf %add3A_360, %mul3A_362 : vector<16xf32>
    %add3A_364 = arith.constant 0 : i32
    %add3A_365 = arith.addi %add3A_4, %add3A_364 : i32
    %get3A_366 = arith.constant 0 : i32
    %get3A_367 = arith.index_cast %get3A_366 : i32 to index
    %get3A_368 = arith.index_cast %add3A_365 : i32 to index
    %get3A_369 = tpu.vector_load %arg8[%get3A_367, %get3A_368] {strides = array<i32>} : memref<3x4096xf32, #tpu.memory_space<vmem>>, vector<1x16xf32>,
    %get3A_370 = vector.shape_cast %get3A_369 : vector<1x16xf32> to vector<16xf32>
    %broadcast_in_dim3A_371 = arith.constant 6 : i32
    %broadcast_in_dim3A_372 = vector.broadcast %broadcast_in_dim3A_371 : i32 to vector<16xi32>
    %broadcast_in_dim3A_373 = vector.shape_cast %broadcast_in_dim3A_372 : vector<16xi32> to vector<16x1xi32>
    %gather3A_374 = vector.shape_cast %broadcast_in_dim3A_373 : vector<16x1xi32> to vector<16xi32>
    %gather3A_375 = tpu.dynamic_gather %get3A_370[%gather3A_374] in [0] : vector<16xf32>, vector<16xi32> -> vector<16xf32>
    %get3A_376 = arith.constant 1 : i32
    %get3A_377 = arith.index_cast %get3A_376 : i32 to index
    %get3A_378 = arith.index_cast %add3A_365 : i32 to index
    %get3A_379 = tpu.vector_load %arg8[%get3A_377, %get3A_378] {strides = array<i32>} : memref<3x4096xf32, #tpu.memory_space<vmem>>, vector<1x16xf32>,
    %get3A_380 = vector.shape_cast %get3A_379 : vector<1x16xf32> to vector<16xf32>
    %broadcast_in_dim3A_381 = arith.constant 6 : i32
    %broadcast_in_dim3A_382 = vector.broadcast %broadcast_in_dim3A_381 : i32 to vector<16xi32>
    %broadcast_in_dim3A_383 = vector.shape_cast %broadcast_in_dim3A_382 : vector<16xi32> to vector<16x1xi32>
    %gather3A_384 = vector.shape_cast %broadcast_in_dim3A_383 : vector<16x1xi32> to vector<16xi32>
    %gather3A_385 = tpu.dynamic_gather %get3A_380[%gather3A_384] in [0] : vector<16xf32>, vector<16xi32> -> vector<16xf32>
    %get3A_386 = arith.constant 2 : i32
    %get3A_387 = arith.index_cast %get3A_386 : i32 to index
    %get3A_388 = arith.index_cast %add3A_365 : i32 to index
    %get3A_389 = tpu.vector_load %arg8[%get3A_387, %get3A_388] {strides = array<i32>} : memref<3x4096xf32, #tpu.memory_space<vmem>>, vector<1x16xf32>,
    %get3A_390 = vector.shape_cast %get3A_389 : vector<1x16xf32> to vector<16xf32>
    %broadcast_in_dim3A_391 = arith.constant 6 : i32
    %broadcast_in_dim3A_392 = vector.broadcast %broadcast_in_dim3A_391 : i32 to vector<16xi32>
    %broadcast_in_dim3A_393 = vector.shape_cast %broadcast_in_dim3A_392 : vector<16xi32> to vector<16x1xi32>
    %gather3A_394 = vector.shape_cast %broadcast_in_dim3A_393 : vector<16x1xi32> to vector<16xi32>
    %gather3A_395 = tpu.dynamic_gather %get3A_390[%gather3A_394] in [0] : vector<16xf32>, vector<16xi32> -> vector<16xf32>
    %mul3A_396 = arith.constant -2.000000e+00 : f32
    %mul3A_397 = vector.broadcast %mul3A_396 : f32 to vector<16xf32>
    %mul3A_398 = arith.mulf %gather3A_375, %mul3A_397 : vector<16xf32>
    %mul3A_399 = arith.constant -2.000000e+00 : f32
    %mul3A_400 = vector.broadcast %mul3A_399 : f32 to vector<16xf32>
    %mul3A_401 = arith.mulf %gather3A_385, %mul3A_400 : vector<16xf32>
    %mul3A_402 = arith.constant -2.000000e+00 : f32
    %mul3A_403 = vector.broadcast %mul3A_402 : f32 to vector<16xf32>
    %mul3A_404 = arith.mulf %gather3A_395, %mul3A_403 : vector<16xf32>
    %mul3A_405 = arith.mulf %gather3A_375, %gather3A_375 : vector<16xf32>
    %mul3A_406 = arith.mulf %mul3A_405, %mul3A_20 : vector<16xf32>
    %mul3A_407 = arith.mulf %gather3A_385, %gather3A_385 : vector<16xf32>
    %mul3A_408 = arith.mulf %mul3A_407, %mul3A_21 : vector<16xf32>
    %add3A_409 = arith.addf %mul3A_406, %mul3A_408 : vector<16xf32>
    %mul3A_410 = arith.mulf %gather3A_395, %gather3A_395 : vector<16xf32>
    %mul3A_411 = arith.mulf %mul3A_410, %mul3A_22 : vector<16xf32>
    %add3A_412 = arith.addf %add3A_409, %mul3A_411 : vector<16xf32>
    %add3A_413 = arith.constant 0 : i32
    %add3A_414 = arith.addi %add3A_4, %add3A_413 : i32
    %get3A_415 = arith.constant 0 : i32
    %get3A_416 = arith.index_cast %get3A_415 : i32 to index
    %get3A_417 = arith.index_cast %add3A_414 : i32 to index
    %get3A_418 = tpu.vector_load %arg8[%get3A_416, %get3A_417] {strides = array<i32>} : memref<3x4096xf32, #tpu.memory_space<vmem>>, vector<1x16xf32>,
    %get3A_419 = vector.shape_cast %get3A_418 : vector<1x16xf32> to vector<16xf32>
    %broadcast_in_dim3A_420 = arith.constant 7 : i32
    %broadcast_in_dim3A_421 = vector.broadcast %broadcast_in_dim3A_420 : i32 to vector<16xi32>
    %broadcast_in_dim3A_422 = vector.shape_cast %broadcast_in_dim3A_421 : vector<16xi32> to vector<16x1xi32>
    %gather3A_423 = vector.shape_cast %broadcast_in_dim3A_422 : vector<16x1xi32> to vector<16xi32>
    %gather3A_424 = tpu.dynamic_gather %get3A_419[%gather3A_423] in [0] : vector<16xf32>, vector<16xi32> -> vector<16xf32>
    %get3A_425 = arith.constant 1 : i32
    %get3A_426 = arith.index_cast %get3A_425 : i32 to index
    %get3A_427 = arith.index_cast %add3A_414 : i32 to index
    %get3A_428 = tpu.vector_load %arg8[%get3A_426, %get3A_427] {strides = array<i32>} : memref<3x4096xf32, #tpu.memory_space<vmem>>, vector<1x16xf32>,
    %get3A_429 = vector.shape_cast %get3A_428 : vector<1x16xf32> to vector<16xf32>
    %broadcast_in_dim3A_430 = arith.constant 7 : i32
    %broadcast_in_dim3A_431 = vector.broadcast %broadcast_in_dim3A_430 : i32 to vector<16xi32>
    %broadcast_in_dim3A_432 = vector.shape_cast %broadcast_in_dim3A_431 : vector<16xi32> to vector<16x1xi32>
    %gather3A_433 = vector.shape_cast %broadcast_in_dim3A_432 : vector<16x1xi32> to vector<16xi32>
    %gather3A_434 = tpu.dynamic_gather %get3A_429[%gather3A_433] in [0] : vector<16xf32>, vector<16xi32> -> vector<16xf32>
    %get3A_435 = arith.constant 2 : i32
    %get3A_436 = arith.index_cast %get3A_435 : i32 to index
    %get3A_437 = arith.index_cast %add3A_414 : i32 to index
    %get3A_438 = tpu.vector_load %arg8[%get3A_436, %get3A_437] {strides = array<i32>} : memref<3x4096xf32, #tpu.memory_space<vmem>>, vector<1x16xf32>,
    %get3A_439 = vector.shape_cast %get3A_438 : vector<1x16xf32> to vector<16xf32>
    %broadcast_in_dim3A_440 = arith.constant 7 : i32
    %broadcast_in_dim3A_441 = vector.broadcast %broadcast_in_dim3A_440 : i32 to vector<16xi32>
    %broadcast_in_dim3A_442 = vector.shape_cast %broadcast_in_dim3A_441 : vector<16xi32> to vector<16x1xi32>
    %gather3A_443 = vector.shape_cast %broadcast_in_dim3A_442 : vector<16x1xi32> to vector<16xi32>
    %gather3A_444 = tpu.dynamic_gather %get3A_439[%gather3A_443] in [0] : vector<16xf32>, vector<16xi32> -> vector<16xf32>
    %mul3A_445 = arith.constant -2.000000e+00 : f32
    %mul3A_446 = vector.broadcast %mul3A_445 : f32 to vector<16xf32>
    %mul3A_447 = arith.mulf %gather3A_424, %mul3A_446 : vector<16xf32>
    %mul3A_448 = arith.constant -2.000000e+00 : f32
    %mul3A_449 = vector.broadcast %mul3A_448 : f32 to vector<16xf32>
    %mul3A_450 = arith.mulf %gather3A_434, %mul3A_449 : vector<16xf32>
    %mul3A_451 = arith.constant -2.000000e+00 : f32
    %mul3A_452 = vector.broadcast %mul3A_451 : f32 to vector<16xf32>
    %mul3A_453 = arith.mulf %gather3A_444, %mul3A_452 : vector<16xf32>
    %mul3A_454 = arith.mulf %gather3A_424, %gather3A_424 : vector<16xf32>
    %mul3A_455 = arith.mulf %mul3A_454, %mul3A_20 : vector<16xf32>
    %mul3A_456 = arith.mulf %gather3A_434, %gather3A_434 : vector<16xf32>
    %mul3A_457 = arith.mulf %mul3A_456, %mul3A_21 : vector<16xf32>
    %add3A_458 = arith.addf %mul3A_455, %mul3A_457 : vector<16xf32>
    %mul3A_459 = arith.mulf %gather3A_444, %gather3A_444 : vector<16xf32>
    %mul3A_460 = arith.mulf %mul3A_459, %mul3A_22 : vector<16xf32>
    %add3A_461 = arith.addf %add3A_458, %mul3A_460 : vector<16xf32>
    %broadcast_in_dim3A_462 = arith.constant 0xFF800000 : f32
    %broadcast_in_dim3A_463 = vector.broadcast %broadcast_in_dim3A_462 : f32 to vector<16xf32>
    %broadcast_in_dim3A_464 = arith.constant 0xFF800000 : f32
    %broadcast_in_dim3A_465 = vector.broadcast %broadcast_in_dim3A_464 : f32 to vector<16xf32>
    %broadcast_in_dim3A_466 = arith.constant 0xFF800000 : f32
    %broadcast_in_dim3A_467 = vector.broadcast %broadcast_in_dim3A_466 : f32 to vector<16xf32>
    %broadcast_in_dim3A_468 = arith.constant 0xFF800000 : f32
    %broadcast_in_dim3A_469 = vector.broadcast %broadcast_in_dim3A_468 : f32 to vector<16xf32>
    %broadcast_in_dim3A_470 = arith.constant 0xFF800000 : f32
    %broadcast_in_dim3A_471 = vector.broadcast %broadcast_in_dim3A_470 : f32 to vector<16xf32>
    %broadcast_in_dim3A_472 = arith.constant 0xFF800000 : f32
    %broadcast_in_dim3A_473 = vector.broadcast %broadcast_in_dim3A_472 : f32 to vector<16xf32>
    %broadcast_in_dim3A_474 = arith.constant 0xFF800000 : f32
    %broadcast_in_dim3A_475 = vector.broadcast %broadcast_in_dim3A_474 : f32 to vector<16xf32>
    %broadcast_in_dim3A_476 = arith.constant 0xFF800000 : f32
    %broadcast_in_dim3A_477 = vector.broadcast %broadcast_in_dim3A_476 : f32 to vector<16xf32>
    %scan3A_478 = arith.constant 0 : i32
    %scan3A_479 = arith.constant 256 : i32
    %scan3A_480 = arith.addi %scan3A_478, %scan3A_479 : i32
    %scan3A_481 = arith.constant 1 : i32
    %scan3A_482:8 = scf.for %scan3A_3621 = %scan3A_478 to %scan3A_480 step %scan3A_481 iter_args(%scan3A_3622 = %broadcast_in_dim3A_463, %scan3A_3623 = %broadcast_in_dim3A_465, %scan3A_3624 = %broadcast_in_dim3A_467, %scan3A_3625 = %broadcast_in_dim3A_469, %scan3A_3626 = %broadcast_in_dim3A_471, %scan3A_3627 = %broadcast_in_dim3A_473, %scan3A_3628 = %broadcast_in_dim3A_475, %scan3A_3629 = %broadcast_in_dim3A_477) -> (vector<16xf32>, vector<16xf32>, vector<16xf32>, vector<16xf32>, vector<16xf32>, vector<16xf32>, vector<16xf32>, vector<16xf32>)  : i32 {
      %mul3A_3630 = arith.constant 16 : i32
      %mul3A_3631 = arith.muli %scan3A_3621, %mul3A_3630 : i32
      %get3A_3632 = arith.constant 0 : i32
      %get3A_3633 = arith.index_cast %get3A_3632 : i32 to index
      %get3A_3634 = arith.index_cast %mul3A_3631 : i32 to index
      %get3A_3635 = tpu.vector_load %arg9[%get3A_3633, %get3A_3634] {strides = array<i32>} : memref<4x4096xf32, #tpu.memory_space<vmem>>, vector<1x16xf32>,
      %get3A_3636 = vector.shape_cast %get3A_3635 : vector<1x16xf32> to vector<16xf32>
      %get3A_3637 = arith.constant 1 : i32
      %get3A_3638 = arith.index_cast %get3A_3637 : i32 to index
      %get3A_3639 = arith.index_cast %mul3A_3631 : i32 to index
      %get3A_3640 = tpu.vector_load %arg9[%get3A_3638, %get3A_3639] {strides = array<i32>} : memref<4x4096xf32, #tpu.memory_space<vmem>>, vector<1x16xf32>,
      %get3A_3641 = vector.shape_cast %get3A_3640 : vector<1x16xf32> to vector<16xf32>
      %get3A_3642 = arith.constant 2 : i32
      %get3A_3643 = arith.index_cast %get3A_3642 : i32 to index
      %get3A_3644 = arith.index_cast %mul3A_3631 : i32 to index
      %get3A_3645 = tpu.vector_load %arg9[%get3A_3643, %get3A_3644] {strides = array<i32>} : memref<4x4096xf32, #tpu.memory_space<vmem>>, vector<1x16xf32>,
      %get3A_3646 = vector.shape_cast %get3A_3645 : vector<1x16xf32> to vector<16xf32>
      %get3A_3647 = arith.constant 3 : i32
      %get3A_3648 = arith.index_cast %get3A_3647 : i32 to index
      %get3A_3649 = arith.index_cast %mul3A_3631 : i32 to index
      %get3A_3650 = tpu.vector_load %arg9[%get3A_3648, %get3A_3649] {strides = array<i32>} : memref<4x4096xf32, #tpu.memory_space<vmem>>, vector<1x16xf32>,
      %get3A_3651 = vector.shape_cast %get3A_3650 : vector<1x16xf32> to vector<16xf32>
      %mul3A_3652 = arith.mulf %get3A_3636, %mul3A_104 : vector<16xf32>
      %add3A_3653 = arith.addf %get3A_3651, %mul3A_3652 : vector<16xf32>
      %mul3A_3654 = arith.mulf %get3A_3641, %mul3A_107 : vector<16xf32>
      %add3A_3655 = arith.addf %add3A_3653, %mul3A_3654 : vector<16xf32>
      %mul3A_3656 = arith.mulf %get3A_3646, %mul3A_110 : vector<16xf32>
      %add3A_3657 = arith.addf %add3A_3655, %mul3A_3656 : vector<16xf32>
      %get3A_3658 = arith.constant 0 : i32
      %get3A_3659 = arith.index_cast %get3A_3658 : i32 to index
      %get3A_3660 = arith.index_cast %mul3A_3631 : i32 to index
      %get3A_3661 = tpu.vector_load %arg10[%get3A_3659, %get3A_3660] {strides = array<i32>} : memref<8x4096xi32, #tpu.memory_space<vmem>>, vector<1x16xi32>,
      %get3A_3662 = vector.shape_cast %get3A_3661 : vector<1x16xi32> to vector<16xi32>
      %ne3A = arith.constant 0 : i32
      %ne3A_3663 = vector.broadcast %ne3A : i32 to vector<16xi32>
      %ne3A_3664 = arith.cmpi ne, %get3A_3662, %ne3A_3663 : vector<16xi32>
      %jit3A_3665 = arith.constant 0xFF800000 : f32
      %broadcast_in_dim3A_3666 = vector.broadcast %jit3A_3665 : f32 to vector<16xf32>
      %select_n3A_3667 = arith.select %ne3A_3664, %add3A_3657, %broadcast_in_dim3A_3666 : vector<16xi1>, vector<16xf32>
      %max3A_3668 = arith.maximumf %scan3A_3622, %select_n3A_3667 : vector<16xf32>
      %mul3A_3669 = arith.mulf %get3A_3636, %mul3A_153 : vector<16xf32>
      %add3A_3670 = arith.addf %get3A_3651, %mul3A_3669 : vector<16xf32>
      %mul3A_3671 = arith.mulf %get3A_3641, %mul3A_156 : vector<16xf32>
      %add3A_3672 = arith.addf %add3A_3670, %mul3A_3671 : vector<16xf32>
      %mul3A_3673 = arith.mulf %get3A_3646, %mul3A_159 : vector<16xf32>
      %add3A_3674 = arith.addf %add3A_3672, %mul3A_3673 : vector<16xf32>
      %get3A_3675 = arith.constant 1 : i32
      %get3A_3676 = arith.index_cast %get3A_3675 : i32 to index
      %get3A_3677 = arith.index_cast %mul3A_3631 : i32 to index
      %get3A_3678 = tpu.vector_load %arg10[%get3A_3676, %get3A_3677] {strides = array<i32>} : memref<8x4096xi32, #tpu.memory_space<vmem>>, vector<1x16xi32>,
      %get3A_3679 = vector.shape_cast %get3A_3678 : vector<1x16xi32> to vector<16xi32>
      %ne3A_3680 = arith.constant 0 : i32
      %ne3A_3681 = vector.broadcast %ne3A_3680 : i32 to vector<16xi32>
      %ne3A_3682 = arith.cmpi ne, %get3A_3679, %ne3A_3681 : vector<16xi32>
      %jit3A_3683 = arith.constant 0xFF800000 : f32
      %broadcast_in_dim3A_3684 = vector.broadcast %jit3A_3683 : f32 to vector<16xf32>
      %select_n3A_3685 = arith.select %ne3A_3682, %add3A_3674, %broadcast_in_dim3A_3684 : vector<16xi1>, vector<16xf32>
      %max3A_3686 = arith.maximumf %scan3A_3623, %select_n3A_3685 : vector<16xf32>
      %mul3A_3687 = arith.mulf %get3A_3636, %mul3A_202 : vector<16xf32>
      %add3A_3688 = arith.addf %get3A_3651, %mul3A_3687 : vector<16xf32>
      %mul3A_3689 = arith.mulf %get3A_3641, %mul3A_205 : vector<16xf32>
      %add3A_3690 = arith.addf %add3A_3688, %mul3A_3689 : vector<16xf32>
      %mul3A_3691 = arith.mulf %get3A_3646, %mul3A_208 : vector<16xf32>
      %add3A_3692 = arith.addf %add3A_3690, %mul3A_3691 : vector<16xf32>
      %get3A_3693 = arith.constant 2 : i32
      %get3A_3694 = arith.index_cast %get3A_3693 : i32 to index
      %get3A_3695 = arith.index_cast %mul3A_3631 : i32 to index
      %get3A_3696 = tpu.vector_load %arg10[%get3A_3694, %get3A_3695] {strides = array<i32>} : memref<8x4096xi32, #tpu.memory_space<vmem>>, vector<1x16xi32>,
      %get3A_3697 = vector.shape_cast %get3A_3696 : vector<1x16xi32> to vector<16xi32>
      %ne3A_3698 = arith.constant 0 : i32
      %ne3A_3699 = vector.broadcast %ne3A_3698 : i32 to vector<16xi32>
      %ne3A_3700 = arith.cmpi ne, %get3A_3697, %ne3A_3699 : vector<16xi32>
      %jit3A_3701 = arith.constant 0xFF800000 : f32
      %broadcast_in_dim3A_3702 = vector.broadcast %jit3A_3701 : f32 to vector<16xf32>
      %select_n3A_3703 = arith.select %ne3A_3700, %add3A_3692, %broadcast_in_dim3A_3702 : vector<16xi1>, vector<16xf32>
      %max3A_3704 = arith.maximumf %scan3A_3624, %select_n3A_3703 : vector<16xf32>
      %mul3A_3705 = arith.mulf %get3A_3636, %mul3A_251 : vector<16xf32>
      %add3A_3706 = arith.addf %get3A_3651, %mul3A_3705 : vector<16xf32>
      %mul3A_3707 = arith.mulf %get3A_3641, %mul3A_254 : vector<16xf32>
      %add3A_3708 = arith.addf %add3A_3706, %mul3A_3707 : vector<16xf32>
      %mul3A_3709 = arith.mulf %get3A_3646, %mul3A_257 : vector<16xf32>
      %add3A_3710 = arith.addf %add3A_3708, %mul3A_3709 : vector<16xf32>
      %get3A_3711 = arith.constant 3 : i32
      %get3A_3712 = arith.index_cast %get3A_3711 : i32 to index
      %get3A_3713 = arith.index_cast %mul3A_3631 : i32 to index
      %get3A_3714 = tpu.vector_load %arg10[%get3A_3712, %get3A_3713] {strides = array<i32>} : memref<8x4096xi32, #tpu.memory_space<vmem>>, vector<1x16xi32>,
      %get3A_3715 = vector.shape_cast %get3A_3714 : vector<1x16xi32> to vector<16xi32>
      %ne3A_3716 = arith.constant 0 : i32
      %ne3A_3717 = vector.broadcast %ne3A_3716 : i32 to vector<16xi32>
      %ne3A_3718 = arith.cmpi ne, %get3A_3715, %ne3A_3717 : vector<16xi32>
      %jit3A_3719 = arith.constant 0xFF800000 : f32
      %broadcast_in_dim3A_3720 = vector.broadcast %jit3A_3719 : f32 to vector<16xf32>
      %select_n3A_3721 = arith.select %ne3A_3718, %add3A_3710, %broadcast_in_dim3A_3720 : vector<16xi1>, vector<16xf32>
      %max3A_3722 = arith.maximumf %scan3A_3625, %select_n3A_3721 : vector<16xf32>
      %mul3A_3723 = arith.mulf %get3A_3636, %mul3A_300 : vector<16xf32>
      %add3A_3724 = arith.addf %get3A_3651, %mul3A_3723 : vector<16xf32>
      %mul3A_3725 = arith.mulf %get3A_3641, %mul3A_303 : vector<16xf32>
      %add3A_3726 = arith.addf %add3A_3724, %mul3A_3725 : vector<16xf32>
      %mul3A_3727 = arith.mulf %get3A_3646, %mul3A_306 : vector<16xf32>
      %add3A_3728 = arith.addf %add3A_3726, %mul3A_3727 : vector<16xf32>
      %get3A_3729 = arith.constant 4 : i32
      %get3A_3730 = arith.index_cast %get3A_3729 : i32 to index
      %get3A_3731 = arith.index_cast %mul3A_3631 : i32 to index
      %get3A_3732 = tpu.vector_load %arg10[%get3A_3730, %get3A_3731] {strides = array<i32>} : memref<8x4096xi32, #tpu.memory_space<vmem>>, vector<1x16xi32>,
      %get3A_3733 = vector.shape_cast %get3A_3732 : vector<1x16xi32> to vector<16xi32>
      %ne3A_3734 = arith.constant 0 : i32
      %ne3A_3735 = vector.broadcast %ne3A_3734 : i32 to vector<16xi32>
      %ne3A_3736 = arith.cmpi ne, %get3A_3733, %ne3A_3735 : vector<16xi32>
      %jit3A_3737 = arith.constant 0xFF800000 : f32
      %broadcast_in_dim3A_3738 = vector.broadcast %jit3A_3737 : f32 to vector<16xf32>
      %select_n3A_3739 = arith.select %ne3A_3736, %add3A_3728, %broadcast_in_dim3A_3738 : vector<16xi1>, vector<16xf32>
      %max3A_3740 = arith.maximumf %scan3A_3626, %select_n3A_3739 : vector<16xf32>
      %mul3A_3741 = arith.mulf %get3A_3636, %mul3A_349 : vector<16xf32>
      %add3A_3742 = arith.addf %get3A_3651, %mul3A_3741 : vector<16xf32>
      %mul3A_3743 = arith.mulf %get3A_3641, %mul3A_352 : vector<16xf32>
      %add3A_3744 = arith.addf %add3A_3742, %mul3A_3743 : vector<16xf32>
      %mul3A_3745 = arith.mulf %get3A_3646, %mul3A_355 : vector<16xf32>
      %add3A_3746 = arith.addf %add3A_3744, %mul3A_3745 : vector<16xf32>
      %get3A_3747 = arith.constant 5 : i32
      %get3A_3748 = arith.index_cast %get3A_3747 : i32 to index
      %get3A_3749 = arith.index_cast %mul3A_3631 : i32 to index
      %get3A_3750 = tpu.vector_load %arg10[%get3A_3748, %get3A_3749] {strides = array<i32>} : memref<8x4096xi32, #tpu.memory_space<vmem>>, vector<1x16xi32>,
      %get3A_3751 = vector.shape_cast %get3A_3750 : vector<1x16xi32> to vector<16xi32>
      %ne3A_3752 = arith.constant 0 : i32
      %ne3A_3753 = vector.broadcast %ne3A_3752 : i32 to vector<16xi32>
      %ne3A_3754 = arith.cmpi ne, %get3A_3751, %ne3A_3753 : vector<16xi32>
      %jit3A_3755 = arith.constant 0xFF800000 : f32
      %broadcast_in_dim3A_3756 = vector.broadcast %jit3A_3755 : f32 to vector<16xf32>
      %select_n3A_3757 = arith.select %ne3A_3754, %add3A_3746, %broadcast_in_dim3A_3756 : vector<16xi1>, vector<16xf32>
      %max3A_3758 = arith.maximumf %scan3A_3627, %select_n3A_3757 : vector<16xf32>
      %mul3A_3759 = arith.mulf %get3A_3636, %mul3A_398 : vector<16xf32>
      %add3A_3760 = arith.addf %get3A_3651, %mul3A_3759 : vector<16xf32>
      %mul3A_3761 = arith.mulf %get3A_3641, %mul3A_401 : vector<16xf32>
      %add3A_3762 = arith.addf %add3A_3760, %mul3A_3761 : vector<16xf32>
      %mul3A_3763 = arith.mulf %get3A_3646, %mul3A_404 : vector<16xf32>
      %add3A_3764 = arith.addf %add3A_3762, %mul3A_3763 : vector<16xf32>
      %get3A_3765 = arith.constant 6 : i32
      %get3A_3766 = arith.index_cast %get3A_3765 : i32 to index
      %get3A_3767 = arith.index_cast %mul3A_3631 : i32 to index
      %get3A_3768 = tpu.vector_load %arg10[%get3A_3766, %get3A_3767] {strides = array<i32>} : memref<8x4096xi32, #tpu.memory_space<vmem>>, vector<1x16xi32>,
      %get3A_3769 = vector.shape_cast %get3A_3768 : vector<1x16xi32> to vector<16xi32>
      %ne3A_3770 = arith.constant 0 : i32
      %ne3A_3771 = vector.broadcast %ne3A_3770 : i32 to vector<16xi32>
      %ne3A_3772 = arith.cmpi ne, %get3A_3769, %ne3A_3771 : vector<16xi32>
      %jit3A_3773 = arith.constant 0xFF800000 : f32
      %broadcast_in_dim3A_3774 = vector.broadcast %jit3A_3773 : f32 to vector<16xf32>
      %select_n3A_3775 = arith.select %ne3A_3772, %add3A_3764, %broadcast_in_dim3A_3774 : vector<16xi1>, vector<16xf32>
      %max3A_3776 = arith.maximumf %scan3A_3628, %select_n3A_3775 : vector<16xf32>
      %mul3A_3777 = arith.mulf %get3A_3636, %mul3A_447 : vector<16xf32>
      %add3A_3778 = arith.addf %get3A_3651, %mul3A_3777 : vector<16xf32>
      %mul3A_3779 = arith.mulf %get3A_3641, %mul3A_450 : vector<16xf32>
      %add3A_3780 = arith.addf %add3A_3778, %mul3A_3779 : vector<16xf32>
      %mul3A_3781 = arith.mulf %get3A_3646, %mul3A_453 : vector<16xf32>
      %add3A_3782 = arith.addf %add3A_3780, %mul3A_3781 : vector<16xf32>
      %get3A_3783 = arith.constant 7 : i32
      %get3A_3784 = arith.index_cast %get3A_3783 : i32 to index
      %get3A_3785 = arith.index_cast %mul3A_3631 : i32 to index
      %get3A_3786 = tpu.vector_load %arg10[%get3A_3784, %get3A_3785] {strides = array<i32>} : memref<8x4096xi32, #tpu.memory_space<vmem>>, vector<1x16xi32>,
      %get3A_3787 = vector.shape_cast %get3A_3786 : vector<1x16xi32> to vector<16xi32>
      %ne3A_3788 = arith.constant 0 : i32
      %ne3A_3789 = vector.broadcast %ne3A_3788 : i32 to vector<16xi32>
      %ne3A_3790 = arith.cmpi ne, %get3A_3787, %ne3A_3789 : vector<16xi32>
      %jit3A_3791 = arith.constant 0xFF800000 : f32
      %broadcast_in_dim3A_3792 = vector.broadcast %jit3A_3791 : f32 to vector<16xf32>
      %select_n3A_3793 = arith.select %ne3A_3790, %add3A_3782, %broadcast_in_dim3A_3792 : vector<16xi1>, vector<16xf32>
      %max3A_3794 = arith.maximumf %scan3A_3629, %select_n3A_3793 : vector<16xf32>
      scf.yield %max3A_3668, %max3A_3686, %max3A_3704, %max3A_3722, %max3A_3740, %max3A_3758, %max3A_3776, %max3A_3794 : vector<16xf32>, vector<16xf32>, vector<16xf32>, vector<16xf32>, vector<16xf32>, vector<16xf32>, vector<16xf32>, vector<16xf32>
    }
    %scan3A_483 = arith.constant 256 : i32
    %xor3A_484 = arith.constant 8 : i32
    %xor3A_485 = vector.broadcast %xor3A_484 : i32 to vector<16xi32>
    %xor3A_486 = arith.xori %iota3A, %xor3A_485 : vector<16xi32>
    %broadcast_in_dim3A_487 = vector.shape_cast %xor3A_486 : vector<16xi32> to vector<16x1xi32>
    %gather3A_488 = vector.shape_cast %broadcast_in_dim3A_487 : vector<16x1xi32> to vector<16xi32>
    %gather3A_489 = tpu.dynamic_gather %scan3A_482#0[%gather3A_488] in [0] : vector<16xf32>, vector<16xi32> -> vector<16xf32>
    %max3A = arith.maximumf %scan3A_482#0, %gather3A_489 : vector<16xf32>
    %xor3A_490 = arith.constant 4 : i32
    %xor3A_491 = vector.broadcast %xor3A_490 : i32 to vector<16xi32>
    %xor3A_492 = arith.xori %iota3A, %xor3A_491 : vector<16xi32>
    %broadcast_in_dim3A_493 = vector.shape_cast %xor3A_492 : vector<16xi32> to vector<16x1xi32>
    %gather3A_494 = vector.shape_cast %broadcast_in_dim3A_493 : vector<16x1xi32> to vector<16xi32>
    %gather3A_495 = tpu.dynamic_gather %max3A[%gather3A_494] in [0] : vector<16xf32>, vector<16xi32> -> vector<16xf32>
    %max3A_496 = arith.maximumf %max3A, %gather3A_495 : vector<16xf32>
    %xor3A_497 = arith.constant 2 : i32
    %xor3A_498 = vector.broadcast %xor3A_497 : i32 to vector<16xi32>
    %xor3A_499 = arith.xori %iota3A, %xor3A_498 : vector<16xi32>
    %broadcast_in_dim3A_500 = vector.shape_cast %xor3A_499 : vector<16xi32> to vector<16x1xi32>
    %gather3A_501 = vector.shape_cast %broadcast_in_dim3A_500 : vector<16x1xi32> to vector<16xi32>
    %gather3A_502 = tpu.dynamic_gather %max3A_496[%gather3A_501] in [0] : vector<16xf32>, vector<16xi32> -> vector<16xf32>
    %max3A_503 = arith.maximumf %max3A_496, %gather3A_502 : vector<16xf32>
    %xor3A_504 = arith.constant 1 : i32
    %xor3A_505 = vector.broadcast %xor3A_504 : i32 to vector<16xi32>
    %xor3A_506 = arith.xori %iota3A, %xor3A_505 : vector<16xi32>
    %broadcast_in_dim3A_507 = vector.shape_cast %xor3A_506 : vector<16xi32> to vector<16x1xi32>
    %gather3A_508 = vector.shape_cast %broadcast_in_dim3A_507 : vector<16x1xi32> to vector<16xi32>
    %gather3A_509 = tpu.dynamic_gather %max3A_503[%gather3A_508] in [0] : vector<16xf32>, vector<16xi32> -> vector<16xf32>
    %max3A_510 = arith.maximumf %max3A_503, %gather3A_509 : vector<16xf32>
    %add3A_511 = arith.addf %max3A_510, %add3A_118 : vector<16xf32>
    %gt3A = arith.constant 0.000000e+00 : f32
    %gt3A_512 = vector.broadcast %gt3A : f32 to vector<16xf32>
    %gt3A_513 = arith.cmpf ogt, %add3A_511, %gt3A_512 : vector<16xf32>
    %jit3A = arith.constant 1.000000e+00 : f32
    %broadcast_in_dim3A_514 = vector.broadcast %jit3A : f32 to vector<16xf32>
    %select_n3A = arith.select %gt3A_513, %add3A_511, %broadcast_in_dim3A_514 : vector<16xi1>, vector<16xf32>
    %add3A_515 = arith.constant 1.000000e+00 : f32
    %add3A_516 = vector.broadcast %add3A_515 : f32 to vector<16xf32>
    %add3A_517 = arith.addf %select_n3A, %add3A_516 : vector<16xf32>
    %mul3A_518 = arith.constant 5.000000e-01 : f32
    %mul3A_519 = vector.broadcast %mul3A_518 : f32 to vector<16xf32>
    %mul3A_520 = arith.mulf %add3A_517, %mul3A_519 : vector<16xf32>
    %div3A = arith.divf %select_n3A, %mul3A_520 : vector<16xf32>
    %add3A_521 = arith.addf %mul3A_520, %div3A : vector<16xf32>
    %mul3A_522 = arith.constant 5.000000e-01 : f32
    %mul3A_523 = vector.broadcast %mul3A_522 : f32 to vector<16xf32>
    %mul3A_524 = arith.mulf %add3A_521, %mul3A_523 : vector<16xf32>
    %div3A_525 = arith.divf %select_n3A, %mul3A_524 : vector<16xf32>
    %add3A_526 = arith.addf %mul3A_524, %div3A_525 : vector<16xf32>
    %mul3A_527 = arith.constant 5.000000e-01 : f32
    %mul3A_528 = vector.broadcast %mul3A_527 : f32 to vector<16xf32>
    %mul3A_529 = arith.mulf %add3A_526, %mul3A_528 : vector<16xf32>
    %div3A_530 = arith.divf %select_n3A, %mul3A_529 : vector<16xf32>
    %add3A_531 = arith.addf %mul3A_529, %div3A_530 : vector<16xf32>
    %mul3A_532 = arith.constant 5.000000e-01 : f32
    %mul3A_533 = vector.broadcast %mul3A_532 : f32 to vector<16xf32>
    %mul3A_534 = arith.mulf %add3A_531, %mul3A_533 : vector<16xf32>
    %div3A_535 = arith.divf %select_n3A, %mul3A_534 : vector<16xf32>
    %add3A_536 = arith.addf %mul3A_534, %div3A_535 : vector<16xf32>
    %mul3A_537 = arith.constant 5.000000e-01 : f32
    %mul3A_538 = vector.broadcast %mul3A_537 : f32 to vector<16xf32>
    %mul3A_539 = arith.mulf %add3A_536, %mul3A_538 : vector<16xf32>
    %div3A_540 = arith.divf %select_n3A, %mul3A_539 : vector<16xf32>
    %add3A_541 = arith.addf %mul3A_539, %div3A_540 : vector<16xf32>
    %mul3A_542 = arith.constant 5.000000e-01 : f32
    %mul3A_543 = vector.broadcast %mul3A_542 : f32 to vector<16xf32>
    %mul3A_544 = arith.mulf %add3A_541, %mul3A_543 : vector<16xf32>
    %div3A_545 = arith.divf %select_n3A, %mul3A_544 : vector<16xf32>
    %add3A_546 = arith.addf %mul3A_544, %div3A_545 : vector<16xf32>
    %mul3A_547 = arith.constant 5.000000e-01 : f32
    %mul3A_548 = vector.broadcast %mul3A_547 : f32 to vector<16xf32>
    %mul3A_549 = arith.mulf %add3A_546, %mul3A_548 : vector<16xf32>
    %div3A_550 = arith.divf %select_n3A, %mul3A_549 : vector<16xf32>
    %add3A_551 = arith.addf %mul3A_549, %div3A_550 : vector<16xf32>
    %mul3A_552 = arith.constant 5.000000e-01 : f32
    %mul3A_553 = vector.broadcast %mul3A_552 : f32 to vector<16xf32>
    %mul3A_554 = arith.mulf %add3A_551, %mul3A_553 : vector<16xf32>
    %div3A_555 = arith.divf %select_n3A, %mul3A_554 : vector<16xf32>
    %add3A_556 = arith.addf %mul3A_554, %div3A_555 : vector<16xf32>
    %mul3A_557 = arith.constant 5.000000e-01 : f32
    %mul3A_558 = vector.broadcast %mul3A_557 : f32 to vector<16xf32>
    %mul3A_559 = arith.mulf %add3A_556, %mul3A_558 : vector<16xf32>
    %div3A_560 = arith.divf %select_n3A, %mul3A_559 : vector<16xf32>
    %add3A_561 = arith.addf %mul3A_559, %div3A_560 : vector<16xf32>
    %mul3A_562 = arith.constant 5.000000e-01 : f32
    %mul3A_563 = vector.broadcast %mul3A_562 : f32 to vector<16xf32>
    %mul3A_564 = arith.mulf %add3A_561, %mul3A_563 : vector<16xf32>
    %div3A_565 = arith.divf %select_n3A, %mul3A_564 : vector<16xf32>
    %add3A_566 = arith.addf %mul3A_564, %div3A_565 : vector<16xf32>
    %mul3A_567 = arith.constant 5.000000e-01 : f32
    %mul3A_568 = vector.broadcast %mul3A_567 : f32 to vector<16xf32>
    %mul3A_569 = arith.mulf %add3A_566, %mul3A_568 : vector<16xf32>
    %div3A_570 = arith.divf %select_n3A, %mul3A_569 : vector<16xf32>
    %add3A_571 = arith.addf %mul3A_569, %div3A_570 : vector<16xf32>
    %mul3A_572 = arith.constant 5.000000e-01 : f32
    %mul3A_573 = vector.broadcast %mul3A_572 : f32 to vector<16xf32>
    %mul3A_574 = arith.mulf %add3A_571, %mul3A_573 : vector<16xf32>
    %div3A_575 = arith.divf %select_n3A, %mul3A_574 : vector<16xf32>
    %add3A_576 = arith.addf %mul3A_574, %div3A_575 : vector<16xf32>
    %mul3A_577 = arith.constant 5.000000e-01 : f32
    %mul3A_578 = vector.broadcast %mul3A_577 : f32 to vector<16xf32>
    %mul3A_579 = arith.mulf %add3A_576, %mul3A_578 : vector<16xf32>
    %div3A_580 = arith.divf %select_n3A, %mul3A_579 : vector<16xf32>
    %add3A_581 = arith.addf %mul3A_579, %div3A_580 : vector<16xf32>
    %mul3A_582 = arith.constant 5.000000e-01 : f32
    %mul3A_583 = vector.broadcast %mul3A_582 : f32 to vector<16xf32>
    %mul3A_584 = arith.mulf %add3A_581, %mul3A_583 : vector<16xf32>
    %div3A_585 = arith.divf %select_n3A, %mul3A_584 : vector<16xf32>
    %add3A_586 = arith.addf %mul3A_584, %div3A_585 : vector<16xf32>
    %mul3A_587 = arith.constant 5.000000e-01 : f32
    %mul3A_588 = vector.broadcast %mul3A_587 : f32 to vector<16xf32>
    %mul3A_589 = arith.mulf %add3A_586, %mul3A_588 : vector<16xf32>
    %div3A_590 = arith.divf %select_n3A, %mul3A_589 : vector<16xf32>
    %add3A_591 = arith.addf %mul3A_589, %div3A_590 : vector<16xf32>
    %mul3A_592 = arith.constant 5.000000e-01 : f32
    %mul3A_593 = vector.broadcast %mul3A_592 : f32 to vector<16xf32>
    %mul3A_594 = arith.mulf %add3A_591, %mul3A_593 : vector<16xf32>
    %div3A_595 = arith.divf %select_n3A, %mul3A_594 : vector<16xf32>
    %add3A_596 = arith.addf %mul3A_594, %div3A_595 : vector<16xf32>
    %mul3A_597 = arith.constant 5.000000e-01 : f32
    %mul3A_598 = vector.broadcast %mul3A_597 : f32 to vector<16xf32>
    %mul3A_599 = arith.mulf %add3A_596, %mul3A_598 : vector<16xf32>
    %div3A_600 = arith.divf %select_n3A, %mul3A_599 : vector<16xf32>
    %add3A_601 = arith.addf %mul3A_599, %div3A_600 : vector<16xf32>
    %mul3A_602 = arith.constant 5.000000e-01 : f32
    %mul3A_603 = vector.broadcast %mul3A_602 : f32 to vector<16xf32>
    %mul3A_604 = arith.mulf %add3A_601, %mul3A_603 : vector<16xf32>
    %div3A_605 = arith.divf %select_n3A, %mul3A_604 : vector<16xf32>
    %add3A_606 = arith.addf %mul3A_604, %div3A_605 : vector<16xf32>
    %mul3A_607 = arith.constant 5.000000e-01 : f32
    %mul3A_608 = vector.broadcast %mul3A_607 : f32 to vector<16xf32>
    %mul3A_609 = arith.mulf %add3A_606, %mul3A_608 : vector<16xf32>
    %div3A_610 = arith.divf %select_n3A, %mul3A_609 : vector<16xf32>
    %add3A_611 = arith.addf %mul3A_609, %div3A_610 : vector<16xf32>
    %mul3A_612 = arith.constant 5.000000e-01 : f32
    %mul3A_613 = vector.broadcast %mul3A_612 : f32 to vector<16xf32>
    %mul3A_614 = arith.mulf %add3A_611, %mul3A_613 : vector<16xf32>
    %div3A_615 = arith.divf %select_n3A, %mul3A_614 : vector<16xf32>
    %add3A_616 = arith.addf %mul3A_614, %div3A_615 : vector<16xf32>
    %mul3A_617 = arith.constant 5.000000e-01 : f32
    %mul3A_618 = vector.broadcast %mul3A_617 : f32 to vector<16xf32>
    %mul3A_619 = arith.mulf %add3A_616, %mul3A_618 : vector<16xf32>
    %eq3A = arith.constant 0xFF800000 : f32
    %eq3A_620 = vector.broadcast %eq3A : f32 to vector<16xf32>
    %eq3A_621 = arith.cmpf oeq, %add3A_511, %eq3A_620 : vector<16xf32>
    %gt3A_622 = arith.constant 0.000000e+00 : f32
    %gt3A_623 = vector.broadcast %gt3A_622 : f32 to vector<16xf32>
    %gt3A_624 = arith.cmpf ogt, %add3A_511, %gt3A_623 : vector<16xf32>
    %jit3A_625 = arith.constant 0.000000e+00 : f32
    %broadcast_in_dim3A_626 = vector.broadcast %jit3A_625 : f32 to vector<16xf32>
    %select_n3A_627 = arith.select %gt3A_624, %mul3A_619, %broadcast_in_dim3A_626 : vector<16xi1>, vector<16xf32>
    %jit3A_628 = arith.constant 0xFF800000 : f32
    %broadcast_in_dim3A_629 = vector.broadcast %jit3A_628 : f32 to vector<16xf32>
    %select_n3A_630 = arith.select %eq3A_621, %broadcast_in_dim3A_629, %select_n3A_627 : vector<16xi1>, vector<16xf32>
    %get3A_631 = arith.constant 0 : index
    %get3A_632 = tpu.vector_load %arg11[%get3A_631] {strides = array<i32>} : memref<16xf32, #tpu.memory_space<vmem>>, vector<16xf32>,
    %get3A_633 = vector.shape_cast %get3A_632 : vector<16xf32> to vector<16xf32>
    %broadcast_in_dim3A_634 = arith.constant 0 : i32
    %broadcast_in_dim3A_635 = vector.broadcast %broadcast_in_dim3A_634 : i32 to vector<16xi32>
    %broadcast_in_dim3A_636 = vector.shape_cast %broadcast_in_dim3A_635 : vector<16xi32> to vector<16x1xi32>
    %gather3A_637 = vector.shape_cast %broadcast_in_dim3A_636 : vector<16x1xi32> to vector<16xi32>
    %gather3A_638 = tpu.dynamic_gather %get3A_633[%gather3A_637] in [0] : vector<16xf32>, vector<16xi32> -> vector<16xf32>
    %mul3A_639 = arith.constant 5.000000e-01 : f32
    %mul3A_640 = vector.broadcast %mul3A_639 : f32 to vector<16xf32>
    %mul3A_641 = arith.mulf %gather3A_638, %mul3A_640 : vector<16xf32>
    %mul3A_642 = arith.mulf %select_n3A_630, %mul3A_59 : vector<16xf32>
    %add3A_643 = arith.addf %mul3A_641, %mul3A_642 : vector<16xf32>
    %eq3A_644 = arith.constant 0 : i32
    %eq3A_645 = vector.broadcast %eq3A_644 : i32 to vector<16xi32>
    %eq3A_646 = arith.cmpi eq, %iota3A, %eq3A_645 : vector<16xi32>
    %select_n3A_647 = arith.select %eq3A_646, %add3A_643, %broadcast_in_dim3A_67 : vector<16xi1>, vector<16xf32>
    %xor3A_648 = arith.constant 8 : i32
    %xor3A_649 = vector.broadcast %xor3A_648 : i32 to vector<16xi32>
    %xor3A_650 = arith.xori %iota3A, %xor3A_649 : vector<16xi32>
    %broadcast_in_dim3A_651 = vector.shape_cast %xor3A_650 : vector<16xi32> to vector<16x1xi32>
    %gather3A_652 = vector.shape_cast %broadcast_in_dim3A_651 : vector<16x1xi32> to vector<16xi32>
    %gather3A_653 = tpu.dynamic_gather %scan3A_482#1[%gather3A_652] in [0] : vector<16xf32>, vector<16xi32> -> vector<16xf32>
    %max3A_654 = arith.maximumf %scan3A_482#1, %gather3A_653 : vector<16xf32>
    %xor3A_655 = arith.constant 4 : i32
    %xor3A_656 = vector.broadcast %xor3A_655 : i32 to vector<16xi32>
    %xor3A_657 = arith.xori %iota3A, %xor3A_656 : vector<16xi32>
    %broadcast_in_dim3A_658 = vector.shape_cast %xor3A_657 : vector<16xi32> to vector<16x1xi32>
    %gather3A_659 = vector.shape_cast %broadcast_in_dim3A_658 : vector<16x1xi32> to vector<16xi32>
    %gather3A_660 = tpu.dynamic_gather %max3A_654[%gather3A_659] in [0] : vector<16xf32>, vector<16xi32> -> vector<16xf32>
    %max3A_661 = arith.maximumf %max3A_654, %gather3A_660 : vector<16xf32>
    %xor3A_662 = arith.constant 2 : i32
    %xor3A_663 = vector.broadcast %xor3A_662 : i32 to vector<16xi32>
    %xor3A_664 = arith.xori %iota3A, %xor3A_663 : vector<16xi32>
    %broadcast_in_dim3A_665 = vector.shape_cast %xor3A_664 : vector<16xi32> to vector<16x1xi32>
    %gather3A_666 = vector.shape_cast %broadcast_in_dim3A_665 : vector<16x1xi32> to vector<16xi32>
    %gather3A_667 = tpu.dynamic_gather %max3A_661[%gather3A_666] in [0] : vector<16xf32>, vector<16xi32> -> vector<16xf32>
    %max3A_668 = arith.maximumf %max3A_661, %gather3A_667 : vector<16xf32>
    %xor3A_669 = arith.constant 1 : i32
    %xor3A_670 = vector.broadcast %xor3A_669 : i32 to vector<16xi32>
    %xor3A_671 = arith.xori %iota3A, %xor3A_670 : vector<16xi32>
    %broadcast_in_dim3A_672 = vector.shape_cast %xor3A_671 : vector<16xi32> to vector<16x1xi32>
    %gather3A_673 = vector.shape_cast %broadcast_in_dim3A_672 : vector<16x1xi32> to vector<16xi32>
    %gather3A_674 = tpu.dynamic_gather %max3A_668[%gather3A_673] in [0] : vector<16xf32>, vector<16xi32> -> vector<16xf32>
    %max3A_675 = arith.maximumf %max3A_668, %gather3A_674 : vector<16xf32>
    %add3A_676 = arith.addf %max3A_675, %add3A_167 : vector<16xf32>
    %gt3A_677 = arith.constant 0.000000e+00 : f32
    %gt3A_678 = vector.broadcast %gt3A_677 : f32 to vector<16xf32>
    %gt3A_679 = arith.cmpf ogt, %add3A_676, %gt3A_678 : vector<16xf32>
    %jit3A_680 = arith.constant 1.000000e+00 : f32
    %broadcast_in_dim3A_681 = vector.broadcast %jit3A_680 : f32 to vector<16xf32>
    %select_n3A_682 = arith.select %gt3A_679, %add3A_676, %broadcast_in_dim3A_681 : vector<16xi1>, vector<16xf32>
    %add3A_683 = arith.constant 1.000000e+00 : f32
    %add3A_684 = vector.broadcast %add3A_683 : f32 to vector<16xf32>
    %add3A_685 = arith.addf %select_n3A_682, %add3A_684 : vector<16xf32>
    %mul3A_686 = arith.constant 5.000000e-01 : f32
    %mul3A_687 = vector.broadcast %mul3A_686 : f32 to vector<16xf32>
    %mul3A_688 = arith.mulf %add3A_685, %mul3A_687 : vector<16xf32>
    %div3A_689 = arith.divf %select_n3A_682, %mul3A_688 : vector<16xf32>
    %add3A_690 = arith.addf %mul3A_688, %div3A_689 : vector<16xf32>
    %mul3A_691 = arith.constant 5.000000e-01 : f32
    %mul3A_692 = vector.broadcast %mul3A_691 : f32 to vector<16xf32>
    %mul3A_693 = arith.mulf %add3A_690, %mul3A_692 : vector<16xf32>
    %div3A_694 = arith.divf %select_n3A_682, %mul3A_693 : vector<16xf32>
    %add3A_695 = arith.addf %mul3A_693, %div3A_694 : vector<16xf32>
    %mul3A_696 = arith.constant 5.000000e-01 : f32
    %mul3A_697 = vector.broadcast %mul3A_696 : f32 to vector<16xf32>
    %mul3A_698 = arith.mulf %add3A_695, %mul3A_697 : vector<16xf32>
    %div3A_699 = arith.divf %select_n3A_682, %mul3A_698 : vector<16xf32>
    %add3A_700 = arith.addf %mul3A_698, %div3A_699 : vector<16xf32>
    %mul3A_701 = arith.constant 5.000000e-01 : f32
    %mul3A_702 = vector.broadcast %mul3A_701 : f32 to vector<16xf32>
    %mul3A_703 = arith.mulf %add3A_700, %mul3A_702 : vector<16xf32>
    %div3A_704 = arith.divf %select_n3A_682, %mul3A_703 : vector<16xf32>
    %add3A_705 = arith.addf %mul3A_703, %div3A_704 : vector<16xf32>
    %mul3A_706 = arith.constant 5.000000e-01 : f32
    %mul3A_707 = vector.broadcast %mul3A_706 : f32 to vector<16xf32>
    %mul3A_708 = arith.mulf %add3A_705, %mul3A_707 : vector<16xf32>
    %div3A_709 = arith.divf %select_n3A_682, %mul3A_708 : vector<16xf32>
    %add3A_710 = arith.addf %mul3A_708, %div3A_709 : vector<16xf32>
    %mul3A_711 = arith.constant 5.000000e-01 : f32
    %mul3A_712 = vector.broadcast %mul3A_711 : f32 to vector<16xf32>
    %mul3A_713 = arith.mulf %add3A_710, %mul3A_712 : vector<16xf32>
    %div3A_714 = arith.divf %select_n3A_682, %mul3A_713 : vector<16xf32>
    %add3A_715 = arith.addf %mul3A_713, %div3A_714 : vector<16xf32>
    %mul3A_716 = arith.constant 5.000000e-01 : f32
    %mul3A_717 = vector.broadcast %mul3A_716 : f32 to vector<16xf32>
    %mul3A_718 = arith.mulf %add3A_715, %mul3A_717 : vector<16xf32>
    %div3A_719 = arith.divf %select_n3A_682, %mul3A_718 : vector<16xf32>
    %add3A_720 = arith.addf %mul3A_718, %div3A_719 : vector<16xf32>
    %mul3A_721 = arith.constant 5.000000e-01 : f32
    %mul3A_722 = vector.broadcast %mul3A_721 : f32 to vector<16xf32>
    %mul3A_723 = arith.mulf %add3A_720, %mul3A_722 : vector<16xf32>
    %div3A_724 = arith.divf %select_n3A_682, %mul3A_723 : vector<16xf32>
    %add3A_725 = arith.addf %mul3A_723, %div3A_724 : vector<16xf32>
    %mul3A_726 = arith.constant 5.000000e-01 : f32
    %mul3A_727 = vector.broadcast %mul3A_726 : f32 to vector<16xf32>
    %mul3A_728 = arith.mulf %add3A_725, %mul3A_727 : vector<16xf32>
    %div3A_729 = arith.divf %select_n3A_682, %mul3A_728 : vector<16xf32>
    %add3A_730 = arith.addf %mul3A_728, %div3A_729 : vector<16xf32>
    %mul3A_731 = arith.constant 5.000000e-01 : f32
    %mul3A_732 = vector.broadcast %mul3A_731 : f32 to vector<16xf32>
    %mul3A_733 = arith.mulf %add3A_730, %mul3A_732 : vector<16xf32>
    %div3A_734 = arith.divf %select_n3A_682, %mul3A_733 : vector<16xf32>
    %add3A_735 = arith.addf %mul3A_733, %div3A_734 : vector<16xf32>
    %mul3A_736 = arith.constant 5.000000e-01 : f32
    %mul3A_737 = vector.broadcast %mul3A_736 : f32 to vector<16xf32>
    %mul3A_738 = arith.mulf %add3A_735, %mul3A_737 : vector<16xf32>
    %div3A_739 = arith.divf %select_n3A_682, %mul3A_738 : vector<16xf32>
    %add3A_740 = arith.addf %mul3A_738, %div3A_739 : vector<16xf32>
    %mul3A_741 = arith.constant 5.000000e-01 : f32
    %mul3A_742 = vector.broadcast %mul3A_741 : f32 to vector<16xf32>
    %mul3A_743 = arith.mulf %add3A_740, %mul3A_742 : vector<16xf32>
    %div3A_744 = arith.divf %select_n3A_682, %mul3A_743 : vector<16xf32>
    %add3A_745 = arith.addf %mul3A_743, %div3A_744 : vector<16xf32>
    %mul3A_746 = arith.constant 5.000000e-01 : f32
    %mul3A_747 = vector.broadcast %mul3A_746 : f32 to vector<16xf32>
    %mul3A_748 = arith.mulf %add3A_745, %mul3A_747 : vector<16xf32>
    %div3A_749 = arith.divf %select_n3A_682, %mul3A_748 : vector<16xf32>
    %add3A_750 = arith.addf %mul3A_748, %div3A_749 : vector<16xf32>
    %mul3A_751 = arith.constant 5.000000e-01 : f32
    %mul3A_752 = vector.broadcast %mul3A_751 : f32 to vector<16xf32>
    %mul3A_753 = arith.mulf %add3A_750, %mul3A_752 : vector<16xf32>
    %div3A_754 = arith.divf %select_n3A_682, %mul3A_753 : vector<16xf32>
    %add3A_755 = arith.addf %mul3A_753, %div3A_754 : vector<16xf32>
    %mul3A_756 = arith.constant 5.000000e-01 : f32
    %mul3A_757 = vector.broadcast %mul3A_756 : f32 to vector<16xf32>
    %mul3A_758 = arith.mulf %add3A_755, %mul3A_757 : vector<16xf32>
    %div3A_759 = arith.divf %select_n3A_682, %mul3A_758 : vector<16xf32>
    %add3A_760 = arith.addf %mul3A_758, %div3A_759 : vector<16xf32>
    %mul3A_761 = arith.constant 5.000000e-01 : f32
    %mul3A_762 = vector.broadcast %mul3A_761 : f32 to vector<16xf32>
    %mul3A_763 = arith.mulf %add3A_760, %mul3A_762 : vector<16xf32>
    %div3A_764 = arith.divf %select_n3A_682, %mul3A_763 : vector<16xf32>
    %add3A_765 = arith.addf %mul3A_763, %div3A_764 : vector<16xf32>
    %mul3A_766 = arith.constant 5.000000e-01 : f32
    %mul3A_767 = vector.broadcast %mul3A_766 : f32 to vector<16xf32>
    %mul3A_768 = arith.mulf %add3A_765, %mul3A_767 : vector<16xf32>
    %div3A_769 = arith.divf %select_n3A_682, %mul3A_768 : vector<16xf32>
    %add3A_770 = arith.addf %mul3A_768, %div3A_769 : vector<16xf32>
    %mul3A_771 = arith.constant 5.000000e-01 : f32
    %mul3A_772 = vector.broadcast %mul3A_771 : f32 to vector<16xf32>
    %mul3A_773 = arith.mulf %add3A_770, %mul3A_772 : vector<16xf32>
    %div3A_774 = arith.divf %select_n3A_682, %mul3A_773 : vector<16xf32>
    %add3A_775 = arith.addf %mul3A_773, %div3A_774 : vector<16xf32>
    %mul3A_776 = arith.constant 5.000000e-01 : f32
    %mul3A_777 = vector.broadcast %mul3A_776 : f32 to vector<16xf32>
    %mul3A_778 = arith.mulf %add3A_775, %mul3A_777 : vector<16xf32>
    %div3A_779 = arith.divf %select_n3A_682, %mul3A_778 : vector<16xf32>
    %add3A_780 = arith.addf %mul3A_778, %div3A_779 : vector<16xf32>
    %mul3A_781 = arith.constant 5.000000e-01 : f32
    %mul3A_782 = vector.broadcast %mul3A_781 : f32 to vector<16xf32>
    %mul3A_783 = arith.mulf %add3A_780, %mul3A_782 : vector<16xf32>
    %div3A_784 = arith.divf %select_n3A_682, %mul3A_783 : vector<16xf32>
    %add3A_785 = arith.addf %mul3A_783, %div3A_784 : vector<16xf32>
    %mul3A_786 = arith.constant 5.000000e-01 : f32
    %mul3A_787 = vector.broadcast %mul3A_786 : f32 to vector<16xf32>
    %mul3A_788 = arith.mulf %add3A_785, %mul3A_787 : vector<16xf32>
    %eq3A_789 = arith.constant 0xFF800000 : f32
    %eq3A_790 = vector.broadcast %eq3A_789 : f32 to vector<16xf32>
    %eq3A_791 = arith.cmpf oeq, %add3A_676, %eq3A_790 : vector<16xf32>
    %gt3A_792 = arith.constant 0.000000e+00 : f32
    %gt3A_793 = vector.broadcast %gt3A_792 : f32 to vector<16xf32>
    %gt3A_794 = arith.cmpf ogt, %add3A_676, %gt3A_793 : vector<16xf32>
    %jit3A_795 = arith.constant 0.000000e+00 : f32
    %broadcast_in_dim3A_796 = vector.broadcast %jit3A_795 : f32 to vector<16xf32>
    %select_n3A_797 = arith.select %gt3A_794, %mul3A_788, %broadcast_in_dim3A_796 : vector<16xi1>, vector<16xf32>
    %jit3A_798 = arith.constant 0xFF800000 : f32
    %broadcast_in_dim3A_799 = vector.broadcast %jit3A_798 : f32 to vector<16xf32>
    %select_n3A_800 = arith.select %eq3A_791, %broadcast_in_dim3A_799, %select_n3A_797 : vector<16xi1>, vector<16xf32>
    %get3A_801 = arith.constant 0 : index
    %get3A_802 = tpu.vector_load %arg11[%get3A_801] {strides = array<i32>} : memref<16xf32, #tpu.memory_space<vmem>>, vector<16xf32>,
    %get3A_803 = vector.shape_cast %get3A_802 : vector<16xf32> to vector<16xf32>
    %broadcast_in_dim3A_804 = arith.constant 1 : i32
    %broadcast_in_dim3A_805 = vector.broadcast %broadcast_in_dim3A_804 : i32 to vector<16xi32>
    %broadcast_in_dim3A_806 = vector.shape_cast %broadcast_in_dim3A_805 : vector<16xi32> to vector<16x1xi32>
    %gather3A_807 = vector.shape_cast %broadcast_in_dim3A_806 : vector<16x1xi32> to vector<16xi32>
    %gather3A_808 = tpu.dynamic_gather %get3A_803[%gather3A_807] in [0] : vector<16xf32>, vector<16xi32> -> vector<16xf32>
    %mul3A_809 = arith.constant 5.000000e-01 : f32
    %mul3A_810 = vector.broadcast %mul3A_809 : f32 to vector<16xf32>
    %mul3A_811 = arith.mulf %gather3A_808, %mul3A_810 : vector<16xf32>
    %mul3A_812 = arith.mulf %select_n3A_800, %mul3A_59 : vector<16xf32>
    %add3A_813 = arith.addf %mul3A_811, %mul3A_812 : vector<16xf32>
    %eq3A_814 = arith.constant 1 : i32
    %eq3A_815 = vector.broadcast %eq3A_814 : i32 to vector<16xi32>
    %eq3A_816 = arith.cmpi eq, %iota3A, %eq3A_815 : vector<16xi32>
    %select_n3A_817 = arith.select %eq3A_816, %add3A_813, %select_n3A_647 : vector<16xi1>, vector<16xf32>
    %xor3A_818 = arith.constant 8 : i32
    %xor3A_819 = vector.broadcast %xor3A_818 : i32 to vector<16xi32>
    %xor3A_820 = arith.xori %iota3A, %xor3A_819 : vector<16xi32>
    %broadcast_in_dim3A_821 = vector.shape_cast %xor3A_820 : vector<16xi32> to vector<16x1xi32>
    %gather3A_822 = vector.shape_cast %broadcast_in_dim3A_821 : vector<16x1xi32> to vector<16xi32>
    %gather3A_823 = tpu.dynamic_gather %scan3A_482#2[%gather3A_822] in [0] : vector<16xf32>, vector<16xi32> -> vector<16xf32>
    %max3A_824 = arith.maximumf %scan3A_482#2, %gather3A_823 : vector<16xf32>
    %xor3A_825 = arith.constant 4 : i32
    %xor3A_826 = vector.broadcast %xor3A_825 : i32 to vector<16xi32>
    %xor3A_827 = arith.xori %iota3A, %xor3A_826 : vector<16xi32>
    %broadcast_in_dim3A_828 = vector.shape_cast %xor3A_827 : vector<16xi32> to vector<16x1xi32>
    %gather3A_829 = vector.shape_cast %broadcast_in_dim3A_828 : vector<16x1xi32> to vector<16xi32>
    %gather3A_830 = tpu.dynamic_gather %max3A_824[%gather3A_829] in [0] : vector<16xf32>, vector<16xi32> -> vector<16xf32>
    %max3A_831 = arith.maximumf %max3A_824, %gather3A_830 : vector<16xf32>
    %xor3A_832 = arith.constant 2 : i32
    %xor3A_833 = vector.broadcast %xor3A_832 : i32 to vector<16xi32>
    %xor3A_834 = arith.xori %iota3A, %xor3A_833 : vector<16xi32>
    %broadcast_in_dim3A_835 = vector.shape_cast %xor3A_834 : vector<16xi32> to vector<16x1xi32>
    %gather3A_836 = vector.shape_cast %broadcast_in_dim3A_835 : vector<16x1xi32> to vector<16xi32>
    %gather3A_837 = tpu.dynamic_gather %max3A_831[%gather3A_836] in [0] : vector<16xf32>, vector<16xi32> -> vector<16xf32>
    %max3A_838 = arith.maximumf %max3A_831, %gather3A_837 : vector<16xf32>
    %xor3A_839 = arith.constant 1 : i32
    %xor3A_840 = vector.broadcast %xor3A_839 : i32 to vector<16xi32>
    %xor3A_841 = arith.xori %iota3A, %xor3A_840 : vector<16xi32>
    %broadcast_in_dim3A_842 = vector.shape_cast %xor3A_841 : vector<16xi32> to vector<16x1xi32>
    %gather3A_843 = vector.shape_cast %broadcast_in_dim3A_842 : vector<16x1xi32> to vector<16xi32>
    %gather3A_844 = tpu.dynamic_gather %max3A_838[%gather3A_843] in [0] : vector<16xf32>, vector<16xi32> -> vector<16xf32>
    %max3A_845 = arith.maximumf %max3A_838, %gather3A_844 : vector<16xf32>
    %add3A_846 = arith.addf %max3A_845, %add3A_216 : vector<16xf32>
    %gt3A_847 = arith.constant 0.000000e+00 : f32
    %gt3A_848 = vector.broadcast %gt3A_847 : f32 to vector<16xf32>
    %gt3A_849 = arith.cmpf ogt, %add3A_846, %gt3A_848 : vector<16xf32>
    %jit3A_850 = arith.constant 1.000000e+00 : f32
    %broadcast_in_dim3A_851 = vector.broadcast %jit3A_850 : f32 to vector<16xf32>
    %select_n3A_852 = arith.select %gt3A_849, %add3A_846, %broadcast_in_dim3A_851 : vector<16xi1>, vector<16xf32>
    %add3A_853 = arith.constant 1.000000e+00 : f32
    %add3A_854 = vector.broadcast %add3A_853 : f32 to vector<16xf32>
    %add3A_855 = arith.addf %select_n3A_852, %add3A_854 : vector<16xf32>
    %mul3A_856 = arith.constant 5.000000e-01 : f32
    %mul3A_857 = vector.broadcast %mul3A_856 : f32 to vector<16xf32>
    %mul3A_858 = arith.mulf %add3A_855, %mul3A_857 : vector<16xf32>
    %div3A_859 = arith.divf %select_n3A_852, %mul3A_858 : vector<16xf32>
    %add3A_860 = arith.addf %mul3A_858, %div3A_859 : vector<16xf32>
    %mul3A_861 = arith.constant 5.000000e-01 : f32
    %mul3A_862 = vector.broadcast %mul3A_861 : f32 to vector<16xf32>
    %mul3A_863 = arith.mulf %add3A_860, %mul3A_862 : vector<16xf32>
    %div3A_864 = arith.divf %select_n3A_852, %mul3A_863 : vector<16xf32>
    %add3A_865 = arith.addf %mul3A_863, %div3A_864 : vector<16xf32>
    %mul3A_866 = arith.constant 5.000000e-01 : f32
    %mul3A_867 = vector.broadcast %mul3A_866 : f32 to vector<16xf32>
    %mul3A_868 = arith.mulf %add3A_865, %mul3A_867 : vector<16xf32>
    %div3A_869 = arith.divf %select_n3A_852, %mul3A_868 : vector<16xf32>
    %add3A_870 = arith.addf %mul3A_868, %div3A_869 : vector<16xf32>
    %mul3A_871 = arith.constant 5.000000e-01 : f32
    %mul3A_872 = vector.broadcast %mul3A_871 : f32 to vector<16xf32>
    %mul3A_873 = arith.mulf %add3A_870, %mul3A_872 : vector<16xf32>
    %div3A_874 = arith.divf %select_n3A_852, %mul3A_873 : vector<16xf32>
    %add3A_875 = arith.addf %mul3A_873, %div3A_874 : vector<16xf32>
    %mul3A_876 = arith.constant 5.000000e-01 : f32
    %mul3A_877 = vector.broadcast %mul3A_876 : f32 to vector<16xf32>
    %mul3A_878 = arith.mulf %add3A_875, %mul3A_877 : vector<16xf32>
    %div3A_879 = arith.divf %select_n3A_852, %mul3A_878 : vector<16xf32>
    %add3A_880 = arith.addf %mul3A_878, %div3A_879 : vector<16xf32>
    %mul3A_881 = arith.constant 5.000000e-01 : f32
    %mul3A_882 = vector.broadcast %mul3A_881 : f32 to vector<16xf32>
    %mul3A_883 = arith.mulf %add3A_880, %mul3A_882 : vector<16xf32>
    %div3A_884 = arith.divf %select_n3A_852, %mul3A_883 : vector<16xf32>
    %add3A_885 = arith.addf %mul3A_883, %div3A_884 : vector<16xf32>
    %mul3A_886 = arith.constant 5.000000e-01 : f32
    %mul3A_887 = vector.broadcast %mul3A_886 : f32 to vector<16xf32>
    %mul3A_888 = arith.mulf %add3A_885, %mul3A_887 : vector<16xf32>
    %div3A_889 = arith.divf %select_n3A_852, %mul3A_888 : vector<16xf32>
    %add3A_890 = arith.addf %mul3A_888, %div3A_889 : vector<16xf32>
    %mul3A_891 = arith.constant 5.000000e-01 : f32
    %mul3A_892 = vector.broadcast %mul3A_891 : f32 to vector<16xf32>
    %mul3A_893 = arith.mulf %add3A_890, %mul3A_892 : vector<16xf32>
    %div3A_894 = arith.divf %select_n3A_852, %mul3A_893 : vector<16xf32>
    %add3A_895 = arith.addf %mul3A_893, %div3A_894 : vector<16xf32>
    %mul3A_896 = arith.constant 5.000000e-01 : f32
    %mul3A_897 = vector.broadcast %mul3A_896 : f32 to vector<16xf32>
    %mul3A_898 = arith.mulf %add3A_895, %mul3A_897 : vector<16xf32>
    %div3A_899 = arith.divf %select_n3A_852, %mul3A_898 : vector<16xf32>
    %add3A_900 = arith.addf %mul3A_898, %div3A_899 : vector<16xf32>
    %mul3A_901 = arith.constant 5.000000e-01 : f32
    %mul3A_902 = vector.broadcast %mul3A_901 : f32 to vector<16xf32>
    %mul3A_903 = arith.mulf %add3A_900, %mul3A_902 : vector<16xf32>
    %div3A_904 = arith.divf %select_n3A_852, %mul3A_903 : vector<16xf32>
    %add3A_905 = arith.addf %mul3A_903, %div3A_904 : vector<16xf32>
    %mul3A_906 = arith.constant 5.000000e-01 : f32
    %mul3A_907 = vector.broadcast %mul3A_906 : f32 to vector<16xf32>
    %mul3A_908 = arith.mulf %add3A_905, %mul3A_907 : vector<16xf32>
    %div3A_909 = arith.divf %select_n3A_852, %mul3A_908 : vector<16xf32>
    %add3A_910 = arith.addf %mul3A_908, %div3A_909 : vector<16xf32>
    %mul3A_911 = arith.constant 5.000000e-01 : f32
    %mul3A_912 = vector.broadcast %mul3A_911 : f32 to vector<16xf32>
    %mul3A_913 = arith.mulf %add3A_910, %mul3A_912 : vector<16xf32>
    %div3A_914 = arith.divf %select_n3A_852, %mul3A_913 : vector<16xf32>
    %add3A_915 = arith.addf %mul3A_913, %div3A_914 : vector<16xf32>
    %mul3A_916 = arith.constant 5.000000e-01 : f32
    %mul3A_917 = vector.broadcast %mul3A_916 : f32 to vector<16xf32>
    %mul3A_918 = arith.mulf %add3A_915, %mul3A_917 : vector<16xf32>
    %div3A_919 = arith.divf %select_n3A_852, %mul3A_918 : vector<16xf32>
    %add3A_920 = arith.addf %mul3A_918, %div3A_919 : vector<16xf32>
    %mul3A_921 = arith.constant 5.000000e-01 : f32
    %mul3A_922 = vector.broadcast %mul3A_921 : f32 to vector<16xf32>
    %mul3A_923 = arith.mulf %add3A_920, %mul3A_922 : vector<16xf32>
    %div3A_924 = arith.divf %select_n3A_852, %mul3A_923 : vector<16xf32>
    %add3A_925 = arith.addf %mul3A_923, %div3A_924 : vector<16xf32>
    %mul3A_926 = arith.constant 5.000000e-01 : f32
    %mul3A_927 = vector.broadcast %mul3A_926 : f32 to vector<16xf32>
    %mul3A_928 = arith.mulf %add3A_925, %mul3A_927 : vector<16xf32>
    %div3A_929 = arith.divf %select_n3A_852, %mul3A_928 : vector<16xf32>
    %add3A_930 = arith.addf %mul3A_928, %div3A_929 : vector<16xf32>
    %mul3A_931 = arith.constant 5.000000e-01 : f32
    %mul3A_932 = vector.broadcast %mul3A_931 : f32 to vector<16xf32>
    %mul3A_933 = arith.mulf %add3A_930, %mul3A_932 : vector<16xf32>
    %div3A_934 = arith.divf %select_n3A_852, %mul3A_933 : vector<16xf32>
    %add3A_935 = arith.addf %mul3A_933, %div3A_934 : vector<16xf32>
    %mul3A_936 = arith.constant 5.000000e-01 : f32
    %mul3A_937 = vector.broadcast %mul3A_936 : f32 to vector<16xf32>
    %mul3A_938 = arith.mulf %add3A_935, %mul3A_937 : vector<16xf32>
    %div3A_939 = arith.divf %select_n3A_852, %mul3A_938 : vector<16xf32>
    %add3A_940 = arith.addf %mul3A_938, %div3A_939 : vector<16xf32>
    %mul3A_941 = arith.constant 5.000000e-01 : f32
    %mul3A_942 = vector.broadcast %mul3A_941 : f32 to vector<16xf32>
    %mul3A_943 = arith.mulf %add3A_940, %mul3A_942 : vector<16xf32>
    %div3A_944 = arith.divf %select_n3A_852, %mul3A_943 : vector<16xf32>
    %add3A_945 = arith.addf %mul3A_943, %div3A_944 : vector<16xf32>
    %mul3A_946 = arith.constant 5.000000e-01 : f32
    %mul3A_947 = vector.broadcast %mul3A_946 : f32 to vector<16xf32>
    %mul3A_948 = arith.mulf %add3A_945, %mul3A_947 : vector<16xf32>
    %div3A_949 = arith.divf %select_n3A_852, %mul3A_948 : vector<16xf32>
    %add3A_950 = arith.addf %mul3A_948, %div3A_949 : vector<16xf32>
    %mul3A_951 = arith.constant 5.000000e-01 : f32
    %mul3A_952 = vector.broadcast %mul3A_951 : f32 to vector<16xf32>
    %mul3A_953 = arith.mulf %add3A_950, %mul3A_952 : vector<16xf32>
    %div3A_954 = arith.divf %select_n3A_852, %mul3A_953 : vector<16xf32>
    %add3A_955 = arith.addf %mul3A_953, %div3A_954 : vector<16xf32>
    %mul3A_956 = arith.constant 5.000000e-01 : f32
    %mul3A_957 = vector.broadcast %mul3A_956 : f32 to vector<16xf32>
    %mul3A_958 = arith.mulf %add3A_955, %mul3A_957 : vector<16xf32>
    %eq3A_959 = arith.constant 0xFF800000 : f32
    %eq3A_960 = vector.broadcast %eq3A_959 : f32 to vector<16xf32>
    %eq3A_961 = arith.cmpf oeq, %add3A_846, %eq3A_960 : vector<16xf32>
    %gt3A_962 = arith.constant 0.000000e+00 : f32
    %gt3A_963 = vector.broadcast %gt3A_962 : f32 to vector<16xf32>
    %gt3A_964 = arith.cmpf ogt, %add3A_846, %gt3A_963 : vector<16xf32>
    %jit3A_965 = arith.constant 0.000000e+00 : f32
    %broadcast_in_dim3A_966 = vector.broadcast %jit3A_965 : f32 to vector<16xf32>
    %select_n3A_967 = arith.select %gt3A_964, %mul3A_958, %broadcast_in_dim3A_966 : vector<16xi1>, vector<16xf32>
    %jit3A_968 = arith.constant 0xFF800000 : f32
    %broadcast_in_dim3A_969 = vector.broadcast %jit3A_968 : f32 to vector<16xf32>
    %select_n3A_970 = arith.select %eq3A_961, %broadcast_in_dim3A_969, %select_n3A_967 : vector<16xi1>, vector<16xf32>
    %get3A_971 = arith.constant 0 : index
    %get3A_972 = tpu.vector_load %arg11[%get3A_971] {strides = array<i32>} : memref<16xf32, #tpu.memory_space<vmem>>, vector<16xf32>,
    %get3A_973 = vector.shape_cast %get3A_972 : vector<16xf32> to vector<16xf32>
    %broadcast_in_dim3A_974 = arith.constant 2 : i32
    %broadcast_in_dim3A_975 = vector.broadcast %broadcast_in_dim3A_974 : i32 to vector<16xi32>
    %broadcast_in_dim3A_976 = vector.shape_cast %broadcast_in_dim3A_975 : vector<16xi32> to vector<16x1xi32>
    %gather3A_977 = vector.shape_cast %broadcast_in_dim3A_976 : vector<16x1xi32> to vector<16xi32>
    %gather3A_978 = tpu.dynamic_gather %get3A_973[%gather3A_977] in [0] : vector<16xf32>, vector<16xi32> -> vector<16xf32>
    %mul3A_979 = arith.constant 5.000000e-01 : f32
    %mul3A_980 = vector.broadcast %mul3A_979 : f32 to vector<16xf32>
    %mul3A_981 = arith.mulf %gather3A_978, %mul3A_980 : vector<16xf32>
    %mul3A_982 = arith.mulf %select_n3A_970, %mul3A_59 : vector<16xf32>
    %add3A_983 = arith.addf %mul3A_981, %mul3A_982 : vector<16xf32>
    %eq3A_984 = arith.constant 2 : i32
    %eq3A_985 = vector.broadcast %eq3A_984 : i32 to vector<16xi32>
    %eq3A_986 = arith.cmpi eq, %iota3A, %eq3A_985 : vector<16xi32>
    %select_n3A_987 = arith.select %eq3A_986, %add3A_983, %select_n3A_817 : vector<16xi1>, vector<16xf32>
    %xor3A_988 = arith.constant 8 : i32
    %xor3A_989 = vector.broadcast %xor3A_988 : i32 to vector<16xi32>
    %xor3A_990 = arith.xori %iota3A, %xor3A_989 : vector<16xi32>
    %broadcast_in_dim3A_991 = vector.shape_cast %xor3A_990 : vector<16xi32> to vector<16x1xi32>
    %gather3A_992 = vector.shape_cast %broadcast_in_dim3A_991 : vector<16x1xi32> to vector<16xi32>
    %gather3A_993 = tpu.dynamic_gather %scan3A_482#3[%gather3A_992] in [0] : vector<16xf32>, vector<16xi32> -> vector<16xf32>
    %max3A_994 = arith.maximumf %scan3A_482#3, %gather3A_993 : vector<16xf32>
    %xor3A_995 = arith.constant 4 : i32
    %xor3A_996 = vector.broadcast %xor3A_995 : i32 to vector<16xi32>
    %xor3A_997 = arith.xori %iota3A, %xor3A_996 : vector<16xi32>
    %broadcast_in_dim3A_998 = vector.shape_cast %xor3A_997 : vector<16xi32> to vector<16x1xi32>
    %gather3A_999 = vector.shape_cast %broadcast_in_dim3A_998 : vector<16x1xi32> to vector<16xi32>
    %gather3A_1000 = tpu.dynamic_gather %max3A_994[%gather3A_999] in [0] : vector<16xf32>, vector<16xi32> -> vector<16xf32>
    %max3A_1001 = arith.maximumf %max3A_994, %gather3A_1000 : vector<16xf32>
    %xor3A_1002 = arith.constant 2 : i32
    %xor3A_1003 = vector.broadcast %xor3A_1002 : i32 to vector<16xi32>
    %xor3A_1004 = arith.xori %iota3A, %xor3A_1003 : vector<16xi32>
    %broadcast_in_dim3A_1005 = vector.shape_cast %xor3A_1004 : vector<16xi32> to vector<16x1xi32>
    %gather3A_1006 = vector.shape_cast %broadcast_in_dim3A_1005 : vector<16x1xi32> to vector<16xi32>
    %gather3A_1007 = tpu.dynamic_gather %max3A_1001[%gather3A_1006] in [0] : vector<16xf32>, vector<16xi32> -> vector<16xf32>
    %max3A_1008 = arith.maximumf %max3A_1001, %gather3A_1007 : vector<16xf32>
    %xor3A_1009 = arith.constant 1 : i32
    %xor3A_1010 = vector.broadcast %xor3A_1009 : i32 to vector<16xi32>
    %xor3A_1011 = arith.xori %iota3A, %xor3A_1010 : vector<16xi32>
    %broadcast_in_dim3A_1012 = vector.shape_cast %xor3A_1011 : vector<16xi32> to vector<16x1xi32>
    %gather3A_1013 = vector.shape_cast %broadcast_in_dim3A_1012 : vector<16x1xi32> to vector<16xi32>
    %gather3A_1014 = tpu.dynamic_gather %max3A_1008[%gather3A_1013] in [0] : vector<16xf32>, vector<16xi32> -> vector<16xf32>
    %max3A_1015 = arith.maximumf %max3A_1008, %gather3A_1014 : vector<16xf32>
    %add3A_1016 = arith.addf %max3A_1015, %add3A_265 : vector<16xf32>
    %gt3A_1017 = arith.constant 0.000000e+00 : f32
    %gt3A_1018 = vector.broadcast %gt3A_1017 : f32 to vector<16xf32>
    %gt3A_1019 = arith.cmpf ogt, %add3A_1016, %gt3A_1018 : vector<16xf32>
    %jit3A_1020 = arith.constant 1.000000e+00 : f32
    %broadcast_in_dim3A_1021 = vector.broadcast %jit3A_1020 : f32 to vector<16xf32>
    %select_n3A_1022 = arith.select %gt3A_1019, %add3A_1016, %broadcast_in_dim3A_1021 : vector<16xi1>, vector<16xf32>
    %add3A_1023 = arith.constant 1.000000e+00 : f32
    %add3A_1024 = vector.broadcast %add3A_1023 : f32 to vector<16xf32>
    %add3A_1025 = arith.addf %select_n3A_1022, %add3A_1024 : vector<16xf32>
    %mul3A_1026 = arith.constant 5.000000e-01 : f32
    %mul3A_1027 = vector.broadcast %mul3A_1026 : f32 to vector<16xf32>
    %mul3A_1028 = arith.mulf %add3A_1025, %mul3A_1027 : vector<16xf32>
    %div3A_1029 = arith.divf %select_n3A_1022, %mul3A_1028 : vector<16xf32>
    %add3A_1030 = arith.addf %mul3A_1028, %div3A_1029 : vector<16xf32>
    %mul3A_1031 = arith.constant 5.000000e-01 : f32
    %mul3A_1032 = vector.broadcast %mul3A_1031 : f32 to vector<16xf32>
    %mul3A_1033 = arith.mulf %add3A_1030, %mul3A_1032 : vector<16xf32>
    %div3A_1034 = arith.divf %select_n3A_1022, %mul3A_1033 : vector<16xf32>
    %add3A_1035 = arith.addf %mul3A_1033, %div3A_1034 : vector<16xf32>
    %mul3A_1036 = arith.constant 5.000000e-01 : f32
    %mul3A_1037 = vector.broadcast %mul3A_1036 : f32 to vector<16xf32>
    %mul3A_1038 = arith.mulf %add3A_1035, %mul3A_1037 : vector<16xf32>
    %div3A_1039 = arith.divf %select_n3A_1022, %mul3A_1038 : vector<16xf32>
    %add3A_1040 = arith.addf %mul3A_1038, %div3A_1039 : vector<16xf32>
    %mul3A_1041 = arith.constant 5.000000e-01 : f32
    %mul3A_1042 = vector.broadcast %mul3A_1041 : f32 to vector<16xf32>
    %mul3A_1043 = arith.mulf %add3A_1040, %mul3A_1042 : vector<16xf32>
    %div3A_1044 = arith.divf %select_n3A_1022, %mul3A_1043 : vector<16xf32>
    %add3A_1045 = arith.addf %mul3A_1043, %div3A_1044 : vector<16xf32>
    %mul3A_1046 = arith.constant 5.000000e-01 : f32
    %mul3A_1047 = vector.broadcast %mul3A_1046 : f32 to vector<16xf32>
    %mul3A_1048 = arith.mulf %add3A_1045, %mul3A_1047 : vector<16xf32>
    %div3A_1049 = arith.divf %select_n3A_1022, %mul3A_1048 : vector<16xf32>
    %add3A_1050 = arith.addf %mul3A_1048, %div3A_1049 : vector<16xf32>
    %mul3A_1051 = arith.constant 5.000000e-01 : f32
    %mul3A_1052 = vector.broadcast %mul3A_1051 : f32 to vector<16xf32>
    %mul3A_1053 = arith.mulf %add3A_1050, %mul3A_1052 : vector<16xf32>
    %div3A_1054 = arith.divf %select_n3A_1022, %mul3A_1053 : vector<16xf32>
    %add3A_1055 = arith.addf %mul3A_1053, %div3A_1054 : vector<16xf32>
    %mul3A_1056 = arith.constant 5.000000e-01 : f32
    %mul3A_1057 = vector.broadcast %mul3A_1056 : f32 to vector<16xf32>
    %mul3A_1058 = arith.mulf %add3A_1055, %mul3A_1057 : vector<16xf32>
    %div3A_1059 = arith.divf %select_n3A_1022, %mul3A_1058 : vector<16xf32>
    %add3A_1060 = arith.addf %mul3A_1058, %div3A_1059 : vector<16xf32>
    %mul3A_1061 = arith.constant 5.000000e-01 : f32
    %mul3A_1062 = vector.broadcast %mul3A_1061 : f32 to vector<16xf32>
    %mul3A_1063 = arith.mulf %add3A_1060, %mul3A_1062 : vector<16xf32>
    %div3A_1064 = arith.divf %select_n3A_1022, %mul3A_1063 : vector<16xf32>
    %add3A_1065 = arith.addf %mul3A_1063, %div3A_1064 : vector<16xf32>
    %mul3A_1066 = arith.constant 5.000000e-01 : f32
    %mul3A_1067 = vector.broadcast %mul3A_1066 : f32 to vector<16xf32>
    %mul3A_1068 = arith.mulf %add3A_1065, %mul3A_1067 : vector<16xf32>
    %div3A_1069 = arith.divf %select_n3A_1022, %mul3A_1068 : vector<16xf32>
    %add3A_1070 = arith.addf %mul3A_1068, %div3A_1069 : vector<16xf32>
    %mul3A_1071 = arith.constant 5.000000e-01 : f32
    %mul3A_1072 = vector.broadcast %mul3A_1071 : f32 to vector<16xf32>
    %mul3A_1073 = arith.mulf %add3A_1070, %mul3A_1072 : vector<16xf32>
    %div3A_1074 = arith.divf %select_n3A_1022, %mul3A_1073 : vector<16xf32>
    %add3A_1075 = arith.addf %mul3A_1073, %div3A_1074 : vector<16xf32>
    %mul3A_1076 = arith.constant 5.000000e-01 : f32
    %mul3A_1077 = vector.broadcast %mul3A_1076 : f32 to vector<16xf32>
    %mul3A_1078 = arith.mulf %add3A_1075, %mul3A_1077 : vector<16xf32>
    %div3A_1079 = arith.divf %select_n3A_1022, %mul3A_1078 : vector<16xf32>
    %add3A_1080 = arith.addf %mul3A_1078, %div3A_1079 : vector<16xf32>
    %mul3A_1081 = arith.constant 5.000000e-01 : f32
    %mul3A_1082 = vector.broadcast %mul3A_1081 : f32 to vector<16xf32>
    %mul3A_1083 = arith.mulf %add3A_1080, %mul3A_1082 : vector<16xf32>
    %div3A_1084 = arith.divf %select_n3A_1022, %mul3A_1083 : vector<16xf32>
    %add3A_1085 = arith.addf %mul3A_1083, %div3A_1084 : vector<16xf32>
    %mul3A_1086 = arith.constant 5.000000e-01 : f32
    %mul3A_1087 = vector.broadcast %mul3A_1086 : f32 to vector<16xf32>
    %mul3A_1088 = arith.mulf %add3A_1085, %mul3A_1087 : vector<16xf32>
    %div3A_1089 = arith.divf %select_n3A_1022, %mul3A_1088 : vector<16xf32>
    %add3A_1090 = arith.addf %mul3A_1088, %div3A_1089 : vector<16xf32>
    %mul3A_1091 = arith.constant 5.000000e-01 : f32
    %mul3A_1092 = vector.broadcast %mul3A_1091 : f32 to vector<16xf32>
    %mul3A_1093 = arith.mulf %add3A_1090, %mul3A_1092 : vector<16xf32>
    %div3A_1094 = arith.divf %select_n3A_1022, %mul3A_1093 : vector<16xf32>
    %add3A_1095 = arith.addf %mul3A_1093, %div3A_1094 : vector<16xf32>
    %mul3A_1096 = arith.constant 5.000000e-01 : f32
    %mul3A_1097 = vector.broadcast %mul3A_1096 : f32 to vector<16xf32>
    %mul3A_1098 = arith.mulf %add3A_1095, %mul3A_1097 : vector<16xf32>
    %div3A_1099 = arith.divf %select_n3A_1022, %mul3A_1098 : vector<16xf32>
    %add3A_1100 = arith.addf %mul3A_1098, %div3A_1099 : vector<16xf32>
    %mul3A_1101 = arith.constant 5.000000e-01 : f32
    %mul3A_1102 = vector.broadcast %mul3A_1101 : f32 to vector<16xf32>
    %mul3A_1103 = arith.mulf %add3A_1100, %mul3A_1102 : vector<16xf32>
    %div3A_1104 = arith.divf %select_n3A_1022, %mul3A_1103 : vector<16xf32>
    %add3A_1105 = arith.addf %mul3A_1103, %div3A_1104 : vector<16xf32>
    %mul3A_1106 = arith.constant 5.000000e-01 : f32
    %mul3A_1107 = vector.broadcast %mul3A_1106 : f32 to vector<16xf32>
    %mul3A_1108 = arith.mulf %add3A_1105, %mul3A_1107 : vector<16xf32>
    %div3A_1109 = arith.divf %select_n3A_1022, %mul3A_1108 : vector<16xf32>
    %add3A_1110 = arith.addf %mul3A_1108, %div3A_1109 : vector<16xf32>
    %mul3A_1111 = arith.constant 5.000000e-01 : f32
    %mul3A_1112 = vector.broadcast %mul3A_1111 : f32 to vector<16xf32>
    %mul3A_1113 = arith.mulf %add3A_1110, %mul3A_1112 : vector<16xf32>
    %div3A_1114 = arith.divf %select_n3A_1022, %mul3A_1113 : vector<16xf32>
    %add3A_1115 = arith.addf %mul3A_1113, %div3A_1114 : vector<16xf32>
    %mul3A_1116 = arith.constant 5.000000e-01 : f32
    %mul3A_1117 = vector.broadcast %mul3A_1116 : f32 to vector<16xf32>
    %mul3A_1118 = arith.mulf %add3A_1115, %mul3A_1117 : vector<16xf32>
    %div3A_1119 = arith.divf %select_n3A_1022, %mul3A_1118 : vector<16xf32>
    %add3A_1120 = arith.addf %mul3A_1118, %div3A_1119 : vector<16xf32>
    %mul3A_1121 = arith.constant 5.000000e-01 : f32
    %mul3A_1122 = vector.broadcast %mul3A_1121 : f32 to vector<16xf32>
    %mul3A_1123 = arith.mulf %add3A_1120, %mul3A_1122 : vector<16xf32>
    %div3A_1124 = arith.divf %select_n3A_1022, %mul3A_1123 : vector<16xf32>
    %add3A_1125 = arith.addf %mul3A_1123, %div3A_1124 : vector<16xf32>
    %mul3A_1126 = arith.constant 5.000000e-01 : f32
    %mul3A_1127 = vector.broadcast %mul3A_1126 : f32 to vector<16xf32>
    %mul3A_1128 = arith.mulf %add3A_1125, %mul3A_1127 : vector<16xf32>
    %eq3A_1129 = arith.constant 0xFF800000 : f32
    %eq3A_1130 = vector.broadcast %eq3A_1129 : f32 to vector<16xf32>
    %eq3A_1131 = arith.cmpf oeq, %add3A_1016, %eq3A_1130 : vector<16xf32>
    %gt3A_1132 = arith.constant 0.000000e+00 : f32
    %gt3A_1133 = vector.broadcast %gt3A_1132 : f32 to vector<16xf32>
    %gt3A_1134 = arith.cmpf ogt, %add3A_1016, %gt3A_1133 : vector<16xf32>
    %jit3A_1135 = arith.constant 0.000000e+00 : f32
    %broadcast_in_dim3A_1136 = vector.broadcast %jit3A_1135 : f32 to vector<16xf32>
    %select_n3A_1137 = arith.select %gt3A_1134, %mul3A_1128, %broadcast_in_dim3A_1136 : vector<16xi1>, vector<16xf32>
    %jit3A_1138 = arith.constant 0xFF800000 : f32
    %broadcast_in_dim3A_1139 = vector.broadcast %jit3A_1138 : f32 to vector<16xf32>
    %select_n3A_1140 = arith.select %eq3A_1131, %broadcast_in_dim3A_1139, %select_n3A_1137 : vector<16xi1>, vector<16xf32>
    %get3A_1141 = arith.constant 0 : index
    %get3A_1142 = tpu.vector_load %arg11[%get3A_1141] {strides = array<i32>} : memref<16xf32, #tpu.memory_space<vmem>>, vector<16xf32>,
    %get3A_1143 = vector.shape_cast %get3A_1142 : vector<16xf32> to vector<16xf32>
    %broadcast_in_dim3A_1144 = arith.constant 3 : i32
    %broadcast_in_dim3A_1145 = vector.broadcast %broadcast_in_dim3A_1144 : i32 to vector<16xi32>
    %broadcast_in_dim3A_1146 = vector.shape_cast %broadcast_in_dim3A_1145 : vector<16xi32> to vector<16x1xi32>
    %gather3A_1147 = vector.shape_cast %broadcast_in_dim3A_1146 : vector<16x1xi32> to vector<16xi32>
    %gather3A_1148 = tpu.dynamic_gather %get3A_1143[%gather3A_1147] in [0] : vector<16xf32>, vector<16xi32> -> vector<16xf32>
    %mul3A_1149 = arith.constant 5.000000e-01 : f32
    %mul3A_1150 = vector.broadcast %mul3A_1149 : f32 to vector<16xf32>
    %mul3A_1151 = arith.mulf %gather3A_1148, %mul3A_1150 : vector<16xf32>
    %mul3A_1152 = arith.mulf %select_n3A_1140, %mul3A_59 : vector<16xf32>
    %add3A_1153 = arith.addf %mul3A_1151, %mul3A_1152 : vector<16xf32>
    %eq3A_1154 = arith.constant 3 : i32
    %eq3A_1155 = vector.broadcast %eq3A_1154 : i32 to vector<16xi32>
    %eq3A_1156 = arith.cmpi eq, %iota3A, %eq3A_1155 : vector<16xi32>
    %select_n3A_1157 = arith.select %eq3A_1156, %add3A_1153, %select_n3A_987 : vector<16xi1>, vector<16xf32>
    %xor3A_1158 = arith.constant 8 : i32
    %xor3A_1159 = vector.broadcast %xor3A_1158 : i32 to vector<16xi32>
    %xor3A_1160 = arith.xori %iota3A, %xor3A_1159 : vector<16xi32>
    %broadcast_in_dim3A_1161 = vector.shape_cast %xor3A_1160 : vector<16xi32> to vector<16x1xi32>
    %gather3A_1162 = vector.shape_cast %broadcast_in_dim3A_1161 : vector<16x1xi32> to vector<16xi32>
    %gather3A_1163 = tpu.dynamic_gather %scan3A_482#4[%gather3A_1162] in [0] : vector<16xf32>, vector<16xi32> -> vector<16xf32>
    %max3A_1164 = arith.maximumf %scan3A_482#4, %gather3A_1163 : vector<16xf32>
    %xor3A_1165 = arith.constant 4 : i32
    %xor3A_1166 = vector.broadcast %xor3A_1165 : i32 to vector<16xi32>
    %xor3A_1167 = arith.xori %iota3A, %xor3A_1166 : vector<16xi32>
    %broadcast_in_dim3A_1168 = vector.shape_cast %xor3A_1167 : vector<16xi32> to vector<16x1xi32>
    %gather3A_1169 = vector.shape_cast %broadcast_in_dim3A_1168 : vector<16x1xi32> to vector<16xi32>
    %gather3A_1170 = tpu.dynamic_gather %max3A_1164[%gather3A_1169] in [0] : vector<16xf32>, vector<16xi32> -> vector<16xf32>
    %max3A_1171 = arith.maximumf %max3A_1164, %gather3A_1170 : vector<16xf32>
    %xor3A_1172 = arith.constant 2 : i32
    %xor3A_1173 = vector.broadcast %xor3A_1172 : i32 to vector<16xi32>
    %xor3A_1174 = arith.xori %iota3A, %xor3A_1173 : vector<16xi32>
    %broadcast_in_dim3A_1175 = vector.shape_cast %xor3A_1174 : vector<16xi32> to vector<16x1xi32>
    %gather3A_1176 = vector.shape_cast %broadcast_in_dim3A_1175 : vector<16x1xi32> to vector<16xi32>
    %gather3A_1177 = tpu.dynamic_gather %max3A_1171[%gather3A_1176] in [0] : vector<16xf32>, vector<16xi32> -> vector<16xf32>
    %max3A_1178 = arith.maximumf %max3A_1171, %gather3A_1177 : vector<16xf32>
    %xor3A_1179 = arith.constant 1 : i32
    %xor3A_1180 = vector.broadcast %xor3A_1179 : i32 to vector<16xi32>
    %xor3A_1181 = arith.xori %iota3A, %xor3A_1180 : vector<16xi32>
    %broadcast_in_dim3A_1182 = vector.shape_cast %xor3A_1181 : vector<16xi32> to vector<16x1xi32>
    %gather3A_1183 = vector.shape_cast %broadcast_in_dim3A_1182 : vector<16x1xi32> to vector<16xi32>
    %gather3A_1184 = tpu.dynamic_gather %max3A_1178[%gather3A_1183] in [0] : vector<16xf32>, vector<16xi32> -> vector<16xf32>
    %max3A_1185 = arith.maximumf %max3A_1178, %gather3A_1184 : vector<16xf32>
    %add3A_1186 = arith.addf %max3A_1185, %add3A_314 : vector<16xf32>
    %gt3A_1187 = arith.constant 0.000000e+00 : f32
    %gt3A_1188 = vector.broadcast %gt3A_1187 : f32 to vector<16xf32>
    %gt3A_1189 = arith.cmpf ogt, %add3A_1186, %gt3A_1188 : vector<16xf32>
    %jit3A_1190 = arith.constant 1.000000e+00 : f32
    %broadcast_in_dim3A_1191 = vector.broadcast %jit3A_1190 : f32 to vector<16xf32>
    %select_n3A_1192 = arith.select %gt3A_1189, %add3A_1186, %broadcast_in_dim3A_1191 : vector<16xi1>, vector<16xf32>
    %add3A_1193 = arith.constant 1.000000e+00 : f32
    %add3A_1194 = vector.broadcast %add3A_1193 : f32 to vector<16xf32>
    %add3A_1195 = arith.addf %select_n3A_1192, %add3A_1194 : vector<16xf32>
    %mul3A_1196 = arith.constant 5.000000e-01 : f32
    %mul3A_1197 = vector.broadcast %mul3A_1196 : f32 to vector<16xf32>
    %mul3A_1198 = arith.mulf %add3A_1195, %mul3A_1197 : vector<16xf32>
    %div3A_1199 = arith.divf %select_n3A_1192, %mul3A_1198 : vector<16xf32>
    %add3A_1200 = arith.addf %mul3A_1198, %div3A_1199 : vector<16xf32>
    %mul3A_1201 = arith.constant 5.000000e-01 : f32
    %mul3A_1202 = vector.broadcast %mul3A_1201 : f32 to vector<16xf32>
    %mul3A_1203 = arith.mulf %add3A_1200, %mul3A_1202 : vector<16xf32>
    %div3A_1204 = arith.divf %select_n3A_1192, %mul3A_1203 : vector<16xf32>
    %add3A_1205 = arith.addf %mul3A_1203, %div3A_1204 : vector<16xf32>
    %mul3A_1206 = arith.constant 5.000000e-01 : f32
    %mul3A_1207 = vector.broadcast %mul3A_1206 : f32 to vector<16xf32>
    %mul3A_1208 = arith.mulf %add3A_1205, %mul3A_1207 : vector<16xf32>
    %div3A_1209 = arith.divf %select_n3A_1192, %mul3A_1208 : vector<16xf32>
    %add3A_1210 = arith.addf %mul3A_1208, %div3A_1209 : vector<16xf32>
    %mul3A_1211 = arith.constant 5.000000e-01 : f32
    %mul3A_1212 = vector.broadcast %mul3A_1211 : f32 to vector<16xf32>
    %mul3A_1213 = arith.mulf %add3A_1210, %mul3A_1212 : vector<16xf32>
    %div3A_1214 = arith.divf %select_n3A_1192, %mul3A_1213 : vector<16xf32>
    %add3A_1215 = arith.addf %mul3A_1213, %div3A_1214 : vector<16xf32>
    %mul3A_1216 = arith.constant 5.000000e-01 : f32
    %mul3A_1217 = vector.broadcast %mul3A_1216 : f32 to vector<16xf32>
    %mul3A_1218 = arith.mulf %add3A_1215, %mul3A_1217 : vector<16xf32>
    %div3A_1219 = arith.divf %select_n3A_1192, %mul3A_1218 : vector<16xf32>
    %add3A_1220 = arith.addf %mul3A_1218, %div3A_1219 : vector<16xf32>
    %mul3A_1221 = arith.constant 5.000000e-01 : f32
    %mul3A_1222 = vector.broadcast %mul3A_1221 : f32 to vector<16xf32>
    %mul3A_1223 = arith.mulf %add3A_1220, %mul3A_1222 : vector<16xf32>
    %div3A_1224 = arith.divf %select_n3A_1192, %mul3A_1223 : vector<16xf32>
    %add3A_1225 = arith.addf %mul3A_1223, %div3A_1224 : vector<16xf32>
    %mul3A_1226 = arith.constant 5.000000e-01 : f32
    %mul3A_1227 = vector.broadcast %mul3A_1226 : f32 to vector<16xf32>
    %mul3A_1228 = arith.mulf %add3A_1225, %mul3A_1227 : vector<16xf32>
    %div3A_1229 = arith.divf %select_n3A_1192, %mul3A_1228 : vector<16xf32>
    %add3A_1230 = arith.addf %mul3A_1228, %div3A_1229 : vector<16xf32>
    %mul3A_1231 = arith.constant 5.000000e-01 : f32
    %mul3A_1232 = vector.broadcast %mul3A_1231 : f32 to vector<16xf32>
    %mul3A_1233 = arith.mulf %add3A_1230, %mul3A_1232 : vector<16xf32>
    %div3A_1234 = arith.divf %select_n3A_1192, %mul3A_1233 : vector<16xf32>
    %add3A_1235 = arith.addf %mul3A_1233, %div3A_1234 : vector<16xf32>
    %mul3A_1236 = arith.constant 5.000000e-01 : f32
    %mul3A_1237 = vector.broadcast %mul3A_1236 : f32 to vector<16xf32>
    %mul3A_1238 = arith.mulf %add3A_1235, %mul3A_1237 : vector<16xf32>
    %div3A_1239 = arith.divf %select_n3A_1192, %mul3A_1238 : vector<16xf32>
    %add3A_1240 = arith.addf %mul3A_1238, %div3A_1239 : vector<16xf32>
    %mul3A_1241 = arith.constant 5.000000e-01 : f32
    %mul3A_1242 = vector.broadcast %mul3A_1241 : f32 to vector<16xf32>
    %mul3A_1243 = arith.mulf %add3A_1240, %mul3A_1242 : vector<16xf32>
    %div3A_1244 = arith.divf %select_n3A_1192, %mul3A_1243 : vector<16xf32>
    %add3A_1245 = arith.addf %mul3A_1243, %div3A_1244 : vector<16xf32>
    %mul3A_1246 = arith.constant 5.000000e-01 : f32
    %mul3A_1247 = vector.broadcast %mul3A_1246 : f32 to vector<16xf32>
    %mul3A_1248 = arith.mulf %add3A_1245, %mul3A_1247 : vector<16xf32>
    %div3A_1249 = arith.divf %select_n3A_1192, %mul3A_1248 : vector<16xf32>
    %add3A_1250 = arith.addf %mul3A_1248, %div3A_1249 : vector<16xf32>
    %mul3A_1251 = arith.constant 5.000000e-01 : f32
    %mul3A_1252 = vector.broadcast %mul3A_1251 : f32 to vector<16xf32>
    %mul3A_1253 = arith.mulf %add3A_1250, %mul3A_1252 : vector<16xf32>
    %div3A_1254 = arith.divf %select_n3A_1192, %mul3A_1253 : vector<16xf32>
    %add3A_1255 = arith.addf %mul3A_1253, %div3A_1254 : vector<16xf32>
    %mul3A_1256 = arith.constant 5.000000e-01 : f32
    %mul3A_1257 = vector.broadcast %mul3A_1256 : f32 to vector<16xf32>
    %mul3A_1258 = arith.mulf %add3A_1255, %mul3A_1257 : vector<16xf32>
    %div3A_1259 = arith.divf %select_n3A_1192, %mul3A_1258 : vector<16xf32>
    %add3A_1260 = arith.addf %mul3A_1258, %div3A_1259 : vector<16xf32>
    %mul3A_1261 = arith.constant 5.000000e-01 : f32
    %mul3A_1262 = vector.broadcast %mul3A_1261 : f32 to vector<16xf32>
    %mul3A_1263 = arith.mulf %add3A_1260, %mul3A_1262 : vector<16xf32>
    %div3A_1264 = arith.divf %select_n3A_1192, %mul3A_1263 : vector<16xf32>
    %add3A_1265 = arith.addf %mul3A_1263, %div3A_1264 : vector<16xf32>
    %mul3A_1266 = arith.constant 5.000000e-01 : f32
    %mul3A_1267 = vector.broadcast %mul3A_1266 : f32 to vector<16xf32>
    %mul3A_1268 = arith.mulf %add3A_1265, %mul3A_1267 : vector<16xf32>
    %div3A_1269 = arith.divf %select_n3A_1192, %mul3A_1268 : vector<16xf32>
    %add3A_1270 = arith.addf %mul3A_1268, %div3A_1269 : vector<16xf32>
    %mul3A_1271 = arith.constant 5.000000e-01 : f32
    %mul3A_1272 = vector.broadcast %mul3A_1271 : f32 to vector<16xf32>
    %mul3A_1273 = arith.mulf %add3A_1270, %mul3A_1272 : vector<16xf32>
    %div3A_1274 = arith.divf %select_n3A_1192, %mul3A_1273 : vector<16xf32>
    %add3A_1275 = arith.addf %mul3A_1273, %div3A_1274 : vector<16xf32>
    %mul3A_1276 = arith.constant 5.000000e-01 : f32
    %mul3A_1277 = vector.broadcast %mul3A_1276 : f32 to vector<16xf32>
    %mul3A_1278 = arith.mulf %add3A_1275, %mul3A_1277 : vector<16xf32>
    %div3A_1279 = arith.divf %select_n3A_1192, %mul3A_1278 : vector<16xf32>
    %add3A_1280 = arith.addf %mul3A_1278, %div3A_1279 : vector<16xf32>
    %mul3A_1281 = arith.constant 5.000000e-01 : f32
    %mul3A_1282 = vector.broadcast %mul3A_1281 : f32 to vector<16xf32>
    %mul3A_1283 = arith.mulf %add3A_1280, %mul3A_1282 : vector<16xf32>
    %div3A_1284 = arith.divf %select_n3A_1192, %mul3A_1283 : vector<16xf32>
    %add3A_1285 = arith.addf %mul3A_1283, %div3A_1284 : vector<16xf32>
    %mul3A_1286 = arith.constant 5.000000e-01 : f32
    %mul3A_1287 = vector.broadcast %mul3A_1286 : f32 to vector<16xf32>
    %mul3A_1288 = arith.mulf %add3A_1285, %mul3A_1287 : vector<16xf32>
    %div3A_1289 = arith.divf %select_n3A_1192, %mul3A_1288 : vector<16xf32>
    %add3A_1290 = arith.addf %mul3A_1288, %div3A_1289 : vector<16xf32>
    %mul3A_1291 = arith.constant 5.000000e-01 : f32
    %mul3A_1292 = vector.broadcast %mul3A_1291 : f32 to vector<16xf32>
    %mul3A_1293 = arith.mulf %add3A_1290, %mul3A_1292 : vector<16xf32>
    %div3A_1294 = arith.divf %select_n3A_1192, %mul3A_1293 : vector<16xf32>
    %add3A_1295 = arith.addf %mul3A_1293, %div3A_1294 : vector<16xf32>
    %mul3A_1296 = arith.constant 5.000000e-01 : f32
    %mul3A_1297 = vector.broadcast %mul3A_1296 : f32 to vector<16xf32>
    %mul3A_1298 = arith.mulf %add3A_1295, %mul3A_1297 : vector<16xf32>
    %eq3A_1299 = arith.constant 0xFF800000 : f32
    %eq3A_1300 = vector.broadcast %eq3A_1299 : f32 to vector<16xf32>
    %eq3A_1301 = arith.cmpf oeq, %add3A_1186, %eq3A_1300 : vector<16xf32>
    %gt3A_1302 = arith.constant 0.000000e+00 : f32
    %gt3A_1303 = vector.broadcast %gt3A_1302 : f32 to vector<16xf32>
    %gt3A_1304 = arith.cmpf ogt, %add3A_1186, %gt3A_1303 : vector<16xf32>
    %jit3A_1305 = arith.constant 0.000000e+00 : f32
    %broadcast_in_dim3A_1306 = vector.broadcast %jit3A_1305 : f32 to vector<16xf32>
    %select_n3A_1307 = arith.select %gt3A_1304, %mul3A_1298, %broadcast_in_dim3A_1306 : vector<16xi1>, vector<16xf32>
    %jit3A_1308 = arith.constant 0xFF800000 : f32
    %broadcast_in_dim3A_1309 = vector.broadcast %jit3A_1308 : f32 to vector<16xf32>
    %select_n3A_1310 = arith.select %eq3A_1301, %broadcast_in_dim3A_1309, %select_n3A_1307 : vector<16xi1>, vector<16xf32>
    %get3A_1311 = arith.constant 0 : index
    %get3A_1312 = tpu.vector_load %arg11[%get3A_1311] {strides = array<i32>} : memref<16xf32, #tpu.memory_space<vmem>>, vector<16xf32>,
    %get3A_1313 = vector.shape_cast %get3A_1312 : vector<16xf32> to vector<16xf32>
    %broadcast_in_dim3A_1314 = arith.constant 4 : i32
    %broadcast_in_dim3A_1315 = vector.broadcast %broadcast_in_dim3A_1314 : i32 to vector<16xi32>
    %broadcast_in_dim3A_1316 = vector.shape_cast %broadcast_in_dim3A_1315 : vector<16xi32> to vector<16x1xi32>
    %gather3A_1317 = vector.shape_cast %broadcast_in_dim3A_1316 : vector<16x1xi32> to vector<16xi32>
    %gather3A_1318 = tpu.dynamic_gather %get3A_1313[%gather3A_1317] in [0] : vector<16xf32>, vector<16xi32> -> vector<16xf32>
    %mul3A_1319 = arith.constant 5.000000e-01 : f32
    %mul3A_1320 = vector.broadcast %mul3A_1319 : f32 to vector<16xf32>
    %mul3A_1321 = arith.mulf %gather3A_1318, %mul3A_1320 : vector<16xf32>
    %mul3A_1322 = arith.mulf %select_n3A_1310, %mul3A_59 : vector<16xf32>
    %add3A_1323 = arith.addf %mul3A_1321, %mul3A_1322 : vector<16xf32>
    %eq3A_1324 = arith.constant 4 : i32
    %eq3A_1325 = vector.broadcast %eq3A_1324 : i32 to vector<16xi32>
    %eq3A_1326 = arith.cmpi eq, %iota3A, %eq3A_1325 : vector<16xi32>
    %select_n3A_1327 = arith.select %eq3A_1326, %add3A_1323, %select_n3A_1157 : vector<16xi1>, vector<16xf32>
    %xor3A_1328 = arith.constant 8 : i32
    %xor3A_1329 = vector.broadcast %xor3A_1328 : i32 to vector<16xi32>
    %xor3A_1330 = arith.xori %iota3A, %xor3A_1329 : vector<16xi32>
    %broadcast_in_dim3A_1331 = vector.shape_cast %xor3A_1330 : vector<16xi32> to vector<16x1xi32>
    %gather3A_1332 = vector.shape_cast %broadcast_in_dim3A_1331 : vector<16x1xi32> to vector<16xi32>
    %gather3A_1333 = tpu.dynamic_gather %scan3A_482#5[%gather3A_1332] in [0] : vector<16xf32>, vector<16xi32> -> vector<16xf32>
    %max3A_1334 = arith.maximumf %scan3A_482#5, %gather3A_1333 : vector<16xf32>
    %xor3A_1335 = arith.constant 4 : i32
    %xor3A_1336 = vector.broadcast %xor3A_1335 : i32 to vector<16xi32>
    %xor3A_1337 = arith.xori %iota3A, %xor3A_1336 : vector<16xi32>
    %broadcast_in_dim3A_1338 = vector.shape_cast %xor3A_1337 : vector<16xi32> to vector<16x1xi32>
    %gather3A_1339 = vector.shape_cast %broadcast_in_dim3A_1338 : vector<16x1xi32> to vector<16xi32>
    %gather3A_1340 = tpu.dynamic_gather %max3A_1334[%gather3A_1339] in [0] : vector<16xf32>, vector<16xi32> -> vector<16xf32>
    %max3A_1341 = arith.maximumf %max3A_1334, %gather3A_1340 : vector<16xf32>
    %xor3A_1342 = arith.constant 2 : i32
    %xor3A_1343 = vector.broadcast %xor3A_1342 : i32 to vector<16xi32>
    %xor3A_1344 = arith.xori %iota3A, %xor3A_1343 : vector<16xi32>
    %broadcast_in_dim3A_1345 = vector.shape_cast %xor3A_1344 : vector<16xi32> to vector<16x1xi32>
    %gather3A_1346 = vector.shape_cast %broadcast_in_dim3A_1345 : vector<16x1xi32> to vector<16xi32>
    %gather3A_1347 = tpu.dynamic_gather %max3A_1341[%gather3A_1346] in [0] : vector<16xf32>, vector<16xi32> -> vector<16xf32>
    %max3A_1348 = arith.maximumf %max3A_1341, %gather3A_1347 : vector<16xf32>
    %xor3A_1349 = arith.constant 1 : i32
    %xor3A_1350 = vector.broadcast %xor3A_1349 : i32 to vector<16xi32>
    %xor3A_1351 = arith.xori %iota3A, %xor3A_1350 : vector<16xi32>
    %broadcast_in_dim3A_1352 = vector.shape_cast %xor3A_1351 : vector<16xi32> to vector<16x1xi32>
    %gather3A_1353 = vector.shape_cast %broadcast_in_dim3A_1352 : vector<16x1xi32> to vector<16xi32>
    %gather3A_1354 = tpu.dynamic_gather %max3A_1348[%gather3A_1353] in [0] : vector<16xf32>, vector<16xi32> -> vector<16xf32>
    %max3A_1355 = arith.maximumf %max3A_1348, %gather3A_1354 : vector<16xf32>
    %add3A_1356 = arith.addf %max3A_1355, %add3A_363 : vector<16xf32>
    %gt3A_1357 = arith.constant 0.000000e+00 : f32
    %gt3A_1358 = vector.broadcast %gt3A_1357 : f32 to vector<16xf32>
    %gt3A_1359 = arith.cmpf ogt, %add3A_1356, %gt3A_1358 : vector<16xf32>
    %jit3A_1360 = arith.constant 1.000000e+00 : f32
    %broadcast_in_dim3A_1361 = vector.broadcast %jit3A_1360 : f32 to vector<16xf32>
    %select_n3A_1362 = arith.select %gt3A_1359, %add3A_1356, %broadcast_in_dim3A_1361 : vector<16xi1>, vector<16xf32>
    %add3A_1363 = arith.constant 1.000000e+00 : f32
    %add3A_1364 = vector.broadcast %add3A_1363 : f32 to vector<16xf32>
    %add3A_1365 = arith.addf %select_n3A_1362, %add3A_1364 : vector<16xf32>
    %mul3A_1366 = arith.constant 5.000000e-01 : f32
    %mul3A_1367 = vector.broadcast %mul3A_1366 : f32 to vector<16xf32>
    %mul3A_1368 = arith.mulf %add3A_1365, %mul3A_1367 : vector<16xf32>
    %div3A_1369 = arith.divf %select_n3A_1362, %mul3A_1368 : vector<16xf32>
    %add3A_1370 = arith.addf %mul3A_1368, %div3A_1369 : vector<16xf32>
    %mul3A_1371 = arith.constant 5.000000e-01 : f32
    %mul3A_1372 = vector.broadcast %mul3A_1371 : f32 to vector<16xf32>
    %mul3A_1373 = arith.mulf %add3A_1370, %mul3A_1372 : vector<16xf32>
    %div3A_1374 = arith.divf %select_n3A_1362, %mul3A_1373 : vector<16xf32>
    %add3A_1375 = arith.addf %mul3A_1373, %div3A_1374 : vector<16xf32>
    %mul3A_1376 = arith.constant 5.000000e-01 : f32
    %mul3A_1377 = vector.broadcast %mul3A_1376 : f32 to vector<16xf32>
    %mul3A_1378 = arith.mulf %add3A_1375, %mul3A_1377 : vector<16xf32>
    %div3A_1379 = arith.divf %select_n3A_1362, %mul3A_1378 : vector<16xf32>
    %add3A_1380 = arith.addf %mul3A_1378, %div3A_1379 : vector<16xf32>
    %mul3A_1381 = arith.constant 5.000000e-01 : f32
    %mul3A_1382 = vector.broadcast %mul3A_1381 : f32 to vector<16xf32>
    %mul3A_1383 = arith.mulf %add3A_1380, %mul3A_1382 : vector<16xf32>
    %div3A_1384 = arith.divf %select_n3A_1362, %mul3A_1383 : vector<16xf32>
    %add3A_1385 = arith.addf %mul3A_1383, %div3A_1384 : vector<16xf32>
    %mul3A_1386 = arith.constant 5.000000e-01 : f32
    %mul3A_1387 = vector.broadcast %mul3A_1386 : f32 to vector<16xf32>
    %mul3A_1388 = arith.mulf %add3A_1385, %mul3A_1387 : vector<16xf32>
    %div3A_1389 = arith.divf %select_n3A_1362, %mul3A_1388 : vector<16xf32>
    %add3A_1390 = arith.addf %mul3A_1388, %div3A_1389 : vector<16xf32>
    %mul3A_1391 = arith.constant 5.000000e-01 : f32
    %mul3A_1392 = vector.broadcast %mul3A_1391 : f32 to vector<16xf32>
    %mul3A_1393 = arith.mulf %add3A_1390, %mul3A_1392 : vector<16xf32>
    %div3A_1394 = arith.divf %select_n3A_1362, %mul3A_1393 : vector<16xf32>
    %add3A_1395 = arith.addf %mul3A_1393, %div3A_1394 : vector<16xf32>
    %mul3A_1396 = arith.constant 5.000000e-01 : f32
    %mul3A_1397 = vector.broadcast %mul3A_1396 : f32 to vector<16xf32>
    %mul3A_1398 = arith.mulf %add3A_1395, %mul3A_1397 : vector<16xf32>
    %div3A_1399 = arith.divf %select_n3A_1362, %mul3A_1398 : vector<16xf32>
    %add3A_1400 = arith.addf %mul3A_1398, %div3A_1399 : vector<16xf32>
    %mul3A_1401 = arith.constant 5.000000e-01 : f32
    %mul3A_1402 = vector.broadcast %mul3A_1401 : f32 to vector<16xf32>
    %mul3A_1403 = arith.mulf %add3A_1400, %mul3A_1402 : vector<16xf32>
    %div3A_1404 = arith.divf %select_n3A_1362, %mul3A_1403 : vector<16xf32>
    %add3A_1405 = arith.addf %mul3A_1403, %div3A_1404 : vector<16xf32>
    %mul3A_1406 = arith.constant 5.000000e-01 : f32
    %mul3A_1407 = vector.broadcast %mul3A_1406 : f32 to vector<16xf32>
    %mul3A_1408 = arith.mulf %add3A_1405, %mul3A_1407 : vector<16xf32>
    %div3A_1409 = arith.divf %select_n3A_1362, %mul3A_1408 : vector<16xf32>
    %add3A_1410 = arith.addf %mul3A_1408, %div3A_1409 : vector<16xf32>
    %mul3A_1411 = arith.constant 5.000000e-01 : f32
    %mul3A_1412 = vector.broadcast %mul3A_1411 : f32 to vector<16xf32>
    %mul3A_1413 = arith.mulf %add3A_1410, %mul3A_1412 : vector<16xf32>
    %div3A_1414 = arith.divf %select_n3A_1362, %mul3A_1413 : vector<16xf32>
    %add3A_1415 = arith.addf %mul3A_1413, %div3A_1414 : vector<16xf32>
    %mul3A_1416 = arith.constant 5.000000e-01 : f32
    %mul3A_1417 = vector.broadcast %mul3A_1416 : f32 to vector<16xf32>
    %mul3A_1418 = arith.mulf %add3A_1415, %mul3A_1417 : vector<16xf32>
    %div3A_1419 = arith.divf %select_n3A_1362, %mul3A_1418 : vector<16xf32>
    %add3A_1420 = arith.addf %mul3A_1418, %div3A_1419 : vector<16xf32>
    %mul3A_1421 = arith.constant 5.000000e-01 : f32
    %mul3A_1422 = vector.broadcast %mul3A_1421 : f32 to vector<16xf32>
    %mul3A_1423 = arith.mulf %add3A_1420, %mul3A_1422 : vector<16xf32>
    %div3A_1424 = arith.divf %select_n3A_1362, %mul3A_1423 : vector<16xf32>
    %add3A_1425 = arith.addf %mul3A_1423, %div3A_1424 : vector<16xf32>
    %mul3A_1426 = arith.constant 5.000000e-01 : f32
    %mul3A_1427 = vector.broadcast %mul3A_1426 : f32 to vector<16xf32>
    %mul3A_1428 = arith.mulf %add3A_1425, %mul3A_1427 : vector<16xf32>
    %div3A_1429 = arith.divf %select_n3A_1362, %mul3A_1428 : vector<16xf32>
    %add3A_1430 = arith.addf %mul3A_1428, %div3A_1429 : vector<16xf32>
    %mul3A_1431 = arith.constant 5.000000e-01 : f32
    %mul3A_1432 = vector.broadcast %mul3A_1431 : f32 to vector<16xf32>
    %mul3A_1433 = arith.mulf %add3A_1430, %mul3A_1432 : vector<16xf32>
    %div3A_1434 = arith.divf %select_n3A_1362, %mul3A_1433 : vector<16xf32>
    %add3A_1435 = arith.addf %mul3A_1433, %div3A_1434 : vector<16xf32>
    %mul3A_1436 = arith.constant 5.000000e-01 : f32
    %mul3A_1437 = vector.broadcast %mul3A_1436 : f32 to vector<16xf32>
    %mul3A_1438 = arith.mulf %add3A_1435, %mul3A_1437 : vector<16xf32>
    %div3A_1439 = arith.divf %select_n3A_1362, %mul3A_1438 : vector<16xf32>
    %add3A_1440 = arith.addf %mul3A_1438, %div3A_1439 : vector<16xf32>
    %mul3A_1441 = arith.constant 5.000000e-01 : f32
    %mul3A_1442 = vector.broadcast %mul3A_1441 : f32 to vector<16xf32>
    %mul3A_1443 = arith.mulf %add3A_1440, %mul3A_1442 : vector<16xf32>
    %div3A_1444 = arith.divf %select_n3A_1362, %mul3A_1443 : vector<16xf32>
    %add3A_1445 = arith.addf %mul3A_1443, %div3A_1444 : vector<16xf32>
    %mul3A_1446 = arith.constant 5.000000e-01 : f32
    %mul3A_1447 = vector.broadcast %mul3A_1446 : f32 to vector<16xf32>
    %mul3A_1448 = arith.mulf %add3A_1445, %mul3A_1447 : vector<16xf32>
    %div3A_1449 = arith.divf %select_n3A_1362, %mul3A_1448 : vector<16xf32>
    %add3A_1450 = arith.addf %mul3A_1448, %div3A_1449 : vector<16xf32>
    %mul3A_1451 = arith.constant 5.000000e-01 : f32
    %mul3A_1452 = vector.broadcast %mul3A_1451 : f32 to vector<16xf32>
    %mul3A_1453 = arith.mulf %add3A_1450, %mul3A_1452 : vector<16xf32>
    %div3A_1454 = arith.divf %select_n3A_1362, %mul3A_1453 : vector<16xf32>
    %add3A_1455 = arith.addf %mul3A_1453, %div3A_1454 : vector<16xf32>
    %mul3A_1456 = arith.constant 5.000000e-01 : f32
    %mul3A_1457 = vector.broadcast %mul3A_1456 : f32 to vector<16xf32>
    %mul3A_1458 = arith.mulf %add3A_1455, %mul3A_1457 : vector<16xf32>
    %div3A_1459 = arith.divf %select_n3A_1362, %mul3A_1458 : vector<16xf32>
    %add3A_1460 = arith.addf %mul3A_1458, %div3A_1459 : vector<16xf32>
    %mul3A_1461 = arith.constant 5.000000e-01 : f32
    %mul3A_1462 = vector.broadcast %mul3A_1461 : f32 to vector<16xf32>
    %mul3A_1463 = arith.mulf %add3A_1460, %mul3A_1462 : vector<16xf32>
    %div3A_1464 = arith.divf %select_n3A_1362, %mul3A_1463 : vector<16xf32>
    %add3A_1465 = arith.addf %mul3A_1463, %div3A_1464 : vector<16xf32>
    %mul3A_1466 = arith.constant 5.000000e-01 : f32
    %mul3A_1467 = vector.broadcast %mul3A_1466 : f32 to vector<16xf32>
    %mul3A_1468 = arith.mulf %add3A_1465, %mul3A_1467 : vector<16xf32>
    %eq3A_1469 = arith.constant 0xFF800000 : f32
    %eq3A_1470 = vector.broadcast %eq3A_1469 : f32 to vector<16xf32>
    %eq3A_1471 = arith.cmpf oeq, %add3A_1356, %eq3A_1470 : vector<16xf32>
    %gt3A_1472 = arith.constant 0.000000e+00 : f32
    %gt3A_1473 = vector.broadcast %gt3A_1472 : f32 to vector<16xf32>
    %gt3A_1474 = arith.cmpf ogt, %add3A_1356, %gt3A_1473 : vector<16xf32>
    %jit3A_1475 = arith.constant 0.000000e+00 : f32
    %broadcast_in_dim3A_1476 = vector.broadcast %jit3A_1475 : f32 to vector<16xf32>
    %select_n3A_1477 = arith.select %gt3A_1474, %mul3A_1468, %broadcast_in_dim3A_1476 : vector<16xi1>, vector<16xf32>
    %jit3A_1478 = arith.constant 0xFF800000 : f32
    %broadcast_in_dim3A_1479 = vector.broadcast %jit3A_1478 : f32 to vector<16xf32>
    %select_n3A_1480 = arith.select %eq3A_1471, %broadcast_in_dim3A_1479, %select_n3A_1477 : vector<16xi1>, vector<16xf32>
    %get3A_1481 = arith.constant 0 : index
    %get3A_1482 = tpu.vector_load %arg11[%get3A_1481] {strides = array<i32>} : memref<16xf32, #tpu.memory_space<vmem>>, vector<16xf32>,
    %get3A_1483 = vector.shape_cast %get3A_1482 : vector<16xf32> to vector<16xf32>
    %broadcast_in_dim3A_1484 = arith.constant 5 : i32
    %broadcast_in_dim3A_1485 = vector.broadcast %broadcast_in_dim3A_1484 : i32 to vector<16xi32>
    %broadcast_in_dim3A_1486 = vector.shape_cast %broadcast_in_dim3A_1485 : vector<16xi32> to vector<16x1xi32>
    %gather3A_1487 = vector.shape_cast %broadcast_in_dim3A_1486 : vector<16x1xi32> to vector<16xi32>
    %gather3A_1488 = tpu.dynamic_gather %get3A_1483[%gather3A_1487] in [0] : vector<16xf32>, vector<16xi32> -> vector<16xf32>
    %mul3A_1489 = arith.constant 5.000000e-01 : f32
    %mul3A_1490 = vector.broadcast %mul3A_1489 : f32 to vector<16xf32>
    %mul3A_1491 = arith.mulf %gather3A_1488, %mul3A_1490 : vector<16xf32>
    %mul3A_1492 = arith.mulf %select_n3A_1480, %mul3A_59 : vector<16xf32>
    %add3A_1493 = arith.addf %mul3A_1491, %mul3A_1492 : vector<16xf32>
    %eq3A_1494 = arith.constant 5 : i32
    %eq3A_1495 = vector.broadcast %eq3A_1494 : i32 to vector<16xi32>
    %eq3A_1496 = arith.cmpi eq, %iota3A, %eq3A_1495 : vector<16xi32>
    %select_n3A_1497 = arith.select %eq3A_1496, %add3A_1493, %select_n3A_1327 : vector<16xi1>, vector<16xf32>
    %xor3A_1498 = arith.constant 8 : i32
    %xor3A_1499 = vector.broadcast %xor3A_1498 : i32 to vector<16xi32>
    %xor3A_1500 = arith.xori %iota3A, %xor3A_1499 : vector<16xi32>
    %broadcast_in_dim3A_1501 = vector.shape_cast %xor3A_1500 : vector<16xi32> to vector<16x1xi32>
    %gather3A_1502 = vector.shape_cast %broadcast_in_dim3A_1501 : vector<16x1xi32> to vector<16xi32>
    %gather3A_1503 = tpu.dynamic_gather %scan3A_482#6[%gather3A_1502] in [0] : vector<16xf32>, vector<16xi32> -> vector<16xf32>
    %max3A_1504 = arith.maximumf %scan3A_482#6, %gather3A_1503 : vector<16xf32>
    %xor3A_1505 = arith.constant 4 : i32
    %xor3A_1506 = vector.broadcast %xor3A_1505 : i32 to vector<16xi32>
    %xor3A_1507 = arith.xori %iota3A, %xor3A_1506 : vector<16xi32>
    %broadcast_in_dim3A_1508 = vector.shape_cast %xor3A_1507 : vector<16xi32> to vector<16x1xi32>
    %gather3A_1509 = vector.shape_cast %broadcast_in_dim3A_1508 : vector<16x1xi32> to vector<16xi32>
    %gather3A_1510 = tpu.dynamic_gather %max3A_1504[%gather3A_1509] in [0] : vector<16xf32>, vector<16xi32> -> vector<16xf32>
    %max3A_1511 = arith.maximumf %max3A_1504, %gather3A_1510 : vector<16xf32>
    %xor3A_1512 = arith.constant 2 : i32
    %xor3A_1513 = vector.broadcast %xor3A_1512 : i32 to vector<16xi32>
    %xor3A_1514 = arith.xori %iota3A, %xor3A_1513 : vector<16xi32>
    %broadcast_in_dim3A_1515 = vector.shape_cast %xor3A_1514 : vector<16xi32> to vector<16x1xi32>
    %gather3A_1516 = vector.shape_cast %broadcast_in_dim3A_1515 : vector<16x1xi32> to vector<16xi32>
    %gather3A_1517 = tpu.dynamic_gather %max3A_1511[%gather3A_1516] in [0] : vector<16xf32>, vector<16xi32> -> vector<16xf32>
    %max3A_1518 = arith.maximumf %max3A_1511, %gather3A_1517 : vector<16xf32>
    %xor3A_1519 = arith.constant 1 : i32
    %xor3A_1520 = vector.broadcast %xor3A_1519 : i32 to vector<16xi32>
    %xor3A_1521 = arith.xori %iota3A, %xor3A_1520 : vector<16xi32>
    %broadcast_in_dim3A_1522 = vector.shape_cast %xor3A_1521 : vector<16xi32> to vector<16x1xi32>
    %gather3A_1523 = vector.shape_cast %broadcast_in_dim3A_1522 : vector<16x1xi32> to vector<16xi32>
    %gather3A_1524 = tpu.dynamic_gather %max3A_1518[%gather3A_1523] in [0] : vector<16xf32>, vector<16xi32> -> vector<16xf32>
    %max3A_1525 = arith.maximumf %max3A_1518, %gather3A_1524 : vector<16xf32>
    %add3A_1526 = arith.addf %max3A_1525, %add3A_412 : vector<16xf32>
    %gt3A_1527 = arith.constant 0.000000e+00 : f32
    %gt3A_1528 = vector.broadcast %gt3A_1527 : f32 to vector<16xf32>
    %gt3A_1529 = arith.cmpf ogt, %add3A_1526, %gt3A_1528 : vector<16xf32>
    %jit3A_1530 = arith.constant 1.000000e+00 : f32
    %broadcast_in_dim3A_1531 = vector.broadcast %jit3A_1530 : f32 to vector<16xf32>
    %select_n3A_1532 = arith.select %gt3A_1529, %add3A_1526, %broadcast_in_dim3A_1531 : vector<16xi1>, vector<16xf32>
    %add3A_1533 = arith.constant 1.000000e+00 : f32
    %add3A_1534 = vector.broadcast %add3A_1533 : f32 to vector<16xf32>
    %add3A_1535 = arith.addf %select_n3A_1532, %add3A_1534 : vector<16xf32>
    %mul3A_1536 = arith.constant 5.000000e-01 : f32
    %mul3A_1537 = vector.broadcast %mul3A_1536 : f32 to vector<16xf32>
    %mul3A_1538 = arith.mulf %add3A_1535, %mul3A_1537 : vector<16xf32>
    %div3A_1539 = arith.divf %select_n3A_1532, %mul3A_1538 : vector<16xf32>
    %add3A_1540 = arith.addf %mul3A_1538, %div3A_1539 : vector<16xf32>
    %mul3A_1541 = arith.constant 5.000000e-01 : f32
    %mul3A_1542 = vector.broadcast %mul3A_1541 : f32 to vector<16xf32>
    %mul3A_1543 = arith.mulf %add3A_1540, %mul3A_1542 : vector<16xf32>
    %div3A_1544 = arith.divf %select_n3A_1532, %mul3A_1543 : vector<16xf32>
    %add3A_1545 = arith.addf %mul3A_1543, %div3A_1544 : vector<16xf32>
    %mul3A_1546 = arith.constant 5.000000e-01 : f32
    %mul3A_1547 = vector.broadcast %mul3A_1546 : f32 to vector<16xf32>
    %mul3A_1548 = arith.mulf %add3A_1545, %mul3A_1547 : vector<16xf32>
    %div3A_1549 = arith.divf %select_n3A_1532, %mul3A_1548 : vector<16xf32>
    %add3A_1550 = arith.addf %mul3A_1548, %div3A_1549 : vector<16xf32>
    %mul3A_1551 = arith.constant 5.000000e-01 : f32
    %mul3A_1552 = vector.broadcast %mul3A_1551 : f32 to vector<16xf32>
    %mul3A_1553 = arith.mulf %add3A_1550, %mul3A_1552 : vector<16xf32>
    %div3A_1554 = arith.divf %select_n3A_1532, %mul3A_1553 : vector<16xf32>
    %add3A_1555 = arith.addf %mul3A_1553, %div3A_1554 : vector<16xf32>
    %mul3A_1556 = arith.constant 5.000000e-01 : f32
    %mul3A_1557 = vector.broadcast %mul3A_1556 : f32 to vector<16xf32>
    %mul3A_1558 = arith.mulf %add3A_1555, %mul3A_1557 : vector<16xf32>
    %div3A_1559 = arith.divf %select_n3A_1532, %mul3A_1558 : vector<16xf32>
    %add3A_1560 = arith.addf %mul3A_1558, %div3A_1559 : vector<16xf32>
    %mul3A_1561 = arith.constant 5.000000e-01 : f32
    %mul3A_1562 = vector.broadcast %mul3A_1561 : f32 to vector<16xf32>
    %mul3A_1563 = arith.mulf %add3A_1560, %mul3A_1562 : vector<16xf32>
    %div3A_1564 = arith.divf %select_n3A_1532, %mul3A_1563 : vector<16xf32>
    %add3A_1565 = arith.addf %mul3A_1563, %div3A_1564 : vector<16xf32>
    %mul3A_1566 = arith.constant 5.000000e-01 : f32
    %mul3A_1567 = vector.broadcast %mul3A_1566 : f32 to vector<16xf32>
    %mul3A_1568 = arith.mulf %add3A_1565, %mul3A_1567 : vector<16xf32>
    %div3A_1569 = arith.divf %select_n3A_1532, %mul3A_1568 : vector<16xf32>
    %add3A_1570 = arith.addf %mul3A_1568, %div3A_1569 : vector<16xf32>
    %mul3A_1571 = arith.constant 5.000000e-01 : f32
    %mul3A_1572 = vector.broadcast %mul3A_1571 : f32 to vector<16xf32>
    %mul3A_1573 = arith.mulf %add3A_1570, %mul3A_1572 : vector<16xf32>
    %div3A_1574 = arith.divf %select_n3A_1532, %mul3A_1573 : vector<16xf32>
    %add3A_1575 = arith.addf %mul3A_1573, %div3A_1574 : vector<16xf32>
    %mul3A_1576 = arith.constant 5.000000e-01 : f32
    %mul3A_1577 = vector.broadcast %mul3A_1576 : f32 to vector<16xf32>
    %mul3A_1578 = arith.mulf %add3A_1575, %mul3A_1577 : vector<16xf32>
    %div3A_1579 = arith.divf %select_n3A_1532, %mul3A_1578 : vector<16xf32>
    %add3A_1580 = arith.addf %mul3A_1578, %div3A_1579 : vector<16xf32>
    %mul3A_1581 = arith.constant 5.000000e-01 : f32
    %mul3A_1582 = vector.broadcast %mul3A_1581 : f32 to vector<16xf32>
    %mul3A_1583 = arith.mulf %add3A_1580, %mul3A_1582 : vector<16xf32>
    %div3A_1584 = arith.divf %select_n3A_1532, %mul3A_1583 : vector<16xf32>
    %add3A_1585 = arith.addf %mul3A_1583, %div3A_1584 : vector<16xf32>
    %mul3A_1586 = arith.constant 5.000000e-01 : f32
    %mul3A_1587 = vector.broadcast %mul3A_1586 : f32 to vector<16xf32>
    %mul3A_1588 = arith.mulf %add3A_1585, %mul3A_1587 : vector<16xf32>
    %div3A_1589 = arith.divf %select_n3A_1532, %mul3A_1588 : vector<16xf32>
    %add3A_1590 = arith.addf %mul3A_1588, %div3A_1589 : vector<16xf32>
    %mul3A_1591 = arith.constant 5.000000e-01 : f32
    %mul3A_1592 = vector.broadcast %mul3A_1591 : f32 to vector<16xf32>
    %mul3A_1593 = arith.mulf %add3A_1590, %mul3A_1592 : vector<16xf32>
    %div3A_1594 = arith.divf %select_n3A_1532, %mul3A_1593 : vector<16xf32>
    %add3A_1595 = arith.addf %mul3A_1593, %div3A_1594 : vector<16xf32>
    %mul3A_1596 = arith.constant 5.000000e-01 : f32
    %mul3A_1597 = vector.broadcast %mul3A_1596 : f32 to vector<16xf32>
    %mul3A_1598 = arith.mulf %add3A_1595, %mul3A_1597 : vector<16xf32>
    %div3A_1599 = arith.divf %select_n3A_1532, %mul3A_1598 : vector<16xf32>
    %add3A_1600 = arith.addf %mul3A_1598, %div3A_1599 : vector<16xf32>
    %mul3A_1601 = arith.constant 5.000000e-01 : f32
    %mul3A_1602 = vector.broadcast %mul3A_1601 : f32 to vector<16xf32>
    %mul3A_1603 = arith.mulf %add3A_1600, %mul3A_1602 : vector<16xf32>
    %div3A_1604 = arith.divf %select_n3A_1532, %mul3A_1603 : vector<16xf32>
    %add3A_1605 = arith.addf %mul3A_1603, %div3A_1604 : vector<16xf32>
    %mul3A_1606 = arith.constant 5.000000e-01 : f32
    %mul3A_1607 = vector.broadcast %mul3A_1606 : f32 to vector<16xf32>
    %mul3A_1608 = arith.mulf %add3A_1605, %mul3A_1607 : vector<16xf32>
    %div3A_1609 = arith.divf %select_n3A_1532, %mul3A_1608 : vector<16xf32>
    %add3A_1610 = arith.addf %mul3A_1608, %div3A_1609 : vector<16xf32>
    %mul3A_1611 = arith.constant 5.000000e-01 : f32
    %mul3A_1612 = vector.broadcast %mul3A_1611 : f32 to vector<16xf32>
    %mul3A_1613 = arith.mulf %add3A_1610, %mul3A_1612 : vector<16xf32>
    %div3A_1614 = arith.divf %select_n3A_1532, %mul3A_1613 : vector<16xf32>
    %add3A_1615 = arith.addf %mul3A_1613, %div3A_1614 : vector<16xf32>
    %mul3A_1616 = arith.constant 5.000000e-01 : f32
    %mul3A_1617 = vector.broadcast %mul3A_1616 : f32 to vector<16xf32>
    %mul3A_1618 = arith.mulf %add3A_1615, %mul3A_1617 : vector<16xf32>
    %div3A_1619 = arith.divf %select_n3A_1532, %mul3A_1618 : vector<16xf32>
    %add3A_1620 = arith.addf %mul3A_1618, %div3A_1619 : vector<16xf32>
    %mul3A_1621 = arith.constant 5.000000e-01 : f32
    %mul3A_1622 = vector.broadcast %mul3A_1621 : f32 to vector<16xf32>
    %mul3A_1623 = arith.mulf %add3A_1620, %mul3A_1622 : vector<16xf32>
    %div3A_1624 = arith.divf %select_n3A_1532, %mul3A_1623 : vector<16xf32>
    %add3A_1625 = arith.addf %mul3A_1623, %div3A_1624 : vector<16xf32>
    %mul3A_1626 = arith.constant 5.000000e-01 : f32
    %mul3A_1627 = vector.broadcast %mul3A_1626 : f32 to vector<16xf32>
    %mul3A_1628 = arith.mulf %add3A_1625, %mul3A_1627 : vector<16xf32>
    %div3A_1629 = arith.divf %select_n3A_1532, %mul3A_1628 : vector<16xf32>
    %add3A_1630 = arith.addf %mul3A_1628, %div3A_1629 : vector<16xf32>
    %mul3A_1631 = arith.constant 5.000000e-01 : f32
    %mul3A_1632 = vector.broadcast %mul3A_1631 : f32 to vector<16xf32>
    %mul3A_1633 = arith.mulf %add3A_1630, %mul3A_1632 : vector<16xf32>
    %div3A_1634 = arith.divf %select_n3A_1532, %mul3A_1633 : vector<16xf32>
    %add3A_1635 = arith.addf %mul3A_1633, %div3A_1634 : vector<16xf32>
    %mul3A_1636 = arith.constant 5.000000e-01 : f32
    %mul3A_1637 = vector.broadcast %mul3A_1636 : f32 to vector<16xf32>
    %mul3A_1638 = arith.mulf %add3A_1635, %mul3A_1637 : vector<16xf32>
    %eq3A_1639 = arith.constant 0xFF800000 : f32
    %eq3A_1640 = vector.broadcast %eq3A_1639 : f32 to vector<16xf32>
    %eq3A_1641 = arith.cmpf oeq, %add3A_1526, %eq3A_1640 : vector<16xf32>
    %gt3A_1642 = arith.constant 0.000000e+00 : f32
    %gt3A_1643 = vector.broadcast %gt3A_1642 : f32 to vector<16xf32>
    %gt3A_1644 = arith.cmpf ogt, %add3A_1526, %gt3A_1643 : vector<16xf32>
    %jit3A_1645 = arith.constant 0.000000e+00 : f32
    %broadcast_in_dim3A_1646 = vector.broadcast %jit3A_1645 : f32 to vector<16xf32>
    %select_n3A_1647 = arith.select %gt3A_1644, %mul3A_1638, %broadcast_in_dim3A_1646 : vector<16xi1>, vector<16xf32>
    %jit3A_1648 = arith.constant 0xFF800000 : f32
    %broadcast_in_dim3A_1649 = vector.broadcast %jit3A_1648 : f32 to vector<16xf32>
    %select_n3A_1650 = arith.select %eq3A_1641, %broadcast_in_dim3A_1649, %select_n3A_1647 : vector<16xi1>, vector<16xf32>
    %get3A_1651 = arith.constant 0 : index
    %get3A_1652 = tpu.vector_load %arg11[%get3A_1651] {strides = array<i32>} : memref<16xf32, #tpu.memory_space<vmem>>, vector<16xf32>,
    %get3A_1653 = vector.shape_cast %get3A_1652 : vector<16xf32> to vector<16xf32>
    %broadcast_in_dim3A_1654 = arith.constant 6 : i32
    %broadcast_in_dim3A_1655 = vector.broadcast %broadcast_in_dim3A_1654 : i32 to vector<16xi32>
    %broadcast_in_dim3A_1656 = vector.shape_cast %broadcast_in_dim3A_1655 : vector<16xi32> to vector<16x1xi32>
    %gather3A_1657 = vector.shape_cast %broadcast_in_dim3A_1656 : vector<16x1xi32> to vector<16xi32>
    %gather3A_1658 = tpu.dynamic_gather %get3A_1653[%gather3A_1657] in [0] : vector<16xf32>, vector<16xi32> -> vector<16xf32>
    %mul3A_1659 = arith.constant 5.000000e-01 : f32
    %mul3A_1660 = vector.broadcast %mul3A_1659 : f32 to vector<16xf32>
    %mul3A_1661 = arith.mulf %gather3A_1658, %mul3A_1660 : vector<16xf32>
    %mul3A_1662 = arith.mulf %select_n3A_1650, %mul3A_59 : vector<16xf32>
    %add3A_1663 = arith.addf %mul3A_1661, %mul3A_1662 : vector<16xf32>
    %eq3A_1664 = arith.constant 6 : i32
    %eq3A_1665 = vector.broadcast %eq3A_1664 : i32 to vector<16xi32>
    %eq3A_1666 = arith.cmpi eq, %iota3A, %eq3A_1665 : vector<16xi32>
    %select_n3A_1667 = arith.select %eq3A_1666, %add3A_1663, %select_n3A_1497 : vector<16xi1>, vector<16xf32>
    %xor3A_1668 = arith.constant 8 : i32
    %xor3A_1669 = vector.broadcast %xor3A_1668 : i32 to vector<16xi32>
    %xor3A_1670 = arith.xori %iota3A, %xor3A_1669 : vector<16xi32>
    %broadcast_in_dim3A_1671 = vector.shape_cast %xor3A_1670 : vector<16xi32> to vector<16x1xi32>
    %gather3A_1672 = vector.shape_cast %broadcast_in_dim3A_1671 : vector<16x1xi32> to vector<16xi32>
    %gather3A_1673 = tpu.dynamic_gather %scan3A_482#7[%gather3A_1672] in [0] : vector<16xf32>, vector<16xi32> -> vector<16xf32>
    %max3A_1674 = arith.maximumf %scan3A_482#7, %gather3A_1673 : vector<16xf32>
    %xor3A_1675 = arith.constant 4 : i32
    %xor3A_1676 = vector.broadcast %xor3A_1675 : i32 to vector<16xi32>
    %xor3A_1677 = arith.xori %iota3A, %xor3A_1676 : vector<16xi32>
    %broadcast_in_dim3A_1678 = vector.shape_cast %xor3A_1677 : vector<16xi32> to vector<16x1xi32>
    %gather3A_1679 = vector.shape_cast %broadcast_in_dim3A_1678 : vector<16x1xi32> to vector<16xi32>
    %gather3A_1680 = tpu.dynamic_gather %max3A_1674[%gather3A_1679] in [0] : vector<16xf32>, vector<16xi32> -> vector<16xf32>
    %max3A_1681 = arith.maximumf %max3A_1674, %gather3A_1680 : vector<16xf32>
    %xor3A_1682 = arith.constant 2 : i32
    %xor3A_1683 = vector.broadcast %xor3A_1682 : i32 to vector<16xi32>
    %xor3A_1684 = arith.xori %iota3A, %xor3A_1683 : vector<16xi32>
    %broadcast_in_dim3A_1685 = vector.shape_cast %xor3A_1684 : vector<16xi32> to vector<16x1xi32>
    %gather3A_1686 = vector.shape_cast %broadcast_in_dim3A_1685 : vector<16x1xi32> to vector<16xi32>
    %gather3A_1687 = tpu.dynamic_gather %max3A_1681[%gather3A_1686] in [0] : vector<16xf32>, vector<16xi32> -> vector<16xf32>
    %max3A_1688 = arith.maximumf %max3A_1681, %gather3A_1687 : vector<16xf32>
    %xor3A_1689 = arith.constant 1 : i32
    %xor3A_1690 = vector.broadcast %xor3A_1689 : i32 to vector<16xi32>
    %xor3A_1691 = arith.xori %iota3A, %xor3A_1690 : vector<16xi32>
    %broadcast_in_dim3A_1692 = vector.shape_cast %xor3A_1691 : vector<16xi32> to vector<16x1xi32>
    %gather3A_1693 = vector.shape_cast %broadcast_in_dim3A_1692 : vector<16x1xi32> to vector<16xi32>
    %gather3A_1694 = tpu.dynamic_gather %max3A_1688[%gather3A_1693] in [0] : vector<16xf32>, vector<16xi32> -> vector<16xf32>
    %max3A_1695 = arith.maximumf %max3A_1688, %gather3A_1694 : vector<16xf32>
    %add3A_1696 = arith.addf %max3A_1695, %add3A_461 : vector<16xf32>
    %gt3A_1697 = arith.constant 0.000000e+00 : f32
    %gt3A_1698 = vector.broadcast %gt3A_1697 : f32 to vector<16xf32>
    %gt3A_1699 = arith.cmpf ogt, %add3A_1696, %gt3A_1698 : vector<16xf32>
    %jit3A_1700 = arith.constant 1.000000e+00 : f32
    %broadcast_in_dim3A_1701 = vector.broadcast %jit3A_1700 : f32 to vector<16xf32>
    %select_n3A_1702 = arith.select %gt3A_1699, %add3A_1696, %broadcast_in_dim3A_1701 : vector<16xi1>, vector<16xf32>
    %add3A_1703 = arith.constant 1.000000e+00 : f32
    %add3A_1704 = vector.broadcast %add3A_1703 : f32 to vector<16xf32>
    %add3A_1705 = arith.addf %select_n3A_1702, %add3A_1704 : vector<16xf32>
    %mul3A_1706 = arith.constant 5.000000e-01 : f32
    %mul3A_1707 = vector.broadcast %mul3A_1706 : f32 to vector<16xf32>
    %mul3A_1708 = arith.mulf %add3A_1705, %mul3A_1707 : vector<16xf32>
    %div3A_1709 = arith.divf %select_n3A_1702, %mul3A_1708 : vector<16xf32>
    %add3A_1710 = arith.addf %mul3A_1708, %div3A_1709 : vector<16xf32>
    %mul3A_1711 = arith.constant 5.000000e-01 : f32
    %mul3A_1712 = vector.broadcast %mul3A_1711 : f32 to vector<16xf32>
    %mul3A_1713 = arith.mulf %add3A_1710, %mul3A_1712 : vector<16xf32>
    %div3A_1714 = arith.divf %select_n3A_1702, %mul3A_1713 : vector<16xf32>
    %add3A_1715 = arith.addf %mul3A_1713, %div3A_1714 : vector<16xf32>
    %mul3A_1716 = arith.constant 5.000000e-01 : f32
    %mul3A_1717 = vector.broadcast %mul3A_1716 : f32 to vector<16xf32>
    %mul3A_1718 = arith.mulf %add3A_1715, %mul3A_1717 : vector<16xf32>
    %div3A_1719 = arith.divf %select_n3A_1702, %mul3A_1718 : vector<16xf32>
    %add3A_1720 = arith.addf %mul3A_1718, %div3A_1719 : vector<16xf32>
    %mul3A_1721 = arith.constant 5.000000e-01 : f32
    %mul3A_1722 = vector.broadcast %mul3A_1721 : f32 to vector<16xf32>
    %mul3A_1723 = arith.mulf %add3A_1720, %mul3A_1722 : vector<16xf32>
    %div3A_1724 = arith.divf %select_n3A_1702, %mul3A_1723 : vector<16xf32>
    %add3A_1725 = arith.addf %mul3A_1723, %div3A_1724 : vector<16xf32>
    %mul3A_1726 = arith.constant 5.000000e-01 : f32
    %mul3A_1727 = vector.broadcast %mul3A_1726 : f32 to vector<16xf32>
    %mul3A_1728 = arith.mulf %add3A_1725, %mul3A_1727 : vector<16xf32>
    %div3A_1729 = arith.divf %select_n3A_1702, %mul3A_1728 : vector<16xf32>
    %add3A_1730 = arith.addf %mul3A_1728, %div3A_1729 : vector<16xf32>
    %mul3A_1731 = arith.constant 5.000000e-01 : f32
    %mul3A_1732 = vector.broadcast %mul3A_1731 : f32 to vector<16xf32>
    %mul3A_1733 = arith.mulf %add3A_1730, %mul3A_1732 : vector<16xf32>
    %div3A_1734 = arith.divf %select_n3A_1702, %mul3A_1733 : vector<16xf32>
    %add3A_1735 = arith.addf %mul3A_1733, %div3A_1734 : vector<16xf32>
    %mul3A_1736 = arith.constant 5.000000e-01 : f32
    %mul3A_1737 = vector.broadcast %mul3A_1736 : f32 to vector<16xf32>
    %mul3A_1738 = arith.mulf %add3A_1735, %mul3A_1737 : vector<16xf32>
    %div3A_1739 = arith.divf %select_n3A_1702, %mul3A_1738 : vector<16xf32>
    %add3A_1740 = arith.addf %mul3A_1738, %div3A_1739 : vector<16xf32>
    %mul3A_1741 = arith.constant 5.000000e-01 : f32
    %mul3A_1742 = vector.broadcast %mul3A_1741 : f32 to vector<16xf32>
    %mul3A_1743 = arith.mulf %add3A_1740, %mul3A_1742 : vector<16xf32>
    %div3A_1744 = arith.divf %select_n3A_1702, %mul3A_1743 : vector<16xf32>
    %add3A_1745 = arith.addf %mul3A_1743, %div3A_1744 : vector<16xf32>
    %mul3A_1746 = arith.constant 5.000000e-01 : f32
    %mul3A_1747 = vector.broadcast %mul3A_1746 : f32 to vector<16xf32>
    %mul3A_1748 = arith.mulf %add3A_1745, %mul3A_1747 : vector<16xf32>
    %div3A_1749 = arith.divf %select_n3A_1702, %mul3A_1748 : vector<16xf32>
    %add3A_1750 = arith.addf %mul3A_1748, %div3A_1749 : vector<16xf32>
    %mul3A_1751 = arith.constant 5.000000e-01 : f32
    %mul3A_1752 = vector.broadcast %mul3A_1751 : f32 to vector<16xf32>
    %mul3A_1753 = arith.mulf %add3A_1750, %mul3A_1752 : vector<16xf32>
    %div3A_1754 = arith.divf %select_n3A_1702, %mul3A_1753 : vector<16xf32>
    %add3A_1755 = arith.addf %mul3A_1753, %div3A_1754 : vector<16xf32>
    %mul3A_1756 = arith.constant 5.000000e-01 : f32
    %mul3A_1757 = vector.broadcast %mul3A_1756 : f32 to vector<16xf32>
    %mul3A_1758 = arith.mulf %add3A_1755, %mul3A_1757 : vector<16xf32>
    %div3A_1759 = arith.divf %select_n3A_1702, %mul3A_1758 : vector<16xf32>
    %add3A_1760 = arith.addf %mul3A_1758, %div3A_1759 : vector<16xf32>
    %mul3A_1761 = arith.constant 5.000000e-01 : f32
    %mul3A_1762 = vector.broadcast %mul3A_1761 : f32 to vector<16xf32>
    %mul3A_1763 = arith.mulf %add3A_1760, %mul3A_1762 : vector<16xf32>
    %div3A_1764 = arith.divf %select_n3A_1702, %mul3A_1763 : vector<16xf32>
    %add3A_1765 = arith.addf %mul3A_1763, %div3A_1764 : vector<16xf32>
    %mul3A_1766 = arith.constant 5.000000e-01 : f32
    %mul3A_1767 = vector.broadcast %mul3A_1766 : f32 to vector<16xf32>
    %mul3A_1768 = arith.mulf %add3A_1765, %mul3A_1767 : vector<16xf32>
    %div3A_1769 = arith.divf %select_n3A_1702, %mul3A_1768 : vector<16xf32>
    %add3A_1770 = arith.addf %mul3A_1768, %div3A_1769 : vector<16xf32>
    %mul3A_1771 = arith.constant 5.000000e-01 : f32
    %mul3A_1772 = vector.broadcast %mul3A_1771 : f32 to vector<16xf32>
    %mul3A_1773 = arith.mulf %add3A_1770, %mul3A_1772 : vector<16xf32>
    %div3A_1774 = arith.divf %select_n3A_1702, %mul3A_1773 : vector<16xf32>
    %add3A_1775 = arith.addf %mul3A_1773, %div3A_1774 : vector<16xf32>
    %mul3A_1776 = arith.constant 5.000000e-01 : f32
    %mul3A_1777 = vector.broadcast %mul3A_1776 : f32 to vector<16xf32>
    %mul3A_1778 = arith.mulf %add3A_1775, %mul3A_1777 : vector<16xf32>
    %div3A_1779 = arith.divf %select_n3A_1702, %mul3A_1778 : vector<16xf32>
    %add3A_1780 = arith.addf %mul3A_1778, %div3A_1779 : vector<16xf32>
    %mul3A_1781 = arith.constant 5.000000e-01 : f32
    %mul3A_1782 = vector.broadcast %mul3A_1781 : f32 to vector<16xf32>
    %mul3A_1783 = arith.mulf %add3A_1780, %mul3A_1782 : vector<16xf32>
    %div3A_1784 = arith.divf %select_n3A_1702, %mul3A_1783 : vector<16xf32>
    %add3A_1785 = arith.addf %mul3A_1783, %div3A_1784 : vector<16xf32>
    %mul3A_1786 = arith.constant 5.000000e-01 : f32
    %mul3A_1787 = vector.broadcast %mul3A_1786 : f32 to vector<16xf32>
    %mul3A_1788 = arith.mulf %add3A_1785, %mul3A_1787 : vector<16xf32>
    %div3A_1789 = arith.divf %select_n3A_1702, %mul3A_1788 : vector<16xf32>
    %add3A_1790 = arith.addf %mul3A_1788, %div3A_1789 : vector<16xf32>
    %mul3A_1791 = arith.constant 5.000000e-01 : f32
    %mul3A_1792 = vector.broadcast %mul3A_1791 : f32 to vector<16xf32>
    %mul3A_1793 = arith.mulf %add3A_1790, %mul3A_1792 : vector<16xf32>
    %div3A_1794 = arith.divf %select_n3A_1702, %mul3A_1793 : vector<16xf32>
    %add3A_1795 = arith.addf %mul3A_1793, %div3A_1794 : vector<16xf32>
    %mul3A_1796 = arith.constant 5.000000e-01 : f32
    %mul3A_1797 = vector.broadcast %mul3A_1796 : f32 to vector<16xf32>
    %mul3A_1798 = arith.mulf %add3A_1795, %mul3A_1797 : vector<16xf32>
    %div3A_1799 = arith.divf %select_n3A_1702, %mul3A_1798 : vector<16xf32>
    %add3A_1800 = arith.addf %mul3A_1798, %div3A_1799 : vector<16xf32>
    %mul3A_1801 = arith.constant 5.000000e-01 : f32
    %mul3A_1802 = vector.broadcast %mul3A_1801 : f32 to vector<16xf32>
    %mul3A_1803 = arith.mulf %add3A_1800, %mul3A_1802 : vector<16xf32>
    %div3A_1804 = arith.divf %select_n3A_1702, %mul3A_1803 : vector<16xf32>
    %add3A_1805 = arith.addf %mul3A_1803, %div3A_1804 : vector<16xf32>
    %mul3A_1806 = arith.constant 5.000000e-01 : f32
    %mul3A_1807 = vector.broadcast %mul3A_1806 : f32 to vector<16xf32>
    %mul3A_1808 = arith.mulf %add3A_1805, %mul3A_1807 : vector<16xf32>
    %eq3A_1809 = arith.constant 0xFF800000 : f32
    %eq3A_1810 = vector.broadcast %eq3A_1809 : f32 to vector<16xf32>
    %eq3A_1811 = arith.cmpf oeq, %add3A_1696, %eq3A_1810 : vector<16xf32>
    %gt3A_1812 = arith.constant 0.000000e+00 : f32
    %gt3A_1813 = vector.broadcast %gt3A_1812 : f32 to vector<16xf32>
    %gt3A_1814 = arith.cmpf ogt, %add3A_1696, %gt3A_1813 : vector<16xf32>
    %jit3A_1815 = arith.constant 0.000000e+00 : f32
    %broadcast_in_dim3A_1816 = vector.broadcast %jit3A_1815 : f32 to vector<16xf32>
    %select_n3A_1817 = arith.select %gt3A_1814, %mul3A_1808, %broadcast_in_dim3A_1816 : vector<16xi1>, vector<16xf32>
    %jit3A_1818 = arith.constant 0xFF800000 : f32
    %broadcast_in_dim3A_1819 = vector.broadcast %jit3A_1818 : f32 to vector<16xf32>
    %select_n3A_1820 = arith.select %eq3A_1811, %broadcast_in_dim3A_1819, %select_n3A_1817 : vector<16xi1>, vector<16xf32>
    %get3A_1821 = arith.constant 0 : index
    %get3A_1822 = tpu.vector_load %arg11[%get3A_1821] {strides = array<i32>} : memref<16xf32, #tpu.memory_space<vmem>>, vector<16xf32>,
    %get3A_1823 = vector.shape_cast %get3A_1822 : vector<16xf32> to vector<16xf32>
    %broadcast_in_dim3A_1824 = arith.constant 7 : i32
    %broadcast_in_dim3A_1825 = vector.broadcast %broadcast_in_dim3A_1824 : i32 to vector<16xi32>
    %broadcast_in_dim3A_1826 = vector.shape_cast %broadcast_in_dim3A_1825 : vector<16xi32> to vector<16x1xi32>
    %gather3A_1827 = vector.shape_cast %broadcast_in_dim3A_1826 : vector<16x1xi32> to vector<16xi32>
    %gather3A_1828 = tpu.dynamic_gather %get3A_1823[%gather3A_1827] in [0] : vector<16xf32>, vector<16xi32> -> vector<16xf32>
    %mul3A_1829 = arith.constant 5.000000e-01 : f32
    %mul3A_1830 = vector.broadcast %mul3A_1829 : f32 to vector<16xf32>
    %mul3A_1831 = arith.mulf %gather3A_1828, %mul3A_1830 : vector<16xf32>
    %mul3A_1832 = arith.mulf %select_n3A_1820, %mul3A_59 : vector<16xf32>
    %add3A_1833 = arith.addf %mul3A_1831, %mul3A_1832 : vector<16xf32>
    %eq3A_1834 = arith.constant 7 : i32
    %eq3A_1835 = vector.broadcast %eq3A_1834 : i32 to vector<16xi32>
    %eq3A_1836 = arith.cmpi eq, %iota3A, %eq3A_1835 : vector<16xi32>
    %select_n3A_1837 = arith.select %eq3A_1836, %add3A_1833, %select_n3A_1667 : vector<16xi1>, vector<16xf32>
    %add3A_1838 = arith.constant 8 : i32
    %add3A_1839 = arith.addi %add3A_4, %add3A_1838 : i32
    "tpu.region"() ({
      %run_scoped3A = tpu.sem_alloc : memref<!tpu.dma_semaphore, #tpu.memory_space<semaphore_mem>>
      %dma_start3A = arith.constant 0 : i32
      %dma_start3A_3621 = tpu.memref_slice %arg2[%add3A_1839, %dma_start3A] : memref<4096x4096xi32, #tpu.memory_space<hbm>> -> memref<8x4096xi32, #tpu.memory_space<hbm>>
      %dma_start3A_3622 = arith.constant 0 : i32
      %dma_start3A_3623 = tpu.memref_slice %arg2[%add3A_1839, %dma_start3A_3622] : memref<4096x4096xi32, #tpu.memory_space<hbm>> -> memref<8x4096xi32, #tpu.memory_space<hbm>>
      tpu.enqueue_dma source(%dma_start3A_3623 : memref<8x4096xi32, #tpu.memory_space<hbm>>) target(%arg10 : memref<8x4096xi32, #tpu.memory_space<vmem>>) target_semaphore(%run_scoped3A : memref<!tpu.dma_semaphore, #tpu.memory_space<semaphore_mem>>)
      %dma_wait3A = arith.constant 0 : i32
      %dma_wait3A_3624 = tpu.memref_slice %arg2[%add3A_1839, %dma_wait3A] : memref<4096x4096xi32, #tpu.memory_space<hbm>> -> memref<8x4096xi32, #tpu.memory_space<hbm>>
      %dma_wait3A_3625 = arith.constant 0 : i32
      %dma_wait3A_3626 = tpu.memref_slice %arg2[%add3A_1839, %dma_wait3A_3625] : memref<4096x4096xi32, #tpu.memory_space<hbm>> -> memref<8x4096xi32, #tpu.memory_space<hbm>>
      tpu.wait_dma2 semaphore(%run_scoped3A : memref<!tpu.dma_semaphore, #tpu.memory_space<semaphore_mem>>) src(%dma_wait3A_3626 : memref<8x4096xi32, #tpu.memory_space<hbm>>) dst(%arg10 : memref<8x4096xi32, #tpu.memory_space<vmem>>)
      tpu.yield
    }) : () -> ()
    %add3A_1840 = arith.constant 0 : i32
    %add3A_1841 = arith.addi %add3A_4, %add3A_1840 : i32
    %get3A_1842 = arith.constant 0 : i32
    %get3A_1843 = arith.index_cast %get3A_1842 : i32 to index
    %get3A_1844 = arith.index_cast %add3A_1841 : i32 to index
    %get3A_1845 = tpu.vector_load %arg8[%get3A_1843, %get3A_1844] {strides = array<i32>} : memref<3x4096xf32, #tpu.memory_space<vmem>>, vector<1x16xf32>,
    %get3A_1846 = vector.shape_cast %get3A_1845 : vector<1x16xf32> to vector<16xf32>
    %broadcast_in_dim3A_1847 = arith.constant 8 : i32
    %broadcast_in_dim3A_1848 = vector.broadcast %broadcast_in_dim3A_1847 : i32 to vector<16xi32>
    %broadcast_in_dim3A_1849 = vector.shape_cast %broadcast_in_dim3A_1848 : vector<16xi32> to vector<16x1xi32>
    %gather3A_1850 = vector.shape_cast %broadcast_in_dim3A_1849 : vector<16x1xi32> to vector<16xi32>
    %gather3A_1851 = tpu.dynamic_gather %get3A_1846[%gather3A_1850] in [0] : vector<16xf32>, vector<16xi32> -> vector<16xf32>
    %get3A_1852 = arith.constant 1 : i32
    %get3A_1853 = arith.index_cast %get3A_1852 : i32 to index
    %get3A_1854 = arith.index_cast %add3A_1841 : i32 to index
    %get3A_1855 = tpu.vector_load %arg8[%get3A_1853, %get3A_1854] {strides = array<i32>} : memref<3x4096xf32, #tpu.memory_space<vmem>>, vector<1x16xf32>,
    %get3A_1856 = vector.shape_cast %get3A_1855 : vector<1x16xf32> to vector<16xf32>
    %broadcast_in_dim3A_1857 = arith.constant 8 : i32
    %broadcast_in_dim3A_1858 = vector.broadcast %broadcast_in_dim3A_1857 : i32 to vector<16xi32>
    %broadcast_in_dim3A_1859 = vector.shape_cast %broadcast_in_dim3A_1858 : vector<16xi32> to vector<16x1xi32>
    %gather3A_1860 = vector.shape_cast %broadcast_in_dim3A_1859 : vector<16x1xi32> to vector<16xi32>
    %gather3A_1861 = tpu.dynamic_gather %get3A_1856[%gather3A_1860] in [0] : vector<16xf32>, vector<16xi32> -> vector<16xf32>
    %get3A_1862 = arith.constant 2 : i32
    %get3A_1863 = arith.index_cast %get3A_1862 : i32 to index
    %get3A_1864 = arith.index_cast %add3A_1841 : i32 to index
    %get3A_1865 = tpu.vector_load %arg8[%get3A_1863, %get3A_1864] {strides = array<i32>} : memref<3x4096xf32, #tpu.memory_space<vmem>>, vector<1x16xf32>,
    %get3A_1866 = vector.shape_cast %get3A_1865 : vector<1x16xf32> to vector<16xf32>
    %broadcast_in_dim3A_1867 = arith.constant 8 : i32
    %broadcast_in_dim3A_1868 = vector.broadcast %broadcast_in_dim3A_1867 : i32 to vector<16xi32>
    %broadcast_in_dim3A_1869 = vector.shape_cast %broadcast_in_dim3A_1868 : vector<16xi32> to vector<16x1xi32>
    %gather3A_1870 = vector.shape_cast %broadcast_in_dim3A_1869 : vector<16x1xi32> to vector<16xi32>
    %gather3A_1871 = tpu.dynamic_gather %get3A_1866[%gather3A_1870] in [0] : vector<16xf32>, vector<16xi32> -> vector<16xf32>
    %mul3A_1872 = arith.constant -2.000000e+00 : f32
    %mul3A_1873 = vector.broadcast %mul3A_1872 : f32 to vector<16xf32>
    %mul3A_1874 = arith.mulf %gather3A_1851, %mul3A_1873 : vector<16xf32>
    %mul3A_1875 = arith.constant -2.000000e+00 : f32
    %mul3A_1876 = vector.broadcast %mul3A_1875 : f32 to vector<16xf32>
    %mul3A_1877 = arith.mulf %gather3A_1861, %mul3A_1876 : vector<16xf32>
    %mul3A_1878 = arith.constant -2.000000e+00 : f32
    %mul3A_1879 = vector.broadcast %mul3A_1878 : f32 to vector<16xf32>
    %mul3A_1880 = arith.mulf %gather3A_1871, %mul3A_1879 : vector<16xf32>
    %mul3A_1881 = arith.mulf %gather3A_1851, %gather3A_1851 : vector<16xf32>
    %mul3A_1882 = arith.mulf %mul3A_1881, %mul3A_20 : vector<16xf32>
    %mul3A_1883 = arith.mulf %gather3A_1861, %gather3A_1861 : vector<16xf32>
    %mul3A_1884 = arith.mulf %mul3A_1883, %mul3A_21 : vector<16xf32>
    %add3A_1885 = arith.addf %mul3A_1882, %mul3A_1884 : vector<16xf32>
    %mul3A_1886 = arith.mulf %gather3A_1871, %gather3A_1871 : vector<16xf32>
    %mul3A_1887 = arith.mulf %mul3A_1886, %mul3A_22 : vector<16xf32>
    %add3A_1888 = arith.addf %add3A_1885, %mul3A_1887 : vector<16xf32>
    %add3A_1889 = arith.constant 0 : i32
    %add3A_1890 = arith.addi %add3A_4, %add3A_1889 : i32
    %get3A_1891 = arith.constant 0 : i32
    %get3A_1892 = arith.index_cast %get3A_1891 : i32 to index
    %get3A_1893 = arith.index_cast %add3A_1890 : i32 to index
    %get3A_1894 = tpu.vector_load %arg8[%get3A_1892, %get3A_1893] {strides = array<i32>} : memref<3x4096xf32, #tpu.memory_space<vmem>>, vector<1x16xf32>,
    %get3A_1895 = vector.shape_cast %get3A_1894 : vector<1x16xf32> to vector<16xf32>
    %broadcast_in_dim3A_1896 = arith.constant 9 : i32
    %broadcast_in_dim3A_1897 = vector.broadcast %broadcast_in_dim3A_1896 : i32 to vector<16xi32>
    %broadcast_in_dim3A_1898 = vector.shape_cast %broadcast_in_dim3A_1897 : vector<16xi32> to vector<16x1xi32>
    %gather3A_1899 = vector.shape_cast %broadcast_in_dim3A_1898 : vector<16x1xi32> to vector<16xi32>
    %gather3A_1900 = tpu.dynamic_gather %get3A_1895[%gather3A_1899] in [0] : vector<16xf32>, vector<16xi32> -> vector<16xf32>
    %get3A_1901 = arith.constant 1 : i32
    %get3A_1902 = arith.index_cast %get3A_1901 : i32 to index
    %get3A_1903 = arith.index_cast %add3A_1890 : i32 to index
    %get3A_1904 = tpu.vector_load %arg8[%get3A_1902, %get3A_1903] {strides = array<i32>} : memref<3x4096xf32, #tpu.memory_space<vmem>>, vector<1x16xf32>,
    %get3A_1905 = vector.shape_cast %get3A_1904 : vector<1x16xf32> to vector<16xf32>
    %broadcast_in_dim3A_1906 = arith.constant 9 : i32
    %broadcast_in_dim3A_1907 = vector.broadcast %broadcast_in_dim3A_1906 : i32 to vector<16xi32>
    %broadcast_in_dim3A_1908 = vector.shape_cast %broadcast_in_dim3A_1907 : vector<16xi32> to vector<16x1xi32>
    %gather3A_1909 = vector.shape_cast %broadcast_in_dim3A_1908 : vector<16x1xi32> to vector<16xi32>
    %gather3A_1910 = tpu.dynamic_gather %get3A_1905[%gather3A_1909] in [0] : vector<16xf32>, vector<16xi32> -> vector<16xf32>
    %get3A_1911 = arith.constant 2 : i32
    %get3A_1912 = arith.index_cast %get3A_1911 : i32 to index
    %get3A_1913 = arith.index_cast %add3A_1890 : i32 to index
    %get3A_1914 = tpu.vector_load %arg8[%get3A_1912, %get3A_1913] {strides = array<i32>} : memref<3x4096xf32, #tpu.memory_space<vmem>>, vector<1x16xf32>,
    %get3A_1915 = vector.shape_cast %get3A_1914 : vector<1x16xf32> to vector<16xf32>
    %broadcast_in_dim3A_1916 = arith.constant 9 : i32
    %broadcast_in_dim3A_1917 = vector.broadcast %broadcast_in_dim3A_1916 : i32 to vector<16xi32>
    %broadcast_in_dim3A_1918 = vector.shape_cast %broadcast_in_dim3A_1917 : vector<16xi32> to vector<16x1xi32>
    %gather3A_1919 = vector.shape_cast %broadcast_in_dim3A_1918 : vector<16x1xi32> to vector<16xi32>
    %gather3A_1920 = tpu.dynamic_gather %get3A_1915[%gather3A_1919] in [0] : vector<16xf32>, vector<16xi32> -> vector<16xf32>
    %mul3A_1921 = arith.constant -2.000000e+00 : f32
    %mul3A_1922 = vector.broadcast %mul3A_1921 : f32 to vector<16xf32>
    %mul3A_1923 = arith.mulf %gather3A_1900, %mul3A_1922 : vector<16xf32>
    %mul3A_1924 = arith.constant -2.000000e+00 : f32
    %mul3A_1925 = vector.broadcast %mul3A_1924 : f32 to vector<16xf32>
    %mul3A_1926 = arith.mulf %gather3A_1910, %mul3A_1925 : vector<16xf32>
    %mul3A_1927 = arith.constant -2.000000e+00 : f32
    %mul3A_1928 = vector.broadcast %mul3A_1927 : f32 to vector<16xf32>
    %mul3A_1929 = arith.mulf %gather3A_1920, %mul3A_1928 : vector<16xf32>
    %mul3A_1930 = arith.mulf %gather3A_1900, %gather3A_1900 : vector<16xf32>
    %mul3A_1931 = arith.mulf %mul3A_1930, %mul3A_20 : vector<16xf32>
    %mul3A_1932 = arith.mulf %gather3A_1910, %gather3A_1910 : vector<16xf32>
    %mul3A_1933 = arith.mulf %mul3A_1932, %mul3A_21 : vector<16xf32>
    %add3A_1934 = arith.addf %mul3A_1931, %mul3A_1933 : vector<16xf32>
    %mul3A_1935 = arith.mulf %gather3A_1920, %gather3A_1920 : vector<16xf32>
    %mul3A_1936 = arith.mulf %mul3A_1935, %mul3A_22 : vector<16xf32>
    %add3A_1937 = arith.addf %add3A_1934, %mul3A_1936 : vector<16xf32>
    %add3A_1938 = arith.constant 0 : i32
    %add3A_1939 = arith.addi %add3A_4, %add3A_1938 : i32
    %get3A_1940 = arith.constant 0 : i32
    %get3A_1941 = arith.index_cast %get3A_1940 : i32 to index
    %get3A_1942 = arith.index_cast %add3A_1939 : i32 to index
    %get3A_1943 = tpu.vector_load %arg8[%get3A_1941, %get3A_1942] {strides = array<i32>} : memref<3x4096xf32, #tpu.memory_space<vmem>>, vector<1x16xf32>,
    %get3A_1944 = vector.shape_cast %get3A_1943 : vector<1x16xf32> to vector<16xf32>
    %broadcast_in_dim3A_1945 = arith.constant 10 : i32
    %broadcast_in_dim3A_1946 = vector.broadcast %broadcast_in_dim3A_1945 : i32 to vector<16xi32>
    %broadcast_in_dim3A_1947 = vector.shape_cast %broadcast_in_dim3A_1946 : vector<16xi32> to vector<16x1xi32>
    %gather3A_1948 = vector.shape_cast %broadcast_in_dim3A_1947 : vector<16x1xi32> to vector<16xi32>
    %gather3A_1949 = tpu.dynamic_gather %get3A_1944[%gather3A_1948] in [0] : vector<16xf32>, vector<16xi32> -> vector<16xf32>
    %get3A_1950 = arith.constant 1 : i32
    %get3A_1951 = arith.index_cast %get3A_1950 : i32 to index
    %get3A_1952 = arith.index_cast %add3A_1939 : i32 to index
    %get3A_1953 = tpu.vector_load %arg8[%get3A_1951, %get3A_1952] {strides = array<i32>} : memref<3x4096xf32, #tpu.memory_space<vmem>>, vector<1x16xf32>,
    %get3A_1954 = vector.shape_cast %get3A_1953 : vector<1x16xf32> to vector<16xf32>
    %broadcast_in_dim3A_1955 = arith.constant 10 : i32
    %broadcast_in_dim3A_1956 = vector.broadcast %broadcast_in_dim3A_1955 : i32 to vector<16xi32>
    %broadcast_in_dim3A_1957 = vector.shape_cast %broadcast_in_dim3A_1956 : vector<16xi32> to vector<16x1xi32>
    %gather3A_1958 = vector.shape_cast %broadcast_in_dim3A_1957 : vector<16x1xi32> to vector<16xi32>
    %gather3A_1959 = tpu.dynamic_gather %get3A_1954[%gather3A_1958] in [0] : vector<16xf32>, vector<16xi32> -> vector<16xf32>
    %get3A_1960 = arith.constant 2 : i32
    %get3A_1961 = arith.index_cast %get3A_1960 : i32 to index
    %get3A_1962 = arith.index_cast %add3A_1939 : i32 to index
    %get3A_1963 = tpu.vector_load %arg8[%get3A_1961, %get3A_1962] {strides = array<i32>} : memref<3x4096xf32, #tpu.memory_space<vmem>>, vector<1x16xf32>,
    %get3A_1964 = vector.shape_cast %get3A_1963 : vector<1x16xf32> to vector<16xf32>
    %broadcast_in_dim3A_1965 = arith.constant 10 : i32
    %broadcast_in_dim3A_1966 = vector.broadcast %broadcast_in_dim3A_1965 : i32 to vector<16xi32>
    %broadcast_in_dim3A_1967 = vector.shape_cast %broadcast_in_dim3A_1966 : vector<16xi32> to vector<16x1xi32>
    %gather3A_1968 = vector.shape_cast %broadcast_in_dim3A_1967 : vector<16x1xi32> to vector<16xi32>
    %gather3A_1969 = tpu.dynamic_gather %get3A_1964[%gather3A_1968] in [0] : vector<16xf32>, vector<16xi32> -> vector<16xf32>
    %mul3A_1970 = arith.constant -2.000000e+00 : f32
    %mul3A_1971 = vector.broadcast %mul3A_1970 : f32 to vector<16xf32>
    %mul3A_1972 = arith.mulf %gather3A_1949, %mul3A_1971 : vector<16xf32>
    %mul3A_1973 = arith.constant -2.000000e+00 : f32
    %mul3A_1974 = vector.broadcast %mul3A_1973 : f32 to vector<16xf32>
    %mul3A_1975 = arith.mulf %gather3A_1959, %mul3A_1974 : vector<16xf32>
    %mul3A_1976 = arith.constant -2.000000e+00 : f32
    %mul3A_1977 = vector.broadcast %mul3A_1976 : f32 to vector<16xf32>
    %mul3A_1978 = arith.mulf %gather3A_1969, %mul3A_1977 : vector<16xf32>
    %mul3A_1979 = arith.mulf %gather3A_1949, %gather3A_1949 : vector<16xf32>
    %mul3A_1980 = arith.mulf %mul3A_1979, %mul3A_20 : vector<16xf32>
    %mul3A_1981 = arith.mulf %gather3A_1959, %gather3A_1959 : vector<16xf32>
    %mul3A_1982 = arith.mulf %mul3A_1981, %mul3A_21 : vector<16xf32>
    %add3A_1983 = arith.addf %mul3A_1980, %mul3A_1982 : vector<16xf32>
    %mul3A_1984 = arith.mulf %gather3A_1969, %gather3A_1969 : vector<16xf32>
    %mul3A_1985 = arith.mulf %mul3A_1984, %mul3A_22 : vector<16xf32>
    %add3A_1986 = arith.addf %add3A_1983, %mul3A_1985 : vector<16xf32>
    %add3A_1987 = arith.constant 0 : i32
    %add3A_1988 = arith.addi %add3A_4, %add3A_1987 : i32
    %get3A_1989 = arith.constant 0 : i32
    %get3A_1990 = arith.index_cast %get3A_1989 : i32 to index
    %get3A_1991 = arith.index_cast %add3A_1988 : i32 to index
    %get3A_1992 = tpu.vector_load %arg8[%get3A_1990, %get3A_1991] {strides = array<i32>} : memref<3x4096xf32, #tpu.memory_space<vmem>>, vector<1x16xf32>,
    %get3A_1993 = vector.shape_cast %get3A_1992 : vector<1x16xf32> to vector<16xf32>
    %broadcast_in_dim3A_1994 = arith.constant 11 : i32
    %broadcast_in_dim3A_1995 = vector.broadcast %broadcast_in_dim3A_1994 : i32 to vector<16xi32>
    %broadcast_in_dim3A_1996 = vector.shape_cast %broadcast_in_dim3A_1995 : vector<16xi32> to vector<16x1xi32>
    %gather3A_1997 = vector.shape_cast %broadcast_in_dim3A_1996 : vector<16x1xi32> to vector<16xi32>
    %gather3A_1998 = tpu.dynamic_gather %get3A_1993[%gather3A_1997] in [0] : vector<16xf32>, vector<16xi32> -> vector<16xf32>
    %get3A_1999 = arith.constant 1 : i32
    %get3A_2000 = arith.index_cast %get3A_1999 : i32 to index
    %get3A_2001 = arith.index_cast %add3A_1988 : i32 to index
    %get3A_2002 = tpu.vector_load %arg8[%get3A_2000, %get3A_2001] {strides = array<i32>} : memref<3x4096xf32, #tpu.memory_space<vmem>>, vector<1x16xf32>,
    %get3A_2003 = vector.shape_cast %get3A_2002 : vector<1x16xf32> to vector<16xf32>
    %broadcast_in_dim3A_2004 = arith.constant 11 : i32
    %broadcast_in_dim3A_2005 = vector.broadcast %broadcast_in_dim3A_2004 : i32 to vector<16xi32>
    %broadcast_in_dim3A_2006 = vector.shape_cast %broadcast_in_dim3A_2005 : vector<16xi32> to vector<16x1xi32>
    %gather3A_2007 = vector.shape_cast %broadcast_in_dim3A_2006 : vector<16x1xi32> to vector<16xi32>
    %gather3A_2008 = tpu.dynamic_gather %get3A_2003[%gather3A_2007] in [0] : vector<16xf32>, vector<16xi32> -> vector<16xf32>
    %get3A_2009 = arith.constant 2 : i32
    %get3A_2010 = arith.index_cast %get3A_2009 : i32 to index
    %get3A_2011 = arith.index_cast %add3A_1988 : i32 to index
    %get3A_2012 = tpu.vector_load %arg8[%get3A_2010, %get3A_2011] {strides = array<i32>} : memref<3x4096xf32, #tpu.memory_space<vmem>>, vector<1x16xf32>,
    %get3A_2013 = vector.shape_cast %get3A_2012 : vector<1x16xf32> to vector<16xf32>
    %broadcast_in_dim3A_2014 = arith.constant 11 : i32
    %broadcast_in_dim3A_2015 = vector.broadcast %broadcast_in_dim3A_2014 : i32 to vector<16xi32>
    %broadcast_in_dim3A_2016 = vector.shape_cast %broadcast_in_dim3A_2015 : vector<16xi32> to vector<16x1xi32>
    %gather3A_2017 = vector.shape_cast %broadcast_in_dim3A_2016 : vector<16x1xi32> to vector<16xi32>
    %gather3A_2018 = tpu.dynamic_gather %get3A_2013[%gather3A_2017] in [0] : vector<16xf32>, vector<16xi32> -> vector<16xf32>
    %mul3A_2019 = arith.constant -2.000000e+00 : f32
    %mul3A_2020 = vector.broadcast %mul3A_2019 : f32 to vector<16xf32>
    %mul3A_2021 = arith.mulf %gather3A_1998, %mul3A_2020 : vector<16xf32>
    %mul3A_2022 = arith.constant -2.000000e+00 : f32
    %mul3A_2023 = vector.broadcast %mul3A_2022 : f32 to vector<16xf32>
    %mul3A_2024 = arith.mulf %gather3A_2008, %mul3A_2023 : vector<16xf32>
    %mul3A_2025 = arith.constant -2.000000e+00 : f32
    %mul3A_2026 = vector.broadcast %mul3A_2025 : f32 to vector<16xf32>
    %mul3A_2027 = arith.mulf %gather3A_2018, %mul3A_2026 : vector<16xf32>
    %mul3A_2028 = arith.mulf %gather3A_1998, %gather3A_1998 : vector<16xf32>
    %mul3A_2029 = arith.mulf %mul3A_2028, %mul3A_20 : vector<16xf32>
    %mul3A_2030 = arith.mulf %gather3A_2008, %gather3A_2008 : vector<16xf32>
    %mul3A_2031 = arith.mulf %mul3A_2030, %mul3A_21 : vector<16xf32>
    %add3A_2032 = arith.addf %mul3A_2029, %mul3A_2031 : vector<16xf32>
    %mul3A_2033 = arith.mulf %gather3A_2018, %gather3A_2018 : vector<16xf32>
    %mul3A_2034 = arith.mulf %mul3A_2033, %mul3A_22 : vector<16xf32>
    %add3A_2035 = arith.addf %add3A_2032, %mul3A_2034 : vector<16xf32>
    %add3A_2036 = arith.constant 0 : i32
    %add3A_2037 = arith.addi %add3A_4, %add3A_2036 : i32
    %get3A_2038 = arith.constant 0 : i32
    %get3A_2039 = arith.index_cast %get3A_2038 : i32 to index
    %get3A_2040 = arith.index_cast %add3A_2037 : i32 to index
    %get3A_2041 = tpu.vector_load %arg8[%get3A_2039, %get3A_2040] {strides = array<i32>} : memref<3x4096xf32, #tpu.memory_space<vmem>>, vector<1x16xf32>,
    %get3A_2042 = vector.shape_cast %get3A_2041 : vector<1x16xf32> to vector<16xf32>
    %broadcast_in_dim3A_2043 = arith.constant 12 : i32
    %broadcast_in_dim3A_2044 = vector.broadcast %broadcast_in_dim3A_2043 : i32 to vector<16xi32>
    %broadcast_in_dim3A_2045 = vector.shape_cast %broadcast_in_dim3A_2044 : vector<16xi32> to vector<16x1xi32>
    %gather3A_2046 = vector.shape_cast %broadcast_in_dim3A_2045 : vector<16x1xi32> to vector<16xi32>
    %gather3A_2047 = tpu.dynamic_gather %get3A_2042[%gather3A_2046] in [0] : vector<16xf32>, vector<16xi32> -> vector<16xf32>
    %get3A_2048 = arith.constant 1 : i32
    %get3A_2049 = arith.index_cast %get3A_2048 : i32 to index
    %get3A_2050 = arith.index_cast %add3A_2037 : i32 to index
    %get3A_2051 = tpu.vector_load %arg8[%get3A_2049, %get3A_2050] {strides = array<i32>} : memref<3x4096xf32, #tpu.memory_space<vmem>>, vector<1x16xf32>,
    %get3A_2052 = vector.shape_cast %get3A_2051 : vector<1x16xf32> to vector<16xf32>
    %broadcast_in_dim3A_2053 = arith.constant 12 : i32
    %broadcast_in_dim3A_2054 = vector.broadcast %broadcast_in_dim3A_2053 : i32 to vector<16xi32>
    %broadcast_in_dim3A_2055 = vector.shape_cast %broadcast_in_dim3A_2054 : vector<16xi32> to vector<16x1xi32>
    %gather3A_2056 = vector.shape_cast %broadcast_in_dim3A_2055 : vector<16x1xi32> to vector<16xi32>
    %gather3A_2057 = tpu.dynamic_gather %get3A_2052[%gather3A_2056] in [0] : vector<16xf32>, vector<16xi32> -> vector<16xf32>
    %get3A_2058 = arith.constant 2 : i32
    %get3A_2059 = arith.index_cast %get3A_2058 : i32 to index
    %get3A_2060 = arith.index_cast %add3A_2037 : i32 to index
    %get3A_2061 = tpu.vector_load %arg8[%get3A_2059, %get3A_2060] {strides = array<i32>} : memref<3x4096xf32, #tpu.memory_space<vmem>>, vector<1x16xf32>,
    %get3A_2062 = vector.shape_cast %get3A_2061 : vector<1x16xf32> to vector<16xf32>
    %broadcast_in_dim3A_2063 = arith.constant 12 : i32
    %broadcast_in_dim3A_2064 = vector.broadcast %broadcast_in_dim3A_2063 : i32 to vector<16xi32>
    %broadcast_in_dim3A_2065 = vector.shape_cast %broadcast_in_dim3A_2064 : vector<16xi32> to vector<16x1xi32>
    %gather3A_2066 = vector.shape_cast %broadcast_in_dim3A_2065 : vector<16x1xi32> to vector<16xi32>
    %gather3A_2067 = tpu.dynamic_gather %get3A_2062[%gather3A_2066] in [0] : vector<16xf32>, vector<16xi32> -> vector<16xf32>
    %mul3A_2068 = arith.constant -2.000000e+00 : f32
    %mul3A_2069 = vector.broadcast %mul3A_2068 : f32 to vector<16xf32>
    %mul3A_2070 = arith.mulf %gather3A_2047, %mul3A_2069 : vector<16xf32>
    %mul3A_2071 = arith.constant -2.000000e+00 : f32
    %mul3A_2072 = vector.broadcast %mul3A_2071 : f32 to vector<16xf32>
    %mul3A_2073 = arith.mulf %gather3A_2057, %mul3A_2072 : vector<16xf32>
    %mul3A_2074 = arith.constant -2.000000e+00 : f32
    %mul3A_2075 = vector.broadcast %mul3A_2074 : f32 to vector<16xf32>
    %mul3A_2076 = arith.mulf %gather3A_2067, %mul3A_2075 : vector<16xf32>
    %mul3A_2077 = arith.mulf %gather3A_2047, %gather3A_2047 : vector<16xf32>
    %mul3A_2078 = arith.mulf %mul3A_2077, %mul3A_20 : vector<16xf32>
    %mul3A_2079 = arith.mulf %gather3A_2057, %gather3A_2057 : vector<16xf32>
    %mul3A_2080 = arith.mulf %mul3A_2079, %mul3A_21 : vector<16xf32>
    %add3A_2081 = arith.addf %mul3A_2078, %mul3A_2080 : vector<16xf32>
    %mul3A_2082 = arith.mulf %gather3A_2067, %gather3A_2067 : vector<16xf32>
    %mul3A_2083 = arith.mulf %mul3A_2082, %mul3A_22 : vector<16xf32>
    %add3A_2084 = arith.addf %add3A_2081, %mul3A_2083 : vector<16xf32>
    %add3A_2085 = arith.constant 0 : i32
    %add3A_2086 = arith.addi %add3A_4, %add3A_2085 : i32
    %get3A_2087 = arith.constant 0 : i32
    %get3A_2088 = arith.index_cast %get3A_2087 : i32 to index
    %get3A_2089 = arith.index_cast %add3A_2086 : i32 to index
    %get3A_2090 = tpu.vector_load %arg8[%get3A_2088, %get3A_2089] {strides = array<i32>} : memref<3x4096xf32, #tpu.memory_space<vmem>>, vector<1x16xf32>,
    %get3A_2091 = vector.shape_cast %get3A_2090 : vector<1x16xf32> to vector<16xf32>
    %broadcast_in_dim3A_2092 = arith.constant 13 : i32
    %broadcast_in_dim3A_2093 = vector.broadcast %broadcast_in_dim3A_2092 : i32 to vector<16xi32>
    %broadcast_in_dim3A_2094 = vector.shape_cast %broadcast_in_dim3A_2093 : vector<16xi32> to vector<16x1xi32>
    %gather3A_2095 = vector.shape_cast %broadcast_in_dim3A_2094 : vector<16x1xi32> to vector<16xi32>
    %gather3A_2096 = tpu.dynamic_gather %get3A_2091[%gather3A_2095] in [0] : vector<16xf32>, vector<16xi32> -> vector<16xf32>
    %get3A_2097 = arith.constant 1 : i32
    %get3A_2098 = arith.index_cast %get3A_2097 : i32 to index
    %get3A_2099 = arith.index_cast %add3A_2086 : i32 to index
    %get3A_2100 = tpu.vector_load %arg8[%get3A_2098, %get3A_2099] {strides = array<i32>} : memref<3x4096xf32, #tpu.memory_space<vmem>>, vector<1x16xf32>,
    %get3A_2101 = vector.shape_cast %get3A_2100 : vector<1x16xf32> to vector<16xf32>
    %broadcast_in_dim3A_2102 = arith.constant 13 : i32
    %broadcast_in_dim3A_2103 = vector.broadcast %broadcast_in_dim3A_2102 : i32 to vector<16xi32>
    %broadcast_in_dim3A_2104 = vector.shape_cast %broadcast_in_dim3A_2103 : vector<16xi32> to vector<16x1xi32>
    %gather3A_2105 = vector.shape_cast %broadcast_in_dim3A_2104 : vector<16x1xi32> to vector<16xi32>
    %gather3A_2106 = tpu.dynamic_gather %get3A_2101[%gather3A_2105] in [0] : vector<16xf32>, vector<16xi32> -> vector<16xf32>
    %get3A_2107 = arith.constant 2 : i32
    %get3A_2108 = arith.index_cast %get3A_2107 : i32 to index
    %get3A_2109 = arith.index_cast %add3A_2086 : i32 to index
    %get3A_2110 = tpu.vector_load %arg8[%get3A_2108, %get3A_2109] {strides = array<i32>} : memref<3x4096xf32, #tpu.memory_space<vmem>>, vector<1x16xf32>,
    %get3A_2111 = vector.shape_cast %get3A_2110 : vector<1x16xf32> to vector<16xf32>
    %broadcast_in_dim3A_2112 = arith.constant 13 : i32
    %broadcast_in_dim3A_2113 = vector.broadcast %broadcast_in_dim3A_2112 : i32 to vector<16xi32>
    %broadcast_in_dim3A_2114 = vector.shape_cast %broadcast_in_dim3A_2113 : vector<16xi32> to vector<16x1xi32>
    %gather3A_2115 = vector.shape_cast %broadcast_in_dim3A_2114 : vector<16x1xi32> to vector<16xi32>
    %gather3A_2116 = tpu.dynamic_gather %get3A_2111[%gather3A_2115] in [0] : vector<16xf32>, vector<16xi32> -> vector<16xf32>
    %mul3A_2117 = arith.constant -2.000000e+00 : f32
    %mul3A_2118 = vector.broadcast %mul3A_2117 : f32 to vector<16xf32>
    %mul3A_2119 = arith.mulf %gather3A_2096, %mul3A_2118 : vector<16xf32>
    %mul3A_2120 = arith.constant -2.000000e+00 : f32
    %mul3A_2121 = vector.broadcast %mul3A_2120 : f32 to vector<16xf32>
    %mul3A_2122 = arith.mulf %gather3A_2106, %mul3A_2121 : vector<16xf32>
    %mul3A_2123 = arith.constant -2.000000e+00 : f32
    %mul3A_2124 = vector.broadcast %mul3A_2123 : f32 to vector<16xf32>
    %mul3A_2125 = arith.mulf %gather3A_2116, %mul3A_2124 : vector<16xf32>
    %mul3A_2126 = arith.mulf %gather3A_2096, %gather3A_2096 : vector<16xf32>
    %mul3A_2127 = arith.mulf %mul3A_2126, %mul3A_20 : vector<16xf32>
    %mul3A_2128 = arith.mulf %gather3A_2106, %gather3A_2106 : vector<16xf32>
    %mul3A_2129 = arith.mulf %mul3A_2128, %mul3A_21 : vector<16xf32>
    %add3A_2130 = arith.addf %mul3A_2127, %mul3A_2129 : vector<16xf32>
    %mul3A_2131 = arith.mulf %gather3A_2116, %gather3A_2116 : vector<16xf32>
    %mul3A_2132 = arith.mulf %mul3A_2131, %mul3A_22 : vector<16xf32>
    %add3A_2133 = arith.addf %add3A_2130, %mul3A_2132 : vector<16xf32>
    %add3A_2134 = arith.constant 0 : i32
    %add3A_2135 = arith.addi %add3A_4, %add3A_2134 : i32
    %get3A_2136 = arith.constant 0 : i32
    %get3A_2137 = arith.index_cast %get3A_2136 : i32 to index
    %get3A_2138 = arith.index_cast %add3A_2135 : i32 to index
    %get3A_2139 = tpu.vector_load %arg8[%get3A_2137, %get3A_2138] {strides = array<i32>} : memref<3x4096xf32, #tpu.memory_space<vmem>>, vector<1x16xf32>,
    %get3A_2140 = vector.shape_cast %get3A_2139 : vector<1x16xf32> to vector<16xf32>
    %broadcast_in_dim3A_2141 = arith.constant 14 : i32
    %broadcast_in_dim3A_2142 = vector.broadcast %broadcast_in_dim3A_2141 : i32 to vector<16xi32>
    %broadcast_in_dim3A_2143 = vector.shape_cast %broadcast_in_dim3A_2142 : vector<16xi32> to vector<16x1xi32>
    %gather3A_2144 = vector.shape_cast %broadcast_in_dim3A_2143 : vector<16x1xi32> to vector<16xi32>
    %gather3A_2145 = tpu.dynamic_gather %get3A_2140[%gather3A_2144] in [0] : vector<16xf32>, vector<16xi32> -> vector<16xf32>
    %get3A_2146 = arith.constant 1 : i32
    %get3A_2147 = arith.index_cast %get3A_2146 : i32 to index
    %get3A_2148 = arith.index_cast %add3A_2135 : i32 to index
    %get3A_2149 = tpu.vector_load %arg8[%get3A_2147, %get3A_2148] {strides = array<i32>} : memref<3x4096xf32, #tpu.memory_space<vmem>>, vector<1x16xf32>,
    %get3A_2150 = vector.shape_cast %get3A_2149 : vector<1x16xf32> to vector<16xf32>
    %broadcast_in_dim3A_2151 = arith.constant 14 : i32
    %broadcast_in_dim3A_2152 = vector.broadcast %broadcast_in_dim3A_2151 : i32 to vector<16xi32>
    %broadcast_in_dim3A_2153 = vector.shape_cast %broadcast_in_dim3A_2152 : vector<16xi32> to vector<16x1xi32>
    %gather3A_2154 = vector.shape_cast %broadcast_in_dim3A_2153 : vector<16x1xi32> to vector<16xi32>
    %gather3A_2155 = tpu.dynamic_gather %get3A_2150[%gather3A_2154] in [0] : vector<16xf32>, vector<16xi32> -> vector<16xf32>
    %get3A_2156 = arith.constant 2 : i32
    %get3A_2157 = arith.index_cast %get3A_2156 : i32 to index
    %get3A_2158 = arith.index_cast %add3A_2135 : i32 to index
    %get3A_2159 = tpu.vector_load %arg8[%get3A_2157, %get3A_2158] {strides = array<i32>} : memref<3x4096xf32, #tpu.memory_space<vmem>>, vector<1x16xf32>,
    %get3A_2160 = vector.shape_cast %get3A_2159 : vector<1x16xf32> to vector<16xf32>
    %broadcast_in_dim3A_2161 = arith.constant 14 : i32
    %broadcast_in_dim3A_2162 = vector.broadcast %broadcast_in_dim3A_2161 : i32 to vector<16xi32>
    %broadcast_in_dim3A_2163 = vector.shape_cast %broadcast_in_dim3A_2162 : vector<16xi32> to vector<16x1xi32>
    %gather3A_2164 = vector.shape_cast %broadcast_in_dim3A_2163 : vector<16x1xi32> to vector<16xi32>
    %gather3A_2165 = tpu.dynamic_gather %get3A_2160[%gather3A_2164] in [0] : vector<16xf32>, vector<16xi32> -> vector<16xf32>
    %mul3A_2166 = arith.constant -2.000000e+00 : f32
    %mul3A_2167 = vector.broadcast %mul3A_2166 : f32 to vector<16xf32>
    %mul3A_2168 = arith.mulf %gather3A_2145, %mul3A_2167 : vector<16xf32>
    %mul3A_2169 = arith.constant -2.000000e+00 : f32
    %mul3A_2170 = vector.broadcast %mul3A_2169 : f32 to vector<16xf32>
    %mul3A_2171 = arith.mulf %gather3A_2155, %mul3A_2170 : vector<16xf32>
    %mul3A_2172 = arith.constant -2.000000e+00 : f32
    %mul3A_2173 = vector.broadcast %mul3A_2172 : f32 to vector<16xf32>
    %mul3A_2174 = arith.mulf %gather3A_2165, %mul3A_2173 : vector<16xf32>
    %mul3A_2175 = arith.mulf %gather3A_2145, %gather3A_2145 : vector<16xf32>
    %mul3A_2176 = arith.mulf %mul3A_2175, %mul3A_20 : vector<16xf32>
    %mul3A_2177 = arith.mulf %gather3A_2155, %gather3A_2155 : vector<16xf32>
    %mul3A_2178 = arith.mulf %mul3A_2177, %mul3A_21 : vector<16xf32>
    %add3A_2179 = arith.addf %mul3A_2176, %mul3A_2178 : vector<16xf32>
    %mul3A_2180 = arith.mulf %gather3A_2165, %gather3A_2165 : vector<16xf32>
    %mul3A_2181 = arith.mulf %mul3A_2180, %mul3A_22 : vector<16xf32>
    %add3A_2182 = arith.addf %add3A_2179, %mul3A_2181 : vector<16xf32>
    %add3A_2183 = arith.constant 0 : i32
    %add3A_2184 = arith.addi %add3A_4, %add3A_2183 : i32
    %get3A_2185 = arith.constant 0 : i32
    %get3A_2186 = arith.index_cast %get3A_2185 : i32 to index
    %get3A_2187 = arith.index_cast %add3A_2184 : i32 to index
    %get3A_2188 = tpu.vector_load %arg8[%get3A_2186, %get3A_2187] {strides = array<i32>} : memref<3x4096xf32, #tpu.memory_space<vmem>>, vector<1x16xf32>,
    %get3A_2189 = vector.shape_cast %get3A_2188 : vector<1x16xf32> to vector<16xf32>
    %broadcast_in_dim3A_2190 = arith.constant 15 : i32
    %broadcast_in_dim3A_2191 = vector.broadcast %broadcast_in_dim3A_2190 : i32 to vector<16xi32>
    %broadcast_in_dim3A_2192 = vector.shape_cast %broadcast_in_dim3A_2191 : vector<16xi32> to vector<16x1xi32>
    %gather3A_2193 = vector.shape_cast %broadcast_in_dim3A_2192 : vector<16x1xi32> to vector<16xi32>
    %gather3A_2194 = tpu.dynamic_gather %get3A_2189[%gather3A_2193] in [0] : vector<16xf32>, vector<16xi32> -> vector<16xf32>
    %get3A_2195 = arith.constant 1 : i32
    %get3A_2196 = arith.index_cast %get3A_2195 : i32 to index
    %get3A_2197 = arith.index_cast %add3A_2184 : i32 to index
    %get3A_2198 = tpu.vector_load %arg8[%get3A_2196, %get3A_2197] {strides = array<i32>} : memref<3x4096xf32, #tpu.memory_space<vmem>>, vector<1x16xf32>,
    %get3A_2199 = vector.shape_cast %get3A_2198 : vector<1x16xf32> to vector<16xf32>
    %broadcast_in_dim3A_2200 = arith.constant 15 : i32
    %broadcast_in_dim3A_2201 = vector.broadcast %broadcast_in_dim3A_2200 : i32 to vector<16xi32>
    %broadcast_in_dim3A_2202 = vector.shape_cast %broadcast_in_dim3A_2201 : vector<16xi32> to vector<16x1xi32>
    %gather3A_2203 = vector.shape_cast %broadcast_in_dim3A_2202 : vector<16x1xi32> to vector<16xi32>
    %gather3A_2204 = tpu.dynamic_gather %get3A_2199[%gather3A_2203] in [0] : vector<16xf32>, vector<16xi32> -> vector<16xf32>
    %get3A_2205 = arith.constant 2 : i32
    %get3A_2206 = arith.index_cast %get3A_2205 : i32 to index
    %get3A_2207 = arith.index_cast %add3A_2184 : i32 to index
    %get3A_2208 = tpu.vector_load %arg8[%get3A_2206, %get3A_2207] {strides = array<i32>} : memref<3x4096xf32, #tpu.memory_space<vmem>>, vector<1x16xf32>,
    %get3A_2209 = vector.shape_cast %get3A_2208 : vector<1x16xf32> to vector<16xf32>
    %broadcast_in_dim3A_2210 = arith.constant 15 : i32
    %broadcast_in_dim3A_2211 = vector.broadcast %broadcast_in_dim3A_2210 : i32 to vector<16xi32>
    %broadcast_in_dim3A_2212 = vector.shape_cast %broadcast_in_dim3A_2211 : vector<16xi32> to vector<16x1xi32>
    %gather3A_2213 = vector.shape_cast %broadcast_in_dim3A_2212 : vector<16x1xi32> to vector<16xi32>
    %gather3A_2214 = tpu.dynamic_gather %get3A_2209[%gather3A_2213] in [0] : vector<16xf32>, vector<16xi32> -> vector<16xf32>
    %mul3A_2215 = arith.constant -2.000000e+00 : f32
    %mul3A_2216 = vector.broadcast %mul3A_2215 : f32 to vector<16xf32>
    %mul3A_2217 = arith.mulf %gather3A_2194, %mul3A_2216 : vector<16xf32>
    %mul3A_2218 = arith.constant -2.000000e+00 : f32
    %mul3A_2219 = vector.broadcast %mul3A_2218 : f32 to vector<16xf32>
    %mul3A_2220 = arith.mulf %gather3A_2204, %mul3A_2219 : vector<16xf32>
    %mul3A_2221 = arith.constant -2.000000e+00 : f32
    %mul3A_2222 = vector.broadcast %mul3A_2221 : f32 to vector<16xf32>
    %mul3A_2223 = arith.mulf %gather3A_2214, %mul3A_2222 : vector<16xf32>
    %mul3A_2224 = arith.mulf %gather3A_2194, %gather3A_2194 : vector<16xf32>
    %mul3A_2225 = arith.mulf %mul3A_2224, %mul3A_20 : vector<16xf32>
    %mul3A_2226 = arith.mulf %gather3A_2204, %gather3A_2204 : vector<16xf32>
    %mul3A_2227 = arith.mulf %mul3A_2226, %mul3A_21 : vector<16xf32>
    %add3A_2228 = arith.addf %mul3A_2225, %mul3A_2227 : vector<16xf32>
    %mul3A_2229 = arith.mulf %gather3A_2214, %gather3A_2214 : vector<16xf32>
    %mul3A_2230 = arith.mulf %mul3A_2229, %mul3A_22 : vector<16xf32>
    %add3A_2231 = arith.addf %add3A_2228, %mul3A_2230 : vector<16xf32>
    %broadcast_in_dim3A_2232 = arith.constant 0xFF800000 : f32
    %broadcast_in_dim3A_2233 = vector.broadcast %broadcast_in_dim3A_2232 : f32 to vector<16xf32>
    %broadcast_in_dim3A_2234 = arith.constant 0xFF800000 : f32
    %broadcast_in_dim3A_2235 = vector.broadcast %broadcast_in_dim3A_2234 : f32 to vector<16xf32>
    %broadcast_in_dim3A_2236 = arith.constant 0xFF800000 : f32
    %broadcast_in_dim3A_2237 = vector.broadcast %broadcast_in_dim3A_2236 : f32 to vector<16xf32>
    %broadcast_in_dim3A_2238 = arith.constant 0xFF800000 : f32
    %broadcast_in_dim3A_2239 = vector.broadcast %broadcast_in_dim3A_2238 : f32 to vector<16xf32>
    %broadcast_in_dim3A_2240 = arith.constant 0xFF800000 : f32
    %broadcast_in_dim3A_2241 = vector.broadcast %broadcast_in_dim3A_2240 : f32 to vector<16xf32>
    %broadcast_in_dim3A_2242 = arith.constant 0xFF800000 : f32
    %broadcast_in_dim3A_2243 = vector.broadcast %broadcast_in_dim3A_2242 : f32 to vector<16xf32>
    %broadcast_in_dim3A_2244 = arith.constant 0xFF800000 : f32
    %broadcast_in_dim3A_2245 = vector.broadcast %broadcast_in_dim3A_2244 : f32 to vector<16xf32>
    %broadcast_in_dim3A_2246 = arith.constant 0xFF800000 : f32
    %broadcast_in_dim3A_2247 = vector.broadcast %broadcast_in_dim3A_2246 : f32 to vector<16xf32>
    %scan3A_2248 = arith.constant 0 : i32
    %scan3A_2249 = arith.constant 256 : i32
    %scan3A_2250 = arith.addi %scan3A_2248, %scan3A_2249 : i32
    %scan3A_2251 = arith.constant 1 : i32
    %scan3A_2252:8 = scf.for %scan3A_3621 = %scan3A_2248 to %scan3A_2250 step %scan3A_2251 iter_args(%scan3A_3622 = %broadcast_in_dim3A_2233, %scan3A_3623 = %broadcast_in_dim3A_2235, %scan3A_3624 = %broadcast_in_dim3A_2237, %scan3A_3625 = %broadcast_in_dim3A_2239, %scan3A_3626 = %broadcast_in_dim3A_2241, %scan3A_3627 = %broadcast_in_dim3A_2243, %scan3A_3628 = %broadcast_in_dim3A_2245, %scan3A_3629 = %broadcast_in_dim3A_2247) -> (vector<16xf32>, vector<16xf32>, vector<16xf32>, vector<16xf32>, vector<16xf32>, vector<16xf32>, vector<16xf32>, vector<16xf32>)  : i32 {
      %mul3A_3630 = arith.constant 16 : i32
      %mul3A_3631 = arith.muli %scan3A_3621, %mul3A_3630 : i32
      %get3A_3632 = arith.constant 0 : i32
      %get3A_3633 = arith.index_cast %get3A_3632 : i32 to index
      %get3A_3634 = arith.index_cast %mul3A_3631 : i32 to index
      %get3A_3635 = tpu.vector_load %arg9[%get3A_3633, %get3A_3634] {strides = array<i32>} : memref<4x4096xf32, #tpu.memory_space<vmem>>, vector<1x16xf32>,
      %get3A_3636 = vector.shape_cast %get3A_3635 : vector<1x16xf32> to vector<16xf32>
      %get3A_3637 = arith.constant 1 : i32
      %get3A_3638 = arith.index_cast %get3A_3637 : i32 to index
      %get3A_3639 = arith.index_cast %mul3A_3631 : i32 to index
      %get3A_3640 = tpu.vector_load %arg9[%get3A_3638, %get3A_3639] {strides = array<i32>} : memref<4x4096xf32, #tpu.memory_space<vmem>>, vector<1x16xf32>,
      %get3A_3641 = vector.shape_cast %get3A_3640 : vector<1x16xf32> to vector<16xf32>
      %get3A_3642 = arith.constant 2 : i32
      %get3A_3643 = arith.index_cast %get3A_3642 : i32 to index
      %get3A_3644 = arith.index_cast %mul3A_3631 : i32 to index
      %get3A_3645 = tpu.vector_load %arg9[%get3A_3643, %get3A_3644] {strides = array<i32>} : memref<4x4096xf32, #tpu.memory_space<vmem>>, vector<1x16xf32>,
      %get3A_3646 = vector.shape_cast %get3A_3645 : vector<1x16xf32> to vector<16xf32>
      %get3A_3647 = arith.constant 3 : i32
      %get3A_3648 = arith.index_cast %get3A_3647 : i32 to index
      %get3A_3649 = arith.index_cast %mul3A_3631 : i32 to index
      %get3A_3650 = tpu.vector_load %arg9[%get3A_3648, %get3A_3649] {strides = array<i32>} : memref<4x4096xf32, #tpu.memory_space<vmem>>, vector<1x16xf32>,
      %get3A_3651 = vector.shape_cast %get3A_3650 : vector<1x16xf32> to vector<16xf32>
      %mul3A_3652 = arith.mulf %get3A_3636, %mul3A_1874 : vector<16xf32>
      %add3A_3653 = arith.addf %get3A_3651, %mul3A_3652 : vector<16xf32>
      %mul3A_3654 = arith.mulf %get3A_3641, %mul3A_1877 : vector<16xf32>
      %add3A_3655 = arith.addf %add3A_3653, %mul3A_3654 : vector<16xf32>
      %mul3A_3656 = arith.mulf %get3A_3646, %mul3A_1880 : vector<16xf32>
      %add3A_3657 = arith.addf %add3A_3655, %mul3A_3656 : vector<16xf32>
      %get3A_3658 = arith.constant 0 : i32
      %get3A_3659 = arith.index_cast %get3A_3658 : i32 to index
      %get3A_3660 = arith.index_cast %mul3A_3631 : i32 to index
      %get3A_3661 = tpu.vector_load %arg10[%get3A_3659, %get3A_3660] {strides = array<i32>} : memref<8x4096xi32, #tpu.memory_space<vmem>>, vector<1x16xi32>,
      %get3A_3662 = vector.shape_cast %get3A_3661 : vector<1x16xi32> to vector<16xi32>
      %ne3A = arith.constant 0 : i32
      %ne3A_3663 = vector.broadcast %ne3A : i32 to vector<16xi32>
      %ne3A_3664 = arith.cmpi ne, %get3A_3662, %ne3A_3663 : vector<16xi32>
      %jit3A_3665 = arith.constant 0xFF800000 : f32
      %broadcast_in_dim3A_3666 = vector.broadcast %jit3A_3665 : f32 to vector<16xf32>
      %select_n3A_3667 = arith.select %ne3A_3664, %add3A_3657, %broadcast_in_dim3A_3666 : vector<16xi1>, vector<16xf32>
      %max3A_3668 = arith.maximumf %scan3A_3622, %select_n3A_3667 : vector<16xf32>
      %mul3A_3669 = arith.mulf %get3A_3636, %mul3A_1923 : vector<16xf32>
      %add3A_3670 = arith.addf %get3A_3651, %mul3A_3669 : vector<16xf32>
      %mul3A_3671 = arith.mulf %get3A_3641, %mul3A_1926 : vector<16xf32>
      %add3A_3672 = arith.addf %add3A_3670, %mul3A_3671 : vector<16xf32>
      %mul3A_3673 = arith.mulf %get3A_3646, %mul3A_1929 : vector<16xf32>
      %add3A_3674 = arith.addf %add3A_3672, %mul3A_3673 : vector<16xf32>
      %get3A_3675 = arith.constant 1 : i32
      %get3A_3676 = arith.index_cast %get3A_3675 : i32 to index
      %get3A_3677 = arith.index_cast %mul3A_3631 : i32 to index
      %get3A_3678 = tpu.vector_load %arg10[%get3A_3676, %get3A_3677] {strides = array<i32>} : memref<8x4096xi32, #tpu.memory_space<vmem>>, vector<1x16xi32>,
      %get3A_3679 = vector.shape_cast %get3A_3678 : vector<1x16xi32> to vector<16xi32>
      %ne3A_3680 = arith.constant 0 : i32
      %ne3A_3681 = vector.broadcast %ne3A_3680 : i32 to vector<16xi32>
      %ne3A_3682 = arith.cmpi ne, %get3A_3679, %ne3A_3681 : vector<16xi32>
      %jit3A_3683 = arith.constant 0xFF800000 : f32
      %broadcast_in_dim3A_3684 = vector.broadcast %jit3A_3683 : f32 to vector<16xf32>
      %select_n3A_3685 = arith.select %ne3A_3682, %add3A_3674, %broadcast_in_dim3A_3684 : vector<16xi1>, vector<16xf32>
      %max3A_3686 = arith.maximumf %scan3A_3623, %select_n3A_3685 : vector<16xf32>
      %mul3A_3687 = arith.mulf %get3A_3636, %mul3A_1972 : vector<16xf32>
      %add3A_3688 = arith.addf %get3A_3651, %mul3A_3687 : vector<16xf32>
      %mul3A_3689 = arith.mulf %get3A_3641, %mul3A_1975 : vector<16xf32>
      %add3A_3690 = arith.addf %add3A_3688, %mul3A_3689 : vector<16xf32>
      %mul3A_3691 = arith.mulf %get3A_3646, %mul3A_1978 : vector<16xf32>
      %add3A_3692 = arith.addf %add3A_3690, %mul3A_3691 : vector<16xf32>
      %get3A_3693 = arith.constant 2 : i32
      %get3A_3694 = arith.index_cast %get3A_3693 : i32 to index
      %get3A_3695 = arith.index_cast %mul3A_3631 : i32 to index
      %get3A_3696 = tpu.vector_load %arg10[%get3A_3694, %get3A_3695] {strides = array<i32>} : memref<8x4096xi32, #tpu.memory_space<vmem>>, vector<1x16xi32>,
      %get3A_3697 = vector.shape_cast %get3A_3696 : vector<1x16xi32> to vector<16xi32>
      %ne3A_3698 = arith.constant 0 : i32
      %ne3A_3699 = vector.broadcast %ne3A_3698 : i32 to vector<16xi32>
      %ne3A_3700 = arith.cmpi ne, %get3A_3697, %ne3A_3699 : vector<16xi32>
      %jit3A_3701 = arith.constant 0xFF800000 : f32
      %broadcast_in_dim3A_3702 = vector.broadcast %jit3A_3701 : f32 to vector<16xf32>
      %select_n3A_3703 = arith.select %ne3A_3700, %add3A_3692, %broadcast_in_dim3A_3702 : vector<16xi1>, vector<16xf32>
      %max3A_3704 = arith.maximumf %scan3A_3624, %select_n3A_3703 : vector<16xf32>
      %mul3A_3705 = arith.mulf %get3A_3636, %mul3A_2021 : vector<16xf32>
      %add3A_3706 = arith.addf %get3A_3651, %mul3A_3705 : vector<16xf32>
      %mul3A_3707 = arith.mulf %get3A_3641, %mul3A_2024 : vector<16xf32>
      %add3A_3708 = arith.addf %add3A_3706, %mul3A_3707 : vector<16xf32>
      %mul3A_3709 = arith.mulf %get3A_3646, %mul3A_2027 : vector<16xf32>
      %add3A_3710 = arith.addf %add3A_3708, %mul3A_3709 : vector<16xf32>
      %get3A_3711 = arith.constant 3 : i32
      %get3A_3712 = arith.index_cast %get3A_3711 : i32 to index
      %get3A_3713 = arith.index_cast %mul3A_3631 : i32 to index
      %get3A_3714 = tpu.vector_load %arg10[%get3A_3712, %get3A_3713] {strides = array<i32>} : memref<8x4096xi32, #tpu.memory_space<vmem>>, vector<1x16xi32>,
      %get3A_3715 = vector.shape_cast %get3A_3714 : vector<1x16xi32> to vector<16xi32>
      %ne3A_3716 = arith.constant 0 : i32
      %ne3A_3717 = vector.broadcast %ne3A_3716 : i32 to vector<16xi32>
      %ne3A_3718 = arith.cmpi ne, %get3A_3715, %ne3A_3717 : vector<16xi32>
      %jit3A_3719 = arith.constant 0xFF800000 : f32
      %broadcast_in_dim3A_3720 = vector.broadcast %jit3A_3719 : f32 to vector<16xf32>
      %select_n3A_3721 = arith.select %ne3A_3718, %add3A_3710, %broadcast_in_dim3A_3720 : vector<16xi1>, vector<16xf32>
      %max3A_3722 = arith.maximumf %scan3A_3625, %select_n3A_3721 : vector<16xf32>
      %mul3A_3723 = arith.mulf %get3A_3636, %mul3A_2070 : vector<16xf32>
      %add3A_3724 = arith.addf %get3A_3651, %mul3A_3723 : vector<16xf32>
      %mul3A_3725 = arith.mulf %get3A_3641, %mul3A_2073 : vector<16xf32>
      %add3A_3726 = arith.addf %add3A_3724, %mul3A_3725 : vector<16xf32>
      %mul3A_3727 = arith.mulf %get3A_3646, %mul3A_2076 : vector<16xf32>
      %add3A_3728 = arith.addf %add3A_3726, %mul3A_3727 : vector<16xf32>
      %get3A_3729 = arith.constant 4 : i32
      %get3A_3730 = arith.index_cast %get3A_3729 : i32 to index
      %get3A_3731 = arith.index_cast %mul3A_3631 : i32 to index
      %get3A_3732 = tpu.vector_load %arg10[%get3A_3730, %get3A_3731] {strides = array<i32>} : memref<8x4096xi32, #tpu.memory_space<vmem>>, vector<1x16xi32>,
      %get3A_3733 = vector.shape_cast %get3A_3732 : vector<1x16xi32> to vector<16xi32>
      %ne3A_3734 = arith.constant 0 : i32
      %ne3A_3735 = vector.broadcast %ne3A_3734 : i32 to vector<16xi32>
      %ne3A_3736 = arith.cmpi ne, %get3A_3733, %ne3A_3735 : vector<16xi32>
      %jit3A_3737 = arith.constant 0xFF800000 : f32
      %broadcast_in_dim3A_3738 = vector.broadcast %jit3A_3737 : f32 to vector<16xf32>
      %select_n3A_3739 = arith.select %ne3A_3736, %add3A_3728, %broadcast_in_dim3A_3738 : vector<16xi1>, vector<16xf32>
      %max3A_3740 = arith.maximumf %scan3A_3626, %select_n3A_3739 : vector<16xf32>
      %mul3A_3741 = arith.mulf %get3A_3636, %mul3A_2119 : vector<16xf32>
      %add3A_3742 = arith.addf %get3A_3651, %mul3A_3741 : vector<16xf32>
      %mul3A_3743 = arith.mulf %get3A_3641, %mul3A_2122 : vector<16xf32>
      %add3A_3744 = arith.addf %add3A_3742, %mul3A_3743 : vector<16xf32>
      %mul3A_3745 = arith.mulf %get3A_3646, %mul3A_2125 : vector<16xf32>
      %add3A_3746 = arith.addf %add3A_3744, %mul3A_3745 : vector<16xf32>
      %get3A_3747 = arith.constant 5 : i32
      %get3A_3748 = arith.index_cast %get3A_3747 : i32 to index
      %get3A_3749 = arith.index_cast %mul3A_3631 : i32 to index
      %get3A_3750 = tpu.vector_load %arg10[%get3A_3748, %get3A_3749] {strides = array<i32>} : memref<8x4096xi32, #tpu.memory_space<vmem>>, vector<1x16xi32>,
      %get3A_3751 = vector.shape_cast %get3A_3750 : vector<1x16xi32> to vector<16xi32>
      %ne3A_3752 = arith.constant 0 : i32
      %ne3A_3753 = vector.broadcast %ne3A_3752 : i32 to vector<16xi32>
      %ne3A_3754 = arith.cmpi ne, %get3A_3751, %ne3A_3753 : vector<16xi32>
      %jit3A_3755 = arith.constant 0xFF800000 : f32
      %broadcast_in_dim3A_3756 = vector.broadcast %jit3A_3755 : f32 to vector<16xf32>
      %select_n3A_3757 = arith.select %ne3A_3754, %add3A_3746, %broadcast_in_dim3A_3756 : vector<16xi1>, vector<16xf32>
      %max3A_3758 = arith.maximumf %scan3A_3627, %select_n3A_3757 : vector<16xf32>
      %mul3A_3759 = arith.mulf %get3A_3636, %mul3A_2168 : vector<16xf32>
      %add3A_3760 = arith.addf %get3A_3651, %mul3A_3759 : vector<16xf32>
      %mul3A_3761 = arith.mulf %get3A_3641, %mul3A_2171 : vector<16xf32>
      %add3A_3762 = arith.addf %add3A_3760, %mul3A_3761 : vector<16xf32>
      %mul3A_3763 = arith.mulf %get3A_3646, %mul3A_2174 : vector<16xf32>
      %add3A_3764 = arith.addf %add3A_3762, %mul3A_3763 : vector<16xf32>
      %get3A_3765 = arith.constant 6 : i32
      %get3A_3766 = arith.index_cast %get3A_3765 : i32 to index
      %get3A_3767 = arith.index_cast %mul3A_3631 : i32 to index
      %get3A_3768 = tpu.vector_load %arg10[%get3A_3766, %get3A_3767] {strides = array<i32>} : memref<8x4096xi32, #tpu.memory_space<vmem>>, vector<1x16xi32>,
      %get3A_3769 = vector.shape_cast %get3A_3768 : vector<1x16xi32> to vector<16xi32>
      %ne3A_3770 = arith.constant 0 : i32
      %ne3A_3771 = vector.broadcast %ne3A_3770 : i32 to vector<16xi32>
      %ne3A_3772 = arith.cmpi ne, %get3A_3769, %ne3A_3771 : vector<16xi32>
      %jit3A_3773 = arith.constant 0xFF800000 : f32
      %broadcast_in_dim3A_3774 = vector.broadcast %jit3A_3773 : f32 to vector<16xf32>
      %select_n3A_3775 = arith.select %ne3A_3772, %add3A_3764, %broadcast_in_dim3A_3774 : vector<16xi1>, vector<16xf32>
      %max3A_3776 = arith.maximumf %scan3A_3628, %select_n3A_3775 : vector<16xf32>
      %mul3A_3777 = arith.mulf %get3A_3636, %mul3A_2217 : vector<16xf32>
      %add3A_3778 = arith.addf %get3A_3651, %mul3A_3777 : vector<16xf32>
      %mul3A_3779 = arith.mulf %get3A_3641, %mul3A_2220 : vector<16xf32>
      %add3A_3780 = arith.addf %add3A_3778, %mul3A_3779 : vector<16xf32>
      %mul3A_3781 = arith.mulf %get3A_3646, %mul3A_2223 : vector<16xf32>
      %add3A_3782 = arith.addf %add3A_3780, %mul3A_3781 : vector<16xf32>
      %get3A_3783 = arith.constant 7 : i32
      %get3A_3784 = arith.index_cast %get3A_3783 : i32 to index
      %get3A_3785 = arith.index_cast %mul3A_3631 : i32 to index
      %get3A_3786 = tpu.vector_load %arg10[%get3A_3784, %get3A_3785] {strides = array<i32>} : memref<8x4096xi32, #tpu.memory_space<vmem>>, vector<1x16xi32>,
      %get3A_3787 = vector.shape_cast %get3A_3786 : vector<1x16xi32> to vector<16xi32>
      %ne3A_3788 = arith.constant 0 : i32
      %ne3A_3789 = vector.broadcast %ne3A_3788 : i32 to vector<16xi32>
      %ne3A_3790 = arith.cmpi ne, %get3A_3787, %ne3A_3789 : vector<16xi32>
      %jit3A_3791 = arith.constant 0xFF800000 : f32
      %broadcast_in_dim3A_3792 = vector.broadcast %jit3A_3791 : f32 to vector<16xf32>
      %select_n3A_3793 = arith.select %ne3A_3790, %add3A_3782, %broadcast_in_dim3A_3792 : vector<16xi1>, vector<16xf32>
      %max3A_3794 = arith.maximumf %scan3A_3629, %select_n3A_3793 : vector<16xf32>
      scf.yield %max3A_3668, %max3A_3686, %max3A_3704, %max3A_3722, %max3A_3740, %max3A_3758, %max3A_3776, %max3A_3794 : vector<16xf32>, vector<16xf32>, vector<16xf32>, vector<16xf32>, vector<16xf32>, vector<16xf32>, vector<16xf32>, vector<16xf32>
    }
    %scan3A_2253 = arith.constant 256 : i32
    %xor3A_2254 = arith.constant 8 : i32
    %xor3A_2255 = vector.broadcast %xor3A_2254 : i32 to vector<16xi32>
    %xor3A_2256 = arith.xori %iota3A, %xor3A_2255 : vector<16xi32>
    %broadcast_in_dim3A_2257 = vector.shape_cast %xor3A_2256 : vector<16xi32> to vector<16x1xi32>
    %gather3A_2258 = vector.shape_cast %broadcast_in_dim3A_2257 : vector<16x1xi32> to vector<16xi32>
    %gather3A_2259 = tpu.dynamic_gather %scan3A_2252#0[%gather3A_2258] in [0] : vector<16xf32>, vector<16xi32> -> vector<16xf32>
    %max3A_2260 = arith.maximumf %scan3A_2252#0, %gather3A_2259 : vector<16xf32>
    %xor3A_2261 = arith.constant 4 : i32
    %xor3A_2262 = vector.broadcast %xor3A_2261 : i32 to vector<16xi32>
    %xor3A_2263 = arith.xori %iota3A, %xor3A_2262 : vector<16xi32>
    %broadcast_in_dim3A_2264 = vector.shape_cast %xor3A_2263 : vector<16xi32> to vector<16x1xi32>
    %gather3A_2265 = vector.shape_cast %broadcast_in_dim3A_2264 : vector<16x1xi32> to vector<16xi32>
    %gather3A_2266 = tpu.dynamic_gather %max3A_2260[%gather3A_2265] in [0] : vector<16xf32>, vector<16xi32> -> vector<16xf32>
    %max3A_2267 = arith.maximumf %max3A_2260, %gather3A_2266 : vector<16xf32>
    %xor3A_2268 = arith.constant 2 : i32
    %xor3A_2269 = vector.broadcast %xor3A_2268 : i32 to vector<16xi32>
    %xor3A_2270 = arith.xori %iota3A, %xor3A_2269 : vector<16xi32>
    %broadcast_in_dim3A_2271 = vector.shape_cast %xor3A_2270 : vector<16xi32> to vector<16x1xi32>
    %gather3A_2272 = vector.shape_cast %broadcast_in_dim3A_2271 : vector<16x1xi32> to vector<16xi32>
    %gather3A_2273 = tpu.dynamic_gather %max3A_2267[%gather3A_2272] in [0] : vector<16xf32>, vector<16xi32> -> vector<16xf32>
    %max3A_2274 = arith.maximumf %max3A_2267, %gather3A_2273 : vector<16xf32>
    %xor3A_2275 = arith.constant 1 : i32
    %xor3A_2276 = vector.broadcast %xor3A_2275 : i32 to vector<16xi32>
    %xor3A_2277 = arith.xori %iota3A, %xor3A_2276 : vector<16xi32>
    %broadcast_in_dim3A_2278 = vector.shape_cast %xor3A_2277 : vector<16xi32> to vector<16x1xi32>
    %gather3A_2279 = vector.shape_cast %broadcast_in_dim3A_2278 : vector<16x1xi32> to vector<16xi32>
    %gather3A_2280 = tpu.dynamic_gather %max3A_2274[%gather3A_2279] in [0] : vector<16xf32>, vector<16xi32> -> vector<16xf32>
    %max3A_2281 = arith.maximumf %max3A_2274, %gather3A_2280 : vector<16xf32>
    %add3A_2282 = arith.addf %max3A_2281, %add3A_1888 : vector<16xf32>
    %gt3A_2283 = arith.constant 0.000000e+00 : f32
    %gt3A_2284 = vector.broadcast %gt3A_2283 : f32 to vector<16xf32>
    %gt3A_2285 = arith.cmpf ogt, %add3A_2282, %gt3A_2284 : vector<16xf32>
    %jit3A_2286 = arith.constant 1.000000e+00 : f32
    %broadcast_in_dim3A_2287 = vector.broadcast %jit3A_2286 : f32 to vector<16xf32>
    %select_n3A_2288 = arith.select %gt3A_2285, %add3A_2282, %broadcast_in_dim3A_2287 : vector<16xi1>, vector<16xf32>
    %add3A_2289 = arith.constant 1.000000e+00 : f32
    %add3A_2290 = vector.broadcast %add3A_2289 : f32 to vector<16xf32>
    %add3A_2291 = arith.addf %select_n3A_2288, %add3A_2290 : vector<16xf32>
    %mul3A_2292 = arith.constant 5.000000e-01 : f32
    %mul3A_2293 = vector.broadcast %mul3A_2292 : f32 to vector<16xf32>
    %mul3A_2294 = arith.mulf %add3A_2291, %mul3A_2293 : vector<16xf32>
    %div3A_2295 = arith.divf %select_n3A_2288, %mul3A_2294 : vector<16xf32>
    %add3A_2296 = arith.addf %mul3A_2294, %div3A_2295 : vector<16xf32>
    %mul3A_2297 = arith.constant 5.000000e-01 : f32
    %mul3A_2298 = vector.broadcast %mul3A_2297 : f32 to vector<16xf32>
    %mul3A_2299 = arith.mulf %add3A_2296, %mul3A_2298 : vector<16xf32>
    %div3A_2300 = arith.divf %select_n3A_2288, %mul3A_2299 : vector<16xf32>
    %add3A_2301 = arith.addf %mul3A_2299, %div3A_2300 : vector<16xf32>
    %mul3A_2302 = arith.constant 5.000000e-01 : f32
    %mul3A_2303 = vector.broadcast %mul3A_2302 : f32 to vector<16xf32>
    %mul3A_2304 = arith.mulf %add3A_2301, %mul3A_2303 : vector<16xf32>
    %div3A_2305 = arith.divf %select_n3A_2288, %mul3A_2304 : vector<16xf32>
    %add3A_2306 = arith.addf %mul3A_2304, %div3A_2305 : vector<16xf32>
    %mul3A_2307 = arith.constant 5.000000e-01 : f32
    %mul3A_2308 = vector.broadcast %mul3A_2307 : f32 to vector<16xf32>
    %mul3A_2309 = arith.mulf %add3A_2306, %mul3A_2308 : vector<16xf32>
    %div3A_2310 = arith.divf %select_n3A_2288, %mul3A_2309 : vector<16xf32>
    %add3A_2311 = arith.addf %mul3A_2309, %div3A_2310 : vector<16xf32>
    %mul3A_2312 = arith.constant 5.000000e-01 : f32
    %mul3A_2313 = vector.broadcast %mul3A_2312 : f32 to vector<16xf32>
    %mul3A_2314 = arith.mulf %add3A_2311, %mul3A_2313 : vector<16xf32>
    %div3A_2315 = arith.divf %select_n3A_2288, %mul3A_2314 : vector<16xf32>
    %add3A_2316 = arith.addf %mul3A_2314, %div3A_2315 : vector<16xf32>
    %mul3A_2317 = arith.constant 5.000000e-01 : f32
    %mul3A_2318 = vector.broadcast %mul3A_2317 : f32 to vector<16xf32>
    %mul3A_2319 = arith.mulf %add3A_2316, %mul3A_2318 : vector<16xf32>
    %div3A_2320 = arith.divf %select_n3A_2288, %mul3A_2319 : vector<16xf32>
    %add3A_2321 = arith.addf %mul3A_2319, %div3A_2320 : vector<16xf32>
    %mul3A_2322 = arith.constant 5.000000e-01 : f32
    %mul3A_2323 = vector.broadcast %mul3A_2322 : f32 to vector<16xf32>
    %mul3A_2324 = arith.mulf %add3A_2321, %mul3A_2323 : vector<16xf32>
    %div3A_2325 = arith.divf %select_n3A_2288, %mul3A_2324 : vector<16xf32>
    %add3A_2326 = arith.addf %mul3A_2324, %div3A_2325 : vector<16xf32>
    %mul3A_2327 = arith.constant 5.000000e-01 : f32
    %mul3A_2328 = vector.broadcast %mul3A_2327 : f32 to vector<16xf32>
    %mul3A_2329 = arith.mulf %add3A_2326, %mul3A_2328 : vector<16xf32>
    %div3A_2330 = arith.divf %select_n3A_2288, %mul3A_2329 : vector<16xf32>
    %add3A_2331 = arith.addf %mul3A_2329, %div3A_2330 : vector<16xf32>
    %mul3A_2332 = arith.constant 5.000000e-01 : f32
    %mul3A_2333 = vector.broadcast %mul3A_2332 : f32 to vector<16xf32>
    %mul3A_2334 = arith.mulf %add3A_2331, %mul3A_2333 : vector<16xf32>
    %div3A_2335 = arith.divf %select_n3A_2288, %mul3A_2334 : vector<16xf32>
    %add3A_2336 = arith.addf %mul3A_2334, %div3A_2335 : vector<16xf32>
    %mul3A_2337 = arith.constant 5.000000e-01 : f32
    %mul3A_2338 = vector.broadcast %mul3A_2337 : f32 to vector<16xf32>
    %mul3A_2339 = arith.mulf %add3A_2336, %mul3A_2338 : vector<16xf32>
    %div3A_2340 = arith.divf %select_n3A_2288, %mul3A_2339 : vector<16xf32>
    %add3A_2341 = arith.addf %mul3A_2339, %div3A_2340 : vector<16xf32>
    %mul3A_2342 = arith.constant 5.000000e-01 : f32
    %mul3A_2343 = vector.broadcast %mul3A_2342 : f32 to vector<16xf32>
    %mul3A_2344 = arith.mulf %add3A_2341, %mul3A_2343 : vector<16xf32>
    %div3A_2345 = arith.divf %select_n3A_2288, %mul3A_2344 : vector<16xf32>
    %add3A_2346 = arith.addf %mul3A_2344, %div3A_2345 : vector<16xf32>
    %mul3A_2347 = arith.constant 5.000000e-01 : f32
    %mul3A_2348 = vector.broadcast %mul3A_2347 : f32 to vector<16xf32>
    %mul3A_2349 = arith.mulf %add3A_2346, %mul3A_2348 : vector<16xf32>
    %div3A_2350 = arith.divf %select_n3A_2288, %mul3A_2349 : vector<16xf32>
    %add3A_2351 = arith.addf %mul3A_2349, %div3A_2350 : vector<16xf32>
    %mul3A_2352 = arith.constant 5.000000e-01 : f32
    %mul3A_2353 = vector.broadcast %mul3A_2352 : f32 to vector<16xf32>
    %mul3A_2354 = arith.mulf %add3A_2351, %mul3A_2353 : vector<16xf32>
    %div3A_2355 = arith.divf %select_n3A_2288, %mul3A_2354 : vector<16xf32>
    %add3A_2356 = arith.addf %mul3A_2354, %div3A_2355 : vector<16xf32>
    %mul3A_2357 = arith.constant 5.000000e-01 : f32
    %mul3A_2358 = vector.broadcast %mul3A_2357 : f32 to vector<16xf32>
    %mul3A_2359 = arith.mulf %add3A_2356, %mul3A_2358 : vector<16xf32>
    %div3A_2360 = arith.divf %select_n3A_2288, %mul3A_2359 : vector<16xf32>
    %add3A_2361 = arith.addf %mul3A_2359, %div3A_2360 : vector<16xf32>
    %mul3A_2362 = arith.constant 5.000000e-01 : f32
    %mul3A_2363 = vector.broadcast %mul3A_2362 : f32 to vector<16xf32>
    %mul3A_2364 = arith.mulf %add3A_2361, %mul3A_2363 : vector<16xf32>
    %div3A_2365 = arith.divf %select_n3A_2288, %mul3A_2364 : vector<16xf32>
    %add3A_2366 = arith.addf %mul3A_2364, %div3A_2365 : vector<16xf32>
    %mul3A_2367 = arith.constant 5.000000e-01 : f32
    %mul3A_2368 = vector.broadcast %mul3A_2367 : f32 to vector<16xf32>
    %mul3A_2369 = arith.mulf %add3A_2366, %mul3A_2368 : vector<16xf32>
    %div3A_2370 = arith.divf %select_n3A_2288, %mul3A_2369 : vector<16xf32>
    %add3A_2371 = arith.addf %mul3A_2369, %div3A_2370 : vector<16xf32>
    %mul3A_2372 = arith.constant 5.000000e-01 : f32
    %mul3A_2373 = vector.broadcast %mul3A_2372 : f32 to vector<16xf32>
    %mul3A_2374 = arith.mulf %add3A_2371, %mul3A_2373 : vector<16xf32>
    %div3A_2375 = arith.divf %select_n3A_2288, %mul3A_2374 : vector<16xf32>
    %add3A_2376 = arith.addf %mul3A_2374, %div3A_2375 : vector<16xf32>
    %mul3A_2377 = arith.constant 5.000000e-01 : f32
    %mul3A_2378 = vector.broadcast %mul3A_2377 : f32 to vector<16xf32>
    %mul3A_2379 = arith.mulf %add3A_2376, %mul3A_2378 : vector<16xf32>
    %div3A_2380 = arith.divf %select_n3A_2288, %mul3A_2379 : vector<16xf32>
    %add3A_2381 = arith.addf %mul3A_2379, %div3A_2380 : vector<16xf32>
    %mul3A_2382 = arith.constant 5.000000e-01 : f32
    %mul3A_2383 = vector.broadcast %mul3A_2382 : f32 to vector<16xf32>
    %mul3A_2384 = arith.mulf %add3A_2381, %mul3A_2383 : vector<16xf32>
    %div3A_2385 = arith.divf %select_n3A_2288, %mul3A_2384 : vector<16xf32>
    %add3A_2386 = arith.addf %mul3A_2384, %div3A_2385 : vector<16xf32>
    %mul3A_2387 = arith.constant 5.000000e-01 : f32
    %mul3A_2388 = vector.broadcast %mul3A_2387 : f32 to vector<16xf32>
    %mul3A_2389 = arith.mulf %add3A_2386, %mul3A_2388 : vector<16xf32>
    %div3A_2390 = arith.divf %select_n3A_2288, %mul3A_2389 : vector<16xf32>
    %add3A_2391 = arith.addf %mul3A_2389, %div3A_2390 : vector<16xf32>
    %mul3A_2392 = arith.constant 5.000000e-01 : f32
    %mul3A_2393 = vector.broadcast %mul3A_2392 : f32 to vector<16xf32>
    %mul3A_2394 = arith.mulf %add3A_2391, %mul3A_2393 : vector<16xf32>
    %eq3A_2395 = arith.constant 0xFF800000 : f32
    %eq3A_2396 = vector.broadcast %eq3A_2395 : f32 to vector<16xf32>
    %eq3A_2397 = arith.cmpf oeq, %add3A_2282, %eq3A_2396 : vector<16xf32>
    %gt3A_2398 = arith.constant 0.000000e+00 : f32
    %gt3A_2399 = vector.broadcast %gt3A_2398 : f32 to vector<16xf32>
    %gt3A_2400 = arith.cmpf ogt, %add3A_2282, %gt3A_2399 : vector<16xf32>
    %jit3A_2401 = arith.constant 0.000000e+00 : f32
    %broadcast_in_dim3A_2402 = vector.broadcast %jit3A_2401 : f32 to vector<16xf32>
    %select_n3A_2403 = arith.select %gt3A_2400, %mul3A_2394, %broadcast_in_dim3A_2402 : vector<16xi1>, vector<16xf32>
    %jit3A_2404 = arith.constant 0xFF800000 : f32
    %broadcast_in_dim3A_2405 = vector.broadcast %jit3A_2404 : f32 to vector<16xf32>
    %select_n3A_2406 = arith.select %eq3A_2397, %broadcast_in_dim3A_2405, %select_n3A_2403 : vector<16xi1>, vector<16xf32>
    %get3A_2407 = arith.constant 0 : index
    %get3A_2408 = tpu.vector_load %arg11[%get3A_2407] {strides = array<i32>} : memref<16xf32, #tpu.memory_space<vmem>>, vector<16xf32>,
    %get3A_2409 = vector.shape_cast %get3A_2408 : vector<16xf32> to vector<16xf32>
    %broadcast_in_dim3A_2410 = arith.constant 8 : i32
    %broadcast_in_dim3A_2411 = vector.broadcast %broadcast_in_dim3A_2410 : i32 to vector<16xi32>
    %broadcast_in_dim3A_2412 = vector.shape_cast %broadcast_in_dim3A_2411 : vector<16xi32> to vector<16x1xi32>
    %gather3A_2413 = vector.shape_cast %broadcast_in_dim3A_2412 : vector<16x1xi32> to vector<16xi32>
    %gather3A_2414 = tpu.dynamic_gather %get3A_2409[%gather3A_2413] in [0] : vector<16xf32>, vector<16xi32> -> vector<16xf32>
    %mul3A_2415 = arith.constant 5.000000e-01 : f32
    %mul3A_2416 = vector.broadcast %mul3A_2415 : f32 to vector<16xf32>
    %mul3A_2417 = arith.mulf %gather3A_2414, %mul3A_2416 : vector<16xf32>
    %mul3A_2418 = arith.mulf %select_n3A_2406, %mul3A_59 : vector<16xf32>
    %add3A_2419 = arith.addf %mul3A_2417, %mul3A_2418 : vector<16xf32>
    %eq3A_2420 = arith.constant 8 : i32
    %eq3A_2421 = vector.broadcast %eq3A_2420 : i32 to vector<16xi32>
    %eq3A_2422 = arith.cmpi eq, %iota3A, %eq3A_2421 : vector<16xi32>
    %select_n3A_2423 = arith.select %eq3A_2422, %add3A_2419, %select_n3A_1837 : vector<16xi1>, vector<16xf32>
    %xor3A_2424 = arith.constant 8 : i32
    %xor3A_2425 = vector.broadcast %xor3A_2424 : i32 to vector<16xi32>
    %xor3A_2426 = arith.xori %iota3A, %xor3A_2425 : vector<16xi32>
    %broadcast_in_dim3A_2427 = vector.shape_cast %xor3A_2426 : vector<16xi32> to vector<16x1xi32>
    %gather3A_2428 = vector.shape_cast %broadcast_in_dim3A_2427 : vector<16x1xi32> to vector<16xi32>
    %gather3A_2429 = tpu.dynamic_gather %scan3A_2252#1[%gather3A_2428] in [0] : vector<16xf32>, vector<16xi32> -> vector<16xf32>
    %max3A_2430 = arith.maximumf %scan3A_2252#1, %gather3A_2429 : vector<16xf32>
    %xor3A_2431 = arith.constant 4 : i32
    %xor3A_2432 = vector.broadcast %xor3A_2431 : i32 to vector<16xi32>
    %xor3A_2433 = arith.xori %iota3A, %xor3A_2432 : vector<16xi32>
    %broadcast_in_dim3A_2434 = vector.shape_cast %xor3A_2433 : vector<16xi32> to vector<16x1xi32>
    %gather3A_2435 = vector.shape_cast %broadcast_in_dim3A_2434 : vector<16x1xi32> to vector<16xi32>
    %gather3A_2436 = tpu.dynamic_gather %max3A_2430[%gather3A_2435] in [0] : vector<16xf32>, vector<16xi32> -> vector<16xf32>
    %max3A_2437 = arith.maximumf %max3A_2430, %gather3A_2436 : vector<16xf32>
    %xor3A_2438 = arith.constant 2 : i32
    %xor3A_2439 = vector.broadcast %xor3A_2438 : i32 to vector<16xi32>
    %xor3A_2440 = arith.xori %iota3A, %xor3A_2439 : vector<16xi32>
    %broadcast_in_dim3A_2441 = vector.shape_cast %xor3A_2440 : vector<16xi32> to vector<16x1xi32>
    %gather3A_2442 = vector.shape_cast %broadcast_in_dim3A_2441 : vector<16x1xi32> to vector<16xi32>
    %gather3A_2443 = tpu.dynamic_gather %max3A_2437[%gather3A_2442] in [0] : vector<16xf32>, vector<16xi32> -> vector<16xf32>
    %max3A_2444 = arith.maximumf %max3A_2437, %gather3A_2443 : vector<16xf32>
    %xor3A_2445 = arith.constant 1 : i32
    %xor3A_2446 = vector.broadcast %xor3A_2445 : i32 to vector<16xi32>
    %xor3A_2447 = arith.xori %iota3A, %xor3A_2446 : vector<16xi32>
    %broadcast_in_dim3A_2448 = vector.shape_cast %xor3A_2447 : vector<16xi32> to vector<16x1xi32>
    %gather3A_2449 = vector.shape_cast %broadcast_in_dim3A_2448 : vector<16x1xi32> to vector<16xi32>
    %gather3A_2450 = tpu.dynamic_gather %max3A_2444[%gather3A_2449] in [0] : vector<16xf32>, vector<16xi32> -> vector<16xf32>
    %max3A_2451 = arith.maximumf %max3A_2444, %gather3A_2450 : vector<16xf32>
    %add3A_2452 = arith.addf %max3A_2451, %add3A_1937 : vector<16xf32>
    %gt3A_2453 = arith.constant 0.000000e+00 : f32
    %gt3A_2454 = vector.broadcast %gt3A_2453 : f32 to vector<16xf32>
    %gt3A_2455 = arith.cmpf ogt, %add3A_2452, %gt3A_2454 : vector<16xf32>
    %jit3A_2456 = arith.constant 1.000000e+00 : f32
    %broadcast_in_dim3A_2457 = vector.broadcast %jit3A_2456 : f32 to vector<16xf32>
    %select_n3A_2458 = arith.select %gt3A_2455, %add3A_2452, %broadcast_in_dim3A_2457 : vector<16xi1>, vector<16xf32>
    %add3A_2459 = arith.constant 1.000000e+00 : f32
    %add3A_2460 = vector.broadcast %add3A_2459 : f32 to vector<16xf32>
    %add3A_2461 = arith.addf %select_n3A_2458, %add3A_2460 : vector<16xf32>
    %mul3A_2462 = arith.constant 5.000000e-01 : f32
    %mul3A_2463 = vector.broadcast %mul3A_2462 : f32 to vector<16xf32>
    %mul3A_2464 = arith.mulf %add3A_2461, %mul3A_2463 : vector<16xf32>
    %div3A_2465 = arith.divf %select_n3A_2458, %mul3A_2464 : vector<16xf32>
    %add3A_2466 = arith.addf %mul3A_2464, %div3A_2465 : vector<16xf32>
    %mul3A_2467 = arith.constant 5.000000e-01 : f32
    %mul3A_2468 = vector.broadcast %mul3A_2467 : f32 to vector<16xf32>
    %mul3A_2469 = arith.mulf %add3A_2466, %mul3A_2468 : vector<16xf32>
    %div3A_2470 = arith.divf %select_n3A_2458, %mul3A_2469 : vector<16xf32>
    %add3A_2471 = arith.addf %mul3A_2469, %div3A_2470 : vector<16xf32>
    %mul3A_2472 = arith.constant 5.000000e-01 : f32
    %mul3A_2473 = vector.broadcast %mul3A_2472 : f32 to vector<16xf32>
    %mul3A_2474 = arith.mulf %add3A_2471, %mul3A_2473 : vector<16xf32>
    %div3A_2475 = arith.divf %select_n3A_2458, %mul3A_2474 : vector<16xf32>
    %add3A_2476 = arith.addf %mul3A_2474, %div3A_2475 : vector<16xf32>
    %mul3A_2477 = arith.constant 5.000000e-01 : f32
    %mul3A_2478 = vector.broadcast %mul3A_2477 : f32 to vector<16xf32>
    %mul3A_2479 = arith.mulf %add3A_2476, %mul3A_2478 : vector<16xf32>
    %div3A_2480 = arith.divf %select_n3A_2458, %mul3A_2479 : vector<16xf32>
    %add3A_2481 = arith.addf %mul3A_2479, %div3A_2480 : vector<16xf32>
    %mul3A_2482 = arith.constant 5.000000e-01 : f32
    %mul3A_2483 = vector.broadcast %mul3A_2482 : f32 to vector<16xf32>
    %mul3A_2484 = arith.mulf %add3A_2481, %mul3A_2483 : vector<16xf32>
    %div3A_2485 = arith.divf %select_n3A_2458, %mul3A_2484 : vector<16xf32>
    %add3A_2486 = arith.addf %mul3A_2484, %div3A_2485 : vector<16xf32>
    %mul3A_2487 = arith.constant 5.000000e-01 : f32
    %mul3A_2488 = vector.broadcast %mul3A_2487 : f32 to vector<16xf32>
    %mul3A_2489 = arith.mulf %add3A_2486, %mul3A_2488 : vector<16xf32>
    %div3A_2490 = arith.divf %select_n3A_2458, %mul3A_2489 : vector<16xf32>
    %add3A_2491 = arith.addf %mul3A_2489, %div3A_2490 : vector<16xf32>
    %mul3A_2492 = arith.constant 5.000000e-01 : f32
    %mul3A_2493 = vector.broadcast %mul3A_2492 : f32 to vector<16xf32>
    %mul3A_2494 = arith.mulf %add3A_2491, %mul3A_2493 : vector<16xf32>
    %div3A_2495 = arith.divf %select_n3A_2458, %mul3A_2494 : vector<16xf32>
    %add3A_2496 = arith.addf %mul3A_2494, %div3A_2495 : vector<16xf32>
    %mul3A_2497 = arith.constant 5.000000e-01 : f32
    %mul3A_2498 = vector.broadcast %mul3A_2497 : f32 to vector<16xf32>
    %mul3A_2499 = arith.mulf %add3A_2496, %mul3A_2498 : vector<16xf32>
    %div3A_2500 = arith.divf %select_n3A_2458, %mul3A_2499 : vector<16xf32>
    %add3A_2501 = arith.addf %mul3A_2499, %div3A_2500 : vector<16xf32>
    %mul3A_2502 = arith.constant 5.000000e-01 : f32
    %mul3A_2503 = vector.broadcast %mul3A_2502 : f32 to vector<16xf32>
    %mul3A_2504 = arith.mulf %add3A_2501, %mul3A_2503 : vector<16xf32>
    %div3A_2505 = arith.divf %select_n3A_2458, %mul3A_2504 : vector<16xf32>
    %add3A_2506 = arith.addf %mul3A_2504, %div3A_2505 : vector<16xf32>
    %mul3A_2507 = arith.constant 5.000000e-01 : f32
    %mul3A_2508 = vector.broadcast %mul3A_2507 : f32 to vector<16xf32>
    %mul3A_2509 = arith.mulf %add3A_2506, %mul3A_2508 : vector<16xf32>
    %div3A_2510 = arith.divf %select_n3A_2458, %mul3A_2509 : vector<16xf32>
    %add3A_2511 = arith.addf %mul3A_2509, %div3A_2510 : vector<16xf32>
    %mul3A_2512 = arith.constant 5.000000e-01 : f32
    %mul3A_2513 = vector.broadcast %mul3A_2512 : f32 to vector<16xf32>
    %mul3A_2514 = arith.mulf %add3A_2511, %mul3A_2513 : vector<16xf32>
    %div3A_2515 = arith.divf %select_n3A_2458, %mul3A_2514 : vector<16xf32>
    %add3A_2516 = arith.addf %mul3A_2514, %div3A_2515 : vector<16xf32>
    %mul3A_2517 = arith.constant 5.000000e-01 : f32
    %mul3A_2518 = vector.broadcast %mul3A_2517 : f32 to vector<16xf32>
    %mul3A_2519 = arith.mulf %add3A_2516, %mul3A_2518 : vector<16xf32>
    %div3A_2520 = arith.divf %select_n3A_2458, %mul3A_2519 : vector<16xf32>
    %add3A_2521 = arith.addf %mul3A_2519, %div3A_2520 : vector<16xf32>
    %mul3A_2522 = arith.constant 5.000000e-01 : f32
    %mul3A_2523 = vector.broadcast %mul3A_2522 : f32 to vector<16xf32>
    %mul3A_2524 = arith.mulf %add3A_2521, %mul3A_2523 : vector<16xf32>
    %div3A_2525 = arith.divf %select_n3A_2458, %mul3A_2524 : vector<16xf32>
    %add3A_2526 = arith.addf %mul3A_2524, %div3A_2525 : vector<16xf32>
    %mul3A_2527 = arith.constant 5.000000e-01 : f32
    %mul3A_2528 = vector.broadcast %mul3A_2527 : f32 to vector<16xf32>
    %mul3A_2529 = arith.mulf %add3A_2526, %mul3A_2528 : vector<16xf32>
    %div3A_2530 = arith.divf %select_n3A_2458, %mul3A_2529 : vector<16xf32>
    %add3A_2531 = arith.addf %mul3A_2529, %div3A_2530 : vector<16xf32>
    %mul3A_2532 = arith.constant 5.000000e-01 : f32
    %mul3A_2533 = vector.broadcast %mul3A_2532 : f32 to vector<16xf32>
    %mul3A_2534 = arith.mulf %add3A_2531, %mul3A_2533 : vector<16xf32>
    %div3A_2535 = arith.divf %select_n3A_2458, %mul3A_2534 : vector<16xf32>
    %add3A_2536 = arith.addf %mul3A_2534, %div3A_2535 : vector<16xf32>
    %mul3A_2537 = arith.constant 5.000000e-01 : f32
    %mul3A_2538 = vector.broadcast %mul3A_2537 : f32 to vector<16xf32>
    %mul3A_2539 = arith.mulf %add3A_2536, %mul3A_2538 : vector<16xf32>
    %div3A_2540 = arith.divf %select_n3A_2458, %mul3A_2539 : vector<16xf32>
    %add3A_2541 = arith.addf %mul3A_2539, %div3A_2540 : vector<16xf32>
    %mul3A_2542 = arith.constant 5.000000e-01 : f32
    %mul3A_2543 = vector.broadcast %mul3A_2542 : f32 to vector<16xf32>
    %mul3A_2544 = arith.mulf %add3A_2541, %mul3A_2543 : vector<16xf32>
    %div3A_2545 = arith.divf %select_n3A_2458, %mul3A_2544 : vector<16xf32>
    %add3A_2546 = arith.addf %mul3A_2544, %div3A_2545 : vector<16xf32>
    %mul3A_2547 = arith.constant 5.000000e-01 : f32
    %mul3A_2548 = vector.broadcast %mul3A_2547 : f32 to vector<16xf32>
    %mul3A_2549 = arith.mulf %add3A_2546, %mul3A_2548 : vector<16xf32>
    %div3A_2550 = arith.divf %select_n3A_2458, %mul3A_2549 : vector<16xf32>
    %add3A_2551 = arith.addf %mul3A_2549, %div3A_2550 : vector<16xf32>
    %mul3A_2552 = arith.constant 5.000000e-01 : f32
    %mul3A_2553 = vector.broadcast %mul3A_2552 : f32 to vector<16xf32>
    %mul3A_2554 = arith.mulf %add3A_2551, %mul3A_2553 : vector<16xf32>
    %div3A_2555 = arith.divf %select_n3A_2458, %mul3A_2554 : vector<16xf32>
    %add3A_2556 = arith.addf %mul3A_2554, %div3A_2555 : vector<16xf32>
    %mul3A_2557 = arith.constant 5.000000e-01 : f32
    %mul3A_2558 = vector.broadcast %mul3A_2557 : f32 to vector<16xf32>
    %mul3A_2559 = arith.mulf %add3A_2556, %mul3A_2558 : vector<16xf32>
    %div3A_2560 = arith.divf %select_n3A_2458, %mul3A_2559 : vector<16xf32>
    %add3A_2561 = arith.addf %mul3A_2559, %div3A_2560 : vector<16xf32>
    %mul3A_2562 = arith.constant 5.000000e-01 : f32
    %mul3A_2563 = vector.broadcast %mul3A_2562 : f32 to vector<16xf32>
    %mul3A_2564 = arith.mulf %add3A_2561, %mul3A_2563 : vector<16xf32>
    %eq3A_2565 = arith.constant 0xFF800000 : f32
    %eq3A_2566 = vector.broadcast %eq3A_2565 : f32 to vector<16xf32>
    %eq3A_2567 = arith.cmpf oeq, %add3A_2452, %eq3A_2566 : vector<16xf32>
    %gt3A_2568 = arith.constant 0.000000e+00 : f32
    %gt3A_2569 = vector.broadcast %gt3A_2568 : f32 to vector<16xf32>
    %gt3A_2570 = arith.cmpf ogt, %add3A_2452, %gt3A_2569 : vector<16xf32>
    %jit3A_2571 = arith.constant 0.000000e+00 : f32
    %broadcast_in_dim3A_2572 = vector.broadcast %jit3A_2571 : f32 to vector<16xf32>
    %select_n3A_2573 = arith.select %gt3A_2570, %mul3A_2564, %broadcast_in_dim3A_2572 : vector<16xi1>, vector<16xf32>
    %jit3A_2574 = arith.constant 0xFF800000 : f32
    %broadcast_in_dim3A_2575 = vector.broadcast %jit3A_2574 : f32 to vector<16xf32>
    %select_n3A_2576 = arith.select %eq3A_2567, %broadcast_in_dim3A_2575, %select_n3A_2573 : vector<16xi1>, vector<16xf32>
    %get3A_2577 = arith.constant 0 : index
    %get3A_2578 = tpu.vector_load %arg11[%get3A_2577] {strides = array<i32>} : memref<16xf32, #tpu.memory_space<vmem>>, vector<16xf32>,
    %get3A_2579 = vector.shape_cast %get3A_2578 : vector<16xf32> to vector<16xf32>
    %broadcast_in_dim3A_2580 = arith.constant 9 : i32
    %broadcast_in_dim3A_2581 = vector.broadcast %broadcast_in_dim3A_2580 : i32 to vector<16xi32>
    %broadcast_in_dim3A_2582 = vector.shape_cast %broadcast_in_dim3A_2581 : vector<16xi32> to vector<16x1xi32>
    %gather3A_2583 = vector.shape_cast %broadcast_in_dim3A_2582 : vector<16x1xi32> to vector<16xi32>
    %gather3A_2584 = tpu.dynamic_gather %get3A_2579[%gather3A_2583] in [0] : vector<16xf32>, vector<16xi32> -> vector<16xf32>
    %mul3A_2585 = arith.constant 5.000000e-01 : f32
    %mul3A_2586 = vector.broadcast %mul3A_2585 : f32 to vector<16xf32>
    %mul3A_2587 = arith.mulf %gather3A_2584, %mul3A_2586 : vector<16xf32>
    %mul3A_2588 = arith.mulf %select_n3A_2576, %mul3A_59 : vector<16xf32>
    %add3A_2589 = arith.addf %mul3A_2587, %mul3A_2588 : vector<16xf32>
    %eq3A_2590 = arith.constant 9 : i32
    %eq3A_2591 = vector.broadcast %eq3A_2590 : i32 to vector<16xi32>
    %eq3A_2592 = arith.cmpi eq, %iota3A, %eq3A_2591 : vector<16xi32>
    %select_n3A_2593 = arith.select %eq3A_2592, %add3A_2589, %select_n3A_2423 : vector<16xi1>, vector<16xf32>
    %xor3A_2594 = arith.constant 8 : i32
    %xor3A_2595 = vector.broadcast %xor3A_2594 : i32 to vector<16xi32>
    %xor3A_2596 = arith.xori %iota3A, %xor3A_2595 : vector<16xi32>
    %broadcast_in_dim3A_2597 = vector.shape_cast %xor3A_2596 : vector<16xi32> to vector<16x1xi32>
    %gather3A_2598 = vector.shape_cast %broadcast_in_dim3A_2597 : vector<16x1xi32> to vector<16xi32>
    %gather3A_2599 = tpu.dynamic_gather %scan3A_2252#2[%gather3A_2598] in [0] : vector<16xf32>, vector<16xi32> -> vector<16xf32>
    %max3A_2600 = arith.maximumf %scan3A_2252#2, %gather3A_2599 : vector<16xf32>
    %xor3A_2601 = arith.constant 4 : i32
    %xor3A_2602 = vector.broadcast %xor3A_2601 : i32 to vector<16xi32>
    %xor3A_2603 = arith.xori %iota3A, %xor3A_2602 : vector<16xi32>
    %broadcast_in_dim3A_2604 = vector.shape_cast %xor3A_2603 : vector<16xi32> to vector<16x1xi32>
    %gather3A_2605 = vector.shape_cast %broadcast_in_dim3A_2604 : vector<16x1xi32> to vector<16xi32>
    %gather3A_2606 = tpu.dynamic_gather %max3A_2600[%gather3A_2605] in [0] : vector<16xf32>, vector<16xi32> -> vector<16xf32>
    %max3A_2607 = arith.maximumf %max3A_2600, %gather3A_2606 : vector<16xf32>
    %xor3A_2608 = arith.constant 2 : i32
    %xor3A_2609 = vector.broadcast %xor3A_2608 : i32 to vector<16xi32>
    %xor3A_2610 = arith.xori %iota3A, %xor3A_2609 : vector<16xi32>
    %broadcast_in_dim3A_2611 = vector.shape_cast %xor3A_2610 : vector<16xi32> to vector<16x1xi32>
    %gather3A_2612 = vector.shape_cast %broadcast_in_dim3A_2611 : vector<16x1xi32> to vector<16xi32>
    %gather3A_2613 = tpu.dynamic_gather %max3A_2607[%gather3A_2612] in [0] : vector<16xf32>, vector<16xi32> -> vector<16xf32>
    %max3A_2614 = arith.maximumf %max3A_2607, %gather3A_2613 : vector<16xf32>
    %xor3A_2615 = arith.constant 1 : i32
    %xor3A_2616 = vector.broadcast %xor3A_2615 : i32 to vector<16xi32>
    %xor3A_2617 = arith.xori %iota3A, %xor3A_2616 : vector<16xi32>
    %broadcast_in_dim3A_2618 = vector.shape_cast %xor3A_2617 : vector<16xi32> to vector<16x1xi32>
    %gather3A_2619 = vector.shape_cast %broadcast_in_dim3A_2618 : vector<16x1xi32> to vector<16xi32>
    %gather3A_2620 = tpu.dynamic_gather %max3A_2614[%gather3A_2619] in [0] : vector<16xf32>, vector<16xi32> -> vector<16xf32>
    %max3A_2621 = arith.maximumf %max3A_2614, %gather3A_2620 : vector<16xf32>
    %add3A_2622 = arith.addf %max3A_2621, %add3A_1986 : vector<16xf32>
    %gt3A_2623 = arith.constant 0.000000e+00 : f32
    %gt3A_2624 = vector.broadcast %gt3A_2623 : f32 to vector<16xf32>
    %gt3A_2625 = arith.cmpf ogt, %add3A_2622, %gt3A_2624 : vector<16xf32>
    %jit3A_2626 = arith.constant 1.000000e+00 : f32
    %broadcast_in_dim3A_2627 = vector.broadcast %jit3A_2626 : f32 to vector<16xf32>
    %select_n3A_2628 = arith.select %gt3A_2625, %add3A_2622, %broadcast_in_dim3A_2627 : vector<16xi1>, vector<16xf32>
    %add3A_2629 = arith.constant 1.000000e+00 : f32
    %add3A_2630 = vector.broadcast %add3A_2629 : f32 to vector<16xf32>
    %add3A_2631 = arith.addf %select_n3A_2628, %add3A_2630 : vector<16xf32>
    %mul3A_2632 = arith.constant 5.000000e-01 : f32
    %mul3A_2633 = vector.broadcast %mul3A_2632 : f32 to vector<16xf32>
    %mul3A_2634 = arith.mulf %add3A_2631, %mul3A_2633 : vector<16xf32>
    %div3A_2635 = arith.divf %select_n3A_2628, %mul3A_2634 : vector<16xf32>
    %add3A_2636 = arith.addf %mul3A_2634, %div3A_2635 : vector<16xf32>
    %mul3A_2637 = arith.constant 5.000000e-01 : f32
    %mul3A_2638 = vector.broadcast %mul3A_2637 : f32 to vector<16xf32>
    %mul3A_2639 = arith.mulf %add3A_2636, %mul3A_2638 : vector<16xf32>
    %div3A_2640 = arith.divf %select_n3A_2628, %mul3A_2639 : vector<16xf32>
    %add3A_2641 = arith.addf %mul3A_2639, %div3A_2640 : vector<16xf32>
    %mul3A_2642 = arith.constant 5.000000e-01 : f32
    %mul3A_2643 = vector.broadcast %mul3A_2642 : f32 to vector<16xf32>
    %mul3A_2644 = arith.mulf %add3A_2641, %mul3A_2643 : vector<16xf32>
    %div3A_2645 = arith.divf %select_n3A_2628, %mul3A_2644 : vector<16xf32>
    %add3A_2646 = arith.addf %mul3A_2644, %div3A_2645 : vector<16xf32>
    %mul3A_2647 = arith.constant 5.000000e-01 : f32
    %mul3A_2648 = vector.broadcast %mul3A_2647 : f32 to vector<16xf32>
    %mul3A_2649 = arith.mulf %add3A_2646, %mul3A_2648 : vector<16xf32>
    %div3A_2650 = arith.divf %select_n3A_2628, %mul3A_2649 : vector<16xf32>
    %add3A_2651 = arith.addf %mul3A_2649, %div3A_2650 : vector<16xf32>
    %mul3A_2652 = arith.constant 5.000000e-01 : f32
    %mul3A_2653 = vector.broadcast %mul3A_2652 : f32 to vector<16xf32>
    %mul3A_2654 = arith.mulf %add3A_2651, %mul3A_2653 : vector<16xf32>
    %div3A_2655 = arith.divf %select_n3A_2628, %mul3A_2654 : vector<16xf32>
    %add3A_2656 = arith.addf %mul3A_2654, %div3A_2655 : vector<16xf32>
    %mul3A_2657 = arith.constant 5.000000e-01 : f32
    %mul3A_2658 = vector.broadcast %mul3A_2657 : f32 to vector<16xf32>
    %mul3A_2659 = arith.mulf %add3A_2656, %mul3A_2658 : vector<16xf32>
    %div3A_2660 = arith.divf %select_n3A_2628, %mul3A_2659 : vector<16xf32>
    %add3A_2661 = arith.addf %mul3A_2659, %div3A_2660 : vector<16xf32>
    %mul3A_2662 = arith.constant 5.000000e-01 : f32
    %mul3A_2663 = vector.broadcast %mul3A_2662 : f32 to vector<16xf32>
    %mul3A_2664 = arith.mulf %add3A_2661, %mul3A_2663 : vector<16xf32>
    %div3A_2665 = arith.divf %select_n3A_2628, %mul3A_2664 : vector<16xf32>
    %add3A_2666 = arith.addf %mul3A_2664, %div3A_2665 : vector<16xf32>
    %mul3A_2667 = arith.constant 5.000000e-01 : f32
    %mul3A_2668 = vector.broadcast %mul3A_2667 : f32 to vector<16xf32>
    %mul3A_2669 = arith.mulf %add3A_2666, %mul3A_2668 : vector<16xf32>
    %div3A_2670 = arith.divf %select_n3A_2628, %mul3A_2669 : vector<16xf32>
    %add3A_2671 = arith.addf %mul3A_2669, %div3A_2670 : vector<16xf32>
    %mul3A_2672 = arith.constant 5.000000e-01 : f32
    %mul3A_2673 = vector.broadcast %mul3A_2672 : f32 to vector<16xf32>
    %mul3A_2674 = arith.mulf %add3A_2671, %mul3A_2673 : vector<16xf32>
    %div3A_2675 = arith.divf %select_n3A_2628, %mul3A_2674 : vector<16xf32>
    %add3A_2676 = arith.addf %mul3A_2674, %div3A_2675 : vector<16xf32>
    %mul3A_2677 = arith.constant 5.000000e-01 : f32
    %mul3A_2678 = vector.broadcast %mul3A_2677 : f32 to vector<16xf32>
    %mul3A_2679 = arith.mulf %add3A_2676, %mul3A_2678 : vector<16xf32>
    %div3A_2680 = arith.divf %select_n3A_2628, %mul3A_2679 : vector<16xf32>
    %add3A_2681 = arith.addf %mul3A_2679, %div3A_2680 : vector<16xf32>
    %mul3A_2682 = arith.constant 5.000000e-01 : f32
    %mul3A_2683 = vector.broadcast %mul3A_2682 : f32 to vector<16xf32>
    %mul3A_2684 = arith.mulf %add3A_2681, %mul3A_2683 : vector<16xf32>
    %div3A_2685 = arith.divf %select_n3A_2628, %mul3A_2684 : vector<16xf32>
    %add3A_2686 = arith.addf %mul3A_2684, %div3A_2685 : vector<16xf32>
    %mul3A_2687 = arith.constant 5.000000e-01 : f32
    %mul3A_2688 = vector.broadcast %mul3A_2687 : f32 to vector<16xf32>
    %mul3A_2689 = arith.mulf %add3A_2686, %mul3A_2688 : vector<16xf32>
    %div3A_2690 = arith.divf %select_n3A_2628, %mul3A_2689 : vector<16xf32>
    %add3A_2691 = arith.addf %mul3A_2689, %div3A_2690 : vector<16xf32>
    %mul3A_2692 = arith.constant 5.000000e-01 : f32
    %mul3A_2693 = vector.broadcast %mul3A_2692 : f32 to vector<16xf32>
    %mul3A_2694 = arith.mulf %add3A_2691, %mul3A_2693 : vector<16xf32>
    %div3A_2695 = arith.divf %select_n3A_2628, %mul3A_2694 : vector<16xf32>
    %add3A_2696 = arith.addf %mul3A_2694, %div3A_2695 : vector<16xf32>
    %mul3A_2697 = arith.constant 5.000000e-01 : f32
    %mul3A_2698 = vector.broadcast %mul3A_2697 : f32 to vector<16xf32>
    %mul3A_2699 = arith.mulf %add3A_2696, %mul3A_2698 : vector<16xf32>
    %div3A_2700 = arith.divf %select_n3A_2628, %mul3A_2699 : vector<16xf32>
    %add3A_2701 = arith.addf %mul3A_2699, %div3A_2700 : vector<16xf32>
    %mul3A_2702 = arith.constant 5.000000e-01 : f32
    %mul3A_2703 = vector.broadcast %mul3A_2702 : f32 to vector<16xf32>
    %mul3A_2704 = arith.mulf %add3A_2701, %mul3A_2703 : vector<16xf32>
    %div3A_2705 = arith.divf %select_n3A_2628, %mul3A_2704 : vector<16xf32>
    %add3A_2706 = arith.addf %mul3A_2704, %div3A_2705 : vector<16xf32>
    %mul3A_2707 = arith.constant 5.000000e-01 : f32
    %mul3A_2708 = vector.broadcast %mul3A_2707 : f32 to vector<16xf32>
    %mul3A_2709 = arith.mulf %add3A_2706, %mul3A_2708 : vector<16xf32>
    %div3A_2710 = arith.divf %select_n3A_2628, %mul3A_2709 : vector<16xf32>
    %add3A_2711 = arith.addf %mul3A_2709, %div3A_2710 : vector<16xf32>
    %mul3A_2712 = arith.constant 5.000000e-01 : f32
    %mul3A_2713 = vector.broadcast %mul3A_2712 : f32 to vector<16xf32>
    %mul3A_2714 = arith.mulf %add3A_2711, %mul3A_2713 : vector<16xf32>
    %div3A_2715 = arith.divf %select_n3A_2628, %mul3A_2714 : vector<16xf32>
    %add3A_2716 = arith.addf %mul3A_2714, %div3A_2715 : vector<16xf32>
    %mul3A_2717 = arith.constant 5.000000e-01 : f32
    %mul3A_2718 = vector.broadcast %mul3A_2717 : f32 to vector<16xf32>
    %mul3A_2719 = arith.mulf %add3A_2716, %mul3A_2718 : vector<16xf32>
    %div3A_2720 = arith.divf %select_n3A_2628, %mul3A_2719 : vector<16xf32>
    %add3A_2721 = arith.addf %mul3A_2719, %div3A_2720 : vector<16xf32>
    %mul3A_2722 = arith.constant 5.000000e-01 : f32
    %mul3A_2723 = vector.broadcast %mul3A_2722 : f32 to vector<16xf32>
    %mul3A_2724 = arith.mulf %add3A_2721, %mul3A_2723 : vector<16xf32>
    %div3A_2725 = arith.divf %select_n3A_2628, %mul3A_2724 : vector<16xf32>
    %add3A_2726 = arith.addf %mul3A_2724, %div3A_2725 : vector<16xf32>
    %mul3A_2727 = arith.constant 5.000000e-01 : f32
    %mul3A_2728 = vector.broadcast %mul3A_2727 : f32 to vector<16xf32>
    %mul3A_2729 = arith.mulf %add3A_2726, %mul3A_2728 : vector<16xf32>
    %div3A_2730 = arith.divf %select_n3A_2628, %mul3A_2729 : vector<16xf32>
    %add3A_2731 = arith.addf %mul3A_2729, %div3A_2730 : vector<16xf32>
    %mul3A_2732 = arith.constant 5.000000e-01 : f32
    %mul3A_2733 = vector.broadcast %mul3A_2732 : f32 to vector<16xf32>
    %mul3A_2734 = arith.mulf %add3A_2731, %mul3A_2733 : vector<16xf32>
    %eq3A_2735 = arith.constant 0xFF800000 : f32
    %eq3A_2736 = vector.broadcast %eq3A_2735 : f32 to vector<16xf32>
    %eq3A_2737 = arith.cmpf oeq, %add3A_2622, %eq3A_2736 : vector<16xf32>
    %gt3A_2738 = arith.constant 0.000000e+00 : f32
    %gt3A_2739 = vector.broadcast %gt3A_2738 : f32 to vector<16xf32>
    %gt3A_2740 = arith.cmpf ogt, %add3A_2622, %gt3A_2739 : vector<16xf32>
    %jit3A_2741 = arith.constant 0.000000e+00 : f32
    %broadcast_in_dim3A_2742 = vector.broadcast %jit3A_2741 : f32 to vector<16xf32>
    %select_n3A_2743 = arith.select %gt3A_2740, %mul3A_2734, %broadcast_in_dim3A_2742 : vector<16xi1>, vector<16xf32>
    %jit3A_2744 = arith.constant 0xFF800000 : f32
    %broadcast_in_dim3A_2745 = vector.broadcast %jit3A_2744 : f32 to vector<16xf32>
    %select_n3A_2746 = arith.select %eq3A_2737, %broadcast_in_dim3A_2745, %select_n3A_2743 : vector<16xi1>, vector<16xf32>
    %get3A_2747 = arith.constant 0 : index
    %get3A_2748 = tpu.vector_load %arg11[%get3A_2747] {strides = array<i32>} : memref<16xf32, #tpu.memory_space<vmem>>, vector<16xf32>,
    %get3A_2749 = vector.shape_cast %get3A_2748 : vector<16xf32> to vector<16xf32>
    %broadcast_in_dim3A_2750 = arith.constant 10 : i32
    %broadcast_in_dim3A_2751 = vector.broadcast %broadcast_in_dim3A_2750 : i32 to vector<16xi32>
    %broadcast_in_dim3A_2752 = vector.shape_cast %broadcast_in_dim3A_2751 : vector<16xi32> to vector<16x1xi32>
    %gather3A_2753 = vector.shape_cast %broadcast_in_dim3A_2752 : vector<16x1xi32> to vector<16xi32>
    %gather3A_2754 = tpu.dynamic_gather %get3A_2749[%gather3A_2753] in [0] : vector<16xf32>, vector<16xi32> -> vector<16xf32>
    %mul3A_2755 = arith.constant 5.000000e-01 : f32
    %mul3A_2756 = vector.broadcast %mul3A_2755 : f32 to vector<16xf32>
    %mul3A_2757 = arith.mulf %gather3A_2754, %mul3A_2756 : vector<16xf32>
    %mul3A_2758 = arith.mulf %select_n3A_2746, %mul3A_59 : vector<16xf32>
    %add3A_2759 = arith.addf %mul3A_2757, %mul3A_2758 : vector<16xf32>
    %eq3A_2760 = arith.constant 10 : i32
    %eq3A_2761 = vector.broadcast %eq3A_2760 : i32 to vector<16xi32>
    %eq3A_2762 = arith.cmpi eq, %iota3A, %eq3A_2761 : vector<16xi32>
    %select_n3A_2763 = arith.select %eq3A_2762, %add3A_2759, %select_n3A_2593 : vector<16xi1>, vector<16xf32>
    %xor3A_2764 = arith.constant 8 : i32
    %xor3A_2765 = vector.broadcast %xor3A_2764 : i32 to vector<16xi32>
    %xor3A_2766 = arith.xori %iota3A, %xor3A_2765 : vector<16xi32>
    %broadcast_in_dim3A_2767 = vector.shape_cast %xor3A_2766 : vector<16xi32> to vector<16x1xi32>
    %gather3A_2768 = vector.shape_cast %broadcast_in_dim3A_2767 : vector<16x1xi32> to vector<16xi32>
    %gather3A_2769 = tpu.dynamic_gather %scan3A_2252#3[%gather3A_2768] in [0] : vector<16xf32>, vector<16xi32> -> vector<16xf32>
    %max3A_2770 = arith.maximumf %scan3A_2252#3, %gather3A_2769 : vector<16xf32>
    %xor3A_2771 = arith.constant 4 : i32
    %xor3A_2772 = vector.broadcast %xor3A_2771 : i32 to vector<16xi32>
    %xor3A_2773 = arith.xori %iota3A, %xor3A_2772 : vector<16xi32>
    %broadcast_in_dim3A_2774 = vector.shape_cast %xor3A_2773 : vector<16xi32> to vector<16x1xi32>
    %gather3A_2775 = vector.shape_cast %broadcast_in_dim3A_2774 : vector<16x1xi32> to vector<16xi32>
    %gather3A_2776 = tpu.dynamic_gather %max3A_2770[%gather3A_2775] in [0] : vector<16xf32>, vector<16xi32> -> vector<16xf32>
    %max3A_2777 = arith.maximumf %max3A_2770, %gather3A_2776 : vector<16xf32>
    %xor3A_2778 = arith.constant 2 : i32
    %xor3A_2779 = vector.broadcast %xor3A_2778 : i32 to vector<16xi32>
    %xor3A_2780 = arith.xori %iota3A, %xor3A_2779 : vector<16xi32>
    %broadcast_in_dim3A_2781 = vector.shape_cast %xor3A_2780 : vector<16xi32> to vector<16x1xi32>
    %gather3A_2782 = vector.shape_cast %broadcast_in_dim3A_2781 : vector<16x1xi32> to vector<16xi32>
    %gather3A_2783 = tpu.dynamic_gather %max3A_2777[%gather3A_2782] in [0] : vector<16xf32>, vector<16xi32> -> vector<16xf32>
    %max3A_2784 = arith.maximumf %max3A_2777, %gather3A_2783 : vector<16xf32>
    %xor3A_2785 = arith.constant 1 : i32
    %xor3A_2786 = vector.broadcast %xor3A_2785 : i32 to vector<16xi32>
    %xor3A_2787 = arith.xori %iota3A, %xor3A_2786 : vector<16xi32>
    %broadcast_in_dim3A_2788 = vector.shape_cast %xor3A_2787 : vector<16xi32> to vector<16x1xi32>
    %gather3A_2789 = vector.shape_cast %broadcast_in_dim3A_2788 : vector<16x1xi32> to vector<16xi32>
    %gather3A_2790 = tpu.dynamic_gather %max3A_2784[%gather3A_2789] in [0] : vector<16xf32>, vector<16xi32> -> vector<16xf32>
    %max3A_2791 = arith.maximumf %max3A_2784, %gather3A_2790 : vector<16xf32>
    %add3A_2792 = arith.addf %max3A_2791, %add3A_2035 : vector<16xf32>
    %gt3A_2793 = arith.constant 0.000000e+00 : f32
    %gt3A_2794 = vector.broadcast %gt3A_2793 : f32 to vector<16xf32>
    %gt3A_2795 = arith.cmpf ogt, %add3A_2792, %gt3A_2794 : vector<16xf32>
    %jit3A_2796 = arith.constant 1.000000e+00 : f32
    %broadcast_in_dim3A_2797 = vector.broadcast %jit3A_2796 : f32 to vector<16xf32>
    %select_n3A_2798 = arith.select %gt3A_2795, %add3A_2792, %broadcast_in_dim3A_2797 : vector<16xi1>, vector<16xf32>
    %add3A_2799 = arith.constant 1.000000e+00 : f32
    %add3A_2800 = vector.broadcast %add3A_2799 : f32 to vector<16xf32>
    %add3A_2801 = arith.addf %select_n3A_2798, %add3A_2800 : vector<16xf32>
    %mul3A_2802 = arith.constant 5.000000e-01 : f32
    %mul3A_2803 = vector.broadcast %mul3A_2802 : f32 to vector<16xf32>
    %mul3A_2804 = arith.mulf %add3A_2801, %mul3A_2803 : vector<16xf32>
    %div3A_2805 = arith.divf %select_n3A_2798, %mul3A_2804 : vector<16xf32>
    %add3A_2806 = arith.addf %mul3A_2804, %div3A_2805 : vector<16xf32>
    %mul3A_2807 = arith.constant 5.000000e-01 : f32
    %mul3A_2808 = vector.broadcast %mul3A_2807 : f32 to vector<16xf32>
    %mul3A_2809 = arith.mulf %add3A_2806, %mul3A_2808 : vector<16xf32>
    %div3A_2810 = arith.divf %select_n3A_2798, %mul3A_2809 : vector<16xf32>
    %add3A_2811 = arith.addf %mul3A_2809, %div3A_2810 : vector<16xf32>
    %mul3A_2812 = arith.constant 5.000000e-01 : f32
    %mul3A_2813 = vector.broadcast %mul3A_2812 : f32 to vector<16xf32>
    %mul3A_2814 = arith.mulf %add3A_2811, %mul3A_2813 : vector<16xf32>
    %div3A_2815 = arith.divf %select_n3A_2798, %mul3A_2814 : vector<16xf32>
    %add3A_2816 = arith.addf %mul3A_2814, %div3A_2815 : vector<16xf32>
    %mul3A_2817 = arith.constant 5.000000e-01 : f32
    %mul3A_2818 = vector.broadcast %mul3A_2817 : f32 to vector<16xf32>
    %mul3A_2819 = arith.mulf %add3A_2816, %mul3A_2818 : vector<16xf32>
    %div3A_2820 = arith.divf %select_n3A_2798, %mul3A_2819 : vector<16xf32>
    %add3A_2821 = arith.addf %mul3A_2819, %div3A_2820 : vector<16xf32>
    %mul3A_2822 = arith.constant 5.000000e-01 : f32
    %mul3A_2823 = vector.broadcast %mul3A_2822 : f32 to vector<16xf32>
    %mul3A_2824 = arith.mulf %add3A_2821, %mul3A_2823 : vector<16xf32>
    %div3A_2825 = arith.divf %select_n3A_2798, %mul3A_2824 : vector<16xf32>
    %add3A_2826 = arith.addf %mul3A_2824, %div3A_2825 : vector<16xf32>
    %mul3A_2827 = arith.constant 5.000000e-01 : f32
    %mul3A_2828 = vector.broadcast %mul3A_2827 : f32 to vector<16xf32>
    %mul3A_2829 = arith.mulf %add3A_2826, %mul3A_2828 : vector<16xf32>
    %div3A_2830 = arith.divf %select_n3A_2798, %mul3A_2829 : vector<16xf32>
    %add3A_2831 = arith.addf %mul3A_2829, %div3A_2830 : vector<16xf32>
    %mul3A_2832 = arith.constant 5.000000e-01 : f32
    %mul3A_2833 = vector.broadcast %mul3A_2832 : f32 to vector<16xf32>
    %mul3A_2834 = arith.mulf %add3A_2831, %mul3A_2833 : vector<16xf32>
    %div3A_2835 = arith.divf %select_n3A_2798, %mul3A_2834 : vector<16xf32>
    %add3A_2836 = arith.addf %mul3A_2834, %div3A_2835 : vector<16xf32>
    %mul3A_2837 = arith.constant 5.000000e-01 : f32
    %mul3A_2838 = vector.broadcast %mul3A_2837 : f32 to vector<16xf32>
    %mul3A_2839 = arith.mulf %add3A_2836, %mul3A_2838 : vector<16xf32>
    %div3A_2840 = arith.divf %select_n3A_2798, %mul3A_2839 : vector<16xf32>
    %add3A_2841 = arith.addf %mul3A_2839, %div3A_2840 : vector<16xf32>
    %mul3A_2842 = arith.constant 5.000000e-01 : f32
    %mul3A_2843 = vector.broadcast %mul3A_2842 : f32 to vector<16xf32>
    %mul3A_2844 = arith.mulf %add3A_2841, %mul3A_2843 : vector<16xf32>
    %div3A_2845 = arith.divf %select_n3A_2798, %mul3A_2844 : vector<16xf32>
    %add3A_2846 = arith.addf %mul3A_2844, %div3A_2845 : vector<16xf32>
    %mul3A_2847 = arith.constant 5.000000e-01 : f32
    %mul3A_2848 = vector.broadcast %mul3A_2847 : f32 to vector<16xf32>
    %mul3A_2849 = arith.mulf %add3A_2846, %mul3A_2848 : vector<16xf32>
    %div3A_2850 = arith.divf %select_n3A_2798, %mul3A_2849 : vector<16xf32>
    %add3A_2851 = arith.addf %mul3A_2849, %div3A_2850 : vector<16xf32>
    %mul3A_2852 = arith.constant 5.000000e-01 : f32
    %mul3A_2853 = vector.broadcast %mul3A_2852 : f32 to vector<16xf32>
    %mul3A_2854 = arith.mulf %add3A_2851, %mul3A_2853 : vector<16xf32>
    %div3A_2855 = arith.divf %select_n3A_2798, %mul3A_2854 : vector<16xf32>
    %add3A_2856 = arith.addf %mul3A_2854, %div3A_2855 : vector<16xf32>
    %mul3A_2857 = arith.constant 5.000000e-01 : f32
    %mul3A_2858 = vector.broadcast %mul3A_2857 : f32 to vector<16xf32>
    %mul3A_2859 = arith.mulf %add3A_2856, %mul3A_2858 : vector<16xf32>
    %div3A_2860 = arith.divf %select_n3A_2798, %mul3A_2859 : vector<16xf32>
    %add3A_2861 = arith.addf %mul3A_2859, %div3A_2860 : vector<16xf32>
    %mul3A_2862 = arith.constant 5.000000e-01 : f32
    %mul3A_2863 = vector.broadcast %mul3A_2862 : f32 to vector<16xf32>
    %mul3A_2864 = arith.mulf %add3A_2861, %mul3A_2863 : vector<16xf32>
    %div3A_2865 = arith.divf %select_n3A_2798, %mul3A_2864 : vector<16xf32>
    %add3A_2866 = arith.addf %mul3A_2864, %div3A_2865 : vector<16xf32>
    %mul3A_2867 = arith.constant 5.000000e-01 : f32
    %mul3A_2868 = vector.broadcast %mul3A_2867 : f32 to vector<16xf32>
    %mul3A_2869 = arith.mulf %add3A_2866, %mul3A_2868 : vector<16xf32>
    %div3A_2870 = arith.divf %select_n3A_2798, %mul3A_2869 : vector<16xf32>
    %add3A_2871 = arith.addf %mul3A_2869, %div3A_2870 : vector<16xf32>
    %mul3A_2872 = arith.constant 5.000000e-01 : f32
    %mul3A_2873 = vector.broadcast %mul3A_2872 : f32 to vector<16xf32>
    %mul3A_2874 = arith.mulf %add3A_2871, %mul3A_2873 : vector<16xf32>
    %div3A_2875 = arith.divf %select_n3A_2798, %mul3A_2874 : vector<16xf32>
    %add3A_2876 = arith.addf %mul3A_2874, %div3A_2875 : vector<16xf32>
    %mul3A_2877 = arith.constant 5.000000e-01 : f32
    %mul3A_2878 = vector.broadcast %mul3A_2877 : f32 to vector<16xf32>
    %mul3A_2879 = arith.mulf %add3A_2876, %mul3A_2878 : vector<16xf32>
    %div3A_2880 = arith.divf %select_n3A_2798, %mul3A_2879 : vector<16xf32>
    %add3A_2881 = arith.addf %mul3A_2879, %div3A_2880 : vector<16xf32>
    %mul3A_2882 = arith.constant 5.000000e-01 : f32
    %mul3A_2883 = vector.broadcast %mul3A_2882 : f32 to vector<16xf32>
    %mul3A_2884 = arith.mulf %add3A_2881, %mul3A_2883 : vector<16xf32>
    %div3A_2885 = arith.divf %select_n3A_2798, %mul3A_2884 : vector<16xf32>
    %add3A_2886 = arith.addf %mul3A_2884, %div3A_2885 : vector<16xf32>
    %mul3A_2887 = arith.constant 5.000000e-01 : f32
    %mul3A_2888 = vector.broadcast %mul3A_2887 : f32 to vector<16xf32>
    %mul3A_2889 = arith.mulf %add3A_2886, %mul3A_2888 : vector<16xf32>
    %div3A_2890 = arith.divf %select_n3A_2798, %mul3A_2889 : vector<16xf32>
    %add3A_2891 = arith.addf %mul3A_2889, %div3A_2890 : vector<16xf32>
    %mul3A_2892 = arith.constant 5.000000e-01 : f32
    %mul3A_2893 = vector.broadcast %mul3A_2892 : f32 to vector<16xf32>
    %mul3A_2894 = arith.mulf %add3A_2891, %mul3A_2893 : vector<16xf32>
    %div3A_2895 = arith.divf %select_n3A_2798, %mul3A_2894 : vector<16xf32>
    %add3A_2896 = arith.addf %mul3A_2894, %div3A_2895 : vector<16xf32>
    %mul3A_2897 = arith.constant 5.000000e-01 : f32
    %mul3A_2898 = vector.broadcast %mul3A_2897 : f32 to vector<16xf32>
    %mul3A_2899 = arith.mulf %add3A_2896, %mul3A_2898 : vector<16xf32>
    %div3A_2900 = arith.divf %select_n3A_2798, %mul3A_2899 : vector<16xf32>
    %add3A_2901 = arith.addf %mul3A_2899, %div3A_2900 : vector<16xf32>
    %mul3A_2902 = arith.constant 5.000000e-01 : f32
    %mul3A_2903 = vector.broadcast %mul3A_2902 : f32 to vector<16xf32>
    %mul3A_2904 = arith.mulf %add3A_2901, %mul3A_2903 : vector<16xf32>
    %eq3A_2905 = arith.constant 0xFF800000 : f32
    %eq3A_2906 = vector.broadcast %eq3A_2905 : f32 to vector<16xf32>
    %eq3A_2907 = arith.cmpf oeq, %add3A_2792, %eq3A_2906 : vector<16xf32>
    %gt3A_2908 = arith.constant 0.000000e+00 : f32
    %gt3A_2909 = vector.broadcast %gt3A_2908 : f32 to vector<16xf32>
    %gt3A_2910 = arith.cmpf ogt, %add3A_2792, %gt3A_2909 : vector<16xf32>
    %jit3A_2911 = arith.constant 0.000000e+00 : f32
    %broadcast_in_dim3A_2912 = vector.broadcast %jit3A_2911 : f32 to vector<16xf32>
    %select_n3A_2913 = arith.select %gt3A_2910, %mul3A_2904, %broadcast_in_dim3A_2912 : vector<16xi1>, vector<16xf32>
    %jit3A_2914 = arith.constant 0xFF800000 : f32
    %broadcast_in_dim3A_2915 = vector.broadcast %jit3A_2914 : f32 to vector<16xf32>
    %select_n3A_2916 = arith.select %eq3A_2907, %broadcast_in_dim3A_2915, %select_n3A_2913 : vector<16xi1>, vector<16xf32>
    %get3A_2917 = arith.constant 0 : index
    %get3A_2918 = tpu.vector_load %arg11[%get3A_2917] {strides = array<i32>} : memref<16xf32, #tpu.memory_space<vmem>>, vector<16xf32>,
    %get3A_2919 = vector.shape_cast %get3A_2918 : vector<16xf32> to vector<16xf32>
    %broadcast_in_dim3A_2920 = arith.constant 11 : i32
    %broadcast_in_dim3A_2921 = vector.broadcast %broadcast_in_dim3A_2920 : i32 to vector<16xi32>
    %broadcast_in_dim3A_2922 = vector.shape_cast %broadcast_in_dim3A_2921 : vector<16xi32> to vector<16x1xi32>
    %gather3A_2923 = vector.shape_cast %broadcast_in_dim3A_2922 : vector<16x1xi32> to vector<16xi32>
    %gather3A_2924 = tpu.dynamic_gather %get3A_2919[%gather3A_2923] in [0] : vector<16xf32>, vector<16xi32> -> vector<16xf32>
    %mul3A_2925 = arith.constant 5.000000e-01 : f32
    %mul3A_2926 = vector.broadcast %mul3A_2925 : f32 to vector<16xf32>
    %mul3A_2927 = arith.mulf %gather3A_2924, %mul3A_2926 : vector<16xf32>
    %mul3A_2928 = arith.mulf %select_n3A_2916, %mul3A_59 : vector<16xf32>
    %add3A_2929 = arith.addf %mul3A_2927, %mul3A_2928 : vector<16xf32>
    %eq3A_2930 = arith.constant 11 : i32
    %eq3A_2931 = vector.broadcast %eq3A_2930 : i32 to vector<16xi32>
    %eq3A_2932 = arith.cmpi eq, %iota3A, %eq3A_2931 : vector<16xi32>
    %select_n3A_2933 = arith.select %eq3A_2932, %add3A_2929, %select_n3A_2763 : vector<16xi1>, vector<16xf32>
    %xor3A_2934 = arith.constant 8 : i32
    %xor3A_2935 = vector.broadcast %xor3A_2934 : i32 to vector<16xi32>
    %xor3A_2936 = arith.xori %iota3A, %xor3A_2935 : vector<16xi32>
    %broadcast_in_dim3A_2937 = vector.shape_cast %xor3A_2936 : vector<16xi32> to vector<16x1xi32>
    %gather3A_2938 = vector.shape_cast %broadcast_in_dim3A_2937 : vector<16x1xi32> to vector<16xi32>
    %gather3A_2939 = tpu.dynamic_gather %scan3A_2252#4[%gather3A_2938] in [0] : vector<16xf32>, vector<16xi32> -> vector<16xf32>
    %max3A_2940 = arith.maximumf %scan3A_2252#4, %gather3A_2939 : vector<16xf32>
    %xor3A_2941 = arith.constant 4 : i32
    %xor3A_2942 = vector.broadcast %xor3A_2941 : i32 to vector<16xi32>
    %xor3A_2943 = arith.xori %iota3A, %xor3A_2942 : vector<16xi32>
    %broadcast_in_dim3A_2944 = vector.shape_cast %xor3A_2943 : vector<16xi32> to vector<16x1xi32>
    %gather3A_2945 = vector.shape_cast %broadcast_in_dim3A_2944 : vector<16x1xi32> to vector<16xi32>
    %gather3A_2946 = tpu.dynamic_gather %max3A_2940[%gather3A_2945] in [0] : vector<16xf32>, vector<16xi32> -> vector<16xf32>
    %max3A_2947 = arith.maximumf %max3A_2940, %gather3A_2946 : vector<16xf32>
    %xor3A_2948 = arith.constant 2 : i32
    %xor3A_2949 = vector.broadcast %xor3A_2948 : i32 to vector<16xi32>
    %xor3A_2950 = arith.xori %iota3A, %xor3A_2949 : vector<16xi32>
    %broadcast_in_dim3A_2951 = vector.shape_cast %xor3A_2950 : vector<16xi32> to vector<16x1xi32>
    %gather3A_2952 = vector.shape_cast %broadcast_in_dim3A_2951 : vector<16x1xi32> to vector<16xi32>
    %gather3A_2953 = tpu.dynamic_gather %max3A_2947[%gather3A_2952] in [0] : vector<16xf32>, vector<16xi32> -> vector<16xf32>
    %max3A_2954 = arith.maximumf %max3A_2947, %gather3A_2953 : vector<16xf32>
    %xor3A_2955 = arith.constant 1 : i32
    %xor3A_2956 = vector.broadcast %xor3A_2955 : i32 to vector<16xi32>
    %xor3A_2957 = arith.xori %iota3A, %xor3A_2956 : vector<16xi32>
    %broadcast_in_dim3A_2958 = vector.shape_cast %xor3A_2957 : vector<16xi32> to vector<16x1xi32>
    %gather3A_2959 = vector.shape_cast %broadcast_in_dim3A_2958 : vector<16x1xi32> to vector<16xi32>
    %gather3A_2960 = tpu.dynamic_gather %max3A_2954[%gather3A_2959] in [0] : vector<16xf32>, vector<16xi32> -> vector<16xf32>
    %max3A_2961 = arith.maximumf %max3A_2954, %gather3A_2960 : vector<16xf32>
    %add3A_2962 = arith.addf %max3A_2961, %add3A_2084 : vector<16xf32>
    %gt3A_2963 = arith.constant 0.000000e+00 : f32
    %gt3A_2964 = vector.broadcast %gt3A_2963 : f32 to vector<16xf32>
    %gt3A_2965 = arith.cmpf ogt, %add3A_2962, %gt3A_2964 : vector<16xf32>
    %jit3A_2966 = arith.constant 1.000000e+00 : f32
    %broadcast_in_dim3A_2967 = vector.broadcast %jit3A_2966 : f32 to vector<16xf32>
    %select_n3A_2968 = arith.select %gt3A_2965, %add3A_2962, %broadcast_in_dim3A_2967 : vector<16xi1>, vector<16xf32>
    %add3A_2969 = arith.constant 1.000000e+00 : f32
    %add3A_2970 = vector.broadcast %add3A_2969 : f32 to vector<16xf32>
    %add3A_2971 = arith.addf %select_n3A_2968, %add3A_2970 : vector<16xf32>
    %mul3A_2972 = arith.constant 5.000000e-01 : f32
    %mul3A_2973 = vector.broadcast %mul3A_2972 : f32 to vector<16xf32>
    %mul3A_2974 = arith.mulf %add3A_2971, %mul3A_2973 : vector<16xf32>
    %div3A_2975 = arith.divf %select_n3A_2968, %mul3A_2974 : vector<16xf32>
    %add3A_2976 = arith.addf %mul3A_2974, %div3A_2975 : vector<16xf32>
    %mul3A_2977 = arith.constant 5.000000e-01 : f32
    %mul3A_2978 = vector.broadcast %mul3A_2977 : f32 to vector<16xf32>
    %mul3A_2979 = arith.mulf %add3A_2976, %mul3A_2978 : vector<16xf32>
    %div3A_2980 = arith.divf %select_n3A_2968, %mul3A_2979 : vector<16xf32>
    %add3A_2981 = arith.addf %mul3A_2979, %div3A_2980 : vector<16xf32>
    %mul3A_2982 = arith.constant 5.000000e-01 : f32
    %mul3A_2983 = vector.broadcast %mul3A_2982 : f32 to vector<16xf32>
    %mul3A_2984 = arith.mulf %add3A_2981, %mul3A_2983 : vector<16xf32>
    %div3A_2985 = arith.divf %select_n3A_2968, %mul3A_2984 : vector<16xf32>
    %add3A_2986 = arith.addf %mul3A_2984, %div3A_2985 : vector<16xf32>
    %mul3A_2987 = arith.constant 5.000000e-01 : f32
    %mul3A_2988 = vector.broadcast %mul3A_2987 : f32 to vector<16xf32>
    %mul3A_2989 = arith.mulf %add3A_2986, %mul3A_2988 : vector<16xf32>
    %div3A_2990 = arith.divf %select_n3A_2968, %mul3A_2989 : vector<16xf32>
    %add3A_2991 = arith.addf %mul3A_2989, %div3A_2990 : vector<16xf32>
    %mul3A_2992 = arith.constant 5.000000e-01 : f32
    %mul3A_2993 = vector.broadcast %mul3A_2992 : f32 to vector<16xf32>
    %mul3A_2994 = arith.mulf %add3A_2991, %mul3A_2993 : vector<16xf32>
    %div3A_2995 = arith.divf %select_n3A_2968, %mul3A_2994 : vector<16xf32>
    %add3A_2996 = arith.addf %mul3A_2994, %div3A_2995 : vector<16xf32>
    %mul3A_2997 = arith.constant 5.000000e-01 : f32
    %mul3A_2998 = vector.broadcast %mul3A_2997 : f32 to vector<16xf32>
    %mul3A_2999 = arith.mulf %add3A_2996, %mul3A_2998 : vector<16xf32>
    %div3A_3000 = arith.divf %select_n3A_2968, %mul3A_2999 : vector<16xf32>
    %add3A_3001 = arith.addf %mul3A_2999, %div3A_3000 : vector<16xf32>
    %mul3A_3002 = arith.constant 5.000000e-01 : f32
    %mul3A_3003 = vector.broadcast %mul3A_3002 : f32 to vector<16xf32>
    %mul3A_3004 = arith.mulf %add3A_3001, %mul3A_3003 : vector<16xf32>
    %div3A_3005 = arith.divf %select_n3A_2968, %mul3A_3004 : vector<16xf32>
    %add3A_3006 = arith.addf %mul3A_3004, %div3A_3005 : vector<16xf32>
    %mul3A_3007 = arith.constant 5.000000e-01 : f32
    %mul3A_3008 = vector.broadcast %mul3A_3007 : f32 to vector<16xf32>
    %mul3A_3009 = arith.mulf %add3A_3006, %mul3A_3008 : vector<16xf32>
    %div3A_3010 = arith.divf %select_n3A_2968, %mul3A_3009 : vector<16xf32>
    %add3A_3011 = arith.addf %mul3A_3009, %div3A_3010 : vector<16xf32>
    %mul3A_3012 = arith.constant 5.000000e-01 : f32
    %mul3A_3013 = vector.broadcast %mul3A_3012 : f32 to vector<16xf32>
    %mul3A_3014 = arith.mulf %add3A_3011, %mul3A_3013 : vector<16xf32>
    %div3A_3015 = arith.divf %select_n3A_2968, %mul3A_3014 : vector<16xf32>
    %add3A_3016 = arith.addf %mul3A_3014, %div3A_3015 : vector<16xf32>
    %mul3A_3017 = arith.constant 5.000000e-01 : f32
    %mul3A_3018 = vector.broadcast %mul3A_3017 : f32 to vector<16xf32>
    %mul3A_3019 = arith.mulf %add3A_3016, %mul3A_3018 : vector<16xf32>
    %div3A_3020 = arith.divf %select_n3A_2968, %mul3A_3019 : vector<16xf32>
    %add3A_3021 = arith.addf %mul3A_3019, %div3A_3020 : vector<16xf32>
    %mul3A_3022 = arith.constant 5.000000e-01 : f32
    %mul3A_3023 = vector.broadcast %mul3A_3022 : f32 to vector<16xf32>
    %mul3A_3024 = arith.mulf %add3A_3021, %mul3A_3023 : vector<16xf32>
    %div3A_3025 = arith.divf %select_n3A_2968, %mul3A_3024 : vector<16xf32>
    %add3A_3026 = arith.addf %mul3A_3024, %div3A_3025 : vector<16xf32>
    %mul3A_3027 = arith.constant 5.000000e-01 : f32
    %mul3A_3028 = vector.broadcast %mul3A_3027 : f32 to vector<16xf32>
    %mul3A_3029 = arith.mulf %add3A_3026, %mul3A_3028 : vector<16xf32>
    %div3A_3030 = arith.divf %select_n3A_2968, %mul3A_3029 : vector<16xf32>
    %add3A_3031 = arith.addf %mul3A_3029, %div3A_3030 : vector<16xf32>
    %mul3A_3032 = arith.constant 5.000000e-01 : f32
    %mul3A_3033 = vector.broadcast %mul3A_3032 : f32 to vector<16xf32>
    %mul3A_3034 = arith.mulf %add3A_3031, %mul3A_3033 : vector<16xf32>
    %div3A_3035 = arith.divf %select_n3A_2968, %mul3A_3034 : vector<16xf32>
    %add3A_3036 = arith.addf %mul3A_3034, %div3A_3035 : vector<16xf32>
    %mul3A_3037 = arith.constant 5.000000e-01 : f32
    %mul3A_3038 = vector.broadcast %mul3A_3037 : f32 to vector<16xf32>
    %mul3A_3039 = arith.mulf %add3A_3036, %mul3A_3038 : vector<16xf32>
    %div3A_3040 = arith.divf %select_n3A_2968, %mul3A_3039 : vector<16xf32>
    %add3A_3041 = arith.addf %mul3A_3039, %div3A_3040 : vector<16xf32>
    %mul3A_3042 = arith.constant 5.000000e-01 : f32
    %mul3A_3043 = vector.broadcast %mul3A_3042 : f32 to vector<16xf32>
    %mul3A_3044 = arith.mulf %add3A_3041, %mul3A_3043 : vector<16xf32>
    %div3A_3045 = arith.divf %select_n3A_2968, %mul3A_3044 : vector<16xf32>
    %add3A_3046 = arith.addf %mul3A_3044, %div3A_3045 : vector<16xf32>
    %mul3A_3047 = arith.constant 5.000000e-01 : f32
    %mul3A_3048 = vector.broadcast %mul3A_3047 : f32 to vector<16xf32>
    %mul3A_3049 = arith.mulf %add3A_3046, %mul3A_3048 : vector<16xf32>
    %div3A_3050 = arith.divf %select_n3A_2968, %mul3A_3049 : vector<16xf32>
    %add3A_3051 = arith.addf %mul3A_3049, %div3A_3050 : vector<16xf32>
    %mul3A_3052 = arith.constant 5.000000e-01 : f32
    %mul3A_3053 = vector.broadcast %mul3A_3052 : f32 to vector<16xf32>
    %mul3A_3054 = arith.mulf %add3A_3051, %mul3A_3053 : vector<16xf32>
    %div3A_3055 = arith.divf %select_n3A_2968, %mul3A_3054 : vector<16xf32>
    %add3A_3056 = arith.addf %mul3A_3054, %div3A_3055 : vector<16xf32>
    %mul3A_3057 = arith.constant 5.000000e-01 : f32
    %mul3A_3058 = vector.broadcast %mul3A_3057 : f32 to vector<16xf32>
    %mul3A_3059 = arith.mulf %add3A_3056, %mul3A_3058 : vector<16xf32>
    %div3A_3060 = arith.divf %select_n3A_2968, %mul3A_3059 : vector<16xf32>
    %add3A_3061 = arith.addf %mul3A_3059, %div3A_3060 : vector<16xf32>
    %mul3A_3062 = arith.constant 5.000000e-01 : f32
    %mul3A_3063 = vector.broadcast %mul3A_3062 : f32 to vector<16xf32>
    %mul3A_3064 = arith.mulf %add3A_3061, %mul3A_3063 : vector<16xf32>
    %div3A_3065 = arith.divf %select_n3A_2968, %mul3A_3064 : vector<16xf32>
    %add3A_3066 = arith.addf %mul3A_3064, %div3A_3065 : vector<16xf32>
    %mul3A_3067 = arith.constant 5.000000e-01 : f32
    %mul3A_3068 = vector.broadcast %mul3A_3067 : f32 to vector<16xf32>
    %mul3A_3069 = arith.mulf %add3A_3066, %mul3A_3068 : vector<16xf32>
    %div3A_3070 = arith.divf %select_n3A_2968, %mul3A_3069 : vector<16xf32>
    %add3A_3071 = arith.addf %mul3A_3069, %div3A_3070 : vector<16xf32>
    %mul3A_3072 = arith.constant 5.000000e-01 : f32
    %mul3A_3073 = vector.broadcast %mul3A_3072 : f32 to vector<16xf32>
    %mul3A_3074 = arith.mulf %add3A_3071, %mul3A_3073 : vector<16xf32>
    %eq3A_3075 = arith.constant 0xFF800000 : f32
    %eq3A_3076 = vector.broadcast %eq3A_3075 : f32 to vector<16xf32>
    %eq3A_3077 = arith.cmpf oeq, %add3A_2962, %eq3A_3076 : vector<16xf32>
    %gt3A_3078 = arith.constant 0.000000e+00 : f32
    %gt3A_3079 = vector.broadcast %gt3A_3078 : f32 to vector<16xf32>
    %gt3A_3080 = arith.cmpf ogt, %add3A_2962, %gt3A_3079 : vector<16xf32>
    %jit3A_3081 = arith.constant 0.000000e+00 : f32
    %broadcast_in_dim3A_3082 = vector.broadcast %jit3A_3081 : f32 to vector<16xf32>
    %select_n3A_3083 = arith.select %gt3A_3080, %mul3A_3074, %broadcast_in_dim3A_3082 : vector<16xi1>, vector<16xf32>
    %jit3A_3084 = arith.constant 0xFF800000 : f32
    %broadcast_in_dim3A_3085 = vector.broadcast %jit3A_3084 : f32 to vector<16xf32>
    %select_n3A_3086 = arith.select %eq3A_3077, %broadcast_in_dim3A_3085, %select_n3A_3083 : vector<16xi1>, vector<16xf32>
    %get3A_3087 = arith.constant 0 : index
    %get3A_3088 = tpu.vector_load %arg11[%get3A_3087] {strides = array<i32>} : memref<16xf32, #tpu.memory_space<vmem>>, vector<16xf32>,
    %get3A_3089 = vector.shape_cast %get3A_3088 : vector<16xf32> to vector<16xf32>
    %broadcast_in_dim3A_3090 = arith.constant 12 : i32
    %broadcast_in_dim3A_3091 = vector.broadcast %broadcast_in_dim3A_3090 : i32 to vector<16xi32>
    %broadcast_in_dim3A_3092 = vector.shape_cast %broadcast_in_dim3A_3091 : vector<16xi32> to vector<16x1xi32>
    %gather3A_3093 = vector.shape_cast %broadcast_in_dim3A_3092 : vector<16x1xi32> to vector<16xi32>
    %gather3A_3094 = tpu.dynamic_gather %get3A_3089[%gather3A_3093] in [0] : vector<16xf32>, vector<16xi32> -> vector<16xf32>
    %mul3A_3095 = arith.constant 5.000000e-01 : f32
    %mul3A_3096 = vector.broadcast %mul3A_3095 : f32 to vector<16xf32>
    %mul3A_3097 = arith.mulf %gather3A_3094, %mul3A_3096 : vector<16xf32>
    %mul3A_3098 = arith.mulf %select_n3A_3086, %mul3A_59 : vector<16xf32>
    %add3A_3099 = arith.addf %mul3A_3097, %mul3A_3098 : vector<16xf32>
    %eq3A_3100 = arith.constant 12 : i32
    %eq3A_3101 = vector.broadcast %eq3A_3100 : i32 to vector<16xi32>
    %eq3A_3102 = arith.cmpi eq, %iota3A, %eq3A_3101 : vector<16xi32>
    %select_n3A_3103 = arith.select %eq3A_3102, %add3A_3099, %select_n3A_2933 : vector<16xi1>, vector<16xf32>
    %xor3A_3104 = arith.constant 8 : i32
    %xor3A_3105 = vector.broadcast %xor3A_3104 : i32 to vector<16xi32>
    %xor3A_3106 = arith.xori %iota3A, %xor3A_3105 : vector<16xi32>
    %broadcast_in_dim3A_3107 = vector.shape_cast %xor3A_3106 : vector<16xi32> to vector<16x1xi32>
    %gather3A_3108 = vector.shape_cast %broadcast_in_dim3A_3107 : vector<16x1xi32> to vector<16xi32>
    %gather3A_3109 = tpu.dynamic_gather %scan3A_2252#5[%gather3A_3108] in [0] : vector<16xf32>, vector<16xi32> -> vector<16xf32>
    %max3A_3110 = arith.maximumf %scan3A_2252#5, %gather3A_3109 : vector<16xf32>
    %xor3A_3111 = arith.constant 4 : i32
    %xor3A_3112 = vector.broadcast %xor3A_3111 : i32 to vector<16xi32>
    %xor3A_3113 = arith.xori %iota3A, %xor3A_3112 : vector<16xi32>
    %broadcast_in_dim3A_3114 = vector.shape_cast %xor3A_3113 : vector<16xi32> to vector<16x1xi32>
    %gather3A_3115 = vector.shape_cast %broadcast_in_dim3A_3114 : vector<16x1xi32> to vector<16xi32>
    %gather3A_3116 = tpu.dynamic_gather %max3A_3110[%gather3A_3115] in [0] : vector<16xf32>, vector<16xi32> -> vector<16xf32>
    %max3A_3117 = arith.maximumf %max3A_3110, %gather3A_3116 : vector<16xf32>
    %xor3A_3118 = arith.constant 2 : i32
    %xor3A_3119 = vector.broadcast %xor3A_3118 : i32 to vector<16xi32>
    %xor3A_3120 = arith.xori %iota3A, %xor3A_3119 : vector<16xi32>
    %broadcast_in_dim3A_3121 = vector.shape_cast %xor3A_3120 : vector<16xi32> to vector<16x1xi32>
    %gather3A_3122 = vector.shape_cast %broadcast_in_dim3A_3121 : vector<16x1xi32> to vector<16xi32>
    %gather3A_3123 = tpu.dynamic_gather %max3A_3117[%gather3A_3122] in [0] : vector<16xf32>, vector<16xi32> -> vector<16xf32>
    %max3A_3124 = arith.maximumf %max3A_3117, %gather3A_3123 : vector<16xf32>
    %xor3A_3125 = arith.constant 1 : i32
    %xor3A_3126 = vector.broadcast %xor3A_3125 : i32 to vector<16xi32>
    %xor3A_3127 = arith.xori %iota3A, %xor3A_3126 : vector<16xi32>
    %broadcast_in_dim3A_3128 = vector.shape_cast %xor3A_3127 : vector<16xi32> to vector<16x1xi32>
    %gather3A_3129 = vector.shape_cast %broadcast_in_dim3A_3128 : vector<16x1xi32> to vector<16xi32>
    %gather3A_3130 = tpu.dynamic_gather %max3A_3124[%gather3A_3129] in [0] : vector<16xf32>, vector<16xi32> -> vector<16xf32>
    %max3A_3131 = arith.maximumf %max3A_3124, %gather3A_3130 : vector<16xf32>
    %add3A_3132 = arith.addf %max3A_3131, %add3A_2133 : vector<16xf32>
    %gt3A_3133 = arith.constant 0.000000e+00 : f32
    %gt3A_3134 = vector.broadcast %gt3A_3133 : f32 to vector<16xf32>
    %gt3A_3135 = arith.cmpf ogt, %add3A_3132, %gt3A_3134 : vector<16xf32>
    %jit3A_3136 = arith.constant 1.000000e+00 : f32
    %broadcast_in_dim3A_3137 = vector.broadcast %jit3A_3136 : f32 to vector<16xf32>
    %select_n3A_3138 = arith.select %gt3A_3135, %add3A_3132, %broadcast_in_dim3A_3137 : vector<16xi1>, vector<16xf32>
    %add3A_3139 = arith.constant 1.000000e+00 : f32
    %add3A_3140 = vector.broadcast %add3A_3139 : f32 to vector<16xf32>
    %add3A_3141 = arith.addf %select_n3A_3138, %add3A_3140 : vector<16xf32>
    %mul3A_3142 = arith.constant 5.000000e-01 : f32
    %mul3A_3143 = vector.broadcast %mul3A_3142 : f32 to vector<16xf32>
    %mul3A_3144 = arith.mulf %add3A_3141, %mul3A_3143 : vector<16xf32>
    %div3A_3145 = arith.divf %select_n3A_3138, %mul3A_3144 : vector<16xf32>
    %add3A_3146 = arith.addf %mul3A_3144, %div3A_3145 : vector<16xf32>
    %mul3A_3147 = arith.constant 5.000000e-01 : f32
    %mul3A_3148 = vector.broadcast %mul3A_3147 : f32 to vector<16xf32>
    %mul3A_3149 = arith.mulf %add3A_3146, %mul3A_3148 : vector<16xf32>
    %div3A_3150 = arith.divf %select_n3A_3138, %mul3A_3149 : vector<16xf32>
    %add3A_3151 = arith.addf %mul3A_3149, %div3A_3150 : vector<16xf32>
    %mul3A_3152 = arith.constant 5.000000e-01 : f32
    %mul3A_3153 = vector.broadcast %mul3A_3152 : f32 to vector<16xf32>
    %mul3A_3154 = arith.mulf %add3A_3151, %mul3A_3153 : vector<16xf32>
    %div3A_3155 = arith.divf %select_n3A_3138, %mul3A_3154 : vector<16xf32>
    %add3A_3156 = arith.addf %mul3A_3154, %div3A_3155 : vector<16xf32>
    %mul3A_3157 = arith.constant 5.000000e-01 : f32
    %mul3A_3158 = vector.broadcast %mul3A_3157 : f32 to vector<16xf32>
    %mul3A_3159 = arith.mulf %add3A_3156, %mul3A_3158 : vector<16xf32>
    %div3A_3160 = arith.divf %select_n3A_3138, %mul3A_3159 : vector<16xf32>
    %add3A_3161 = arith.addf %mul3A_3159, %div3A_3160 : vector<16xf32>
    %mul3A_3162 = arith.constant 5.000000e-01 : f32
    %mul3A_3163 = vector.broadcast %mul3A_3162 : f32 to vector<16xf32>
    %mul3A_3164 = arith.mulf %add3A_3161, %mul3A_3163 : vector<16xf32>
    %div3A_3165 = arith.divf %select_n3A_3138, %mul3A_3164 : vector<16xf32>
    %add3A_3166 = arith.addf %mul3A_3164, %div3A_3165 : vector<16xf32>
    %mul3A_3167 = arith.constant 5.000000e-01 : f32
    %mul3A_3168 = vector.broadcast %mul3A_3167 : f32 to vector<16xf32>
    %mul3A_3169 = arith.mulf %add3A_3166, %mul3A_3168 : vector<16xf32>
    %div3A_3170 = arith.divf %select_n3A_3138, %mul3A_3169 : vector<16xf32>
    %add3A_3171 = arith.addf %mul3A_3169, %div3A_3170 : vector<16xf32>
    %mul3A_3172 = arith.constant 5.000000e-01 : f32
    %mul3A_3173 = vector.broadcast %mul3A_3172 : f32 to vector<16xf32>
    %mul3A_3174 = arith.mulf %add3A_3171, %mul3A_3173 : vector<16xf32>
    %div3A_3175 = arith.divf %select_n3A_3138, %mul3A_3174 : vector<16xf32>
    %add3A_3176 = arith.addf %mul3A_3174, %div3A_3175 : vector<16xf32>
    %mul3A_3177 = arith.constant 5.000000e-01 : f32
    %mul3A_3178 = vector.broadcast %mul3A_3177 : f32 to vector<16xf32>
    %mul3A_3179 = arith.mulf %add3A_3176, %mul3A_3178 : vector<16xf32>
    %div3A_3180 = arith.divf %select_n3A_3138, %mul3A_3179 : vector<16xf32>
    %add3A_3181 = arith.addf %mul3A_3179, %div3A_3180 : vector<16xf32>
    %mul3A_3182 = arith.constant 5.000000e-01 : f32
    %mul3A_3183 = vector.broadcast %mul3A_3182 : f32 to vector<16xf32>
    %mul3A_3184 = arith.mulf %add3A_3181, %mul3A_3183 : vector<16xf32>
    %div3A_3185 = arith.divf %select_n3A_3138, %mul3A_3184 : vector<16xf32>
    %add3A_3186 = arith.addf %mul3A_3184, %div3A_3185 : vector<16xf32>
    %mul3A_3187 = arith.constant 5.000000e-01 : f32
    %mul3A_3188 = vector.broadcast %mul3A_3187 : f32 to vector<16xf32>
    %mul3A_3189 = arith.mulf %add3A_3186, %mul3A_3188 : vector<16xf32>
    %div3A_3190 = arith.divf %select_n3A_3138, %mul3A_3189 : vector<16xf32>
    %add3A_3191 = arith.addf %mul3A_3189, %div3A_3190 : vector<16xf32>
    %mul3A_3192 = arith.constant 5.000000e-01 : f32
    %mul3A_3193 = vector.broadcast %mul3A_3192 : f32 to vector<16xf32>
    %mul3A_3194 = arith.mulf %add3A_3191, %mul3A_3193 : vector<16xf32>
    %div3A_3195 = arith.divf %select_n3A_3138, %mul3A_3194 : vector<16xf32>
    %add3A_3196 = arith.addf %mul3A_3194, %div3A_3195 : vector<16xf32>
    %mul3A_3197 = arith.constant 5.000000e-01 : f32
    %mul3A_3198 = vector.broadcast %mul3A_3197 : f32 to vector<16xf32>
    %mul3A_3199 = arith.mulf %add3A_3196, %mul3A_3198 : vector<16xf32>
    %div3A_3200 = arith.divf %select_n3A_3138, %mul3A_3199 : vector<16xf32>
    %add3A_3201 = arith.addf %mul3A_3199, %div3A_3200 : vector<16xf32>
    %mul3A_3202 = arith.constant 5.000000e-01 : f32
    %mul3A_3203 = vector.broadcast %mul3A_3202 : f32 to vector<16xf32>
    %mul3A_3204 = arith.mulf %add3A_3201, %mul3A_3203 : vector<16xf32>
    %div3A_3205 = arith.divf %select_n3A_3138, %mul3A_3204 : vector<16xf32>
    %add3A_3206 = arith.addf %mul3A_3204, %div3A_3205 : vector<16xf32>
    %mul3A_3207 = arith.constant 5.000000e-01 : f32
    %mul3A_3208 = vector.broadcast %mul3A_3207 : f32 to vector<16xf32>
    %mul3A_3209 = arith.mulf %add3A_3206, %mul3A_3208 : vector<16xf32>
    %div3A_3210 = arith.divf %select_n3A_3138, %mul3A_3209 : vector<16xf32>
    %add3A_3211 = arith.addf %mul3A_3209, %div3A_3210 : vector<16xf32>
    %mul3A_3212 = arith.constant 5.000000e-01 : f32
    %mul3A_3213 = vector.broadcast %mul3A_3212 : f32 to vector<16xf32>
    %mul3A_3214 = arith.mulf %add3A_3211, %mul3A_3213 : vector<16xf32>
    %div3A_3215 = arith.divf %select_n3A_3138, %mul3A_3214 : vector<16xf32>
    %add3A_3216 = arith.addf %mul3A_3214, %div3A_3215 : vector<16xf32>
    %mul3A_3217 = arith.constant 5.000000e-01 : f32
    %mul3A_3218 = vector.broadcast %mul3A_3217 : f32 to vector<16xf32>
    %mul3A_3219 = arith.mulf %add3A_3216, %mul3A_3218 : vector<16xf32>
    %div3A_3220 = arith.divf %select_n3A_3138, %mul3A_3219 : vector<16xf32>
    %add3A_3221 = arith.addf %mul3A_3219, %div3A_3220 : vector<16xf32>
    %mul3A_3222 = arith.constant 5.000000e-01 : f32
    %mul3A_3223 = vector.broadcast %mul3A_3222 : f32 to vector<16xf32>
    %mul3A_3224 = arith.mulf %add3A_3221, %mul3A_3223 : vector<16xf32>
    %div3A_3225 = arith.divf %select_n3A_3138, %mul3A_3224 : vector<16xf32>
    %add3A_3226 = arith.addf %mul3A_3224, %div3A_3225 : vector<16xf32>
    %mul3A_3227 = arith.constant 5.000000e-01 : f32
    %mul3A_3228 = vector.broadcast %mul3A_3227 : f32 to vector<16xf32>
    %mul3A_3229 = arith.mulf %add3A_3226, %mul3A_3228 : vector<16xf32>
    %div3A_3230 = arith.divf %select_n3A_3138, %mul3A_3229 : vector<16xf32>
    %add3A_3231 = arith.addf %mul3A_3229, %div3A_3230 : vector<16xf32>
    %mul3A_3232 = arith.constant 5.000000e-01 : f32
    %mul3A_3233 = vector.broadcast %mul3A_3232 : f32 to vector<16xf32>
    %mul3A_3234 = arith.mulf %add3A_3231, %mul3A_3233 : vector<16xf32>
    %div3A_3235 = arith.divf %select_n3A_3138, %mul3A_3234 : vector<16xf32>
    %add3A_3236 = arith.addf %mul3A_3234, %div3A_3235 : vector<16xf32>
    %mul3A_3237 = arith.constant 5.000000e-01 : f32
    %mul3A_3238 = vector.broadcast %mul3A_3237 : f32 to vector<16xf32>
    %mul3A_3239 = arith.mulf %add3A_3236, %mul3A_3238 : vector<16xf32>
    %div3A_3240 = arith.divf %select_n3A_3138, %mul3A_3239 : vector<16xf32>
    %add3A_3241 = arith.addf %mul3A_3239, %div3A_3240 : vector<16xf32>
    %mul3A_3242 = arith.constant 5.000000e-01 : f32
    %mul3A_3243 = vector.broadcast %mul3A_3242 : f32 to vector<16xf32>
    %mul3A_3244 = arith.mulf %add3A_3241, %mul3A_3243 : vector<16xf32>
    %eq3A_3245 = arith.constant 0xFF800000 : f32
    %eq3A_3246 = vector.broadcast %eq3A_3245 : f32 to vector<16xf32>
    %eq3A_3247 = arith.cmpf oeq, %add3A_3132, %eq3A_3246 : vector<16xf32>
    %gt3A_3248 = arith.constant 0.000000e+00 : f32
    %gt3A_3249 = vector.broadcast %gt3A_3248 : f32 to vector<16xf32>
    %gt3A_3250 = arith.cmpf ogt, %add3A_3132, %gt3A_3249 : vector<16xf32>
    %jit3A_3251 = arith.constant 0.000000e+00 : f32
    %broadcast_in_dim3A_3252 = vector.broadcast %jit3A_3251 : f32 to vector<16xf32>
    %select_n3A_3253 = arith.select %gt3A_3250, %mul3A_3244, %broadcast_in_dim3A_3252 : vector<16xi1>, vector<16xf32>
    %jit3A_3254 = arith.constant 0xFF800000 : f32
    %broadcast_in_dim3A_3255 = vector.broadcast %jit3A_3254 : f32 to vector<16xf32>
    %select_n3A_3256 = arith.select %eq3A_3247, %broadcast_in_dim3A_3255, %select_n3A_3253 : vector<16xi1>, vector<16xf32>
    %get3A_3257 = arith.constant 0 : index
    %get3A_3258 = tpu.vector_load %arg11[%get3A_3257] {strides = array<i32>} : memref<16xf32, #tpu.memory_space<vmem>>, vector<16xf32>,
    %get3A_3259 = vector.shape_cast %get3A_3258 : vector<16xf32> to vector<16xf32>
    %broadcast_in_dim3A_3260 = arith.constant 13 : i32
    %broadcast_in_dim3A_3261 = vector.broadcast %broadcast_in_dim3A_3260 : i32 to vector<16xi32>
    %broadcast_in_dim3A_3262 = vector.shape_cast %broadcast_in_dim3A_3261 : vector<16xi32> to vector<16x1xi32>
    %gather3A_3263 = vector.shape_cast %broadcast_in_dim3A_3262 : vector<16x1xi32> to vector<16xi32>
    %gather3A_3264 = tpu.dynamic_gather %get3A_3259[%gather3A_3263] in [0] : vector<16xf32>, vector<16xi32> -> vector<16xf32>
    %mul3A_3265 = arith.constant 5.000000e-01 : f32
    %mul3A_3266 = vector.broadcast %mul3A_3265 : f32 to vector<16xf32>
    %mul3A_3267 = arith.mulf %gather3A_3264, %mul3A_3266 : vector<16xf32>
    %mul3A_3268 = arith.mulf %select_n3A_3256, %mul3A_59 : vector<16xf32>
    %add3A_3269 = arith.addf %mul3A_3267, %mul3A_3268 : vector<16xf32>
    %eq3A_3270 = arith.constant 13 : i32
    %eq3A_3271 = vector.broadcast %eq3A_3270 : i32 to vector<16xi32>
    %eq3A_3272 = arith.cmpi eq, %iota3A, %eq3A_3271 : vector<16xi32>
    %select_n3A_3273 = arith.select %eq3A_3272, %add3A_3269, %select_n3A_3103 : vector<16xi1>, vector<16xf32>
    %xor3A_3274 = arith.constant 8 : i32
    %xor3A_3275 = vector.broadcast %xor3A_3274 : i32 to vector<16xi32>
    %xor3A_3276 = arith.xori %iota3A, %xor3A_3275 : vector<16xi32>
    %broadcast_in_dim3A_3277 = vector.shape_cast %xor3A_3276 : vector<16xi32> to vector<16x1xi32>
    %gather3A_3278 = vector.shape_cast %broadcast_in_dim3A_3277 : vector<16x1xi32> to vector<16xi32>
    %gather3A_3279 = tpu.dynamic_gather %scan3A_2252#6[%gather3A_3278] in [0] : vector<16xf32>, vector<16xi32> -> vector<16xf32>
    %max3A_3280 = arith.maximumf %scan3A_2252#6, %gather3A_3279 : vector<16xf32>
    %xor3A_3281 = arith.constant 4 : i32
    %xor3A_3282 = vector.broadcast %xor3A_3281 : i32 to vector<16xi32>
    %xor3A_3283 = arith.xori %iota3A, %xor3A_3282 : vector<16xi32>
    %broadcast_in_dim3A_3284 = vector.shape_cast %xor3A_3283 : vector<16xi32> to vector<16x1xi32>
    %gather3A_3285 = vector.shape_cast %broadcast_in_dim3A_3284 : vector<16x1xi32> to vector<16xi32>
    %gather3A_3286 = tpu.dynamic_gather %max3A_3280[%gather3A_3285] in [0] : vector<16xf32>, vector<16xi32> -> vector<16xf32>
    %max3A_3287 = arith.maximumf %max3A_3280, %gather3A_3286 : vector<16xf32>
    %xor3A_3288 = arith.constant 2 : i32
    %xor3A_3289 = vector.broadcast %xor3A_3288 : i32 to vector<16xi32>
    %xor3A_3290 = arith.xori %iota3A, %xor3A_3289 : vector<16xi32>
    %broadcast_in_dim3A_3291 = vector.shape_cast %xor3A_3290 : vector<16xi32> to vector<16x1xi32>
    %gather3A_3292 = vector.shape_cast %broadcast_in_dim3A_3291 : vector<16x1xi32> to vector<16xi32>
    %gather3A_3293 = tpu.dynamic_gather %max3A_3287[%gather3A_3292] in [0] : vector<16xf32>, vector<16xi32> -> vector<16xf32>
    %max3A_3294 = arith.maximumf %max3A_3287, %gather3A_3293 : vector<16xf32>
    %xor3A_3295 = arith.constant 1 : i32
    %xor3A_3296 = vector.broadcast %xor3A_3295 : i32 to vector<16xi32>
    %xor3A_3297 = arith.xori %iota3A, %xor3A_3296 : vector<16xi32>
    %broadcast_in_dim3A_3298 = vector.shape_cast %xor3A_3297 : vector<16xi32> to vector<16x1xi32>
    %gather3A_3299 = vector.shape_cast %broadcast_in_dim3A_3298 : vector<16x1xi32> to vector<16xi32>
    %gather3A_3300 = tpu.dynamic_gather %max3A_3294[%gather3A_3299] in [0] : vector<16xf32>, vector<16xi32> -> vector<16xf32>
    %max3A_3301 = arith.maximumf %max3A_3294, %gather3A_3300 : vector<16xf32>
    %add3A_3302 = arith.addf %max3A_3301, %add3A_2182 : vector<16xf32>
    %gt3A_3303 = arith.constant 0.000000e+00 : f32
    %gt3A_3304 = vector.broadcast %gt3A_3303 : f32 to vector<16xf32>
    %gt3A_3305 = arith.cmpf ogt, %add3A_3302, %gt3A_3304 : vector<16xf32>
    %jit3A_3306 = arith.constant 1.000000e+00 : f32
    %broadcast_in_dim3A_3307 = vector.broadcast %jit3A_3306 : f32 to vector<16xf32>
    %select_n3A_3308 = arith.select %gt3A_3305, %add3A_3302, %broadcast_in_dim3A_3307 : vector<16xi1>, vector<16xf32>
    %add3A_3309 = arith.constant 1.000000e+00 : f32
    %add3A_3310 = vector.broadcast %add3A_3309 : f32 to vector<16xf32>
    %add3A_3311 = arith.addf %select_n3A_3308, %add3A_3310 : vector<16xf32>
    %mul3A_3312 = arith.constant 5.000000e-01 : f32
    %mul3A_3313 = vector.broadcast %mul3A_3312 : f32 to vector<16xf32>
    %mul3A_3314 = arith.mulf %add3A_3311, %mul3A_3313 : vector<16xf32>
    %div3A_3315 = arith.divf %select_n3A_3308, %mul3A_3314 : vector<16xf32>
    %add3A_3316 = arith.addf %mul3A_3314, %div3A_3315 : vector<16xf32>
    %mul3A_3317 = arith.constant 5.000000e-01 : f32
    %mul3A_3318 = vector.broadcast %mul3A_3317 : f32 to vector<16xf32>
    %mul3A_3319 = arith.mulf %add3A_3316, %mul3A_3318 : vector<16xf32>
    %div3A_3320 = arith.divf %select_n3A_3308, %mul3A_3319 : vector<16xf32>
    %add3A_3321 = arith.addf %mul3A_3319, %div3A_3320 : vector<16xf32>
    %mul3A_3322 = arith.constant 5.000000e-01 : f32
    %mul3A_3323 = vector.broadcast %mul3A_3322 : f32 to vector<16xf32>
    %mul3A_3324 = arith.mulf %add3A_3321, %mul3A_3323 : vector<16xf32>
    %div3A_3325 = arith.divf %select_n3A_3308, %mul3A_3324 : vector<16xf32>
    %add3A_3326 = arith.addf %mul3A_3324, %div3A_3325 : vector<16xf32>
    %mul3A_3327 = arith.constant 5.000000e-01 : f32
    %mul3A_3328 = vector.broadcast %mul3A_3327 : f32 to vector<16xf32>
    %mul3A_3329 = arith.mulf %add3A_3326, %mul3A_3328 : vector<16xf32>
    %div3A_3330 = arith.divf %select_n3A_3308, %mul3A_3329 : vector<16xf32>
    %add3A_3331 = arith.addf %mul3A_3329, %div3A_3330 : vector<16xf32>
    %mul3A_3332 = arith.constant 5.000000e-01 : f32
    %mul3A_3333 = vector.broadcast %mul3A_3332 : f32 to vector<16xf32>
    %mul3A_3334 = arith.mulf %add3A_3331, %mul3A_3333 : vector<16xf32>
    %div3A_3335 = arith.divf %select_n3A_3308, %mul3A_3334 : vector<16xf32>
    %add3A_3336 = arith.addf %mul3A_3334, %div3A_3335 : vector<16xf32>
    %mul3A_3337 = arith.constant 5.000000e-01 : f32
    %mul3A_3338 = vector.broadcast %mul3A_3337 : f32 to vector<16xf32>
    %mul3A_3339 = arith.mulf %add3A_3336, %mul3A_3338 : vector<16xf32>
    %div3A_3340 = arith.divf %select_n3A_3308, %mul3A_3339 : vector<16xf32>
    %add3A_3341 = arith.addf %mul3A_3339, %div3A_3340 : vector<16xf32>
    %mul3A_3342 = arith.constant 5.000000e-01 : f32
    %mul3A_3343 = vector.broadcast %mul3A_3342 : f32 to vector<16xf32>
    %mul3A_3344 = arith.mulf %add3A_3341, %mul3A_3343 : vector<16xf32>
    %div3A_3345 = arith.divf %select_n3A_3308, %mul3A_3344 : vector<16xf32>
    %add3A_3346 = arith.addf %mul3A_3344, %div3A_3345 : vector<16xf32>
    %mul3A_3347 = arith.constant 5.000000e-01 : f32
    %mul3A_3348 = vector.broadcast %mul3A_3347 : f32 to vector<16xf32>
    %mul3A_3349 = arith.mulf %add3A_3346, %mul3A_3348 : vector<16xf32>
    %div3A_3350 = arith.divf %select_n3A_3308, %mul3A_3349 : vector<16xf32>
    %add3A_3351 = arith.addf %mul3A_3349, %div3A_3350 : vector<16xf32>
    %mul3A_3352 = arith.constant 5.000000e-01 : f32
    %mul3A_3353 = vector.broadcast %mul3A_3352 : f32 to vector<16xf32>
    %mul3A_3354 = arith.mulf %add3A_3351, %mul3A_3353 : vector<16xf32>
    %div3A_3355 = arith.divf %select_n3A_3308, %mul3A_3354 : vector<16xf32>
    %add3A_3356 = arith.addf %mul3A_3354, %div3A_3355 : vector<16xf32>
    %mul3A_3357 = arith.constant 5.000000e-01 : f32
    %mul3A_3358 = vector.broadcast %mul3A_3357 : f32 to vector<16xf32>
    %mul3A_3359 = arith.mulf %add3A_3356, %mul3A_3358 : vector<16xf32>
    %div3A_3360 = arith.divf %select_n3A_3308, %mul3A_3359 : vector<16xf32>
    %add3A_3361 = arith.addf %mul3A_3359, %div3A_3360 : vector<16xf32>
    %mul3A_3362 = arith.constant 5.000000e-01 : f32
    %mul3A_3363 = vector.broadcast %mul3A_3362 : f32 to vector<16xf32>
    %mul3A_3364 = arith.mulf %add3A_3361, %mul3A_3363 : vector<16xf32>
    %div3A_3365 = arith.divf %select_n3A_3308, %mul3A_3364 : vector<16xf32>
    %add3A_3366 = arith.addf %mul3A_3364, %div3A_3365 : vector<16xf32>
    %mul3A_3367 = arith.constant 5.000000e-01 : f32
    %mul3A_3368 = vector.broadcast %mul3A_3367 : f32 to vector<16xf32>
    %mul3A_3369 = arith.mulf %add3A_3366, %mul3A_3368 : vector<16xf32>
    %div3A_3370 = arith.divf %select_n3A_3308, %mul3A_3369 : vector<16xf32>
    %add3A_3371 = arith.addf %mul3A_3369, %div3A_3370 : vector<16xf32>
    %mul3A_3372 = arith.constant 5.000000e-01 : f32
    %mul3A_3373 = vector.broadcast %mul3A_3372 : f32 to vector<16xf32>
    %mul3A_3374 = arith.mulf %add3A_3371, %mul3A_3373 : vector<16xf32>
    %div3A_3375 = arith.divf %select_n3A_3308, %mul3A_3374 : vector<16xf32>
    %add3A_3376 = arith.addf %mul3A_3374, %div3A_3375 : vector<16xf32>
    %mul3A_3377 = arith.constant 5.000000e-01 : f32
    %mul3A_3378 = vector.broadcast %mul3A_3377 : f32 to vector<16xf32>
    %mul3A_3379 = arith.mulf %add3A_3376, %mul3A_3378 : vector<16xf32>
    %div3A_3380 = arith.divf %select_n3A_3308, %mul3A_3379 : vector<16xf32>
    %add3A_3381 = arith.addf %mul3A_3379, %div3A_3380 : vector<16xf32>
    %mul3A_3382 = arith.constant 5.000000e-01 : f32
    %mul3A_3383 = vector.broadcast %mul3A_3382 : f32 to vector<16xf32>
    %mul3A_3384 = arith.mulf %add3A_3381, %mul3A_3383 : vector<16xf32>
    %div3A_3385 = arith.divf %select_n3A_3308, %mul3A_3384 : vector<16xf32>
    %add3A_3386 = arith.addf %mul3A_3384, %div3A_3385 : vector<16xf32>
    %mul3A_3387 = arith.constant 5.000000e-01 : f32
    %mul3A_3388 = vector.broadcast %mul3A_3387 : f32 to vector<16xf32>
    %mul3A_3389 = arith.mulf %add3A_3386, %mul3A_3388 : vector<16xf32>
    %div3A_3390 = arith.divf %select_n3A_3308, %mul3A_3389 : vector<16xf32>
    %add3A_3391 = arith.addf %mul3A_3389, %div3A_3390 : vector<16xf32>
    %mul3A_3392 = arith.constant 5.000000e-01 : f32
    %mul3A_3393 = vector.broadcast %mul3A_3392 : f32 to vector<16xf32>
    %mul3A_3394 = arith.mulf %add3A_3391, %mul3A_3393 : vector<16xf32>
    %div3A_3395 = arith.divf %select_n3A_3308, %mul3A_3394 : vector<16xf32>
    %add3A_3396 = arith.addf %mul3A_3394, %div3A_3395 : vector<16xf32>
    %mul3A_3397 = arith.constant 5.000000e-01 : f32
    %mul3A_3398 = vector.broadcast %mul3A_3397 : f32 to vector<16xf32>
    %mul3A_3399 = arith.mulf %add3A_3396, %mul3A_3398 : vector<16xf32>
    %div3A_3400 = arith.divf %select_n3A_3308, %mul3A_3399 : vector<16xf32>
    %add3A_3401 = arith.addf %mul3A_3399, %div3A_3400 : vector<16xf32>
    %mul3A_3402 = arith.constant 5.000000e-01 : f32
    %mul3A_3403 = vector.broadcast %mul3A_3402 : f32 to vector<16xf32>
    %mul3A_3404 = arith.mulf %add3A_3401, %mul3A_3403 : vector<16xf32>
    %div3A_3405 = arith.divf %select_n3A_3308, %mul3A_3404 : vector<16xf32>
    %add3A_3406 = arith.addf %mul3A_3404, %div3A_3405 : vector<16xf32>
    %mul3A_3407 = arith.constant 5.000000e-01 : f32
    %mul3A_3408 = vector.broadcast %mul3A_3407 : f32 to vector<16xf32>
    %mul3A_3409 = arith.mulf %add3A_3406, %mul3A_3408 : vector<16xf32>
    %div3A_3410 = arith.divf %select_n3A_3308, %mul3A_3409 : vector<16xf32>
    %add3A_3411 = arith.addf %mul3A_3409, %div3A_3410 : vector<16xf32>
    %mul3A_3412 = arith.constant 5.000000e-01 : f32
    %mul3A_3413 = vector.broadcast %mul3A_3412 : f32 to vector<16xf32>
    %mul3A_3414 = arith.mulf %add3A_3411, %mul3A_3413 : vector<16xf32>
    %eq3A_3415 = arith.constant 0xFF800000 : f32
    %eq3A_3416 = vector.broadcast %eq3A_3415 : f32 to vector<16xf32>
    %eq3A_3417 = arith.cmpf oeq, %add3A_3302, %eq3A_3416 : vector<16xf32>
    %gt3A_3418 = arith.constant 0.000000e+00 : f32
    %gt3A_3419 = vector.broadcast %gt3A_3418 : f32 to vector<16xf32>
    %gt3A_3420 = arith.cmpf ogt, %add3A_3302, %gt3A_3419 : vector<16xf32>
    %jit3A_3421 = arith.constant 0.000000e+00 : f32
    %broadcast_in_dim3A_3422 = vector.broadcast %jit3A_3421 : f32 to vector<16xf32>
    %select_n3A_3423 = arith.select %gt3A_3420, %mul3A_3414, %broadcast_in_dim3A_3422 : vector<16xi1>, vector<16xf32>
    %jit3A_3424 = arith.constant 0xFF800000 : f32
    %broadcast_in_dim3A_3425 = vector.broadcast %jit3A_3424 : f32 to vector<16xf32>
    %select_n3A_3426 = arith.select %eq3A_3417, %broadcast_in_dim3A_3425, %select_n3A_3423 : vector<16xi1>, vector<16xf32>
    %get3A_3427 = arith.constant 0 : index
    %get3A_3428 = tpu.vector_load %arg11[%get3A_3427] {strides = array<i32>} : memref<16xf32, #tpu.memory_space<vmem>>, vector<16xf32>,
    %get3A_3429 = vector.shape_cast %get3A_3428 : vector<16xf32> to vector<16xf32>
    %broadcast_in_dim3A_3430 = arith.constant 14 : i32
    %broadcast_in_dim3A_3431 = vector.broadcast %broadcast_in_dim3A_3430 : i32 to vector<16xi32>
    %broadcast_in_dim3A_3432 = vector.shape_cast %broadcast_in_dim3A_3431 : vector<16xi32> to vector<16x1xi32>
    %gather3A_3433 = vector.shape_cast %broadcast_in_dim3A_3432 : vector<16x1xi32> to vector<16xi32>
    %gather3A_3434 = tpu.dynamic_gather %get3A_3429[%gather3A_3433] in [0] : vector<16xf32>, vector<16xi32> -> vector<16xf32>
    %mul3A_3435 = arith.constant 5.000000e-01 : f32
    %mul3A_3436 = vector.broadcast %mul3A_3435 : f32 to vector<16xf32>
    %mul3A_3437 = arith.mulf %gather3A_3434, %mul3A_3436 : vector<16xf32>
    %mul3A_3438 = arith.mulf %select_n3A_3426, %mul3A_59 : vector<16xf32>
    %add3A_3439 = arith.addf %mul3A_3437, %mul3A_3438 : vector<16xf32>
    %eq3A_3440 = arith.constant 14 : i32
    %eq3A_3441 = vector.broadcast %eq3A_3440 : i32 to vector<16xi32>
    %eq3A_3442 = arith.cmpi eq, %iota3A, %eq3A_3441 : vector<16xi32>
    %select_n3A_3443 = arith.select %eq3A_3442, %add3A_3439, %select_n3A_3273 : vector<16xi1>, vector<16xf32>
    %xor3A_3444 = arith.constant 8 : i32
    %xor3A_3445 = vector.broadcast %xor3A_3444 : i32 to vector<16xi32>
    %xor3A_3446 = arith.xori %iota3A, %xor3A_3445 : vector<16xi32>
    %broadcast_in_dim3A_3447 = vector.shape_cast %xor3A_3446 : vector<16xi32> to vector<16x1xi32>
    %gather3A_3448 = vector.shape_cast %broadcast_in_dim3A_3447 : vector<16x1xi32> to vector<16xi32>
    %gather3A_3449 = tpu.dynamic_gather %scan3A_2252#7[%gather3A_3448] in [0] : vector<16xf32>, vector<16xi32> -> vector<16xf32>
    %max3A_3450 = arith.maximumf %scan3A_2252#7, %gather3A_3449 : vector<16xf32>
    %xor3A_3451 = arith.constant 4 : i32
    %xor3A_3452 = vector.broadcast %xor3A_3451 : i32 to vector<16xi32>
    %xor3A_3453 = arith.xori %iota3A, %xor3A_3452 : vector<16xi32>
    %broadcast_in_dim3A_3454 = vector.shape_cast %xor3A_3453 : vector<16xi32> to vector<16x1xi32>
    %gather3A_3455 = vector.shape_cast %broadcast_in_dim3A_3454 : vector<16x1xi32> to vector<16xi32>
    %gather3A_3456 = tpu.dynamic_gather %max3A_3450[%gather3A_3455] in [0] : vector<16xf32>, vector<16xi32> -> vector<16xf32>
    %max3A_3457 = arith.maximumf %max3A_3450, %gather3A_3456 : vector<16xf32>
    %xor3A_3458 = arith.constant 2 : i32
    %xor3A_3459 = vector.broadcast %xor3A_3458 : i32 to vector<16xi32>
    %xor3A_3460 = arith.xori %iota3A, %xor3A_3459 : vector<16xi32>
    %broadcast_in_dim3A_3461 = vector.shape_cast %xor3A_3460 : vector<16xi32> to vector<16x1xi32>
    %gather3A_3462 = vector.shape_cast %broadcast_in_dim3A_3461 : vector<16x1xi32> to vector<16xi32>
    %gather3A_3463 = tpu.dynamic_gather %max3A_3457[%gather3A_3462] in [0] : vector<16xf32>, vector<16xi32> -> vector<16xf32>
    %max3A_3464 = arith.maximumf %max3A_3457, %gather3A_3463 : vector<16xf32>
    %xor3A_3465 = arith.constant 1 : i32
    %xor3A_3466 = vector.broadcast %xor3A_3465 : i32 to vector<16xi32>
    %xor3A_3467 = arith.xori %iota3A, %xor3A_3466 : vector<16xi32>
    %broadcast_in_dim3A_3468 = vector.shape_cast %xor3A_3467 : vector<16xi32> to vector<16x1xi32>
    %gather3A_3469 = vector.shape_cast %broadcast_in_dim3A_3468 : vector<16x1xi32> to vector<16xi32>
    %gather3A_3470 = tpu.dynamic_gather %max3A_3464[%gather3A_3469] in [0] : vector<16xf32>, vector<16xi32> -> vector<16xf32>
    %max3A_3471 = arith.maximumf %max3A_3464, %gather3A_3470 : vector<16xf32>
    %add3A_3472 = arith.addf %max3A_3471, %add3A_2231 : vector<16xf32>
    %gt3A_3473 = arith.constant 0.000000e+00 : f32
    %gt3A_3474 = vector.broadcast %gt3A_3473 : f32 to vector<16xf32>
    %gt3A_3475 = arith.cmpf ogt, %add3A_3472, %gt3A_3474 : vector<16xf32>
    %jit3A_3476 = arith.constant 1.000000e+00 : f32
    %broadcast_in_dim3A_3477 = vector.broadcast %jit3A_3476 : f32 to vector<16xf32>
    %select_n3A_3478 = arith.select %gt3A_3475, %add3A_3472, %broadcast_in_dim3A_3477 : vector<16xi1>, vector<16xf32>
    %add3A_3479 = arith.constant 1.000000e+00 : f32
    %add3A_3480 = vector.broadcast %add3A_3479 : f32 to vector<16xf32>
    %add3A_3481 = arith.addf %select_n3A_3478, %add3A_3480 : vector<16xf32>
    %mul3A_3482 = arith.constant 5.000000e-01 : f32
    %mul3A_3483 = vector.broadcast %mul3A_3482 : f32 to vector<16xf32>
    %mul3A_3484 = arith.mulf %add3A_3481, %mul3A_3483 : vector<16xf32>
    %div3A_3485 = arith.divf %select_n3A_3478, %mul3A_3484 : vector<16xf32>
    %add3A_3486 = arith.addf %mul3A_3484, %div3A_3485 : vector<16xf32>
    %mul3A_3487 = arith.constant 5.000000e-01 : f32
    %mul3A_3488 = vector.broadcast %mul3A_3487 : f32 to vector<16xf32>
    %mul3A_3489 = arith.mulf %add3A_3486, %mul3A_3488 : vector<16xf32>
    %div3A_3490 = arith.divf %select_n3A_3478, %mul3A_3489 : vector<16xf32>
    %add3A_3491 = arith.addf %mul3A_3489, %div3A_3490 : vector<16xf32>
    %mul3A_3492 = arith.constant 5.000000e-01 : f32
    %mul3A_3493 = vector.broadcast %mul3A_3492 : f32 to vector<16xf32>
    %mul3A_3494 = arith.mulf %add3A_3491, %mul3A_3493 : vector<16xf32>
    %div3A_3495 = arith.divf %select_n3A_3478, %mul3A_3494 : vector<16xf32>
    %add3A_3496 = arith.addf %mul3A_3494, %div3A_3495 : vector<16xf32>
    %mul3A_3497 = arith.constant 5.000000e-01 : f32
    %mul3A_3498 = vector.broadcast %mul3A_3497 : f32 to vector<16xf32>
    %mul3A_3499 = arith.mulf %add3A_3496, %mul3A_3498 : vector<16xf32>
    %div3A_3500 = arith.divf %select_n3A_3478, %mul3A_3499 : vector<16xf32>
    %add3A_3501 = arith.addf %mul3A_3499, %div3A_3500 : vector<16xf32>
    %mul3A_3502 = arith.constant 5.000000e-01 : f32
    %mul3A_3503 = vector.broadcast %mul3A_3502 : f32 to vector<16xf32>
    %mul3A_3504 = arith.mulf %add3A_3501, %mul3A_3503 : vector<16xf32>
    %div3A_3505 = arith.divf %select_n3A_3478, %mul3A_3504 : vector<16xf32>
    %add3A_3506 = arith.addf %mul3A_3504, %div3A_3505 : vector<16xf32>
    %mul3A_3507 = arith.constant 5.000000e-01 : f32
    %mul3A_3508 = vector.broadcast %mul3A_3507 : f32 to vector<16xf32>
    %mul3A_3509 = arith.mulf %add3A_3506, %mul3A_3508 : vector<16xf32>
    %div3A_3510 = arith.divf %select_n3A_3478, %mul3A_3509 : vector<16xf32>
    %add3A_3511 = arith.addf %mul3A_3509, %div3A_3510 : vector<16xf32>
    %mul3A_3512 = arith.constant 5.000000e-01 : f32
    %mul3A_3513 = vector.broadcast %mul3A_3512 : f32 to vector<16xf32>
    %mul3A_3514 = arith.mulf %add3A_3511, %mul3A_3513 : vector<16xf32>
    %div3A_3515 = arith.divf %select_n3A_3478, %mul3A_3514 : vector<16xf32>
    %add3A_3516 = arith.addf %mul3A_3514, %div3A_3515 : vector<16xf32>
    %mul3A_3517 = arith.constant 5.000000e-01 : f32
    %mul3A_3518 = vector.broadcast %mul3A_3517 : f32 to vector<16xf32>
    %mul3A_3519 = arith.mulf %add3A_3516, %mul3A_3518 : vector<16xf32>
    %div3A_3520 = arith.divf %select_n3A_3478, %mul3A_3519 : vector<16xf32>
    %add3A_3521 = arith.addf %mul3A_3519, %div3A_3520 : vector<16xf32>
    %mul3A_3522 = arith.constant 5.000000e-01 : f32
    %mul3A_3523 = vector.broadcast %mul3A_3522 : f32 to vector<16xf32>
    %mul3A_3524 = arith.mulf %add3A_3521, %mul3A_3523 : vector<16xf32>
    %div3A_3525 = arith.divf %select_n3A_3478, %mul3A_3524 : vector<16xf32>
    %add3A_3526 = arith.addf %mul3A_3524, %div3A_3525 : vector<16xf32>
    %mul3A_3527 = arith.constant 5.000000e-01 : f32
    %mul3A_3528 = vector.broadcast %mul3A_3527 : f32 to vector<16xf32>
    %mul3A_3529 = arith.mulf %add3A_3526, %mul3A_3528 : vector<16xf32>
    %div3A_3530 = arith.divf %select_n3A_3478, %mul3A_3529 : vector<16xf32>
    %add3A_3531 = arith.addf %mul3A_3529, %div3A_3530 : vector<16xf32>
    %mul3A_3532 = arith.constant 5.000000e-01 : f32
    %mul3A_3533 = vector.broadcast %mul3A_3532 : f32 to vector<16xf32>
    %mul3A_3534 = arith.mulf %add3A_3531, %mul3A_3533 : vector<16xf32>
    %div3A_3535 = arith.divf %select_n3A_3478, %mul3A_3534 : vector<16xf32>
    %add3A_3536 = arith.addf %mul3A_3534, %div3A_3535 : vector<16xf32>
    %mul3A_3537 = arith.constant 5.000000e-01 : f32
    %mul3A_3538 = vector.broadcast %mul3A_3537 : f32 to vector<16xf32>
    %mul3A_3539 = arith.mulf %add3A_3536, %mul3A_3538 : vector<16xf32>
    %div3A_3540 = arith.divf %select_n3A_3478, %mul3A_3539 : vector<16xf32>
    %add3A_3541 = arith.addf %mul3A_3539, %div3A_3540 : vector<16xf32>
    %mul3A_3542 = arith.constant 5.000000e-01 : f32
    %mul3A_3543 = vector.broadcast %mul3A_3542 : f32 to vector<16xf32>
    %mul3A_3544 = arith.mulf %add3A_3541, %mul3A_3543 : vector<16xf32>
    %div3A_3545 = arith.divf %select_n3A_3478, %mul3A_3544 : vector<16xf32>
    %add3A_3546 = arith.addf %mul3A_3544, %div3A_3545 : vector<16xf32>
    %mul3A_3547 = arith.constant 5.000000e-01 : f32
    %mul3A_3548 = vector.broadcast %mul3A_3547 : f32 to vector<16xf32>
    %mul3A_3549 = arith.mulf %add3A_3546, %mul3A_3548 : vector<16xf32>
    %div3A_3550 = arith.divf %select_n3A_3478, %mul3A_3549 : vector<16xf32>
    %add3A_3551 = arith.addf %mul3A_3549, %div3A_3550 : vector<16xf32>
    %mul3A_3552 = arith.constant 5.000000e-01 : f32
    %mul3A_3553 = vector.broadcast %mul3A_3552 : f32 to vector<16xf32>
    %mul3A_3554 = arith.mulf %add3A_3551, %mul3A_3553 : vector<16xf32>
    %div3A_3555 = arith.divf %select_n3A_3478, %mul3A_3554 : vector<16xf32>
    %add3A_3556 = arith.addf %mul3A_3554, %div3A_3555 : vector<16xf32>
    %mul3A_3557 = arith.constant 5.000000e-01 : f32
    %mul3A_3558 = vector.broadcast %mul3A_3557 : f32 to vector<16xf32>
    %mul3A_3559 = arith.mulf %add3A_3556, %mul3A_3558 : vector<16xf32>
    %div3A_3560 = arith.divf %select_n3A_3478, %mul3A_3559 : vector<16xf32>
    %add3A_3561 = arith.addf %mul3A_3559, %div3A_3560 : vector<16xf32>
    %mul3A_3562 = arith.constant 5.000000e-01 : f32
    %mul3A_3563 = vector.broadcast %mul3A_3562 : f32 to vector<16xf32>
    %mul3A_3564 = arith.mulf %add3A_3561, %mul3A_3563 : vector<16xf32>
    %div3A_3565 = arith.divf %select_n3A_3478, %mul3A_3564 : vector<16xf32>
    %add3A_3566 = arith.addf %mul3A_3564, %div3A_3565 : vector<16xf32>
    %mul3A_3567 = arith.constant 5.000000e-01 : f32
    %mul3A_3568 = vector.broadcast %mul3A_3567 : f32 to vector<16xf32>
    %mul3A_3569 = arith.mulf %add3A_3566, %mul3A_3568 : vector<16xf32>
    %div3A_3570 = arith.divf %select_n3A_3478, %mul3A_3569 : vector<16xf32>
    %add3A_3571 = arith.addf %mul3A_3569, %div3A_3570 : vector<16xf32>
    %mul3A_3572 = arith.constant 5.000000e-01 : f32
    %mul3A_3573 = vector.broadcast %mul3A_3572 : f32 to vector<16xf32>
    %mul3A_3574 = arith.mulf %add3A_3571, %mul3A_3573 : vector<16xf32>
    %div3A_3575 = arith.divf %select_n3A_3478, %mul3A_3574 : vector<16xf32>
    %add3A_3576 = arith.addf %mul3A_3574, %div3A_3575 : vector<16xf32>
    %mul3A_3577 = arith.constant 5.000000e-01 : f32
    %mul3A_3578 = vector.broadcast %mul3A_3577 : f32 to vector<16xf32>
    %mul3A_3579 = arith.mulf %add3A_3576, %mul3A_3578 : vector<16xf32>
    %div3A_3580 = arith.divf %select_n3A_3478, %mul3A_3579 : vector<16xf32>
    %add3A_3581 = arith.addf %mul3A_3579, %div3A_3580 : vector<16xf32>
    %mul3A_3582 = arith.constant 5.000000e-01 : f32
    %mul3A_3583 = vector.broadcast %mul3A_3582 : f32 to vector<16xf32>
    %mul3A_3584 = arith.mulf %add3A_3581, %mul3A_3583 : vector<16xf32>
    %eq3A_3585 = arith.constant 0xFF800000 : f32
    %eq3A_3586 = vector.broadcast %eq3A_3585 : f32 to vector<16xf32>
    %eq3A_3587 = arith.cmpf oeq, %add3A_3472, %eq3A_3586 : vector<16xf32>
    %gt3A_3588 = arith.constant 0.000000e+00 : f32
    %gt3A_3589 = vector.broadcast %gt3A_3588 : f32 to vector<16xf32>
    %gt3A_3590 = arith.cmpf ogt, %add3A_3472, %gt3A_3589 : vector<16xf32>
    %jit3A_3591 = arith.constant 0.000000e+00 : f32
    %broadcast_in_dim3A_3592 = vector.broadcast %jit3A_3591 : f32 to vector<16xf32>
    %select_n3A_3593 = arith.select %gt3A_3590, %mul3A_3584, %broadcast_in_dim3A_3592 : vector<16xi1>, vector<16xf32>
    %jit3A_3594 = arith.constant 0xFF800000 : f32
    %broadcast_in_dim3A_3595 = vector.broadcast %jit3A_3594 : f32 to vector<16xf32>
    %select_n3A_3596 = arith.select %eq3A_3587, %broadcast_in_dim3A_3595, %select_n3A_3593 : vector<16xi1>, vector<16xf32>
    %get3A_3597 = arith.constant 0 : index
    %get3A_3598 = tpu.vector_load %arg11[%get3A_3597] {strides = array<i32>} : memref<16xf32, #tpu.memory_space<vmem>>, vector<16xf32>,
    %get3A_3599 = vector.shape_cast %get3A_3598 : vector<16xf32> to vector<16xf32>
    %broadcast_in_dim3A_3600 = arith.constant 15 : i32
    %broadcast_in_dim3A_3601 = vector.broadcast %broadcast_in_dim3A_3600 : i32 to vector<16xi32>
    %broadcast_in_dim3A_3602 = vector.shape_cast %broadcast_in_dim3A_3601 : vector<16xi32> to vector<16x1xi32>
    %gather3A_3603 = vector.shape_cast %broadcast_in_dim3A_3602 : vector<16x1xi32> to vector<16xi32>
    %gather3A_3604 = tpu.dynamic_gather %get3A_3599[%gather3A_3603] in [0] : vector<16xf32>, vector<16xi32> -> vector<16xf32>
    %mul3A_3605 = arith.constant 5.000000e-01 : f32
    %mul3A_3606 = vector.broadcast %mul3A_3605 : f32 to vector<16xf32>
    %mul3A_3607 = arith.mulf %gather3A_3604, %mul3A_3606 : vector<16xf32>
    %mul3A_3608 = arith.mulf %select_n3A_3596, %mul3A_59 : vector<16xf32>
    %add3A_3609 = arith.addf %mul3A_3607, %mul3A_3608 : vector<16xf32>
    %eq3A_3610 = arith.constant 15 : i32
    %eq3A_3611 = vector.broadcast %eq3A_3610 : i32 to vector<16xi32>
    %eq3A_3612 = arith.cmpi eq, %iota3A, %eq3A_3611 : vector<16xi32>
    %select_n3A_3613 = arith.select %eq3A_3612, %add3A_3609, %select_n3A_3443 : vector<16xi1>, vector<16xf32>
    %swap3A = arith.constant 0 : index
    %swap3A_3614 = tpu.vector_load %arg12[%swap3A] {strides = array<i32>} : memref<16xf32, #tpu.memory_space<vmem>>, vector<16xf32>,
    %swap3A_3615 = vector.shape_cast %swap3A_3614 : vector<16xf32> to vector<16xf32>
    %swap3A_3616 = vector.shape_cast %select_n3A_3613 : vector<16xf32> to vector<16xf32>
    tpu.vector_store %arg12[%swap3A], %swap3A_3616 {strides = array<i32>} : memref<16xf32, #tpu.memory_space<vmem>>, vector<16xf32>,
    %broadcast_in_dim3A_3617 = arith.constant 0.000000e+00 : f32
    %broadcast_in_dim3A_3618 = vector.broadcast %broadcast_in_dim3A_3617 : f32 to vector<16xf32>
    %mul3A_3619 = arith.constant 16 : i32
    %mul3A_3620 = arith.muli %add3A, %mul3A_3619 : i32
    "tpu.region"() ({
      %run_scoped3A = tpu.sem_alloc : memref<!tpu.dma_semaphore, #tpu.memory_space<semaphore_mem>>
      %dma_start3A = tpu.memref_slice %arg7[%mul3A_3620] : memref<512xf32, #tpu.memory_space<hbm>> -> memref<16xf32, #tpu.memory_space<hbm>>
      %dma_start3A_3621 = tpu.memref_slice %arg7[%mul3A_3620] : memref<512xf32, #tpu.memory_space<hbm>> -> memref<16xf32, #tpu.memory_space<hbm>>
      tpu.enqueue_dma source(%arg12 : memref<16xf32, #tpu.memory_space<vmem>>) target(%dma_start3A_3621 : memref<16xf32, #tpu.memory_space<hbm>>) target_semaphore(%run_scoped3A : memref<!tpu.dma_semaphore, #tpu.memory_space<semaphore_mem>>)
      %dma_wait3A = tpu.memref_slice %arg7[%mul3A_3620] : memref<512xf32, #tpu.memory_space<hbm>> -> memref<16xf32, #tpu.memory_space<hbm>>
      %dma_wait3A_3622 = tpu.memref_slice %arg7[%mul3A_3620] : memref<512xf32, #tpu.memory_space<hbm>> -> memref<16xf32, #tpu.memory_space<hbm>>
      tpu.wait_dma2 semaphore(%run_scoped3A : memref<!tpu.dma_semaphore, #tpu.memory_space<semaphore_mem>>) src(%arg12 : memref<16xf32, #tpu.memory_space<vmem>>) dst(%dma_wait3A_3622 : memref<16xf32, #tpu.memory_space<hbm>>)
      tpu.yield
    }) : () -> ()
    return
  }
}

module attributes {stable_mosaic.version = 14 : i64} {
  func.func @_tc_body(%arg0: i32, %arg1: memref<1x512xf32, #tpu.memory_space<vmem>>, %arg2: memref<512x3xf32, #tpu.memory_space<vmem>>, %arg3: memref<3x4096xf32, #tpu.memory_space<vmem>>, %arg4: memref<512x4096xi32, #tpu.memory_space<vmem>>, %arg5: memref<1x256xf32, #tpu.memory_space<vmem>>, %arg6: memref<3x1xf32, #tpu.memory_space<vmem>>, %arg7: memref<1x512xf32, #tpu.memory_space<vmem>>) attributes {dimension_semantics = [#tpu.dimension_semantics<arbitrary>], iteration_bounds = array<i64: 7>, scalar_prefetch = 0 : i64, scratch_operands = 0 : i64, tpu.core_type = #tpu.core_type<tc>, window_params = [{transform_indices = @transform_0, window_bounds = array<i64: 1, 512>}, {transform_indices = @transform_1, window_bounds = array<i64: 512, 3>}, {pipeline_mode = #tpu.pipeline_mode<synchronous>, transform_indices = @transform_2, window_bounds = array<i64: 3, 4096>}, {transform_indices = @transform_3, window_bounds = array<i64: 512, 4096>}, {pipeline_mode = #tpu.pipeline_mode<synchronous>, transform_indices = @transform_4, window_bounds = array<i64: 1, 256>}, {pipeline_mode = #tpu.pipeline_mode<synchronous>, transform_indices = @transform_5, window_bounds = array<i64: 3, 1>}, {transform_indices = @transform_6, window_bounds = array<i64: 1, 512>}]} {
    %get3A = arith.constant 0 : index
    %get3A_0 = arith.constant 0 : index
    %get3A_1 = vector.load %arg6[%get3A, %get3A_0] : memref<3x1xf32, #tpu.memory_space<vmem>>, vector<1x1xf32>
    %get3A_2 = vector.extract %get3A_1[0, 0] : f32 from vector<1x1xf32>
    %get3A_3 = arith.constant 1 : index
    %get3A_4 = arith.constant 0 : index
    %get3A_5 = vector.load %arg6[%get3A_3, %get3A_4] : memref<3x1xf32, #tpu.memory_space<vmem>>, vector<1x1xf32>
    %get3A_6 = vector.extract %get3A_5[0, 0] : f32 from vector<1x1xf32>
    %get3A_7 = arith.constant 2 : index
    %get3A_8 = arith.constant 0 : index
    %get3A_9 = vector.load %arg6[%get3A_7, %get3A_8] : memref<3x1xf32, #tpu.memory_space<vmem>>, vector<1x1xf32>
    %get3A_10 = vector.extract %get3A_9[0, 0] : f32 from vector<1x1xf32>
    %mul3A = arith.mulf %get3A_2, %get3A_2 : f32
    %mul3A_11 = arith.mulf %get3A_6, %get3A_6 : f32
    %mul3A_12 = arith.mulf %get3A_10, %get3A_10 : f32
    %get3A_13 = arith.constant 0 : index
    %get3A_14 = arith.constant 0 : index
    %get3A_15 = vector.load %arg3[%get3A_13, %get3A_14] : memref<3x4096xf32, #tpu.memory_space<vmem>>, vector<1x4096xf32>
    %get3A_16 = arith.constant 1 : index
    %get3A_17 = arith.constant 0 : index
    %get3A_18 = vector.load %arg3[%get3A_16, %get3A_17] : memref<3x4096xf32, #tpu.memory_space<vmem>>, vector<1x4096xf32>
    %get3A_19 = arith.constant 2 : index
    %get3A_20 = arith.constant 0 : index
    %get3A_21 = vector.load %arg3[%get3A_19, %get3A_20] : memref<3x4096xf32, #tpu.memory_space<vmem>>, vector<1x4096xf32>
    %mul3A_22 = arith.constant -2.000000e+00 : f32
    %mul3A_23 = arith.mulf %mul3A_22, %mul3A : f32
    %mul3A_24 = vector.broadcast %mul3A_23 : f32 to vector<1x4096xf32>
    %mul3A_25 = arith.mulf %get3A_15, %mul3A_24 : vector<1x4096xf32>
    %mul3A_26 = arith.constant -2.000000e+00 : f32
    %mul3A_27 = arith.mulf %mul3A_26, %mul3A_11 : f32
    %mul3A_28 = vector.broadcast %mul3A_27 : f32 to vector<1x4096xf32>
    %mul3A_29 = arith.mulf %get3A_18, %mul3A_28 : vector<1x4096xf32>
    %mul3A_30 = arith.constant -2.000000e+00 : f32
    %mul3A_31 = arith.mulf %mul3A_30, %mul3A_12 : f32
    %mul3A_32 = vector.broadcast %mul3A_31 : f32 to vector<1x4096xf32>
    %mul3A_33 = arith.mulf %get3A_21, %mul3A_32 : vector<1x4096xf32>
    %mul3A_34 = arith.mulf %get3A_15, %get3A_15 : vector<1x4096xf32>
    %mul3A_35 = vector.broadcast %mul3A : f32 to vector<1x4096xf32>
    %mul3A_36 = arith.mulf %mul3A_34, %mul3A_35 : vector<1x4096xf32>
    %mul3A_37 = arith.mulf %get3A_18, %get3A_18 : vector<1x4096xf32>
    %mul3A_38 = vector.broadcast %mul3A_11 : f32 to vector<1x4096xf32>
    %mul3A_39 = arith.mulf %mul3A_37, %mul3A_38 : vector<1x4096xf32>
    %add3A = arith.addf %mul3A_36, %mul3A_39 : vector<1x4096xf32>
    %mul3A_40 = arith.mulf %get3A_21, %get3A_21 : vector<1x4096xf32>
    %mul3A_41 = vector.broadcast %mul3A_12 : f32 to vector<1x4096xf32>
    %mul3A_42 = arith.mulf %mul3A_40, %mul3A_41 : vector<1x4096xf32>
    %add3A_43 = arith.addf %add3A, %mul3A_42 : vector<1x4096xf32>
    %get3A_44 = arith.constant 0 : index
    %get3A_45 = arith.constant 0 : index
    %get3A_46 = vector.load %arg2[%get3A_44, %get3A_45] : memref<512x3xf32, #tpu.memory_space<vmem>>, vector<512x1xf32>
    %get3A_47 = arith.constant 0 : index
    %get3A_48 = arith.constant 1 : index
    %get3A_49 = vector.load %arg2[%get3A_47, %get3A_48] : memref<512x3xf32, #tpu.memory_space<vmem>>, vector<512x1xf32>
    %get3A_50 = arith.constant 0 : index
    %get3A_51 = arith.constant 2 : index
    %get3A_52 = vector.load %arg2[%get3A_50, %get3A_51] : memref<512x3xf32, #tpu.memory_space<vmem>>, vector<512x1xf32>
    %mul3A_53 = vector.broadcast %get3A_46 : vector<512x1xf32> to vector<512x4096xf32>
    %mul3A_54 = vector.broadcast %mul3A_25 : vector<1x4096xf32> to vector<512x4096xf32>
    %mul3A_55 = arith.mulf %mul3A_53, %mul3A_54 : vector<512x4096xf32>
    %add3A_56 = vector.broadcast %add3A_43 : vector<1x4096xf32> to vector<512x4096xf32>
    %add3A_57 = arith.addf %add3A_56, %mul3A_55 : vector<512x4096xf32>
    %mul3A_58 = vector.broadcast %get3A_49 : vector<512x1xf32> to vector<512x4096xf32>
    %mul3A_59 = vector.broadcast %mul3A_29 : vector<1x4096xf32> to vector<512x4096xf32>
    %mul3A_60 = arith.mulf %mul3A_58, %mul3A_59 : vector<512x4096xf32>
    %add3A_61 = arith.addf %add3A_57, %mul3A_60 : vector<512x4096xf32>
    %mul3A_62 = vector.broadcast %get3A_52 : vector<512x1xf32> to vector<512x4096xf32>
    %mul3A_63 = vector.broadcast %mul3A_33 : vector<1x4096xf32> to vector<512x4096xf32>
    %mul3A_64 = arith.mulf %mul3A_62, %mul3A_63 : vector<512x4096xf32>
    %add3A_65 = arith.addf %add3A_61, %mul3A_64 : vector<512x4096xf32>
    %get3A_66 = arith.constant 0 : index
    %get3A_67 = arith.constant 0 : index
    %get3A_68 = vector.load %arg4[%get3A_66, %get3A_67] : memref<512x4096xi32, #tpu.memory_space<vmem>>, vector<512x4096xi32>
    %ne3A = arith.constant 0 : i32
    %ne3A_69 = vector.broadcast %ne3A : i32 to vector<512x4096xi32>
    %ne3A_70 = arith.cmpi ne, %get3A_68, %ne3A_69 : vector<512x4096xi32>
    %jit3A = arith.constant 0xFF800000 : f32
    %broadcast_in_dim3A = vector.broadcast %jit3A : f32 to vector<512x4096xf32>
    %select_n3A = arith.select %ne3A_70, %add3A_65, %broadcast_in_dim3A : vector<512x4096xi1>, vector<512x4096xf32>
    %reduce_max3A = arith.constant dense<0xFF800000> : vector<512xf32>
    %reduce_max3A_71 = vector.multi_reduction <maximumf>, %select_n3A, %reduce_max3A [1] : vector<512x4096xf32> to vector<512xf32>
    %broadcast_in_dim3A_72 = vector.shape_cast %reduce_max3A_71 : vector<512xf32> to vector<512x1xf32>
    %transpose3A = tpu.transpose %broadcast_in_dim3A_72, [1, 0] : vector<512x1xf32> -> vector<1x512xf32>
    %mul3A_73 = arith.constant 512 : i32
    %mul3A_74 = arith.muli %arg0, %mul3A_73 : i32
    %get3A_75 = arith.constant 0 : index
    %get3A_76 = arith.index_cast %mul3A_74 : i32 to index
    %get3A_77 = vector.load %arg3[%get3A_75, %get3A_76] : memref<3x4096xf32, #tpu.memory_space<vmem>>, vector<1x512xf32>
    %mul3A_78 = arith.constant 512 : i32
    %mul3A_79 = arith.muli %arg0, %mul3A_78 : i32
    %get3A_80 = arith.constant 1 : index
    %get3A_81 = arith.index_cast %mul3A_79 : i32 to index
    %get3A_82 = vector.load %arg3[%get3A_80, %get3A_81] : memref<3x4096xf32, #tpu.memory_space<vmem>>, vector<1x512xf32>
    %mul3A_83 = arith.constant 512 : i32
    %mul3A_84 = arith.muli %arg0, %mul3A_83 : i32
    %get3A_85 = arith.constant 2 : index
    %get3A_86 = arith.index_cast %mul3A_84 : i32 to index
    %get3A_87 = vector.load %arg3[%get3A_85, %get3A_86] : memref<3x4096xf32, #tpu.memory_space<vmem>>, vector<1x512xf32>
    %mul3A_88 = arith.mulf %get3A_77, %get3A_77 : vector<1x512xf32>
    %mul3A_89 = vector.broadcast %mul3A : f32 to vector<1x512xf32>
    %mul3A_90 = arith.mulf %mul3A_88, %mul3A_89 : vector<1x512xf32>
    %mul3A_91 = arith.mulf %get3A_82, %get3A_82 : vector<1x512xf32>
    %mul3A_92 = vector.broadcast %mul3A_11 : f32 to vector<1x512xf32>
    %mul3A_93 = arith.mulf %mul3A_91, %mul3A_92 : vector<1x512xf32>
    %add3A_94 = arith.addf %mul3A_90, %mul3A_93 : vector<1x512xf32>
    %mul3A_95 = arith.mulf %get3A_87, %get3A_87 : vector<1x512xf32>
    %mul3A_96 = vector.broadcast %mul3A_12 : f32 to vector<1x512xf32>
    %mul3A_97 = arith.mulf %mul3A_95, %mul3A_96 : vector<1x512xf32>
    %add3A_98 = arith.addf %add3A_94, %mul3A_97 : vector<1x512xf32>
    %add3A_99 = arith.addf %add3A_98, %transpose3A : vector<1x512xf32>
    %eq3A = arith.constant 0xFF800000 : f32
    %eq3A_100 = vector.broadcast %eq3A : f32 to vector<1x512xf32>
    %eq3A_101 = arith.cmpf oeq, %transpose3A, %eq3A_100 : vector<1x512xf32>
    %max3A = arith.constant 0.000000e+00 : f32
    %max3A_102 = vector.broadcast %max3A : f32 to vector<1x512xf32>
    %max3A_103 = arith.maximumf %add3A_99, %max3A_102 : vector<1x512xf32>
    %sqrt3A = math.sqrt %max3A_103 : vector<1x512xf32>
    %jit3A_104 = arith.constant 0xFF800000 : f32
    %broadcast_in_dim3A_105 = vector.broadcast %jit3A_104 : f32 to vector<1x512xf32>
    %select_n3A_106 = arith.select %eq3A_101, %broadcast_in_dim3A_105, %sqrt3A : vector<1x512xi1>, vector<1x512xf32>
    %get3A_107 = arith.constant 0 : index
    %get3A_108 = arith.constant 0 : index
    %get3A_109 = vector.load %arg5[%get3A_107, %get3A_108] : memref<1x256xf32, #tpu.memory_space<vmem>>, vector<1x256xf32>
    %get3A_110 = vector.shape_cast %get3A_109 : vector<1x256xf32> to vector<256xf32>
    %reduce_sum3A = vector.shape_cast %get3A_110 : vector<256xf32> to vector<1x256xf32>
    %reduce_sum3A_111 = arith.constant dense<0.000000e+00> : vector<1xf32>
    %reduce_sum3A_112 = vector.multi_reduction <add>, %reduce_sum3A, %reduce_sum3A_111 [1] : vector<1x256xf32> to vector<1xf32>
    %reduce_sum3A_113 = vector.shape_cast %reduce_sum3A_112 : vector<1xf32> to vector<1x1xf32>
    %reduce_sum3A_114 = vector.extract %reduce_sum3A_113[0, 0] : f32 from vector<1x1xf32>
    %div3A = arith.constant 2.560000e+02 : f32
    %div3A_115 = arith.divf %reduce_sum3A_114, %div3A : f32
    %mul3A_116 = arith.constant 5.000000e-01 : f32
    %mul3A_117 = arith.mulf %mul3A_116, %div3A_115 : f32
    %get3A_118 = arith.constant 0 : index
    %get3A_119 = arith.constant 0 : index
    %get3A_120 = vector.load %arg1[%get3A_118, %get3A_119] : memref<1x512xf32, #tpu.memory_space<vmem>>, vector<1x512xf32>
    %mul3A_121 = arith.constant 5.000000e-01 : f32
    %mul3A_122 = vector.broadcast %mul3A_121 : f32 to vector<1x512xf32>
    %mul3A_123 = arith.mulf %mul3A_122, %get3A_120 : vector<1x512xf32>
    %mul3A_124 = vector.broadcast %mul3A_117 : f32 to vector<1x512xf32>
    %mul3A_125 = arith.mulf %select_n3A_106, %mul3A_124 : vector<1x512xf32>
    %add3A_126 = arith.addf %mul3A_123, %mul3A_125 : vector<1x512xf32>
    %swap3A = arith.constant 0 : index
    %swap3A_127 = arith.constant 0 : index
    %swap3A_128 = vector.load %arg7[%swap3A, %swap3A_127] : memref<1x512xf32, #tpu.memory_space<vmem>>, vector<1x512xf32>
    tpu.vector_store %arg7[%swap3A, %swap3A_127], %add3A_126 {strides = array<i32>} : memref<1x512xf32, #tpu.memory_space<vmem>>, vector<1x512xf32>,
    return
  }
  func.func @transform_0(%arg0: i32) -> (i32, i32) {
    %c0_i32 = arith.constant 0 : i32
    %c0_i32_0 = arith.constant 0 : i32
    return %c0_i32, %arg0 : i32, i32
  }
  func.func @transform_1(%arg0: i32) -> (i32, i32) {
    %c0_i32 = arith.constant 0 : i32
    %c0_i32_0 = arith.constant 0 : i32
    return %arg0, %c0_i32 : i32, i32
  }
  func.func @transform_2(%arg0: i32) -> (i32, i32) {
    %c0_i32 = arith.constant 0 : i32
    %c0_i32_0 = arith.constant 0 : i32
    %c0_i32_1 = arith.constant 0 : i32
    return %c0_i32, %c0_i32_0 : i32, i32
  }
  func.func @transform_3(%arg0: i32) -> (i32, i32) {
    %c0_i32 = arith.constant 0 : i32
    %c0_i32_0 = arith.constant 0 : i32
    return %arg0, %c0_i32 : i32, i32
  }
  func.func @transform_4(%arg0: i32) -> (i32, i32) {
    %c0_i32 = arith.constant 0 : i32
    %c0_i32_0 = arith.constant 0 : i32
    %c0_i32_1 = arith.constant 0 : i32
    return %c0_i32, %c0_i32_0 : i32, i32
  }
  func.func @transform_5(%arg0: i32) -> (i32, i32) {
    %c0_i32 = arith.constant 0 : i32
    %c0_i32_0 = arith.constant 0 : i32
    %c0_i32_1 = arith.constant 0 : i32
    return %c0_i32, %c0_i32_0 : i32, i32
  }
  func.func @transform_6(%arg0: i32) -> (i32, i32) {
    %c0_i32 = arith.constant 0 : i32
    %c0_i32_0 = arith.constant 0 : i32
    return %c0_i32, %arg0 : i32, i32
  }
}

</mosaic_0001>

<sc_bundles>
// kernel: _run.4.cloned.1.call-start
scs
__scs_entry_jumppad:
0x0: {  	(pc) =	sbr.rel $0x88, $3  }
0x1: {  	(tag) =	ssettag $0x0;
	lr =	simm.s32 $0x1  }
0x2: {  	[smem:$0x3F9C] =	sst lr;
	_ =	strace $0xD0000000  }
0x3: {  	_ = 	snop  }
0x4: {  	_ = 	snop  }
0x5: {  	_ = 	snop  }
0x6: {  	_ = 	snop  }
0x7: {  	_ = 	snop  }
__scs_overlays_trampoline_lowered:
0x8: {  	[smem:$0x3FAB] =	sst s0  }
0x9: {  	[smem:$0x3FAC] =	sst s1  }
0xa: {  	[smem:$0x3FAD] =	sst s2  }
0xb: {  	[smem:$0x3FAE] =	sst s3  }
0xc: {  	[smem:$0x3FAF] =	sst s4  }
0xd: {  	[smem:$0x3FB0] =	sst s5  }
0xe: {  	[smem:$0x3FB1] =	sst s6  }
0xf: {  	[smem:$0x3FB2] =	sst s7  }
0x10: {  	[smem:$0x3FB3] =	sst s8  }
0x11: {  	[smem:$0x3FB4] =	sst s9;
	s0 =	simm.s32 @!p0 $0x0  }
0x12: {  	s1 =	sld [smem:$0x3F9A];
	s0 =	simm.s32 @p0 $0x1  }
0x13: {  	[smem:$0x3FB5] =	sst s0;
	s0 =	simm.s32 @!p1 $0x0  }
0x14: {  	s2 =	sld [smem:$0x3F99];
	s0 =	simm.s32 @p1 $0x1  }
0x15: {  	[smem:$0x3FB6] =	sst s0;
	s0 =	simm.s32 @!p2 $0x0  }
0x16: {  	s3 =	sld [smem:$0x3FDB];
	s0 =	simm.s32 @p2 $0x1  }
0x17: {  	s4 =	simm.s32 $0x1BF5;
	[smem:$0x3FB8] =	sst s0  }
0x18: {  	s0 =	sld [smem:$0x3F9B];
	_ =	swait.ge [sflag:s4], $0x0  }
0x19: {  	s7 =	sld [smem:$0x3F9C]  }
0x1a: {  	s8 =	sadd.s32 $0xFFFFE003, lr  }
0x1b: {  	s9 =	sadd.s32 $0xFFFFFEF7, lr;
	s5 =	simm.s32 $0xFFFFFFFF;
	p2 =	slt.u32 s8, $0xFFFFF086  }
0x1c: {  	p1 =	slt.u32 s9, $0xF7A;
	s5 =	simm.s32 @!p2 $0x0  }
0x1d: {  	s5 =	simm.s32 @p1 $0x1;
	p0 =	seq.s32 s7, s2  }
0x1e: {  	s7 =	smul.u32 @!p0 $0xF7A, s2;
	p2 =	seq.s32 @!p0 s5, $0x0  }
0x1f: {  	s9 =	smul.u32 $0xF7A, s1;
	s8 =	simm.s32 @!p0 $0x1BF5;
	p2 =	por !p2, p0  }
0x20: {  	[sflag:s8] =	ssyncset.s32 @!p0 $0xFFFFF086;
	s6 =	sadd.s32 @!p0 s3, s7;
	s7 =	simm.s32 @!p0 $0x108  }
0x21: {  	s3 =	sadd.s32 s3, s9;
	s6 =	sadd.s32 @!p0 $0x88, s6;
	s7 =	simm.s32 @p2 $0x1082  }
0x22: {  	[simem:s7], [sflag:s8] =	dma.local @!p0 [hbm:s6], $0xF7A  }
0x23: {  	s9 =	sor.u32 $0xD0000000, s2;
	s6 =	simm.s32 $0x108;
	_ =	swait.ge @!p0 [sflag:s8], $0x0  }
0x24: {  	s3 =	sadd.s32 $0x88, s3;
	s6 =	simm.s32 @!p1 $0x1082;
	[sflag:s4] =	ssyncset.s32 $0xFFFFF086  }
0x25: {  	[simem:s6], [sflag:s4] =	dma.local [hbm:s3], $0xF7A  }
0x26: {  	[smem:$0x3F9C] =	sst s1;
	(tag) =	ssettag s2;
	_ =	strace s9  }
0x27: {  	s1 =	sld [smem:$0x3FAC]  }
0x28: {  	s2 =	sld [smem:$0x3FAD]  }
0x29: {  	s4 =	sld [smem:$0x3FAF]  }
0x2a: {  	p0 =	seq.s32 s5, $0x0;
	s5 =	sld [smem:$0x3FB0]  }
0x2b: {  	s6 =	sld [smem:$0x3FB1]  }
0x2c: {  	s7 =	sld [smem:$0x3FB2]  }
0x2d: {  	s3 =	simm.s32 $0x108;
	s8 =	sld [smem:$0x3FB3]  }
0x2e: {  	s3 =	simm.s32 @!p0 $0x1082;
	s9 =	sld [smem:$0x3FB4]  }
0x2f: {  	lr =	sadd.s32 s0, s3;
	s0 =	sld [smem:$0x3FAB]  }
0x30: {  	s3 =	sld [smem:$0x3FAE]  }
0x31: {  	[smem:$0x3FB7] =	sst s10  }
0x32: {  	s10 =	sld [smem:$0x3FB5];
	_ =	sdelay $0x3  }
0x33: {  	p0 =	seq.s32 s10, $0x1;
	s10 =	sld [smem:$0x3FB7];
	_ =	sdelay $0x3  }
0x34: {  	[smem:$0x3FB7] =	sst s10  }
0x35: {  	s10 =	sld [smem:$0x3FB6];
	_ =	sdelay $0x3  }
0x36: {  	p1 =	seq.s32 s10, $0x1;
	s10 =	sld [smem:$0x3FB7];
	_ =	sdelay $0x3  }
0x37: {  	[smem:$0x3FB7] =	sst s10  }
0x38: {  	s10 =	sld [smem:$0x3FB8]  }
0x39: {  	_ = 	snop;
	(pc) =	sbr.ind lr, $3  }
0x3a: {  	_ = 	snop  }
0x3b: {  	_ = 	snop  }
0x3c: {  	p2 =	seq.s32 s10, $0x1;
	s10 =	sld [smem:$0x3FB7]  }
0x3d: {  	_ =	shalt  }
0x3e: {  	_ =	shalt  }
0x3f: {  	_ =	shalt  }
0x40: {  	_ =	shalt  }
0x41: {  	_ =	shalt  }
0x42: {  	_ =	shalt  }
0x43: {  	_ =	shalt  }
0x44: {  	_ =	shalt  }
0x45: {  	_ =	shalt  }
0x46: {  	_ =	shalt  }
0x47: {  	_ =	shalt  }
0x48: {  	_ =	shalt  }
0x49: {  	_ =	shalt  }
0x4a: {  	_ =	shalt  }
0x4b: {  	_ =	shalt  }
0x4c: {  	_ =	shalt  }
0x4d: {  	_ =	shalt  }
0x4e: {  	_ =	shalt  }
0x4f: {  	_ =	shalt  }
0x50: {  	_ =	shalt  }
0x51: {  	_ =	shalt  }
0x52: {  	_ =	shalt  }
0x53: {  	_ =	shalt  }
0x54: {  	_ =	shalt  }
0x55: {  	_ =	shalt  }
0x56: {  	_ =	shalt  }
0x57: {  	_ =	shalt  }
0x58: {  	_ =	shalt  }
0x59: {  	_ =	shalt  }
0x5a: {  	_ =	shalt  }
0x5b: {  	_ =	shalt  }
0x5c: {  	_ =	shalt  }
0x5d: {  	_ =	shalt  }
0x5e: {  	_ =	shalt  }
0x5f: {  	_ =	shalt  }
0x60: {  	_ =	shalt  }
0x61: {  	_ =	shalt  }
0x62: {  	_ =	shalt  }
0x63: {  	_ =	shalt  }
0x64: {  	_ =	shalt  }
0x65: {  	_ =	shalt  }
0x66: {  	_ =	shalt  }
0x67: {  	_ =	shalt  }
0x68: {  	_ =	shalt  }
0x69: {  	_ =	shalt  }
0x6a: {  	_ =	shalt  }
0x6b: {  	_ =	shalt  }
0x6c: {  	_ =	shalt  }
0x6d: {  	_ =	shalt  }
0x6e: {  	_ =	shalt  }
0x6f: {  	_ =	shalt  }
0x70: {  	_ =	shalt  }
0x71: {  	_ =	shalt  }
0x72: {  	_ =	shalt  }
0x73: {  	_ =	shalt  }
0x74: {  	_ =	shalt  }
0x75: {  	_ =	shalt  }
0x76: {  	_ =	shalt  }
0x77: {  	_ =	shalt  }
0x78: {  	_ =	shalt  }
0x79: {  	_ =	shalt  }
0x7a: {  	_ =	shalt  }
0x7b: {  	_ =	shalt  }
0x7c: {  	_ =	shalt  }
0x7d: {  	_ =	shalt  }
0x7e: {  	_ =	shalt  }
0x7f: {  	_ =	shalt  }
0x80: {  	_ =	shalt  }
0x81: {  	_ =	shalt  }
0x82: {  	_ =	shalt  }
0x83: {  	_ =	shalt  }
0x84: {  	_ =	shalt  }
0x85: {  	_ =	shalt  }
0x86: {  	_ =	shalt  }
0x87: {  	_ =	shalt  }
.Lfunc_end0:
.L_simem_size_0:
called_computation_lowered:
.L_overlay_start_0:
0x88: {  	s2 =	sld [smem:$0x3FD9]  }
0x89: {  	s3 =	sld [smem:$0x3FFE];
	_ =	sdelay $0x1  }
0x8a: {  	s1 =	srdreg.scid  }
0x8b: {  	s0 =	sand.u32 $0x1, s1  }
0x8c: {  	s17 =	sshll.u32 s0, $0xA;
	s2 =	sadd.s32 s3, s2  }
0x8d: {  	s2 =	sadd.s32 s2, s17  }
0x8e: {  	[smem:$0x3FC3] =	sst s2  }
0x8f: {  	_ = 	snop  }
0x90: {  	s2 =	sld [smem:$0x3FC9]  }
0x91: {  	s18 =	sld [smem:$0x3FC8]  }
0x92: {  	s4 =	sld [smem:$0x3FC7]  }
0x93: {  	s5 =	sld [smem:$0x3FC6]  }
0x94: {  	s6 =	sld [smem:$0x3FD0];
	(tm) =	ssettm $0x1  }
0x95: {  	s7 =	sld [smem:$0x3FFB];
	_ =	sdelay $0x3  }
0x96: {  	_ =	strace s7  }
0x97: {  	s7 =	sld [smem:$0x3FFC];
	_ =	sdelay $0x3  }
0x98: {  	_ =	strace s7  }
0x99: {  	s7 =	sld [smem:$0x3FFD];
	_ =	sdelay $0x3  }
0x9a: {  	_ =	strace s7  }
0x9b: {  	_ =	strace $0x8FFFFFFF  }
0x9c: {  	s19 =	sld [smem:$0x3FDB];
	_ =	sdelay $0x1  }
0x9d: {  	s8 =	simm.s32 $_scs_section_size  }
0x9e: {  	s9 =	simm.s32 $_size__tile_overlayer_lowered;
	s10 =	simm.s32 $_tile_overlayer_lowered  }
0x9f: {  	s22 =	simm.s32 $0x1BFF;
	s21 =	sshll.u32 s10, $0x1;
	s7 =	sadd.s32 s8, s19  }
0xa0: {  	s11 =	simm.s32 $0x0;
	s20 =	sshll.u32 s9, $0x1;
	s9 =	sadd.s32 s21, s7  }
0xa1: {  	[timem:s11], [sflag:s22] =	dma.local [hbm:s9], s20  }
0xa2: {  	_ =	swait.ge [sflag:s22], s20  }
0xa3: {  	s8 =	ssub.s32 $0x0, s20;
	[sflag:s22] =	ssyncset.done $0x0  }
0xa4: {  	[sflag:s22] =	ssyncadd.s32 s8;
	_ =	sdelay $0x1  }
0xa5: {  	s23 =	simm.s32 $0x1B8B  }
0xa6: {  	_ =	swait.ge [sflag:s23], $0x1  }
0xa7: {  	[sflag:s23] =	ssyncset.done $0x0  }
0xa8: {  	s25 =	simm.s32 $0x1B8E;
	s24 =	sld [smem:$0x3FFE];
	[sflag:s23] =	ssyncadd.s32 $0xFFFFFFFF  }
0xa9: {  	s26 =	simm.s32 $execute0_lowered;
	[smem:$0x3FD2] =	sst s25  }
0xaa: {  	s9 =	sshll.u32 s26, $0x1;
	_ =	strace $0x80000046;
	[dreg:$0x1] =	wrdreg $0xFFFFFFFF  }
0xab: {  	s28 =	simm.s32 $_size_execute0_lowered;
	s7 =	sadd.s32 s7, s9;
	[dreg:$0x0] =	wrdreg $0x0  }
0xac: {  	s9 =	sshll.u32 s28, $0x1;
	[dreg:$0x2] =	wrdreg s7  }
0xad: {  	[dreg:$0x3] =	wrdreg s9  }
0xae: {  	[dreg:$0x4] =	wrdreg $0xC0  }
0xaf: {  	_ =	task [dreg:s11], $0x5FFFF  }
0xb0: {  	[dreg:$0x1] =	wrdreg $0xFFFFFFFF  }
0xb1: {  	[dreg:$0x0] =	wrdreg $0x60  }
0xb2: {  	[dreg:$0x2] =	wrdreg s4  }
0xb3: {  	[dreg:$0x3] =	wrdreg s18  }
0xb4: {  	[dreg:$0x4] =	wrdreg s2  }
0xb5: {  	[dreg:$0x5] =	wrdreg s5  }
0xb6: {  	[dreg:$0x6] =	wrdreg s6  }
0xb7: {  	[dreg:$0x7] =	wrdreg s24  }
0xb8: {  	[dreg:$0x8] =	wrdreg $0x9  }
0xb9: {  	_ =	task.clear_ibuf [dreg:s11], $0x9FFFF;
	_ =	strace $0x90000046  }
0xba: {  	s29 =	simm.s32 $0x9;
	_ =	strace $0x80000048  }
0xbb: {  	_ =	swait.ge [sflag:s29], $0x1  }
0xbc: {  	[sflag:s29] =	ssyncadd.s32 $0xFFFFFFFF  }
0xbd: {  	_ =	strace $0x90000048  }
0xbe: {  	_ =	sfence  }
0xbf: {  	s30 =	sld [smem:$0x0];
	_ =	sdelay $0x2  }
0xc0: {  	s31 =	sshll.u32 s1, $0xD;
	s1 =	sshrl.u32 s1, $0x2  }
0xc1: {  	s3 =	sand.u32 $0x4000, s31;
	s1 =	sadd.s32 s1, s30  }
0xc2: {  	s0 =	sor.u32 s3, s0;
	s1 =	sshll.u32 s1, $0x11  }
0xc3: {  	s0 =	sor.u32 s1, s0  }
0xc4: {  	s0 =	sadd.s32 $0x8F2B, s0  }
0xc5: {  	[sflag:s0] =	ssyncadd.remote.s32 $0x1  }
0xc6: {  	_ =	sfence.sel $0xFFFF  }
0xc7: {  	[dreg:$0x0] =	wrdreg $0xFFFFFFFF;
	(pc) =	sbr.abs _section_cstart, $3  }
0xc8: {  	[dreg:$0x1] =	wrdreg $0xFFFFFFFF  }
0xc9: {  	_ =	task.clear_ibuf [dreg:s11], $0x2FFFF;
	_ =	strace $0x9FFFFFFF  }
0xca: {  	(tm) =	ssettm $0x7FFFFFFF  }
0xcb: {  	_ =	shalt  }
tec
execute0_lowered:
.L_overlay_start_1:
0x0: {  	(tag) =	ssettag $0x1  }
0x1: {  	s7 =	rddreg [dreg:$0x0]  }
0x2: {  	s0 =	rddreg [dreg:$0x1]  }
0x3: {  	s6 =	rddreg [dreg:$0x2]  }
0x4: {  	s1 =	rddreg [dreg:$0x3]  }
0x5: {  	s2 =	rddreg [dreg:$0x4]  }
0x6: {  	v0 =	vimm.s32 $0xFEDCBA98;
	s8 =	rddreg [dreg:$0x5]  }
0x7: {  	v1 =	vimm.s32 $0x76543210;
	s5 =	srdreg.scid;
	s4 =	simm.s32 $0x0;
	s3 =	stileid.u32;
	v2 =	vimm.s32 $0xBA98FEDC;
	v3 =	vimm.s32 $0x32107654  }
0x8: {  	v4 =	vimm.s32 $0xDCFE98BA;
	v5 =	vimm.s32 $0x54761032;
	s16 =	simm.s32 $0x8000;
	s17 =	simm.s32 $0x10080;
	s18 =	simm.s32 $0x0  }
0x9: {  	v6 =	vimm.s32 $0xEFCDAB89;
	v7 =	vimm.s32 $0x67452301;
	s9 =	sand.u32 $0x1, s5;
	[smem:$0x7FF] =	sst s4;
	s11 =	sshll.u32 s3, $0x4  }
0xa: {  	v0 =	vunpack.c.l.s4.s8 v0;
	v2 =	vunpack.c.l.s4.s8 v2;
	v3 =	vunpack.c.l.s4.s8 v3;
	s5 =	rddreg [dreg:$0x6];
	s10 =	sshll.u32 s9, $0x8;
	s9 =	ssub.s32 $0x2, s9  }
0xb: {  	v4 =	vunpack.c.l.s4.s8 v4;
	v5 =	vunpack.c.l.s4.s8 v5;
	v6 =	vunpack.c.l.s4.s8 v6;
	_ =	strace $0x80000047;
	s10 =	sor.u32 s11, s10;
	s14 =	sshrl.u32 s9, $0x1  }
0xc: {  	v7 =	vunpack.c.l.s4.s8 v7;
	v2 =	vunpack.c.0.s8.s32 v2;
	v8 =	vunpack.c.0.s8.s32 v3;
	s11 =	sand.u32 $0x70, s11;
	s12 =	sor.u32 $0xE00, s10;
	s13 =	sshrl.u32 s10, $0x3  }
0xd: {  	v1 =	vunpack.c.l.s4.s8 v1;
	v4 =	vunpack.c.0.s8.s32 v4;
	v5 =	vunpack.c.0.s8.s32 v5;
	s14 =	ssub.s32 s9, s14;
	s10 =	sshll.u32 s10, $0x9;
	s15 =	sshrl.u32 s12, $0x3  }
0xe: {  	v6 =	vunpack.c.0.s8.s32 v6;
	v7 =	vunpack.c.0.s8.s32 v7;
	s13 =	sadd.s32 s13, s8;
	s30 =	sshll.u32 s12, $0x9;
	s31 =	sshll.u32 s12, $0x2;
	v60 =	vcombine.low v8, v2  }
0xf: {  	v0 =	vunpack.c.0.s8.s32 v0;
	s10 =	sadd.s32 s10, s7;
	v61 =	vcombine.low v5, v4;
	s12 =	simm.s32 $0x1;
	s6 =	sadd.s32 s6, s15  }
0x10: {  	v1 =	vunpack.c.0.s8.s32 v1;
	v62 =	vcombine.low v7, v6;
	s9 =	sand.u32 $0x3E00, s31;
	s7 =	sadd.s32 s7, s30;
	s15 =	simm.s32 $0x10200;
	[tilespmem:$0x1FFD0] =	vst v60  }
0x11: {  	v36 =	vimm.s32 $0x0;
	v46 =	vimm.s32 $0x1;
	v0 =	vand.u32 $0xF, v0;
	s8 =	sor.u32 s11, s9;
	s9 =	sadd.s32 $0x1C1000, s10;
	s10 =	sadd.s32 $0x800, s13;
	[tilespmem:$0x1FFE0] =	vst v61  }
0x12: {  	v59 =	vimm.s32 $0x2;
	v63 =	vimm.s32 $0x3;
	v3 =	vcombine.low v0, v1;
	s11 =	smax.u32 s14, $0x1;
	s13 =	simm.s32 $0x10000;
	s14 =	simm.s32 $0x10100;
	[tilespmem:$0x1FFF0] =	vst v62  }
.LBB2_1:
0x13: {  	[tilespmem:s4], [sflag:$0x1] =	stream.linear.gather [hbm4b:s0+s4], $0x4000, $0x38;
	[tilespmem:$0x10280] =	vst v63  }
0x14: {  	_ =	swait.ge [sflag:s12], $0x4000  }
0x15: {  	[sflag:s12] =	ssyncset.done $0x0  }
0x16: {  	[sflag:s12] =	ssyncadd.s32 $0xFFFFC000  }
0x17: {  	[tilespmem:s13], [sflag:$0x1] =	stream.linear.gather [hbm4b:s6+s4], $0x10, $0x38;
	[tilespmem:$0x10280] =	vst v63  }
0x18: {  	_ =	swait.ge [sflag:s12], $0x10  }
0x19: {  	[sflag:s12] =	ssyncset.done $0x0  }
0x1a: {  	[sflag:s12] =	ssyncadd.s32 $0xFFFFFFF0  }
0x1b: {  	[tilespmem:s14], [sflag:$0x1] =	stream.linear.gather [hbm4b:s1+s4], $0x100, $0x38;
	[tilespmem:$0x10280] =	vst v63  }
0x1c: {  	_ =	swait.ge [sflag:s12], $0x100  }
0x1d: {  	[sflag:s12] =	ssyncset.done $0x0  }
0x1e: {  	[sflag:s12] =	ssyncadd.s32 $0xFFFFFF00  }
0x1f: {  	[tilespmem:s15], [sflag:$0x1] =	stream.linear.gather [hbm4b:s2+s4], $0x80, $0x38;
	[tilespmem:$0x10280] =	vst v63  }
0x20: {  	_ =	swait.ge [sflag:s12], $0x80  }
0x21: {  	[sflag:s12] =	ssyncset.done $0x0  }
0x22: {  	[sflag:s12] =	ssyncadd.s32 $0xFFFFFF80  }
0x23: {  	v0 =	vld [tilespmem:$0x10100];
	_ =	sdelay $0x1  }
0x24: {  	v1 =	vld [tilespmem:$0x10110];
	_ =	sdelay $0x1  }
0x25: {  	v2 =	vld [tilespmem:$0x10120]  }
0x26: {  	v0 =	vadd.f32 $0.0e+00, v0  }
0x27: {  	v4 =	vld [tilespmem:$0x10130]  }
0x28: {  	v0 =	vadd.f32 v1, v0  }
0x29: {  	v1 =	vld [tilespmem:$0x10140]  }
0x2a: {  	v0 =	vadd.f32 v2, v0  }
0x2b: {  	v2 =	vld [tilespmem:$0x10150]  }
0x2c: {  	v0 =	vadd.f32 v4, v0  }
0x2d: {  	v4 =	vld [tilespmem:$0x10160]  }
0x2e: {  	v0 =	vadd.f32 v1, v0  }
0x2f: {  	v1 =	vld [tilespmem:$0x10170]  }
0x30: {  	v0 =	vadd.f32 v2, v0  }
0x31: {  	v2 =	vld [tilespmem:$0x10180]  }
0x32: {  	v0 =	vadd.f32 v4, v0  }
0x33: {  	v4 =	vld [tilespmem:$0x10190]  }
0x34: {  	v0 =	vadd.f32 v1, v0  }
0x35: {  	v1 =	vld [tilespmem:$0x101A0]  }
0x36: {  	v0 =	vadd.f32 v2, v0  }
0x37: {  	v2 =	vld [tilespmem:$0x101B0]  }
0x38: {  	v0 =	vadd.f32 v4, v0  }
0x39: {  	v4 =	vld [tilespmem:$0x101C0]  }
0x3a: {  	v0 =	vadd.f32 v1, v0  }
0x3b: {  	v1 =	vld [tilespmem:$0x101D0]  }
0x3c: {  	v0 =	vadd.f32 v2, v0  }
0x3d: {  	v2 =	vld [tilespmem:$0x101E0]  }
0x3e: {  	v0 =	vadd.f32 v4, v0  }
0x3f: {  	v4 =	vld [tilespmem:$0x101F0]  }
0x40: {  	v0 =	vadd.f32 v1, v0;
	_ =	sdelay $0x1  }
0x41: {  	v0 =	vadd.f32 v2, v0;
	_ =	sdelay $0x1  }
0x42: {  	v0 =	vadd.f32 v4, v0;
	_ =	sdelay $0x1  }
0x43: {  	v1 =	vperm.xlane v0, v3;
	_ =	sdelay $0x1  }
0x44: {  	v2 =	vld [tilespmem:$0x10200];
	v0 =	vadd.f32 v1, v0;
	_ =	sdelay $0x1  }
0x45: {  	s19 =	sand.u32 $0x70, s4;
	s20 =	sand.u32 $0x3E00, s4;
	v1 =	vperm.xlane v0, v60  }
0x46: {  	s19 =	sor.u32 s19, s20  }
0x47: {  	v7 =	vld [tilespmem:s19+$0x0];
	v0 =	vadd.f32 v1, v0  }
0x48: {  	v8 =	vld [tilespmem:s19+$0x80];
	v4 =	vperm.xlane v2, v46;
	v1 =	vperm.xlane v2, v36  }
0x49: {  	v5 =	vld [tilespmem:s19+$0x100];
	v2 =	vperm.xlane v2, v59;
	v6 =	vperm.xlane v0, v61  }
0x4a: {  	s31 =	simm.s32 $0x10;
	s21 =	simm.s32 $0x40;
	v23 =	vmul.f32 v1, v1  }
0x4b: {  	s20 =	sand.u32 $0x70, s31;
	s21 =	sand.u32 $0x3E00, s21;
	v24 =	vmul.f32 v4, v4;
	v22 =	vmul.f32 v2, v2;
	v2 =	vadd.f32 v6, v0  }
0x4c: {  	s20 =	sor.u32 s20, s21;
	v9 =	vmul.f32 v7, v23  }
0x4d: {  	v1 =	vld [tilespmem:s20+$0x80];
	v6 =	vmul.f32 v8, v24;
	[tilespmem:$0x1FFB0] =	vst v2;
	v2 =	vperm.xlane v2, v62  }
0x4e: {  	v0 =	vld [tilespmem:s20+$0x0];
	v4 =	vmul.f32 v5, v22  }
0x4f: {  	v7 =	vmul.f32 v9, v7;
	v8 =	vmul.f32 v6, v8;
	[tilespmem:$0x1FFC0] =	vst v2;
	v2 =	vld [tilespmem:s20+$0x100]  }
0x50: {  	s22 =	simm.s32 $0x80;
	s21 =	simm.s32 $0x20;
	[tilespmem:s19+$0x4000] =	vst v9  }
.LBB2_2:
0x51: {  	s23 =	sand.u32 $0x70, s21;
	s24 =	sand.u32 $0x3E00, s22;
	[tilespmem:s19+$0x4080] =	vst v6;
	v12 =	vadd.f32 v8, v7;
	v11 =	vmul.f32 v4, v5;
	p0 =	sne.s32 s21, $0xFF0  }
.Ltmp0:
0x52: {  	s21 =	sadd.s32 $0x10, s21;
	s23 =	sor.u32 s23, s24;
	[tilespmem:s19+$0x4100] =	vst v4;
	(pc) =	sbr.rel @p0 .LBB2_2-.Ltmp0, $4  }
0x53: {  	v9 =	vmul.f32 v0, v23;
	v7 =	vmovc v0;
	v6 =	vmul.f32 v1, v24;
	v10 =	vadd.f32 v11, v12;
	v0 =	vld [tilespmem:s23+$0x0]  }
0x54: {  	v8 =	vmov v1;
	v4 =	vmul.f32 v2, v22;
	v1 =	vld [tilespmem:s23+$0x80];
	v5 =	vmov v2  }
0x55: {  	v7 =	vmul.f32 v9, v7;
	v2 =	vld [tilespmem:s23+$0x100];
	v8 =	vmul.f32 v6, v8;
	[tilespmem:s19+$0x4180] =	vst v10;
	s19 =	smov.u32 s20;
	s20 =	smov.u32 s23  }
0x56: {  	s22 =	sadd.s32 $0x40, s22;
	[tilespmem:s19+$0x4000] =	vst v9  }
0x57: {  	_ = 	snop  }
0x58: {  	v5 =	vmul.f32 v4, v5  }
0x59: {  	v7 =	vadd.f32 v8, v7;
	v8 =	vmul.f32 v0, v23;
	v9 =	vmul.f32 v1, v24  }
0x5a: {  	v10 =	vmul.f32 v2, v22  }
0x5b: {  	[tilespmem:s19+$0x4080] =	vst v6;
	v5 =	vadd.f32 v5, v7;
	v0 =	vmul.f32 v8, v0;
	v1 =	vmul.f32 v9, v1  }
0x5c: {  	[tilespmem:s19+$0x4100] =	vst v4  }
0x5d: {  	[tilespmem:s19+$0x4180] =	vst v5;
	v0 =	vadd.f32 v1, v0;
	v1 =	vmul.f32 v10, v2  }
0x5e: {  	[tilespmem:s20+$0x4000] =	vst v8  }
0x5f: {  	[tilespmem:s20+$0x4080] =	vst v9;
	v0 =	vadd.f32 v1, v0  }
0x60: {  	[tilespmem:s20+$0x4100] =	vst v10  }
0x61: {  	s19 =	simm.s32 $0x0;
	[tilespmem:s20+$0x4180] =	vst v0  }
0x62: {  	[tilespmem:s16], [sflag:$0x1] =	stream.linear.gather [hbm4b:s7+s19], $0x8000, $0x38;
	[tilespmem:$0x10280] =	vst v63  }
0x63: {  	_ =	swait.ge [sflag:s12], $0x8000  }
0x64: {  	[sflag:s12] =	ssyncset.done $0x0  }
0x65: {  	[sflag:s12] =	ssyncadd.s32 $0xFFFF8000  }
0x66: {  	s31 =	simm.s32 $0x0;
	v17 =	vld [tilespmem:s8+$0x0]  }
0x67: {  	s21 =	sand.u32 $0x70, s19;
	s20 =	sand.u32 $0x3FFFFC00, s31;
	v18 =	vld [tilespmem:s8+$0x80]  }
0x68: {  	s20 =	sor.u32 s21, s20;
	v19 =	vld [tilespmem:s8+$0x100]  }
0x69: {  	v21 =	vld [tilespmem:s20+$0x8000]  }
0x6a: {  	v27 =	vld [tilespmem:s20+$0x8080]  }
0x6b: {  	v28 =	vld [tilespmem:s20+$0x8100]  }
0x6c: {  	v31 =	vld [tilespmem:s20+$0x8180]  }
0x6d: {  	v32 =	vld [tilespmem:s20+$0x8200];
	v0 =	vperm.xlane v17, v36  }
0x6e: {  	v57 =	vld [tilespmem:s20+$0x8280];
	v1 =	vperm.xlane v18, v36;
	v4 =	vperm.xlane v19, v36  }
0x6f: {  	v58 =	vld [tilespmem:s20+$0x8300];
	v6 =	vperm.xlane v17, v46;
	v2 =	vperm.xlane v18, v46  }
0x70: {  	v29 =	vimm.s32 $0x6;
	v5 =	vperm.xlane v19, v46;
	v11 =	vperm.xlane v18, v59  }
0x71: {  	v10 =	vperm.xlane v19, v59;
	v30 =	vperm.xlane v17, v29  }
0x72: {  	v38 =	vperm.xlane v18, v29;
	v34 =	vperm.xlane v19, v29;
	vm5 =	veq.s32 v21, $0x0;
	[tilespmem:$0x1FE30] =	vst v0  }
0x73: {  	vm6 =	veq.s32 v27, $0x0;
	vm0 =	veq.s32 v28, $0x0;
	vm4 =	veq.s32 v31, $0x0;
	[tilespmem:$0x1FE40] =	vst v1  }
0x74: {  	vm7 =	veq.s32 v32, $0x0;
	vm1 =	veq.s32 v57, $0x0;
	vm2 =	veq.s32 v58, $0x0;
	[tilespmem:$0x1FE50] =	vst v4  }
0x75: {  	s22 =	simm.s32 $0x0;
	v31 =	vimm.f32 $-Inf;
	v32 =	vimm.f32 $-Inf;
	v0 =	vadd.f32 v0, v0;
	[tilespmem:$0x1FE60] =	vst v6  }
0x76: {  	s22 =	sand.u32 $0x3FFFFE00, s22;
	v27 =	vimm.f32 $-Inf;
	v1 =	vadd.f32 v1, v1;
	v4 =	vadd.f32 v4, v4;
	[tilespmem:$0x1FE70] =	vst v2  }
0x77: {  	s21 =	sor.u32 s21, s22;
	v28 =	vimm.f32 $-Inf;
	v6 =	vadd.f32 v6, v6;
	v7 =	vadd.f32 v2, v2;
	[tilespmem:$0x1FE80] =	vst v5  }
0x78: {  	v39 =	vld [tilespmem:s21+$0x4080];
	v2 =	vperm.xlane v17, v59;
	v8 =	vadd.f32 v5, v5;
	v5 =	vperm.xlane v17, v63;
	[tilespmem:$0x1FEA0] =	vst v11  }
0x79: {  	v43 =	vld [tilespmem:s21+$0x4000];
	v12 =	vadd.f32 v11, v11;
	[tilespmem:$0x1FEB0] =	vst v10;
	v14 =	vadd.f32 v10, v10;
	v11 =	vperm.xlane v19, v63  }
0x7a: {  	v10 =	vimm.s32 $0x4;
	[tilespmem:$0x1FF50] =	vst v30;
	v35 =	vadd.f32 v30, v30;
	v30 =	vimm.s32 $0x7  }
0x7b: {  	v21 =	vld [tilespmem:s20+$0x8380];
	[tilespmem:$0x1FF60] =	vst v38;
	v29 =	vadd.f32 v38, v38;
	v20 =	vperm.xlane v18, v10;
	v37 =	vperm.xlane v17, v30  }
0x7c: {  	[tilespmem:$0x1FE90] =	vst v2;
	v9 =	vadd.f32 v2, v2;
	v2 =	vperm.xlane v18, v63;
	v15 =	vadd.f32 v5, v5  }
0x7d: {  	[tilespmem:$0x1FEC0] =	vst v5;
	v5 =	vadd.f32 v11, v11;
	v47 =	vmul.f32 v39, v1;
	v48 =	vmul.f32 v39, v7  }
0x7e: {  	[tilespmem:$0x1FEE0] =	vst v11;
	v11 =	vimm.s32 $0x5;
	v44 =	vmul.f32 v39, v12;
	v51 =	vmul.f32 v43, v0  }
0x7f: {  	v52 =	vmul.f32 v43, v6;
	v13 =	vperm.xlane v17, v11;
	[tilespmem:$0x1FF00] =	vst v20;
	v20 =	vadd.f32 v20, v20  }
0x80: {  	[tilespmem:$0x1FF80] =	vst v37;
	v38 =	vadd.f32 v37, v37;
	vm3 =	veq.s32 v21, $0x0;
	v37 =	vimm.f32 $-Inf  }
0x81: {  	v21 =	vimm.f32 $-Inf;
	[tilespmem:$0x1FED0] =	vst v2;
	v16 =	vadd.f32 v2, v2;
	v2 =	vperm.xlane v17, v10  }
0x82: {  	[tilespmem:$0x1FF70] =	vst v34;
	v10 =	vperm.xlane v19, v10;
	v17 =	vadd.f32 v34, v34;
	v53 =	vmul.f32 v43, v9  }
0x83: {  	v54 =	vmul.f32 v43, v15;
	v34 =	vimm.f32 $-Inf;
	[tilespmem:$0x1FF20] =	vst v13;
	v33 =	vadd.f32 v13, v13;
	v13 =	vld [tilespmem:s21+$0x4100]  }
0x84: {  	[tilespmem:$0x1FEF0] =	vst v2;
	v26 =	vadd.f32 v2, v2;
	v2 =	vperm.xlane v18, v11;
	v11 =	vperm.xlane v19, v11  }
0x85: {  	v49 =	vld [tilespmem:s21+$0x4180];
	[tilespmem:$0x1FF10] =	vst v10;
	v10 =	vadd.f32 v10, v10;
	v18 =	vperm.xlane v18, v30;
	v19 =	vperm.xlane v19, v30  }
0x86: {  	v45 =	vmul.f32 v39, v16;
	v50 =	vmul.f32 v43, v33;
	[tilespmem:$0x1FF30] =	vst v2;
	v25 =	vadd.f32 v2, v2  }
0x87: {  	[tilespmem:$0x1FF40] =	vst v11;
	v11 =	vadd.f32 v11, v11;
	v2 =	vimm.s32 $0x6;
	v30 =	vadd.f32 v18, v18  }
0x88: {  	[tilespmem:$0x1FFA0] =	vst v19;
	v19 =	vadd.f32 v19, v19;
	v55 =	vmul.f32 v43, v26;
	v40 =	vmul.f32 v13, v4  }
0x89: {  	s20 =	simm.s32 $0x1;
	[tilespmem:$0x1FF90] =	vst v18;
	v18 =	vimm.f32 $-Inf;
	v42 =	vmul.f32 v13, v8;
	v41 =	vmul.f32 v13, v14  }
.LBB2_4:
0x8a: {  	p0 =	sne.s32 s20, $0xFF;
	v51 =	vsub.f32 v49, v51;
	v52 =	vsub.f32 v49, v52;
	v56 =	vmul.f32 v43, v35  }
0x8b: {  	v53 =	vsub.f32 v49, v53;
	v54 =	vsub.f32 v49, v54;
	v43 =	vmul.f32 v43, v38  }
0x8c: {  	v57 =	vmul.f32 v39, v20;
	v55 =	vsub.f32 v49, v55;
	v50 =	vsub.f32 v49, v50  }
0x8d: {  	v58 =	vmul.f32 v39, v25;
	v56 =	vsub.f32 v49, v56;
	v43 =	vsub.f32 v49, v43  }
0x8e: {  	v47 =	vsub.f32 v51, v47;
	v48 =	vsub.f32 v52, v48;
	v49 =	vmul.f32 v39, v29  }
0x8f: {  	s21 =	sshll.u32 s20, $0x7;
	s19 =	sadd.s32 $0x10, s19;
	v44 =	vsub.f32 v53, v44;
	v45 =	vsub.f32 v54, v45;
	v39 =	vmul.f32 v39, v30  }
0x90: {  	s22 =	sand.u32 $0x70, s19;
	s21 =	sand.u32 $0x3FFFFC00, s21;
	v51 =	vmul.f32 v13, v5;
	v52 =	vsub.f32 v55, v57;
	v50 =	vsub.f32 v50, v58  }
0x91: {  	s21 =	sor.u32 s22, s21;
	v53 =	vmul.f32 v13, v10;
	v49 =	vsub.f32 v56, v49;
	v39 =	vsub.f32 v43, v39  }
0x92: {  	v40 =	vsub.f32 v47, v40;
	v42 =	vsub.f32 v48, v42;
	v43 =	vmul.f32 v13, v11;
	v54 =	vld [tilespmem:s21+$0x8000]  }
0x93: {  	s23 =	sshll.u32 s20, $0x6;
	v41 =	vsub.f32 v44, v41;
	v44 =	vsub.f32 v45, v51;
	v45 =	vmul.f32 v13, v17;
	v47 =	vld [tilespmem:s21+$0x8080]  }
0x94: {  	s23 =	sand.u32 $0x3FFFFE00, s23;
	v51 =	vsub.f32 v52, v53;
	v43 =	vsub.f32 v50, v43;
	v50 =	vmul.f32 v13, v19;
	v48 =	vld [tilespmem:s21+$0x8100]  }
0x95: {  	s22 =	sor.u32 s22, s23;
	v40 =	vmax.f32 v18, v40;
	v42 =	vmax.f32 v37, v42;
	v45 =	vsub.f32 v49, v45;
	v52 =	vld [tilespmem:s21+$0x8180]  }
0x96: {  	v18 =	vsel vm5, v18, v40;
	v37 =	vsel vm6, v37, v42;
	v40 =	vsub.f32 v39, v50;
	v13 =	vld [tilespmem:s22+$0x4100]  }
0x97: {  	v41 =	vmax.f32 v34, v41;
	v42 =	vmax.f32 v31, v44;
	v44 =	vmax.f32 v32, v51;
	v50 =	vld [tilespmem:s21+$0x8200]  }
0x98: {  	v34 =	vsel vm0, v34, v41;
	v31 =	vsel vm4, v31, v42;
	v32 =	vsel vm7, v32, v44;
	v39 =	vld [tilespmem:s22+$0x4080]  }
0x99: {  	v41 =	vmax.f32 v27, v43;
	v42 =	vmax.f32 v28, v45;
	v40 =	vmax.f32 v21, v40;
	v53 =	vld [tilespmem:s21+$0x8280]  }
0x9a: {  	v27 =	vsel vm1, v27, v41;
	v28 =	vsel vm2, v28, v42;
	v21 =	vsel vm3, v21, v40;
	v43 =	vld [tilespmem:s22+$0x4000]  }
0x9b: {  	vm5 =	veq.s32 v54, $0x0;
	vm6 =	veq.s32 v47, $0x0;
	v40 =	vmul.f32 v13, v4;
	v55 =	vld [tilespmem:s21+$0x8300]  }
0x9c: {  	vm0 =	veq.s32 v48, $0x0;
	v42 =	vmul.f32 v13, v8;
	v41 =	vmul.f32 v13, v14;
	v56 =	vld [tilespmem:s21+$0x8380]  }
.Ltmp1:
0x9d: {  	vm4 =	veq.s32 v52, $0x0;
	v49 =	vld [tilespmem:s22+$0x4180];
	v47 =	vmul.f32 v39, v1;
	v48 =	vmul.f32 v39, v7;
	(pc) =	sbr.rel @p0 .LBB2_4-.Ltmp1, $4  }
0x9e: {  	vm7 =	veq.s32 v50, $0x0;
	v44 =	vmul.f32 v39, v12;
	v45 =	vmul.f32 v39, v16  }
0x9f: {  	vm1 =	veq.s32 v53, $0x0;
	v51 =	vmul.f32 v43, v0;
	v52 =	vmul.f32 v43, v6  }
0xa0: {  	v53 =	vmul.f32 v43, v9;
	v54 =	vmul.f32 v43, v15;
	vm2 =	veq.s32 v55, $0x0  }
0xa1: {  	s20 =	sadd.s32 $0x1, s20;
	v50 =	vmul.f32 v43, v33;
	v55 =	vmul.f32 v43, v26;
	vm3 =	veq.s32 v56, $0x0  }
0xa2: {  	v0 =	vsub.f32 v49, v51;
	v1 =	vsub.f32 v49, v52  }
0xa3: {  	v4 =	vmul.f32 v43, v35;
	v6 =	vsub.f32 v49, v53;
	v7 =	vsub.f32 v49, v54  }
0xa4: {  	v8 =	vmul.f32 v43, v38;
	v12 =	vmul.f32 v39, v20;
	v9 =	vsub.f32 v49, v55  }
0xa5: {  	v15 =	vmul.f32 v39, v25;
	v14 =	vsub.f32 v49, v50;
	v4 =	vsub.f32 v49, v4  }
0xa6: {  	v16 =	vmul.f32 v39, v29;
	v8 =	vsub.f32 v49, v8;
	v0 =	vsub.f32 v0, v47  }
0xa7: {  	v20 =	vmul.f32 v39, v30;
	v1 =	vsub.f32 v1, v48;
	v6 =	vsub.f32 v6, v44  }
0xa8: {  	v5 =	vmul.f32 v13, v5;
	v7 =	vsub.f32 v7, v45;
	v9 =	vsub.f32 v9, v12  }
0xa9: {  	v10 =	vmul.f32 v13, v10;
	v12 =	vsub.f32 v14, v15;
	v4 =	vsub.f32 v4, v16  }
0xaa: {  	v11 =	vmul.f32 v13, v11;
	v8 =	vsub.f32 v8, v20;
	v0 =	vsub.f32 v0, v40  }
0xab: {  	v5 =	vsub.f32 v7, v5;
	v7 =	vmul.f32 v13, v17;
	v9 =	vsub.f32 v9, v10  }
0xac: {  	v10 =	vsub.f32 v12, v11;
	v11 =	vmul.f32 v13, v19;
	v0 =	vmax.f32 v18, v0  }
0xad: {  	v1 =	vsub.f32 v1, v42;
	v6 =	vsub.f32 v6, v41;
	v0 =	vsel vm5, v18, v0  }
0xae: {  	v4 =	vsub.f32 v4, v7;
	v7 =	vsub.f32 v8, v11;
	v8 =	vperm.xlane v0, v3  }
0xaf: {  	v33 =	vand.u32 $0xF, v60;
	v1 =	vmax.f32 v37, v1;
	v6 =	vmax.f32 v34, v6  }
0xb0: {  	v1 =	vsel vm6, v37, v1;
	v9 =	vmax.f32 v32, v9;
	v0 =	vmax.f32 v0, v8  }
0xb1: {  	v11 =	vperm.xlane v1, v3;
	v8 =	vsel vm7, v32, v9;
	v9 =	vperm.xlane v0, v33  }
0xb2: {  	v6 =	vsel vm0, v34, v6;
	v34 =	vand.u32 $0xF, v61  }
0xb3: {  	v12 =	vld [tilespmem:$0x10000];
	v1 =	vmax.f32 v1, v11;
	v0 =	vmax.f32 v0, v9;
	v9 =	vperm.xlane v6, v3  }
0xb4: {  	v5 =	vmax.f32 v31, v5;
	v13 =	vperm.xlane v1, v33;
	v11 =	vperm.xlane v0, v34  }
0xb5: {  	v35 =	vand.u32 $0xF, v62;
	v5 =	vsel vm4, v31, v5;
	v6 =	vmax.f32 v6, v9  }
0xb6: {  	v9 =	vperm.xlane v5, v3;
	v32 =	vmax.f32 v0, v11;
	v0 =	vmax.f32 v1, v13  }
0xb7: {  	v4 =	vmax.f32 v28, v4;
	v1 =	vperm.xlane v6, v33;
	v11 =	vperm.xlane v0, v34  }
0xb8: {  	v4 =	vsel vm2, v28, v4;
	v5 =	vmax.f32 v5, v9;
	v9 =	vperm.xlane v12, v36  }
0xb9: {  	v1 =	vmax.f32 v6, v1;
	v6 =	vperm.xlane v5, v33;
	v28 =	vmax.f32 v0, v11  }
0xba: {  	[tilespmem:$0x1FB70] =	vst v9;
	v0 =	vperm.xlane v1, v34;
	v9 =	vperm.xlane v28, v35  }
0xbb: {  	v5 =	vmax.f32 v5, v6  }
0xbc: {  	s19 =	simm.s32 $0x0;
	v6 =	vperm.xlane v8, v3;
	v55 =	vmax.f32 v1, v0;
	[tilespmem:$0x1FB80] =	vst v9;
	v9 =	vperm.xlane v12, v46  }
0xbd: {  	[tilespmem:s16], [sflag:$0x1] =	stream.linear.gather [hbm4b:s9+s19], $0x8000, $0x38;
	v0 =	vperm.xlane v5, v34;
	v1 =	vperm.xlane v55, v35;
	[tilespmem:$0x10280] =	vst v63  }
0xbe: {  	[tilespmem:$0x1FB90] =	vst v9  }
0xbf: {  	v5 =	vmax.f32 v5, v0;
	[tilespmem:$0x1FBA0] =	vst v1;
	v1 =	vmax.f32 v8, v6;
	v8 =	vperm.xlane v12, v59  }
0xc0: {  	[tilespmem:$0x1FBC0] =	vst v5;
	v5 =	vperm.xlane v5, v35  }
0xc1: {  	v0 =	vperm.xlane v1, v33;
	[tilespmem:$0x1FBB0] =	vst v8  }
0xc2: {  	v10 =	vmax.f32 v27, v10;
	v9 =	vperm.xlane v12, v63;
	[tilespmem:$0x1FBD0] =	vst v5  }
0xc3: {  	v10 =	vsel vm1, v27, v10;
	_ =	swait.ge [sflag:s12], $0x8000;
	v0 =	vmax.f32 v1, v0  }
0xc4: {  	v6 =	vperm.xlane v10, v3;
	[tilespmem:$0x1FBE0] =	vst v9;
	v9 =	vperm.xlane v0, v34  }
0xc5: {  	v7 =	vmax.f32 v21, v7  }
0xc6: {  	v5 =	vmax.f32 v10, v6;
	v6 =	vperm.xlane v4, v3;
	v9 =	vmax.f32 v0, v9  }
0xc7: {  	v7 =	vsel vm3, v21, v7;
	v1 =	vperm.xlane v5, v33;
	[tilespmem:$0x1FBF0] =	vst v9;
	v9 =	vperm.xlane v9, v35  }
0xc8: {  	v8 =	vperm.xlane v7, v3;
	v4 =	vmax.f32 v4, v6  }
0xc9: {  	[sflag:s12] =	ssyncset.done $0x0;
	v1 =	vmax.f32 v5, v1;
	v5 =	vperm.xlane v4, v33;
	[tilespmem:$0x1FC00] =	vst v9;
	v9 =	vimm.s32 $0x4  }
0xca: {  	v6 =	vmax.f32 v7, v8;
	[sflag:s12] =	ssyncadd.s32 $0xFFFF8000;
	v0 =	vperm.xlane v1, v34;
	v9 =	vperm.xlane v12, v9  }
0xcb: {  	s20 =	simm.s32 $0x0;
	v2 =	vperm.xlane v12, v2;
	v8 =	vperm.xlane v6, v33;
	v7 =	vld [tilespmem:s8+$0x0];
	v4 =	vmax.f32 v4, v5  }
0xcc: {  	s21 =	sand.u32 $0x70, s19;
	s20 =	sand.u32 $0x3FFFFC00, s20;
	v10 =	vld [tilespmem:s8+$0x80];
	[tilespmem:$0x1FC10] =	vst v9;
	v9 =	vmax.f32 v1, v0;
	v0 =	vperm.xlane v4, v34  }
0xcd: {  	s20 =	sor.u32 s21, s20;
	[tilespmem:$0x1FC50] =	vst v2;
	v5 =	vld [tilespmem:s8+$0x100];
	v1 =	vmax.f32 v6, v8;
	v8 =	vimm.s32 $0x5;
	v6 =	vperm.xlane v9, v35  }
0xce: {  	v11 =	vld [tilespmem:s20+$0x8180];
	[tilespmem:$0x1FC20] =	vst v9;
	v8 =	vperm.xlane v12, v8  }
0xcf: {  	v31 =	vmax.f32 v4, v0;
	v0 =	vimm.s32 $0x8;
	[tilespmem:$0x1FC30] =	vst v6;
	v6 =	vperm.xlane v1, v34  }
0xd0: {  	v58 =	vimm.f32 $-Inf;
	v56 =	vimm.f32 $-Inf;
	[tilespmem:$0x1FC40] =	vst v8;
	v4 =	vperm.xlane v7, v0  }
0xd1: {  	v43 =	vimm.f32 $-Inf;
	v38 =	vperm.xlane v32, v35;
	[tilespmem:$0x1FD50] =	vst v31;
	v30 =	vmax.f32 v1, v6  }
0xd2: {  	v1 =	vperm.xlane v10, v0;
	v6 =	vperm.xlane v5, v0;
	[tilespmem:$0x1FC60] =	vst v4;
	v0 =	vimm.s32 $0x9  }
0xd3: {  	vm9 =	veq.s32 v11, $0x0;
	v14 =	vadd.f32 v4, v4;
	v2 =	vperm.xlane v7, v0;
	[tilespmem:$0x1FD90] =	vst v30  }
0xd4: {  	v9 =	vperm.xlane v10, v0;
	v8 =	vperm.xlane v5, v0;
	v0 =	vimm.s32 $0xA;
	[tilespmem:$0x1FC70] =	vst v1  }
0xd5: {  	v16 =	vadd.f32 v1, v1;
	v48 =	vadd.f32 v6, v6;
	v17 =	vperm.xlane v5, v0;
	[tilespmem:$0x1FC90] =	vst v2  }
0xd6: {  	v4 =	vadd.f32 v2, v2;
	v2 =	vperm.xlane v7, v0;
	[tilespmem:$0x1FCA0] =	vst v9;
	v9 =	vadd.f32 v9, v9  }
0xd7: {  	v1 =	vld [tilespmem:s20+$0x8000];
	v13 =	vperm.xlane v10, v0;
	v50 =	vadd.f32 v8, v8;
	[tilespmem:$0x1FCE0] =	vst v17;
	v61 =	vadd.f32 v17, v17  }
0xd8: {  	v17 =	vimm.s32 $0xC;
	[tilespmem:$0x1FCC0] =	vst v2;
	v60 =	vadd.f32 v2, v2;
	v2 =	vimm.s32 $0xB  }
0xd9: {  	[tilespmem:$0x1FC80] =	vst v6;
	v0 =	vadd.f32 v13, v13;
	v18 =	vperm.xlane v7, v17;
	v15 =	vperm.xlane v7, v2  }
0xda: {  	v6 =	vld [tilespmem:s20+$0x8080];
	[tilespmem:$0x1FCB0] =	vst v8;
	v20 =	vperm.xlane v10, v2;
	v19 =	vperm.xlane v5, v2;
	v2 =	vimm.s32 $0x7  }
0xdb: {  	[tilespmem:$0x1FCD0] =	vst v13;
	v13 =	vld [tilespmem:s20+$0x8200];
	v29 =	vperm.xlane v10, v17;
	v2 =	vperm.xlane v12, v2;
	v27 =	vadd.f32 v18, v18  }
0xdc: {  	v8 =	vld [tilespmem:s20+$0x8100];
	vm15 =	veq.s32 v1, $0x0;
	v1 =	vimm.s32 $0xD;
	[tilespmem:$0x1FD10] =	vst v20;
	v57 =	vadd.f32 v20, v20  }
0xdd: {  	[tilespmem:$0x1FD20] =	vst v19;
	v26 =	vadd.f32 v19, v19;
	v20 =	vperm.xlane v5, v17;
	v19 =	vperm.xlane v7, v1  }
0xde: {  	v12 =	vld [tilespmem:s20+$0x8300];
	[tilespmem:$0x1FD30] =	vst v18;
	v21 =	vperm.xlane v10, v1;
	v18 =	vperm.xlane v5, v1;
	v1 =	vimm.s32 $0xE  }
0xdf: {  	s31 =	simm.s32 $0x0;
	vm14 =	veq.s32 v6, $0x0;
	[tilespmem:$0x1FCF0] =	vst v15;
	v25 =	vadd.f32 v15, v15;
	v15 =	vld [tilespmem:s20+$0x8280];
	v11 =	vperm.xlane v7, v1  }
0xe0: {  	[tilespmem:$0x1FD40] =	vst v29;
	v17 =	vld [tilespmem:s20+$0x8380];
	s20 =	sand.u32 $0x3FFFFE00, s31;
	vm7 =	veq.s32 v13, $0x0;
	v13 =	vperm.xlane v10, v1;
	v6 =	vadd.f32 v20, v20  }
0xe1: {  	vm11 =	veq.s32 v8, $0x0;
	s21 =	sor.u32 s21, s20;
	[tilespmem:$0x1FD70] =	vst v20;
	v20 =	vadd.f32 v19, v19;
	v8 =	vadd.f32 v21, v21  }
0xe2: {  	v39 =	vld [tilespmem:s21+$0x4100];
	[tilespmem:$0x1FDB0] =	vst v21;
	v21 =	vimm.f32 $-Inf;
	v54 =	vadd.f32 v11, v11;
	v52 =	vadd.f32 v13, v13  }
0xe3: {  	[tilespmem:$0x1FD00] =	vst v2;
	vm2 =	veq.s32 v12, $0x0;
	v12 =	vperm.xlane v5, v1;
	v1 =	vimm.s32 $0xF  }
0xe4: {  	v45 =	vld [tilespmem:s21+$0x4080];
	[tilespmem:$0x1FD80] =	vst v19;
	vm5 =	veq.s32 v15, $0x0;
	v2 =	vperm.xlane v7, v1;
	v10 =	vperm.xlane v10, v1  }
0xe5: {  	[tilespmem:$0x1FDC0] =	vst v18;
	vm0 =	veq.s32 v17, $0x0;
	v1 =	vperm.xlane v5, v1;
	v5 =	vperm.xlane v31, v35  }
0xe6: {  	v47 =	vld [tilespmem:s21+$0x4000];
	[tilespmem:$0x1FDD0] =	vst v11;
	v17 =	vadd.f32 v29, v29;
	v7 =	vadd.f32 v18, v18;
	v18 =	vimm.f32 $-Inf  }
0xe7: {  	v31 =	vimm.f32 $-Inf;
	[tilespmem:$0x1FD60] =	vst v5;
	v5 =	vperm.xlane v30, v35;
	v63 =	vmul.f32 v39, v48  }
0xe8: {  	[tilespmem:$0x1FDE0] =	vst v13;
	v53 =	vadd.f32 v12, v12;
	v44 =	vmul.f32 v39, v50;
	v13 =	vmul.f32 v39, v61  }
0xe9: {  	v51 =	vld [tilespmem:s21+$0x4180];
	[tilespmem:$0x1FDF0] =	vst v12;
	v12 =	vimm.f32 $-Inf;
	v62 =	vmul.f32 v45, v16;
	v59 =	vmul.f32 v45, v9  }
0xea: {  	[tilespmem:$0x1FE00] =	vst v2;
	v40 =	vadd.f32 v2, v2;
	v15 =	vmul.f32 v45, v0;
	v29 =	vmul.f32 v45, v57  }
0xeb: {  	[tilespmem:$0x1FE10] =	vst v10;
	v41 =	vadd.f32 v10, v10;
	v10 =	vmul.f32 v47, v14;
	v11 =	vmul.f32 v47, v4  }
0xec: {  	[tilespmem:$0x1FE20] =	vst v1;
	v42 =	vadd.f32 v1, v1;
	v49 =	vmul.f32 v47, v25;
	v30 =	vmul.f32 v47, v27  }
0xed: {  	s20 =	simm.s32 $0x1;
	v19 =	vmul.f32 v47, v20;
	v1 =	vimm.f32 $-Inf;
	[tilespmem:$0x1FDA0] =	vst v5;
	v5 =	vmul.f32 v47, v60  }
.LBB2_6:
0xee: {  	p0 =	sne.s32 s20, $0xFF;
	v10 =	vsub.f32 v51, v10;
	v11 =	vsub.f32 v51, v11;
	v37 =	vmul.f32 v47, v54  }
0xef: {  	v5 =	vsub.f32 v51, v5;
	v49 =	vsub.f32 v51, v49;
	v47 =	vmul.f32 v47, v40  }
0xf0: {  	v46 =	vmul.f32 v45, v17;
	v30 =	vsub.f32 v51, v30;
	v19 =	vsub.f32 v51, v19  }
0xf1: {  	v2 =	vmul.f32 v45, v8;
	v37 =	vsub.f32 v51, v37;
	v47 =	vsub.f32 v51, v47  }
0xf2: {  	v10 =	vsub.f32 v10, v62;
	v11 =	vsub.f32 v11, v59;
	v51 =	vmul.f32 v45, v52  }
0xf3: {  	s21 =	sshll.u32 s20, $0x7;
	s19 =	sadd.s32 $0x10, s19;
	v5 =	vsub.f32 v5, v15;
	v15 =	vsub.f32 v49, v29;
	v29 =	vmul.f32 v45, v41  }
0xf4: {  	s22 =	sand.u32 $0x70, s19;
	s21 =	sand.u32 $0x3FFFFC00, s21;
	v45 =	vmul.f32 v39, v26;
	v30 =	vsub.f32 v30, v46;
	v2 =	vsub.f32 v19, v2  }
0xf5: {  	s21 =	sor.u32 s22, s21;
	v19 =	vmul.f32 v39, v6;
	v37 =	vsub.f32 v37, v51;
	v29 =	vsub.f32 v47, v29  }
0xf6: {  	v10 =	vsub.f32 v10, v63;
	v11 =	vsub.f32 v11, v44;
	v44 =	vmul.f32 v39, v7;
	v46 =	vld [tilespmem:s21+$0x8000]  }
0xf7: {  	s23 =	sshll.u32 s20, $0x6;
	v5 =	vsub.f32 v5, v13;
	v13 =	vsub.f32 v15, v45;
	v15 =	vmul.f32 v39, v53;
	v49 =	vld [tilespmem:s21+$0x8080]  }
0xf8: {  	s23 =	sand.u32 $0x3FFFFE00, s23;
	v19 =	vsub.f32 v30, v19;
	v30 =	vmul.f32 v39, v42;
	v2 =	vsub.f32 v2, v44;
	v51 =	vld [tilespmem:s21+$0x8100]  }
0xf9: {  	s22 =	sor.u32 s22, s23;
	v10 =	vmax.f32 v18, v10;
	v11 =	vmax.f32 v1, v11;
	v15 =	vsub.f32 v37, v15;
	v36 =	vld [tilespmem:s21+$0x8180]  }
0xfa: {  	v18 =	vsel vm15, v18, v10;
	v1 =	vsel vm14, v1, v11;
	v10 =	vsub.f32 v29, v30;
	v39 =	vld [tilespmem:s22+$0x4100]  }
0xfb: {  	v5 =	vmax.f32 v58, v5;
	v13 =	vmax.f32 v31, v13;
	v19 =	vmax.f32 v21, v19;
	v11 =	vld [tilespmem:s21+$0x8200]  }
0xfc: {  	v58 =	vsel vm11, v58, v5;
	v31 =	vsel vm9, v31, v13;
	v21 =	vsel vm7, v21, v19;
	v45 =	vld [tilespmem:s22+$0x4080]  }
0xfd: {  	v2 =	vmax.f32 v12, v2;
	v13 =	vmax.f32 v56, v15;
	v10 =	vmax.f32 v43, v10;
	v5 =	vld [tilespmem:s21+$0x8280]  }
0xfe: {  	v12 =	vsel vm5, v12, v2;
	v56 =	vsel vm2, v56, v13;
	v43 =	vsel vm0, v43, v10;
	v47 =	vld [tilespmem:s22+$0x4000]  }
0xff: {  	vm15 =	veq.s32 v46, $0x0;
	vm14 =	veq.s32 v49, $0x0;
	v63 =	vmul.f32 v39, v48;
	v2 =	vld [tilespmem:s21+$0x8300]  }
0x100: {  	vm11 =	veq.s32 v51, $0x0;
	v44 =	vmul.f32 v39, v50;
	v13 =	vmul.f32 v39, v61;
	v37 =	vld [tilespmem:s21+$0x8380]  }
.Ltmp2:
0x101: {  	vm9 =	veq.s32 v36, $0x0;
	v51 =	vld [tilespmem:s22+$0x4180];
	v62 =	vmul.f32 v45, v16;
	v59 =	vmul.f32 v45, v9;
	(pc) =	sbr.rel @p0 .LBB2_6-.Ltmp2, $4  }
0x102: {  	vm7 =	veq.s32 v11, $0x0;
	v15 =	vmul.f32 v45, v0;
	v29 =	vmul.f32 v45, v57  }
0x103: {  	vm5 =	veq.s32 v5, $0x0;
	v10 =	vmul.f32 v47, v14;
	v11 =	vmul.f32 v47, v4  }
0x104: {  	v5 =	vmul.f32 v47, v60;
	v49 =	vmul.f32 v47, v25;
	vm2 =	veq.s32 v2, $0x0  }
0x105: {  	s20 =	sadd.s32 $0x1, s20;
	v30 =	vmul.f32 v47, v27;
	v19 =	vmul.f32 v47, v20;
	vm0 =	veq.s32 v37, $0x0  }
0x106: {  	v0 =	vld [tilespmem:$0x1FE30]  }
0x107: {  	v2 =	vld [tilespmem:$0x1FE40]  }
0x108: {  	v4 =	vld [tilespmem:$0x1FE50];
	_ =	sdelay $0x3  }
0x109: {  	v0 =	vmul.f32 v0, v0;
	v2 =	vmul.f32 v2, v2  }
0x10a: {  	v4 =	vmul.f32 v4, v4  }
0x10b: {  	v0 =	vmul.f32 v0, v23;
	v2 =	vmul.f32 v2, v24;
	_ =	sdelay $0x1  }
0x10c: {  	v0 =	vadd.f32 v2, v0;
	v2 =	vmul.f32 v4, v22;
	_ =	sdelay $0x1  }
0x10d: {  	v0 =	vadd.f32 v2, v0  }
0x10e: {  	v2 =	vmax.f32 v32, v38  }
0x10f: {  	v0 =	vadd.f32 v2, v0;
	_ =	sdelay $0x1  }
0x110: {  	vm1 =	vgt.f32 v0, $0.0e+00  }
0x111: {  	v46 =	vnsel vm1, $0x3F800000, v0  }
0x112: {  	[tilespmem:$0x1FAD0] =	vst v0;
	v0 =	vadd.f32 $1.000000000e+00, v46;
	_ =	sdelay $0x1  }
0x113: {  	v0 =	vmul.f32 $5.000000000e-01, v0;
	_ =	sdelay $0x1  }
0x114: {  	(erf) = vrcp.f32 v0;
	_ =	sdelay $0x8  }
0x115: {  	v2 =	vpop (erf)  }
0x116: {  	v2 =	vmul.f32 v2, v46;
	_ =	sdelay $0x1  }
0x117: {  	v0 =	vadd.f32 v2, v0;
	_ =	sdelay $0x1  }
0x118: {  	v0 =	vmul.f32 $5.000000000e-01, v0;
	_ =	sdelay $0x1  }
0x119: {  	(erf) = vrcp.f32 v0;
	_ =	sdelay $0x8  }
0x11a: {  	v2 =	vpop (erf)  }
0x11b: {  	v2 =	vmul.f32 v2, v46;
	_ =	sdelay $0x1  }
0x11c: {  	v0 =	vadd.f32 v2, v0;
	_ =	sdelay $0x1  }
0x11d: {  	v0 =	vmul.f32 $5.000000000e-01, v0;
	_ =	sdelay $0x1  }
0x11e: {  	(erf) = vrcp.f32 v0;
	_ =	sdelay $0x8  }
0x11f: {  	v2 =	vpop (erf)  }
0x120: {  	v2 =	vmul.f32 v2, v46;
	_ =	sdelay $0x1  }
0x121: {  	v0 =	vadd.f32 v2, v0;
	_ =	sdelay $0x1  }
0x122: {  	v0 =	vmul.f32 $5.000000000e-01, v0;
	_ =	sdelay $0x1  }
0x123: {  	(erf) = vrcp.f32 v0;
	_ =	sdelay $0x8  }
0x124: {  	v2 =	vpop (erf)  }
0x125: {  	v2 =	vmul.f32 v2, v46;
	_ =	sdelay $0x1  }
0x126: {  	v0 =	vadd.f32 v2, v0;
	_ =	sdelay $0x1  }
0x127: {  	v0 =	vmul.f32 $5.000000000e-01, v0;
	_ =	sdelay $0x1  }
0x128: {  	(erf) = vrcp.f32 v0;
	_ =	sdelay $0x8  }
0x129: {  	v2 =	vpop (erf)  }
0x12a: {  	v2 =	vmul.f32 v2, v46;
	_ =	sdelay $0x1  }
0x12b: {  	v0 =	vadd.f32 v2, v0;
	_ =	sdelay $0x1  }
0x12c: {  	v0 =	vmul.f32 $5.000000000e-01, v0;
	_ =	sdelay $0x1  }
0x12d: {  	(erf) = vrcp.f32 v0;
	_ =	sdelay $0x8  }
0x12e: {  	v2 =	vpop (erf)  }
0x12f: {  	v2 =	vmul.f32 v2, v46;
	_ =	sdelay $0x1  }
0x130: {  	v0 =	vadd.f32 v2, v0;
	_ =	sdelay $0x1  }
0x131: {  	v0 =	vmul.f32 $5.000000000e-01, v0;
	_ =	sdelay $0x1  }
0x132: {  	(erf) = vrcp.f32 v0;
	_ =	sdelay $0x8  }
0x133: {  	v2 =	vpop (erf)  }
0x134: {  	v2 =	vmul.f32 v2, v46;
	_ =	sdelay $0x1  }
0x135: {  	v0 =	vadd.f32 v2, v0;
	_ =	sdelay $0x1  }
0x136: {  	v0 =	vmul.f32 $5.000000000e-01, v0;
	_ =	sdelay $0x1  }
0x137: {  	(erf) = vrcp.f32 v0;
	_ =	sdelay $0x8  }
0x138: {  	v2 =	vpop (erf)  }
0x139: {  	v2 =	vmul.f32 v2, v46;
	_ =	sdelay $0x1  }
0x13a: {  	v0 =	vadd.f32 v2, v0;
	_ =	sdelay $0x1  }
0x13b: {  	v0 =	vmul.f32 $5.000000000e-01, v0;
	_ =	sdelay $0x1  }
0x13c: {  	(erf) = vrcp.f32 v0;
	_ =	sdelay $0x8  }
0x13d: {  	v2 =	vpop (erf)  }
0x13e: {  	v2 =	vmul.f32 v2, v46;
	_ =	sdelay $0x1  }
0x13f: {  	v0 =	vadd.f32 v2, v0;
	_ =	sdelay $0x1  }
0x140: {  	v0 =	vmul.f32 $5.000000000e-01, v0;
	_ =	sdelay $0x1  }
0x141: {  	(erf) = vrcp.f32 v0;
	_ =	sdelay $0x8  }
0x142: {  	v2 =	vpop (erf)  }
0x143: {  	v2 =	vmul.f32 v2, v46;
	_ =	sdelay $0x1  }
0x144: {  	v0 =	vadd.f32 v2, v0;
	_ =	sdelay $0x1  }
0x145: {  	v0 =	vmul.f32 $5.000000000e-01, v0;
	_ =	sdelay $0x1  }
0x146: {  	(erf) = vrcp.f32 v0;
	_ =	sdelay $0x8  }
0x147: {  	v2 =	vpop (erf)  }
0x148: {  	v2 =	vmul.f32 v2, v46;
	_ =	sdelay $0x1  }
0x149: {  	v0 =	vadd.f32 v2, v0;
	_ =	sdelay $0x1  }
0x14a: {  	v0 =	vmul.f32 $5.000000000e-01, v0;
	_ =	sdelay $0x1  }
0x14b: {  	(erf) = vrcp.f32 v0;
	_ =	sdelay $0x8  }
0x14c: {  	v2 =	vpop (erf)  }
0x14d: {  	v2 =	vmul.f32 v2, v46;
	_ =	sdelay $0x1  }
0x14e: {  	v0 =	vadd.f32 v2, v0;
	_ =	sdelay $0x1  }
0x14f: {  	v0 =	vmul.f32 $5.000000000e-01, v0;
	_ =	sdelay $0x1  }
0x150: {  	(erf) = vrcp.f32 v0;
	_ =	sdelay $0x8  }
0x151: {  	v2 =	vpop (erf)  }
0x152: {  	v2 =	vmul.f32 v2, v46;
	_ =	sdelay $0x1  }
0x153: {  	v0 =	vadd.f32 v2, v0;
	_ =	sdelay $0x1  }
0x154: {  	v0 =	vmul.f32 $5.000000000e-01, v0;
	_ =	sdelay $0x1  }
0x155: {  	(erf) = vrcp.f32 v0;
	_ =	sdelay $0x8  }
0x156: {  	v2 =	vpop (erf)  }
0x157: {  	v2 =	vmul.f32 v2, v46;
	_ =	sdelay $0x1  }
0x158: {  	v0 =	vadd.f32 v2, v0;
	_ =	sdelay $0x1  }
0x159: {  	v0 =	vmul.f32 $5.000000000e-01, v0;
	_ =	sdelay $0x1  }
0x15a: {  	(erf) = vrcp.f32 v0;
	_ =	sdelay $0x8  }
0x15b: {  	v2 =	vpop (erf)  }
0x15c: {  	v2 =	vmul.f32 v2, v46;
	_ =	sdelay $0x1  }
0x15d: {  	v0 =	vadd.f32 v2, v0;
	_ =	sdelay $0x1  }
0x15e: {  	v0 =	vmul.f32 $5.000000000e-01, v0;
	_ =	sdelay $0x1  }
0x15f: {  	(erf) = vrcp.f32 v0;
	_ =	sdelay $0x8  }
0x160: {  	v2 =	vpop (erf)  }
0x161: {  	v2 =	vmul.f32 v2, v46;
	_ =	sdelay $0x1  }
0x162: {  	v0 =	vadd.f32 v2, v0;
	_ =	sdelay $0x1  }
0x163: {  	v0 =	vmul.f32 $5.000000000e-01, v0;
	_ =	sdelay $0x1  }
0x164: {  	(erf) = vrcp.f32 v0;
	_ =	sdelay $0x8  }
0x165: {  	v2 =	vpop (erf)  }
0x166: {  	v2 =	vmul.f32 v2, v46;
	_ =	sdelay $0x1  }
0x167: {  	v0 =	vadd.f32 v2, v0;
	_ =	sdelay $0x1  }
0x168: {  	v0 =	vmul.f32 $5.000000000e-01, v0;
	_ =	sdelay $0x1  }
0x169: {  	(erf) = vrcp.f32 v0;
	_ =	sdelay $0x8  }
0x16a: {  	v2 =	vpop (erf)  }
0x16b: {  	v2 =	vmul.f32 v2, v46  }
0x16c: {  	v4 =	vld [tilespmem:$0x1FE70]  }
0x16d: {  	v0 =	vadd.f32 v2, v0;
	v2 =	vld [tilespmem:$0x1FE60]  }
0x16e: {  	v9 =	vld [tilespmem:$0x1FE80];
	_ =	sdelay $0x3  }
0x16f: {  	v4 =	vmul.f32 v4, v4;
	v2 =	vmul.f32 v2, v2  }
0x170: {  	v9 =	vmul.f32 v9, v9;
	v0 =	vmul.f32 $5.000000000e-01, v0  }
0x171: {  	v4 =	vmul.f32 v4, v24;
	v2 =	vmul.f32 v2, v23  }
0x172: {  	(erf) = vrcp.f32 v0  }
0x173: {  	v2 =	vadd.f32 v4, v2;
	v4 =	vmul.f32 v9, v22;
	_ =	sdelay $0x1  }
0x174: {  	v2 =	vadd.f32 v4, v2;
	v4 =	vld [tilespmem:$0x1FB80];
	_ =	sdelay $0x4  }
0x175: {  	v4 =	vmax.f32 v28, v4  }
0x176: {  	v4 =	vadd.f32 v4, v2;
	v2 =	vpop (erf)  }
0x177: {  	v2 =	vmul.f32 v2, v46  }
0x178: {  	vm3 =	vgt.f32 v4, $0.0e+00  }
0x179: {  	v0 =	vadd.f32 v2, v0;
	v57 =	vnsel vm3, $0x3F800000, v4  }
0x17a: {  	v2 =	vadd.f32 $1.000000000e+00, v57  }
0x17b: {  	[tilespmem:$0x1FAF0] =	vst v4;
	v4 =	vmul.f32 $5.000000000e-01, v0  }
0x17c: {  	v0 =	vmul.f32 $5.000000000e-01, v2  }
0x17d: {  	(erf) = vrcp.f32 v4  }
0x17e: {  	(erf) = vrcp.f32 v0;
	_ =	sdelay $0x7  }
0x17f: {  	v2 =	vpop (erf)  }
0x180: {  	[tilespmem:$0x1FA90] =	vst v2;
	v2 =	vpop (erf)  }
0x181: {  	v2 =	vmul.f32 v2, v57;
	_ =	sdelay $0x1  }
0x182: {  	v0 =	vadd.f32 v2, v0;
	_ =	sdelay $0x1  }
0x183: {  	v0 =	vmul.f32 $5.000000000e-01, v0;
	_ =	sdelay $0x1  }
0x184: {  	(erf) = vrcp.f32 v0;
	_ =	sdelay $0x8  }
0x185: {  	v2 =	vpop (erf)  }
0x186: {  	v2 =	vmul.f32 v2, v57;
	_ =	sdelay $0x1  }
0x187: {  	v0 =	vadd.f32 v2, v0;
	_ =	sdelay $0x1  }
0x188: {  	v0 =	vmul.f32 $5.000000000e-01, v0;
	_ =	sdelay $0x1  }
0x189: {  	(erf) = vrcp.f32 v0;
	_ =	sdelay $0x8  }
0x18a: {  	v2 =	vpop (erf)  }
0x18b: {  	v2 =	vmul.f32 v2, v57;
	_ =	sdelay $0x1  }
0x18c: {  	v0 =	vadd.f32 v2, v0;
	_ =	sdelay $0x1  }
0x18d: {  	v0 =	vmul.f32 $5.000000000e-01, v0;
	_ =	sdelay $0x1  }
0x18e: {  	(erf) = vrcp.f32 v0;
	_ =	sdelay $0x8  }
0x18f: {  	v2 =	vpop (erf)  }
0x190: {  	v2 =	vmul.f32 v2, v57;
	_ =	sdelay $0x1  }
0x191: {  	v0 =	vadd.f32 v2, v0;
	_ =	sdelay $0x1  }
0x192: {  	v0 =	vmul.f32 $5.000000000e-01, v0;
	_ =	sdelay $0x1  }
0x193: {  	(erf) = vrcp.f32 v0;
	_ =	sdelay $0x8  }
0x194: {  	v2 =	vpop (erf)  }
0x195: {  	v2 =	vmul.f32 v2, v57;
	_ =	sdelay $0x1  }
0x196: {  	v0 =	vadd.f32 v2, v0;
	_ =	sdelay $0x1  }
0x197: {  	v0 =	vmul.f32 $5.000000000e-01, v0;
	_ =	sdelay $0x1  }
0x198: {  	(erf) = vrcp.f32 v0;
	_ =	sdelay $0x8  }
0x199: {  	v2 =	vpop (erf)  }
0x19a: {  	v2 =	vmul.f32 v2, v57;
	_ =	sdelay $0x1  }
0x19b: {  	v0 =	vadd.f32 v2, v0;
	_ =	sdelay $0x1  }
0x19c: {  	v0 =	vmul.f32 $5.000000000e-01, v0;
	_ =	sdelay $0x1  }
0x19d: {  	(erf) = vrcp.f32 v0;
	_ =	sdelay $0x8  }
0x19e: {  	v2 =	vpop (erf)  }
0x19f: {  	v2 =	vmul.f32 v2, v57;
	_ =	sdelay $0x1  }
0x1a0: {  	v0 =	vadd.f32 v2, v0;
	_ =	sdelay $0x1  }
0x1a1: {  	v0 =	vmul.f32 $5.000000000e-01, v0;
	_ =	sdelay $0x1  }
0x1a2: {  	(erf) = vrcp.f32 v0;
	_ =	sdelay $0x8  }
0x1a3: {  	v2 =	vpop (erf)  }
0x1a4: {  	v2 =	vmul.f32 v2, v57;
	_ =	sdelay $0x1  }
0x1a5: {  	v0 =	vadd.f32 v2, v0;
	_ =	sdelay $0x1  }
0x1a6: {  	v0 =	vmul.f32 $5.000000000e-01, v0;
	_ =	sdelay $0x1  }
0x1a7: {  	(erf) = vrcp.f32 v0;
	_ =	sdelay $0x8  }
0x1a8: {  	v2 =	vpop (erf)  }
0x1a9: {  	v2 =	vmul.f32 v2, v57;
	_ =	sdelay $0x1  }
0x1aa: {  	v0 =	vadd.f32 v2, v0;
	_ =	sdelay $0x1  }
0x1ab: {  	v0 =	vmul.f32 $5.000000000e-01, v0;
	_ =	sdelay $0x1  }
0x1ac: {  	(erf) = vrcp.f32 v0;
	_ =	sdelay $0x8  }
0x1ad: {  	v2 =	vpop (erf)  }
0x1ae: {  	v2 =	vmul.f32 v2, v57;
	_ =	sdelay $0x1  }
0x1af: {  	v0 =	vadd.f32 v2, v0;
	_ =	sdelay $0x1  }
0x1b0: {  	v0 =	vmul.f32 $5.000000000e-01, v0;
	_ =	sdelay $0x1  }
0x1b1: {  	(erf) = vrcp.f32 v0;
	_ =	sdelay $0x8  }
0x1b2: {  	v2 =	vpop (erf)  }
0x1b3: {  	v2 =	vmul.f32 v2, v57;
	_ =	sdelay $0x1  }
0x1b4: {  	v0 =	vadd.f32 v2, v0;
	_ =	sdelay $0x1  }
0x1b5: {  	v0 =	vmul.f32 $5.000000000e-01, v0;
	_ =	sdelay $0x1  }
0x1b6: {  	(erf) = vrcp.f32 v0;
	_ =	sdelay $0x8  }
0x1b7: {  	v2 =	vpop (erf)  }
0x1b8: {  	v2 =	vmul.f32 v2, v57;
	_ =	sdelay $0x1  }
0x1b9: {  	v0 =	vadd.f32 v2, v0;
	_ =	sdelay $0x1  }
0x1ba: {  	v0 =	vmul.f32 $5.000000000e-01, v0;
	_ =	sdelay $0x1  }
0x1bb: {  	(erf) = vrcp.f32 v0;
	_ =	sdelay $0x8  }
0x1bc: {  	v2 =	vpop (erf)  }
0x1bd: {  	v2 =	vmul.f32 v2, v57;
	_ =	sdelay $0x1  }
0x1be: {  	v0 =	vadd.f32 v2, v0;
	_ =	sdelay $0x1  }
0x1bf: {  	v0 =	vmul.f32 $5.000000000e-01, v0;
	_ =	sdelay $0x1  }
0x1c0: {  	(erf) = vrcp.f32 v0;
	_ =	sdelay $0x8  }
0x1c1: {  	v2 =	vpop (erf)  }
0x1c2: {  	v2 =	vmul.f32 v2, v57;
	_ =	sdelay $0x1  }
0x1c3: {  	v0 =	vadd.f32 v2, v0;
	_ =	sdelay $0x1  }
0x1c4: {  	v0 =	vmul.f32 $5.000000000e-01, v0;
	_ =	sdelay $0x1  }
0x1c5: {  	(erf) = vrcp.f32 v0;
	_ =	sdelay $0x8  }
0x1c6: {  	v2 =	vpop (erf)  }
0x1c7: {  	v2 =	vmul.f32 v2, v57;
	_ =	sdelay $0x1  }
0x1c8: {  	v0 =	vadd.f32 v2, v0;
	_ =	sdelay $0x1  }
0x1c9: {  	v0 =	vmul.f32 $5.000000000e-01, v0;
	_ =	sdelay $0x1  }
0x1ca: {  	(erf) = vrcp.f32 v0;
	_ =	sdelay $0x8  }
0x1cb: {  	v2 =	vpop (erf)  }
0x1cc: {  	v2 =	vmul.f32 v2, v57;
	_ =	sdelay $0x1  }
0x1cd: {  	v0 =	vadd.f32 v2, v0;
	_ =	sdelay $0x1  }
0x1ce: {  	v0 =	vmul.f32 $5.000000000e-01, v0;
	_ =	sdelay $0x1  }
0x1cf: {  	(erf) = vrcp.f32 v0;
	_ =	sdelay $0x8  }
0x1d0: {  	v2 =	vpop (erf)  }
0x1d1: {  	v2 =	vmul.f32 v2, v57;
	_ =	sdelay $0x1  }
0x1d2: {  	v0 =	vadd.f32 v2, v0;
	_ =	sdelay $0x1  }
0x1d3: {  	v0 =	vmul.f32 $5.000000000e-01, v0;
	_ =	sdelay $0x1  }
0x1d4: {  	(erf) = vrcp.f32 v0;
	_ =	sdelay $0x8  }
0x1d5: {  	v2 =	vpop (erf)  }
0x1d6: {  	v2 =	vmul.f32 v2, v57  }
0x1d7: {  	[tilespmem:$0x1FAA0] =	vst v4;
	v4 =	vld [tilespmem:$0x1FEA0]  }
0x1d8: {  	v0 =	vadd.f32 v2, v0;
	v2 =	vld [tilespmem:$0x1FE90]  }
0x1d9: {  	v50 =	vld [tilespmem:$0x1FEB0];
	_ =	sdelay $0x3  }
0x1da: {  	v4 =	vmul.f32 v4, v4;
	v2 =	vmul.f32 v2, v2  }
0x1db: {  	v9 =	vmul.f32 v50, v50;
	v0 =	vmul.f32 $5.000000000e-01, v0  }
0x1dc: {  	v4 =	vmul.f32 v4, v24;
	v2 =	vmul.f32 v2, v23  }
0x1dd: {  	(erf) = vrcp.f32 v0  }
0x1de: {  	v2 =	vadd.f32 v4, v2;
	v4 =	vmul.f32 v9, v22;
	_ =	sdelay $0x1  }
0x1df: {  	v2 =	vadd.f32 v4, v2;
	v4 =	vld [tilespmem:$0x1FBA0];
	_ =	sdelay $0x4  }
0x1e0: {  	v4 =	vmax.f32 v55, v4  }
0x1e1: {  	v4 =	vadd.f32 v4, v2;
	v2 =	vpop (erf)  }
0x1e2: {  	v2 =	vmul.f32 v2, v57  }
0x1e3: {  	vm4 =	vgt.f32 v4, $0.0e+00  }
0x1e4: {  	v0 =	vadd.f32 v2, v0;
	v9 =	vnsel vm4, $0x3F800000, v4  }
0x1e5: {  	v2 =	vadd.f32 $1.000000000e+00, v9  }
0x1e6: {  	[tilespmem:$0x1FB20] =	vst v4;
	v4 =	vmul.f32 $5.000000000e-01, v0  }
0x1e7: {  	v0 =	vmul.f32 $5.000000000e-01, v2  }
0x1e8: {  	(erf) = vrcp.f32 v4  }
0x1e9: {  	(erf) = vrcp.f32 v0;
	_ =	sdelay $0x7  }
0x1ea: {  	v2 =	vpop (erf)  }
0x1eb: {  	[tilespmem:$0x1FAB0] =	vst v2;
	v2 =	vpop (erf)  }
0x1ec: {  	v2 =	vmul.f32 v2, v9;
	_ =	sdelay $0x1  }
0x1ed: {  	v0 =	vadd.f32 v2, v0;
	_ =	sdelay $0x1  }
0x1ee: {  	v0 =	vmul.f32 $5.000000000e-01, v0;
	_ =	sdelay $0x1  }
0x1ef: {  	(erf) = vrcp.f32 v0;
	_ =	sdelay $0x8  }
0x1f0: {  	v2 =	vpop (erf)  }
0x1f1: {  	v2 =	vmul.f32 v2, v9;
	_ =	sdelay $0x1  }
0x1f2: {  	v0 =	vadd.f32 v2, v0;
	_ =	sdelay $0x1  }
0x1f3: {  	v0 =	vmul.f32 $5.000000000e-01, v0;
	_ =	sdelay $0x1  }
0x1f4: {  	(erf) = vrcp.f32 v0;
	_ =	sdelay $0x8  }
0x1f5: {  	v2 =	vpop (erf)  }
0x1f6: {  	v2 =	vmul.f32 v2, v9;
	_ =	sdelay $0x1  }
0x1f7: {  	v0 =	vadd.f32 v2, v0;
	_ =	sdelay $0x1  }
0x1f8: {  	v0 =	vmul.f32 $5.000000000e-01, v0;
	_ =	sdelay $0x1  }
0x1f9: {  	(erf) = vrcp.f32 v0;
	_ =	sdelay $0x8  }
0x1fa: {  	v2 =	vpop (erf)  }
0x1fb: {  	v2 =	vmul.f32 v2, v9;
	_ =	sdelay $0x1  }
0x1fc: {  	v0 =	vadd.f32 v2, v0;
	_ =	sdelay $0x1  }
0x1fd: {  	v0 =	vmul.f32 $5.000000000e-01, v0;
	_ =	sdelay $0x1  }
0x1fe: {  	(erf) = vrcp.f32 v0;
	_ =	sdelay $0x8  }
0x1ff: {  	v2 =	vpop (erf)  }
0x200: {  	v2 =	vmul.f32 v2, v9;
	_ =	sdelay $0x1  }
0x201: {  	v0 =	vadd.f32 v2, v0;
	_ =	sdelay $0x1  }
0x202: {  	v0 =	vmul.f32 $5.000000000e-01, v0;
	_ =	sdelay $0x1  }
0x203: {  	(erf) = vrcp.f32 v0;
	_ =	sdelay $0x8  }
0x204: {  	v2 =	vpop (erf)  }
0x205: {  	v2 =	vmul.f32 v2, v9;
	_ =	sdelay $0x1  }
0x206: {  	v0 =	vadd.f32 v2, v0;
	_ =	sdelay $0x1  }
0x207: {  	v0 =	vmul.f32 $5.000000000e-01, v0;
	_ =	sdelay $0x1  }
0x208: {  	(erf) = vrcp.f32 v0;
	_ =	sdelay $0x8  }
0x209: {  	v2 =	vpop (erf)  }
0x20a: {  	v2 =	vmul.f32 v2, v9;
	_ =	sdelay $0x1  }
0x20b: {  	v0 =	vadd.f32 v2, v0;
	_ =	sdelay $0x1  }
0x20c: {  	v0 =	vmul.f32 $5.000000000e-01, v0;
	_ =	sdelay $0x1  }
0x20d: {  	(erf) = vrcp.f32 v0;
	_ =	sdelay $0x8  }
0x20e: {  	v2 =	vpop (erf)  }
0x20f: {  	v2 =	vmul.f32 v2, v9;
	_ =	sdelay $0x1  }
0x210: {  	v0 =	vadd.f32 v2, v0;
	_ =	sdelay $0x1  }
0x211: {  	v0 =	vmul.f32 $5.000000000e-01, v0;
	_ =	sdelay $0x1  }
0x212: {  	(erf) = vrcp.f32 v0;
	_ =	sdelay $0x8  }
0x213: {  	v2 =	vpop (erf)  }
0x214: {  	v2 =	vmul.f32 v2, v9;
	_ =	sdelay $0x1  }
0x215: {  	v0 =	vadd.f32 v2, v0;
	_ =	sdelay $0x1  }
0x216: {  	v0 =	vmul.f32 $5.000000000e-01, v0;
	_ =	sdelay $0x1  }
0x217: {  	(erf) = vrcp.f32 v0;
	_ =	sdelay $0x8  }
0x218: {  	v2 =	vpop (erf)  }
0x219: {  	v2 =	vmul.f32 v2, v9;
	_ =	sdelay $0x1  }
0x21a: {  	v0 =	vadd.f32 v2, v0;
	_ =	sdelay $0x1  }
0x21b: {  	v0 =	vmul.f32 $5.000000000e-01, v0;
	_ =	sdelay $0x1  }
0x21c: {  	(erf) = vrcp.f32 v0;
	_ =	sdelay $0x8  }
0x21d: {  	v2 =	vpop (erf)  }
0x21e: {  	v2 =	vmul.f32 v2, v9;
	_ =	sdelay $0x1  }
0x21f: {  	v0 =	vadd.f32 v2, v0;
	_ =	sdelay $0x1  }
0x220: {  	v0 =	vmul.f32 $5.000000000e-01, v0;
	_ =	sdelay $0x1  }
0x221: {  	(erf) = vrcp.f32 v0;
	_ =	sdelay $0x8  }
0x222: {  	v2 =	vpop (erf)  }
0x223: {  	v2 =	vmul.f32 v2, v9;
	_ =	sdelay $0x1  }
0x224: {  	v0 =	vadd.f32 v2, v0;
	_ =	sdelay $0x1  }
0x225: {  	v0 =	vmul.f32 $5.000000000e-01, v0;
	_ =	sdelay $0x1  }
0x226: {  	(erf) = vrcp.f32 v0;
	_ =	sdelay $0x8  }
0x227: {  	v2 =	vpop (erf)  }
0x228: {  	v2 =	vmul.f32 v2, v9;
	_ =	sdelay $0x1  }
0x229: {  	v0 =	vadd.f32 v2, v0;
	_ =	sdelay $0x1  }
0x22a: {  	v0 =	vmul.f32 $5.000000000e-01, v0;
	_ =	sdelay $0x1  }
0x22b: {  	(erf) = vrcp.f32 v0;
	_ =	sdelay $0x8  }
0x22c: {  	v2 =	vpop (erf)  }
0x22d: {  	v2 =	vmul.f32 v2, v9;
	_ =	sdelay $0x1  }
0x22e: {  	v0 =	vadd.f32 v2, v0;
	_ =	sdelay $0x1  }
0x22f: {  	v0 =	vmul.f32 $5.000000000e-01, v0;
	_ =	sdelay $0x1  }
0x230: {  	(erf) = vrcp.f32 v0;
	_ =	sdelay $0x8  }
0x231: {  	v2 =	vpop (erf)  }
0x232: {  	v2 =	vmul.f32 v2, v9;
	_ =	sdelay $0x1  }
0x233: {  	v0 =	vadd.f32 v2, v0;
	_ =	sdelay $0x1  }
0x234: {  	v0 =	vmul.f32 $5.000000000e-01, v0;
	_ =	sdelay $0x1  }
0x235: {  	(erf) = vrcp.f32 v0;
	_ =	sdelay $0x8  }
0x236: {  	v2 =	vpop (erf)  }
0x237: {  	v2 =	vmul.f32 v2, v9;
	_ =	sdelay $0x1  }
0x238: {  	v0 =	vadd.f32 v2, v0;
	_ =	sdelay $0x1  }
0x239: {  	v0 =	vmul.f32 $5.000000000e-01, v0;
	_ =	sdelay $0x1  }
0x23a: {  	(erf) = vrcp.f32 v0;
	_ =	sdelay $0x8  }
0x23b: {  	v2 =	vpop (erf)  }
0x23c: {  	v2 =	vmul.f32 v2, v9;
	_ =	sdelay $0x1  }
0x23d: {  	v0 =	vadd.f32 v2, v0;
	_ =	sdelay $0x1  }
0x23e: {  	v0 =	vmul.f32 $5.000000000e-01, v0;
	_ =	sdelay $0x1  }
0x23f: {  	(erf) = vrcp.f32 v0;
	_ =	sdelay $0x8  }
0x240: {  	v2 =	vpop (erf)  }
0x241: {  	v2 =	vmul.f32 v2, v9  }
0x242: {  	[tilespmem:$0x1FAC0] =	vst v4;
	v4 =	vld [tilespmem:$0x1FED0]  }
0x243: {  	v0 =	vadd.f32 v2, v0;
	v2 =	vld [tilespmem:$0x1FEC0]  }
0x244: {  	v14 =	vld [tilespmem:$0x1FEE0];
	_ =	sdelay $0x3  }
0x245: {  	v4 =	vmul.f32 v4, v4;
	v2 =	vmul.f32 v2, v2  }
0x246: {  	v14 =	vmul.f32 v14, v14;
	v0 =	vmul.f32 $5.000000000e-01, v0  }
0x247: {  	v4 =	vmul.f32 v4, v24;
	v2 =	vmul.f32 v2, v23  }
0x248: {  	(erf) = vrcp.f32 v0  }
0x249: {  	v2 =	vadd.f32 v4, v2;
	v4 =	vmul.f32 v14, v22  }
0x24a: {  	v55 =	vld [tilespmem:$0x1FBD0]  }
0x24b: {  	v2 =	vadd.f32 v4, v2;
	v4 =	vld [tilespmem:$0x1FBC0];
	_ =	sdelay $0x4  }
0x24c: {  	v4 =	vmax.f32 v4, v55  }
0x24d: {  	v14 =	vadd.f32 v4, v2;
	v2 =	vpop (erf)  }
0x24e: {  	v2 =	vmul.f32 v2, v9  }
0x24f: {  	vm6 =	vgt.f32 v14, $0.0e+00  }
0x250: {  	v0 =	vadd.f32 v2, v0;
	v16 =	vnsel vm6, $0x3F800000, v14  }
0x251: {  	v2 =	vadd.f32 $1.000000000e+00, v16  }
0x252: {  	v4 =	vmul.f32 $5.000000000e-01, v0  }
0x253: {  	v0 =	vmul.f32 $5.000000000e-01, v2  }
0x254: {  	(erf) = vrcp.f32 v4  }
0x255: {  	(erf) = vrcp.f32 v0;
	_ =	sdelay $0x7  }
0x256: {  	v2 =	vpop (erf)  }
0x257: {  	[tilespmem:$0x1FAE0] =	vst v2;
	v2 =	vpop (erf)  }
0x258: {  	v2 =	vmul.f32 v2, v16;
	_ =	sdelay $0x1  }
0x259: {  	v0 =	vadd.f32 v2, v0;
	_ =	sdelay $0x1  }
0x25a: {  	v0 =	vmul.f32 $5.000000000e-01, v0;
	_ =	sdelay $0x1  }
0x25b: {  	(erf) = vrcp.f32 v0;
	_ =	sdelay $0x8  }
0x25c: {  	v2 =	vpop (erf)  }
0x25d: {  	v2 =	vmul.f32 v2, v16;
	_ =	sdelay $0x1  }
0x25e: {  	v0 =	vadd.f32 v2, v0;
	_ =	sdelay $0x1  }
0x25f: {  	v0 =	vmul.f32 $5.000000000e-01, v0;
	_ =	sdelay $0x1  }
0x260: {  	(erf) = vrcp.f32 v0;
	_ =	sdelay $0x8  }
0x261: {  	v2 =	vpop (erf)  }
0x262: {  	v2 =	vmul.f32 v2, v16;
	_ =	sdelay $0x1  }
0x263: {  	v0 =	vadd.f32 v2, v0;
	_ =	sdelay $0x1  }
0x264: {  	v0 =	vmul.f32 $5.000000000e-01, v0;
	_ =	sdelay $0x1  }
0x265: {  	(erf) = vrcp.f32 v0;
	_ =	sdelay $0x8  }
0x266: {  	v2 =	vpop (erf)  }
0x267: {  	v2 =	vmul.f32 v2, v16;
	_ =	sdelay $0x1  }
0x268: {  	v0 =	vadd.f32 v2, v0;
	_ =	sdelay $0x1  }
0x269: {  	v0 =	vmul.f32 $5.000000000e-01, v0;
	_ =	sdelay $0x1  }
0x26a: {  	(erf) = vrcp.f32 v0;
	_ =	sdelay $0x8  }
0x26b: {  	v2 =	vpop (erf)  }
0x26c: {  	v2 =	vmul.f32 v2, v16;
	_ =	sdelay $0x1  }
0x26d: {  	v0 =	vadd.f32 v2, v0;
	_ =	sdelay $0x1  }
0x26e: {  	v0 =	vmul.f32 $5.000000000e-01, v0;
	_ =	sdelay $0x1  }
0x26f: {  	(erf) = vrcp.f32 v0;
	_ =	sdelay $0x8  }
0x270: {  	v2 =	vpop (erf)  }
0x271: {  	v2 =	vmul.f32 v2, v16;
	_ =	sdelay $0x1  }
0x272: {  	v0 =	vadd.f32 v2, v0;
	_ =	sdelay $0x1  }
0x273: {  	v0 =	vmul.f32 $5.000000000e-01, v0;
	_ =	sdelay $0x1  }
0x274: {  	(erf) = vrcp.f32 v0;
	_ =	sdelay $0x8  }
0x275: {  	v2 =	vpop (erf)  }
0x276: {  	v2 =	vmul.f32 v2, v16;
	_ =	sdelay $0x1  }
0x277: {  	v0 =	vadd.f32 v2, v0;
	_ =	sdelay $0x1  }
0x278: {  	v0 =	vmul.f32 $5.000000000e-01, v0;
	_ =	sdelay $0x1  }
0x279: {  	(erf) = vrcp.f32 v0;
	_ =	sdelay $0x8  }
0x27a: {  	v2 =	vpop (erf)  }
0x27b: {  	v2 =	vmul.f32 v2, v16;
	_ =	sdelay $0x1  }
0x27c: {  	v0 =	vadd.f32 v2, v0;
	_ =	sdelay $0x1  }
0x27d: {  	v0 =	vmul.f32 $5.000000000e-01, v0;
	_ =	sdelay $0x1  }
0x27e: {  	(erf) = vrcp.f32 v0;
	_ =	sdelay $0x8  }
0x27f: {  	v2 =	vpop (erf)  }
0x280: {  	v2 =	vmul.f32 v2, v16;
	_ =	sdelay $0x1  }
0x281: {  	v0 =	vadd.f32 v2, v0;
	_ =	sdelay $0x1  }
0x282: {  	v0 =	vmul.f32 $5.000000000e-01, v0;
	_ =	sdelay $0x1  }
0x283: {  	(erf) = vrcp.f32 v0;
	_ =	sdelay $0x8  }
0x284: {  	v2 =	vpop (erf)  }
0x285: {  	v2 =	vmul.f32 v2, v16;
	_ =	sdelay $0x1  }
0x286: {  	v0 =	vadd.f32 v2, v0;
	_ =	sdelay $0x1  }
0x287: {  	v0 =	vmul.f32 $5.000000000e-01, v0;
	_ =	sdelay $0x1  }
0x288: {  	(erf) = vrcp.f32 v0;
	_ =	sdelay $0x8  }
0x289: {  	v2 =	vpop (erf)  }
0x28a: {  	v2 =	vmul.f32 v2, v16;
	_ =	sdelay $0x1  }
0x28b: {  	v0 =	vadd.f32 v2, v0;
	_ =	sdelay $0x1  }
0x28c: {  	v0 =	vmul.f32 $5.000000000e-01, v0;
	_ =	sdelay $0x1  }
0x28d: {  	(erf) = vrcp.f32 v0;
	_ =	sdelay $0x8  }
0x28e: {  	v2 =	vpop (erf)  }
0x28f: {  	v2 =	vmul.f32 v2, v16;
	_ =	sdelay $0x1  }
0x290: {  	v0 =	vadd.f32 v2, v0;
	_ =	sdelay $0x1  }
0x291: {  	v0 =	vmul.f32 $5.000000000e-01, v0;
	_ =	sdelay $0x1  }
0x292: {  	(erf) = vrcp.f32 v0;
	_ =	sdelay $0x8  }
0x293: {  	v2 =	vpop (erf)  }
0x294: {  	v2 =	vmul.f32 v2, v16;
	_ =	sdelay $0x1  }
0x295: {  	v0 =	vadd.f32 v2, v0;
	_ =	sdelay $0x1  }
0x296: {  	v0 =	vmul.f32 $5.000000000e-01, v0;
	_ =	sdelay $0x1  }
0x297: {  	(erf) = vrcp.f32 v0;
	_ =	sdelay $0x8  }
0x298: {  	v2 =	vpop (erf)  }
0x299: {  	v2 =	vmul.f32 v2, v16;
	_ =	sdelay $0x1  }
0x29a: {  	v0 =	vadd.f32 v2, v0;
	_ =	sdelay $0x1  }
0x29b: {  	v0 =	vmul.f32 $5.000000000e-01, v0;
	_ =	sdelay $0x1  }
0x29c: {  	(erf) = vrcp.f32 v0;
	_ =	sdelay $0x8  }
0x29d: {  	v2 =	vpop (erf)  }
0x29e: {  	v2 =	vmul.f32 v2, v16;
	_ =	sdelay $0x1  }
0x29f: {  	v0 =	vadd.f32 v2, v0;
	_ =	sdelay $0x1  }
0x2a0: {  	v0 =	vmul.f32 $5.000000000e-01, v0;
	_ =	sdelay $0x1  }
0x2a1: {  	(erf) = vrcp.f32 v0;
	_ =	sdelay $0x8  }
0x2a2: {  	v2 =	vpop (erf)  }
0x2a3: {  	v2 =	vmul.f32 v2, v16;
	_ =	sdelay $0x1  }
0x2a4: {  	v0 =	vadd.f32 v2, v0;
	_ =	sdelay $0x1  }
0x2a5: {  	v0 =	vmul.f32 $5.000000000e-01, v0;
	_ =	sdelay $0x1  }
0x2a6: {  	(erf) = vrcp.f32 v0;
	_ =	sdelay $0x8  }
0x2a7: {  	v2 =	vpop (erf)  }
0x2a8: {  	v2 =	vmul.f32 v2, v16;
	_ =	sdelay $0x1  }
0x2a9: {  	v0 =	vadd.f32 v2, v0;
	_ =	sdelay $0x1  }
0x2aa: {  	v0 =	vmul.f32 $5.000000000e-01, v0;
	_ =	sdelay $0x1  }
0x2ab: {  	(erf) = vrcp.f32 v0;
	_ =	sdelay $0x8  }
0x2ac: {  	v2 =	vpop (erf)  }
0x2ad: {  	v2 =	vmul.f32 v2, v16;
	_ =	sdelay $0x1  }
0x2ae: {  	v0 =	vadd.f32 v2, v0  }
0x2af: {  	[tilespmem:$0x1FB00] =	vst v4;
	v4 =	vld [tilespmem:$0x1FF00]  }
0x2b0: {  	v2 =	vmul.f32 $5.000000000e-01, v0;
	v0 =	vld [tilespmem:$0x1FEF0]  }
0x2b1: {  	v20 =	vld [tilespmem:$0x1FF10];
	_ =	sdelay $0x3  }
0x2b2: {  	v4 =	vmul.f32 v4, v4;
	v0 =	vmul.f32 v0, v0  }
0x2b3: {  	v20 =	vmul.f32 v20, v20  }
0x2b4: {  	v4 =	vmul.f32 v4, v24;
	v0 =	vmul.f32 v0, v23;
	_ =	sdelay $0x1  }
0x2b5: {  	v0 =	vadd.f32 v4, v0;
	v4 =	vmul.f32 v20, v22  }
0x2b6: {  	v60 =	vld [tilespmem:$0x1FC00];
	(erf) = vrcp.f32 v2  }
0x2b7: {  	v0 =	vadd.f32 v4, v0;
	v4 =	vld [tilespmem:$0x1FBF0];
	_ =	sdelay $0x4  }
0x2b8: {  	v4 =	vmax.f32 v4, v60;
	_ =	sdelay $0x2  }
0x2b9: {  	v0 =	vadd.f32 v4, v0;
	v4 =	vpop (erf)  }
0x2ba: {  	v4 =	vmul.f32 v4, v16  }
0x2bb: {  	vm8 =	vgt.f32 v0, $0.0e+00  }
0x2bc: {  	v28 =	vnsel vm8, $0x3F800000, v0;
	v2 =	vadd.f32 v4, v2  }
0x2bd: {  	v4 =	vadd.f32 $1.000000000e+00, v28  }
0x2be: {  	v61 =	vmul.f32 $5.000000000e-01, v2  }
0x2bf: {  	v2 =	vmul.f32 $5.000000000e-01, v4  }
0x2c0: {  	(erf) = vrcp.f32 v61  }
0x2c1: {  	(erf) = vrcp.f32 v2;
	_ =	sdelay $0x7  }
0x2c2: {  	v4 =	vpop (erf)  }
0x2c3: {  	[tilespmem:$0x1FB10] =	vst v4;
	v4 =	vpop (erf)  }
0x2c4: {  	v4 =	vmul.f32 v4, v28;
	_ =	sdelay $0x1  }
0x2c5: {  	v2 =	vadd.f32 v4, v2;
	_ =	sdelay $0x1  }
0x2c6: {  	v2 =	vmul.f32 $5.000000000e-01, v2;
	_ =	sdelay $0x1  }
0x2c7: {  	(erf) = vrcp.f32 v2;
	_ =	sdelay $0x8  }
0x2c8: {  	v4 =	vpop (erf)  }
0x2c9: {  	v4 =	vmul.f32 v4, v28;
	_ =	sdelay $0x1  }
0x2ca: {  	v2 =	vadd.f32 v4, v2;
	_ =	sdelay $0x1  }
0x2cb: {  	v2 =	vmul.f32 $5.000000000e-01, v2;
	_ =	sdelay $0x1  }
0x2cc: {  	(erf) = vrcp.f32 v2;
	_ =	sdelay $0x8  }
0x2cd: {  	v4 =	vpop (erf)  }
0x2ce: {  	v4 =	vmul.f32 v4, v28;
	_ =	sdelay $0x1  }
0x2cf: {  	v2 =	vadd.f32 v4, v2;
	_ =	sdelay $0x1  }
0x2d0: {  	v2 =	vmul.f32 $5.000000000e-01, v2;
	_ =	sdelay $0x1  }
0x2d1: {  	(erf) = vrcp.f32 v2;
	_ =	sdelay $0x8  }
0x2d2: {  	v4 =	vpop (erf)  }
0x2d3: {  	v4 =	vmul.f32 v4, v28;
	_ =	sdelay $0x1  }
0x2d4: {  	v2 =	vadd.f32 v4, v2;
	_ =	sdelay $0x1  }
0x2d5: {  	v2 =	vmul.f32 $5.000000000e-01, v2;
	_ =	sdelay $0x1  }
0x2d6: {  	(erf) = vrcp.f32 v2;
	_ =	sdelay $0x8  }
0x2d7: {  	v4 =	vpop (erf)  }
0x2d8: {  	v4 =	vmul.f32 v4, v28;
	_ =	sdelay $0x1  }
0x2d9: {  	v2 =	vadd.f32 v4, v2;
	_ =	sdelay $0x1  }
0x2da: {  	v2 =	vmul.f32 $5.000000000e-01, v2;
	_ =	sdelay $0x1  }
0x2db: {  	(erf) = vrcp.f32 v2;
	_ =	sdelay $0x8  }
0x2dc: {  	v4 =	vpop (erf)  }
0x2dd: {  	v4 =	vmul.f32 v4, v28;
	_ =	sdelay $0x1  }
0x2de: {  	v2 =	vadd.f32 v4, v2;
	_ =	sdelay $0x1  }
0x2df: {  	v2 =	vmul.f32 $5.000000000e-01, v2;
	_ =	sdelay $0x1  }
0x2e0: {  	(erf) = vrcp.f32 v2;
	_ =	sdelay $0x8  }
0x2e1: {  	v4 =	vpop (erf)  }
0x2e2: {  	v4 =	vmul.f32 v4, v28;
	_ =	sdelay $0x1  }
0x2e3: {  	v2 =	vadd.f32 v4, v2;
	_ =	sdelay $0x1  }
0x2e4: {  	v2 =	vmul.f32 $5.000000000e-01, v2;
	_ =	sdelay $0x1  }
0x2e5: {  	(erf) = vrcp.f32 v2;
	_ =	sdelay $0x8  }
0x2e6: {  	v4 =	vpop (erf)  }
0x2e7: {  	v4 =	vmul.f32 v4, v28;
	_ =	sdelay $0x1  }
0x2e8: {  	v2 =	vadd.f32 v4, v2;
	_ =	sdelay $0x1  }
0x2e9: {  	v2 =	vmul.f32 $5.000000000e-01, v2;
	_ =	sdelay $0x1  }
0x2ea: {  	(erf) = vrcp.f32 v2;
	_ =	sdelay $0x8  }
0x2eb: {  	v4 =	vpop (erf)  }
0x2ec: {  	v4 =	vmul.f32 v4, v28;
	_ =	sdelay $0x1  }
0x2ed: {  	v2 =	vadd.f32 v4, v2;
	_ =	sdelay $0x1  }
0x2ee: {  	v2 =	vmul.f32 $5.000000000e-01, v2;
	_ =	sdelay $0x1  }
0x2ef: {  	(erf) = vrcp.f32 v2;
	_ =	sdelay $0x8  }
0x2f0: {  	v4 =	vpop (erf)  }
0x2f1: {  	v4 =	vmul.f32 v4, v28;
	_ =	sdelay $0x1  }
0x2f2: {  	v2 =	vadd.f32 v4, v2;
	_ =	sdelay $0x1  }
0x2f3: {  	v2 =	vmul.f32 $5.000000000e-01, v2;
	_ =	sdelay $0x1  }
0x2f4: {  	(erf) = vrcp.f32 v2;
	_ =	sdelay $0x8  }
0x2f5: {  	v4 =	vpop (erf)  }
0x2f6: {  	v4 =	vmul.f32 v4, v28;
	_ =	sdelay $0x1  }
0x2f7: {  	v2 =	vadd.f32 v4, v2;
	_ =	sdelay $0x1  }
0x2f8: {  	v2 =	vmul.f32 $5.000000000e-01, v2;
	_ =	sdelay $0x1  }
0x2f9: {  	(erf) = vrcp.f32 v2;
	_ =	sdelay $0x8  }
0x2fa: {  	v4 =	vpop (erf)  }
0x2fb: {  	v4 =	vmul.f32 v4, v28;
	_ =	sdelay $0x1  }
0x2fc: {  	v2 =	vadd.f32 v4, v2;
	_ =	sdelay $0x1  }
0x2fd: {  	v2 =	vmul.f32 $5.000000000e-01, v2;
	_ =	sdelay $0x1  }
0x2fe: {  	(erf) = vrcp.f32 v2;
	_ =	sdelay $0x8  }
0x2ff: {  	v4 =	vpop (erf)  }
0x300: {  	v4 =	vmul.f32 v4, v28;
	_ =	sdelay $0x1  }
0x301: {  	v2 =	vadd.f32 v4, v2;
	_ =	sdelay $0x1  }
0x302: {  	v2 =	vmul.f32 $5.000000000e-01, v2;
	_ =	sdelay $0x1  }
0x303: {  	(erf) = vrcp.f32 v2;
	_ =	sdelay $0x8  }
0x304: {  	v4 =	vpop (erf)  }
0x305: {  	v4 =	vmul.f32 v4, v28;
	_ =	sdelay $0x1  }
0x306: {  	v2 =	vadd.f32 v4, v2;
	_ =	sdelay $0x1  }
0x307: {  	v2 =	vmul.f32 $5.000000000e-01, v2;
	_ =	sdelay $0x1  }
0x308: {  	(erf) = vrcp.f32 v2;
	_ =	sdelay $0x8  }
0x309: {  	v4 =	vpop (erf)  }
0x30a: {  	v4 =	vmul.f32 v4, v28;
	_ =	sdelay $0x1  }
0x30b: {  	v2 =	vadd.f32 v4, v2;
	_ =	sdelay $0x1  }
0x30c: {  	v2 =	vmul.f32 $5.000000000e-01, v2;
	_ =	sdelay $0x1  }
0x30d: {  	(erf) = vrcp.f32 v2;
	_ =	sdelay $0x8  }
0x30e: {  	v4 =	vpop (erf)  }
0x30f: {  	v4 =	vmul.f32 v4, v28;
	_ =	sdelay $0x1  }
0x310: {  	v2 =	vadd.f32 v4, v2;
	_ =	sdelay $0x1  }
0x311: {  	v2 =	vmul.f32 $5.000000000e-01, v2;
	_ =	sdelay $0x1  }
0x312: {  	(erf) = vrcp.f32 v2;
	_ =	sdelay $0x8  }
0x313: {  	v4 =	vpop (erf)  }
0x314: {  	v4 =	vmul.f32 v4, v28;
	_ =	sdelay $0x1  }
0x315: {  	v2 =	vadd.f32 v4, v2;
	_ =	sdelay $0x1  }
0x316: {  	v2 =	vmul.f32 $5.000000000e-01, v2;
	_ =	sdelay $0x1  }
0x317: {  	(erf) = vrcp.f32 v2;
	_ =	sdelay $0x8  }
0x318: {  	v25 =	vld [tilespmem:$0x1FF30];
	v4 =	vpop (erf)  }
0x319: {  	v4 =	vmul.f32 v4, v28;
	_ =	sdelay $0x1  }
0x31a: {  	v2 =	vadd.f32 v4, v2;
	v4 =	vld [tilespmem:$0x1FF20];
	_ =	sdelay $0x1  }
0x31b: {  	v20 =	vmul.f32 v25, v25;
	v25 =	vld [tilespmem:$0x1FF40];
	_ =	sdelay $0x1  }
0x31c: {  	v2 =	vmul.f32 $5.000000000e-01, v2  }
0x31d: {  	v4 =	vmul.f32 v4, v4  }
0x31e: {  	v20 =	vmul.f32 v20, v24;
	(erf) = vrcp.f32 v2  }
0x31f: {  	v25 =	vmul.f32 v25, v25;
	v4 =	vmul.f32 v4, v23  }
0x320: {  	v36 =	vld [tilespmem:$0x1FC30]  }
0x321: {  	v32 =	vld [tilespmem:$0x1FC20];
	v27 =	vmul.f32 v25, v22;
	v4 =	vadd.f32 v20, v4;
	_ =	sdelay $0x1  }
0x322: {  	v4 =	vadd.f32 v27, v4;
	_ =	sdelay $0x2  }
0x323: {  	v20 =	vmax.f32 v32, v36  }
0x324: {  	v32 =	vadd.f32 v20, v4;
	v4 =	vpop (erf)  }
0x325: {  	v4 =	vmul.f32 v4, v28  }
0x326: {  	vm10 =	vgt.f32 v32, $0.0e+00  }
0x327: {  	v20 =	vnsel vm10, $0x3F800000, v32;
	v2 =	vadd.f32 v4, v2  }
0x328: {  	v4 =	vadd.f32 $1.000000000e+00, v20  }
0x329: {  	v36 =	vmul.f32 $5.000000000e-01, v2  }
0x32a: {  	v2 =	vmul.f32 $5.000000000e-01, v4  }
0x32b: {  	(erf) = vrcp.f32 v36  }
0x32c: {  	(erf) = vrcp.f32 v2;
	_ =	sdelay $0x7  }
0x32d: {  	v4 =	vpop (erf)  }
0x32e: {  	[tilespmem:$0x1FB30] =	vst v4;
	v4 =	vpop (erf)  }
0x32f: {  	v4 =	vmul.f32 v4, v20;
	_ =	sdelay $0x1  }
0x330: {  	v2 =	vadd.f32 v4, v2;
	_ =	sdelay $0x1  }
0x331: {  	v2 =	vmul.f32 $5.000000000e-01, v2;
	_ =	sdelay $0x1  }
0x332: {  	(erf) = vrcp.f32 v2;
	_ =	sdelay $0x8  }
0x333: {  	v4 =	vpop (erf)  }
0x334: {  	v4 =	vmul.f32 v4, v20;
	_ =	sdelay $0x1  }
0x335: {  	v2 =	vadd.f32 v4, v2;
	_ =	sdelay $0x1  }
0x336: {  	v2 =	vmul.f32 $5.000000000e-01, v2;
	_ =	sdelay $0x1  }
0x337: {  	(erf) = vrcp.f32 v2;
	_ =	sdelay $0x8  }
0x338: {  	v4 =	vpop (erf)  }
0x339: {  	v4 =	vmul.f32 v4, v20;
	_ =	sdelay $0x1  }
0x33a: {  	v2 =	vadd.f32 v4, v2;
	_ =	sdelay $0x1  }
0x33b: {  	v2 =	vmul.f32 $5.000000000e-01, v2;
	_ =	sdelay $0x1  }
0x33c: {  	(erf) = vrcp.f32 v2;
	_ =	sdelay $0x8  }
0x33d: {  	v4 =	vpop (erf)  }
0x33e: {  	v4 =	vmul.f32 v4, v20;
	_ =	sdelay $0x1  }
0x33f: {  	v2 =	vadd.f32 v4, v2;
	_ =	sdelay $0x1  }
0x340: {  	v2 =	vmul.f32 $5.000000000e-01, v2  }
0x341: {  	[tilespmem:$0x1FB40] =	vst v61  }
0x342: {  	(erf) = vrcp.f32 v2;
	_ =	sdelay $0x8  }
0x343: {  	v4 =	vpop (erf)  }
0x344: {  	v4 =	vmul.f32 v4, v20;
	_ =	sdelay $0x1  }
0x345: {  	v2 =	vadd.f32 v4, v2;
	_ =	sdelay $0x1  }
0x346: {  	v2 =	vmul.f32 $5.000000000e-01, v2;
	_ =	sdelay $0x1  }
0x347: {  	(erf) = vrcp.f32 v2;
	_ =	sdelay $0x8  }
0x348: {  	v4 =	vpop (erf)  }
0x349: {  	v4 =	vmul.f32 v4, v20;
	_ =	sdelay $0x1  }
0x34a: {  	v2 =	vadd.f32 v4, v2;
	_ =	sdelay $0x1  }
0x34b: {  	v2 =	vmul.f32 $5.000000000e-01, v2;
	_ =	sdelay $0x1  }
0x34c: {  	(erf) = vrcp.f32 v2;
	_ =	sdelay $0x8  }
0x34d: {  	v4 =	vpop (erf)  }
0x34e: {  	v4 =	vmul.f32 v4, v20;
	_ =	sdelay $0x1  }
0x34f: {  	v2 =	vadd.f32 v4, v2;
	_ =	sdelay $0x1  }
0x350: {  	v2 =	vmul.f32 $5.000000000e-01, v2;
	_ =	sdelay $0x1  }
0x351: {  	(erf) = vrcp.f32 v2;
	_ =	sdelay $0x8  }
0x352: {  	v4 =	vpop (erf)  }
0x353: {  	v4 =	vmul.f32 v4, v20;
	_ =	sdelay $0x1  }
0x354: {  	v2 =	vadd.f32 v4, v2;
	_ =	sdelay $0x1  }
0x355: {  	v2 =	vmul.f32 $5.000000000e-01, v2;
	_ =	sdelay $0x1  }
0x356: {  	(erf) = vrcp.f32 v2;
	_ =	sdelay $0x8  }
0x357: {  	v4 =	vpop (erf)  }
0x358: {  	v4 =	vmul.f32 v4, v20;
	_ =	sdelay $0x1  }
0x359: {  	v2 =	vadd.f32 v4, v2;
	_ =	sdelay $0x1  }
0x35a: {  	v2 =	vmul.f32 $5.000000000e-01, v2;
	_ =	sdelay $0x1  }
0x35b: {  	(erf) = vrcp.f32 v2;
	_ =	sdelay $0x8  }
0x35c: {  	v4 =	vpop (erf)  }
0x35d: {  	v4 =	vmul.f32 v4, v20;
	_ =	sdelay $0x1  }
0x35e: {  	v2 =	vadd.f32 v4, v2;
	_ =	sdelay $0x1  }
0x35f: {  	v2 =	vmul.f32 $5.000000000e-01, v2;
	_ =	sdelay $0x1  }
0x360: {  	(erf) = vrcp.f32 v2;
	_ =	sdelay $0x8  }
0x361: {  	v4 =	vpop (erf)  }
0x362: {  	v4 =	vmul.f32 v4, v20;
	_ =	sdelay $0x1  }
0x363: {  	v2 =	vadd.f32 v4, v2;
	_ =	sdelay $0x1  }
0x364: {  	v2 =	vmul.f32 $5.000000000e-01, v2;
	_ =	sdelay $0x1  }
0x365: {  	(erf) = vrcp.f32 v2;
	_ =	sdelay $0x8  }
0x366: {  	v4 =	vpop (erf)  }
0x367: {  	v4 =	vmul.f32 v4, v20;
	_ =	sdelay $0x1  }
0x368: {  	v2 =	vadd.f32 v4, v2;
	_ =	sdelay $0x1  }
0x369: {  	v2 =	vmul.f32 $5.000000000e-01, v2;
	_ =	sdelay $0x1  }
0x36a: {  	(erf) = vrcp.f32 v2;
	_ =	sdelay $0x8  }
0x36b: {  	v4 =	vpop (erf)  }
0x36c: {  	v4 =	vmul.f32 v4, v20;
	_ =	sdelay $0x1  }
0x36d: {  	v2 =	vadd.f32 v4, v2;
	_ =	sdelay $0x1  }
0x36e: {  	v2 =	vmul.f32 $5.000000000e-01, v2;
	_ =	sdelay $0x1  }
0x36f: {  	(erf) = vrcp.f32 v2;
	_ =	sdelay $0x8  }
0x370: {  	v4 =	vpop (erf)  }
0x371: {  	v4 =	vmul.f32 v4, v20;
	_ =	sdelay $0x1  }
0x372: {  	v2 =	vadd.f32 v4, v2;
	_ =	sdelay $0x1  }
0x373: {  	v2 =	vmul.f32 $5.000000000e-01, v2;
	_ =	sdelay $0x1  }
0x374: {  	(erf) = vrcp.f32 v2;
	_ =	sdelay $0x8  }
0x375: {  	v4 =	vpop (erf)  }
0x376: {  	v4 =	vmul.f32 v4, v20;
	_ =	sdelay $0x1  }
0x377: {  	v2 =	vadd.f32 v4, v2;
	_ =	sdelay $0x1  }
0x378: {  	v2 =	vmul.f32 $5.000000000e-01, v2;
	_ =	sdelay $0x1  }
0x379: {  	(erf) = vrcp.f32 v2;
	_ =	sdelay $0x8  }
0x37a: {  	v4 =	vpop (erf)  }
0x37b: {  	v4 =	vmul.f32 v4, v20;
	_ =	sdelay $0x1  }
0x37c: {  	v2 =	vadd.f32 v4, v2;
	_ =	sdelay $0x1  }
0x37d: {  	v2 =	vmul.f32 $5.000000000e-01, v2;
	_ =	sdelay $0x1  }
0x37e: {  	(erf) = vrcp.f32 v2;
	_ =	sdelay $0x8  }
0x37f: {  	v4 =	vpop (erf)  }
0x380: {  	v4 =	vmul.f32 v4, v20;
	_ =	sdelay $0x1  }
0x381: {  	v2 =	vadd.f32 v4, v2;
	_ =	sdelay $0x1  }
0x382: {  	v2 =	vmul.f32 $5.000000000e-01, v2;
	_ =	sdelay $0x1  }
0x383: {  	(erf) = vrcp.f32 v2;
	_ =	sdelay $0x8  }
0x384: {  	v4 =	vpop (erf)  }
0x385: {  	v4 =	vmul.f32 v4, v20  }
0x386: {  	v37 =	vld [tilespmem:$0x1FF60]  }
0x387: {  	v2 =	vadd.f32 v4, v2;
	v4 =	vld [tilespmem:$0x1FF50]  }
0x388: {  	v27 =	vld [tilespmem:$0x1FF70];
	_ =	sdelay $0x2  }
0x389: {  	v2 =	vmul.f32 $5.000000000e-01, v2  }
0x38a: {  	v25 =	vmul.f32 v37, v37;
	v4 =	vmul.f32 v4, v4  }
0x38b: {  	v27 =	vmul.f32 v27, v27;
	(erf) = vrcp.f32 v2  }
0x38c: {  	v25 =	vmul.f32 v25, v24;
	v4 =	vmul.f32 v4, v23  }
0x38d: {  	v48 =	vld [tilespmem:$0x1FD50]  }
0x38e: {  	v50 =	vld [tilespmem:$0x1FD60];
	v38 =	vmul.f32 v27, v22;
	v4 =	vadd.f32 v25, v4;
	_ =	sdelay $0x1  }
0x38f: {  	v4 =	vadd.f32 v38, v4;
	_ =	sdelay $0x2  }
0x390: {  	v25 =	vmax.f32 v48, v50  }
0x391: {  	v50 =	vadd.f32 v25, v4;
	v4 =	vpop (erf)  }
0x392: {  	v4 =	vmul.f32 v4, v20  }
0x393: {  	vm12 =	vgt.f32 v50, $0.0e+00  }
0x394: {  	v60 =	vnsel vm12, $0x3F800000, v50;
	v2 =	vadd.f32 v4, v2  }
0x395: {  	v4 =	vadd.f32 $1.000000000e+00, v60  }
0x396: {  	v61 =	vmul.f32 $5.000000000e-01, v2  }
0x397: {  	v2 =	vmul.f32 $5.000000000e-01, v4  }
0x398: {  	(erf) = vrcp.f32 v61  }
0x399: {  	(erf) = vrcp.f32 v2;
	_ =	sdelay $0x7  }
0x39a: {  	v4 =	vpop (erf)  }
0x39b: {  	[tilespmem:$0x1FB50] =	vst v4;
	v4 =	vpop (erf)  }
0x39c: {  	v4 =	vmul.f32 v4, v60;
	_ =	sdelay $0x1  }
0x39d: {  	v2 =	vadd.f32 v4, v2;
	_ =	sdelay $0x1  }
0x39e: {  	v2 =	vmul.f32 $5.000000000e-01, v2;
	_ =	sdelay $0x1  }
0x39f: {  	(erf) = vrcp.f32 v2;
	_ =	sdelay $0x8  }
0x3a0: {  	v4 =	vpop (erf)  }
0x3a1: {  	v4 =	vmul.f32 v4, v60;
	_ =	sdelay $0x1  }
0x3a2: {  	v2 =	vadd.f32 v4, v2;
	_ =	sdelay $0x1  }
0x3a3: {  	v2 =	vmul.f32 $5.000000000e-01, v2;
	_ =	sdelay $0x1  }
0x3a4: {  	(erf) = vrcp.f32 v2;
	_ =	sdelay $0x8  }
0x3a5: {  	v4 =	vpop (erf)  }
0x3a6: {  	v4 =	vmul.f32 v4, v60;
	_ =	sdelay $0x1  }
0x3a7: {  	v2 =	vadd.f32 v4, v2;
	_ =	sdelay $0x1  }
0x3a8: {  	v2 =	vmul.f32 $5.000000000e-01, v2;
	_ =	sdelay $0x1  }
0x3a9: {  	(erf) = vrcp.f32 v2;
	_ =	sdelay $0x8  }
0x3aa: {  	v4 =	vpop (erf)  }
0x3ab: {  	v4 =	vmul.f32 v4, v60;
	_ =	sdelay $0x1  }
0x3ac: {  	v2 =	vadd.f32 v4, v2;
	_ =	sdelay $0x1  }
0x3ad: {  	v2 =	vmul.f32 $5.000000000e-01, v2;
	_ =	sdelay $0x1  }
0x3ae: {  	(erf) = vrcp.f32 v2;
	_ =	sdelay $0x8  }
0x3af: {  	v4 =	vpop (erf)  }
0x3b0: {  	v4 =	vmul.f32 v4, v60;
	_ =	sdelay $0x1  }
0x3b1: {  	v2 =	vadd.f32 v4, v2;
	_ =	sdelay $0x1  }
0x3b2: {  	v2 =	vmul.f32 $5.000000000e-01, v2;
	_ =	sdelay $0x1  }
0x3b3: {  	(erf) = vrcp.f32 v2;
	_ =	sdelay $0x8  }
0x3b4: {  	v4 =	vpop (erf)  }
0x3b5: {  	v4 =	vmul.f32 v4, v60;
	_ =	sdelay $0x1  }
0x3b6: {  	v2 =	vadd.f32 v4, v2;
	_ =	sdelay $0x1  }
0x3b7: {  	v2 =	vmul.f32 $5.000000000e-01, v2;
	_ =	sdelay $0x1  }
0x3b8: {  	(erf) = vrcp.f32 v2;
	_ =	sdelay $0x8  }
0x3b9: {  	v4 =	vpop (erf)  }
0x3ba: {  	v4 =	vmul.f32 v4, v60;
	_ =	sdelay $0x1  }
0x3bb: {  	v2 =	vadd.f32 v4, v2;
	_ =	sdelay $0x1  }
0x3bc: {  	v2 =	vmul.f32 $5.000000000e-01, v2;
	_ =	sdelay $0x1  }
0x3bd: {  	(erf) = vrcp.f32 v2;
	_ =	sdelay $0x8  }
0x3be: {  	v4 =	vpop (erf)  }
0x3bf: {  	v4 =	vmul.f32 v4, v60;
	_ =	sdelay $0x1  }
0x3c0: {  	v2 =	vadd.f32 v4, v2;
	_ =	sdelay $0x1  }
0x3c1: {  	v2 =	vmul.f32 $5.000000000e-01, v2;
	_ =	sdelay $0x1  }
0x3c2: {  	(erf) = vrcp.f32 v2;
	_ =	sdelay $0x8  }
0x3c3: {  	v4 =	vpop (erf)  }
0x3c4: {  	v4 =	vmul.f32 v4, v60;
	_ =	sdelay $0x1  }
0x3c5: {  	v2 =	vadd.f32 v4, v2;
	_ =	sdelay $0x1  }
0x3c6: {  	v2 =	vmul.f32 $5.000000000e-01, v2;
	_ =	sdelay $0x1  }
0x3c7: {  	(erf) = vrcp.f32 v2;
	_ =	sdelay $0x8  }
0x3c8: {  	v4 =	vpop (erf)  }
0x3c9: {  	v4 =	vmul.f32 v4, v60;
	_ =	sdelay $0x1  }
0x3ca: {  	v2 =	vadd.f32 v4, v2;
	_ =	sdelay $0x1  }
0x3cb: {  	v2 =	vmul.f32 $5.000000000e-01, v2;
	_ =	sdelay $0x1  }
0x3cc: {  	(erf) = vrcp.f32 v2;
	_ =	sdelay $0x8  }
0x3cd: {  	v4 =	vpop (erf)  }
0x3ce: {  	v4 =	vmul.f32 v4, v60;
	_ =	sdelay $0x1  }
0x3cf: {  	v2 =	vadd.f32 v4, v2;
	_ =	sdelay $0x1  }
0x3d0: {  	v2 =	vmul.f32 $5.000000000e-01, v2;
	_ =	sdelay $0x1  }
0x3d1: {  	(erf) = vrcp.f32 v2;
	_ =	sdelay $0x8  }
0x3d2: {  	v4 =	vpop (erf)  }
0x3d3: {  	v4 =	vmul.f32 v4, v60;
	_ =	sdelay $0x1  }
0x3d4: {  	v2 =	vadd.f32 v4, v2;
	_ =	sdelay $0x1  }
0x3d5: {  	v2 =	vmul.f32 $5.000000000e-01, v2;
	_ =	sdelay $0x1  }
0x3d6: {  	(erf) = vrcp.f32 v2;
	_ =	sdelay $0x8  }
0x3d7: {  	v4 =	vpop (erf)  }
0x3d8: {  	v4 =	vmul.f32 v4, v60;
	_ =	sdelay $0x1  }
0x3d9: {  	v2 =	vadd.f32 v4, v2;
	_ =	sdelay $0x1  }
0x3da: {  	v2 =	vmul.f32 $5.000000000e-01, v2;
	_ =	sdelay $0x1  }
0x3db: {  	(erf) = vrcp.f32 v2;
	_ =	sdelay $0x8  }
0x3dc: {  	v4 =	vpop (erf)  }
0x3dd: {  	v4 =	vmul.f32 v4, v60;
	_ =	sdelay $0x1  }
0x3de: {  	v2 =	vadd.f32 v4, v2;
	_ =	sdelay $0x1  }
0x3df: {  	v2 =	vmul.f32 $5.000000000e-01, v2;
	_ =	sdelay $0x1  }
0x3e0: {  	(erf) = vrcp.f32 v2;
	_ =	sdelay $0x8  }
0x3e1: {  	v4 =	vpop (erf)  }
0x3e2: {  	v4 =	vmul.f32 v4, v60;
	_ =	sdelay $0x1  }
0x3e3: {  	v2 =	vadd.f32 v4, v2;
	_ =	sdelay $0x1  }
0x3e4: {  	v2 =	vmul.f32 $5.000000000e-01, v2;
	_ =	sdelay $0x1  }
0x3e5: {  	(erf) = vrcp.f32 v2;
	_ =	sdelay $0x8  }
0x3e6: {  	v4 =	vpop (erf)  }
0x3e7: {  	v4 =	vmul.f32 v4, v60;
	_ =	sdelay $0x1  }
0x3e8: {  	v2 =	vadd.f32 v4, v2;
	_ =	sdelay $0x1  }
0x3e9: {  	v2 =	vmul.f32 $5.000000000e-01, v2;
	_ =	sdelay $0x1  }
0x3ea: {  	(erf) = vrcp.f32 v2;
	_ =	sdelay $0x8  }
0x3eb: {  	v4 =	vpop (erf)  }
0x3ec: {  	v4 =	vmul.f32 v4, v60;
	_ =	sdelay $0x1  }
0x3ed: {  	v2 =	vadd.f32 v4, v2;
	_ =	sdelay $0x1  }
0x3ee: {  	v2 =	vmul.f32 $5.000000000e-01, v2;
	_ =	sdelay $0x1  }
0x3ef: {  	(erf) = vrcp.f32 v2;
	_ =	sdelay $0x8  }
0x3f0: {  	v4 =	vpop (erf)  }
0x3f1: {  	v4 =	vmul.f32 v4, v60  }
0x3f2: {  	v55 =	vld [tilespmem:$0x1FF90]  }
0x3f3: {  	v2 =	vadd.f32 v4, v2;
	v4 =	vld [tilespmem:$0x1FF80]  }
0x3f4: {  	v37 =	vld [tilespmem:$0x1FFA0];
	_ =	sdelay $0x2  }
0x3f5: {  	v2 =	vmul.f32 $5.000000000e-01, v2  }
0x3f6: {  	v25 =	vmul.f32 v55, v55;
	v4 =	vmul.f32 v4, v4  }
0x3f7: {  	v27 =	vmul.f32 v37, v37;
	(erf) = vrcp.f32 v2  }
0x3f8: {  	v25 =	vmul.f32 v25, v24;
	v4 =	vmul.f32 v4, v23  }
0x3f9: {  	v48 =	vld [tilespmem:$0x1FD90]  }
0x3fa: {  	v38 =	vmul.f32 v27, v22;
	v55 =	vld [tilespmem:$0x1FDA0];
	v4 =	vadd.f32 v25, v4;
	_ =	sdelay $0x1  }
0x3fb: {  	v4 =	vadd.f32 v38, v4;
	_ =	sdelay $0x2  }
0x3fc: {  	v25 =	vmax.f32 v48, v55  }
0x3fd: {  	v37 =	vadd.f32 v25, v4;
	v4 =	vpop (erf)  }
0x3fe: {  	v4 =	vmul.f32 v4, v60  }
0x3ff: {  	vm13 =	vgt.f32 v37, $0.0e+00  }
0x400: {  	v38 =	vnsel vm13, $0x3F800000, v37;
	v2 =	vadd.f32 v4, v2  }
0x401: {  	v4 =	vadd.f32 $1.000000000e+00, v38  }
0x402: {  	v48 =	vmul.f32 $5.000000000e-01, v2  }
0x403: {  	v2 =	vmul.f32 $5.000000000e-01, v4  }
0x404: {  	(erf) = vrcp.f32 v48  }
0x405: {  	(erf) = vrcp.f32 v2;
	_ =	sdelay $0x7  }
0x406: {  	v4 =	vpop (erf)  }
0x407: {  	[tilespmem:$0x1FB60] =	vst v4;
	v4 =	vpop (erf)  }
0x408: {  	v4 =	vmul.f32 v4, v38;
	_ =	sdelay $0x1  }
0x409: {  	v2 =	vadd.f32 v4, v2;
	_ =	sdelay $0x1  }
0x40a: {  	v2 =	vmul.f32 $5.000000000e-01, v2;
	_ =	sdelay $0x1  }
0x40b: {  	(erf) = vrcp.f32 v2;
	_ =	sdelay $0x8  }
0x40c: {  	v4 =	vpop (erf)  }
0x40d: {  	v4 =	vmul.f32 v4, v38;
	_ =	sdelay $0x1  }
0x40e: {  	v2 =	vadd.f32 v4, v2;
	_ =	sdelay $0x1  }
0x40f: {  	v2 =	vmul.f32 $5.000000000e-01, v2;
	_ =	sdelay $0x1  }
0x410: {  	(erf) = vrcp.f32 v2;
	_ =	sdelay $0x8  }
0x411: {  	v4 =	vpop (erf)  }
0x412: {  	v4 =	vmul.f32 v4, v38;
	_ =	sdelay $0x1  }
0x413: {  	v2 =	vadd.f32 v4, v2;
	_ =	sdelay $0x1  }
0x414: {  	v2 =	vmul.f32 $5.000000000e-01, v2;
	_ =	sdelay $0x1  }
0x415: {  	(erf) = vrcp.f32 v2;
	_ =	sdelay $0x8  }
0x416: {  	v4 =	vpop (erf)  }
0x417: {  	v4 =	vmul.f32 v4, v38;
	_ =	sdelay $0x1  }
0x418: {  	v2 =	vadd.f32 v4, v2;
	_ =	sdelay $0x1  }
0x419: {  	v2 =	vmul.f32 $5.000000000e-01, v2;
	_ =	sdelay $0x1  }
0x41a: {  	(erf) = vrcp.f32 v2;
	_ =	sdelay $0x8  }
0x41b: {  	v4 =	vpop (erf)  }
0x41c: {  	v4 =	vmul.f32 v4, v38;
	_ =	sdelay $0x1  }
0x41d: {  	v2 =	vadd.f32 v4, v2;
	_ =	sdelay $0x1  }
0x41e: {  	v2 =	vmul.f32 $5.000000000e-01, v2;
	_ =	sdelay $0x1  }
0x41f: {  	(erf) = vrcp.f32 v2;
	_ =	sdelay $0x8  }
0x420: {  	v4 =	vpop (erf)  }
0x421: {  	v4 =	vmul.f32 v4, v38;
	_ =	sdelay $0x1  }
0x422: {  	v2 =	vadd.f32 v4, v2;
	_ =	sdelay $0x1  }
0x423: {  	v2 =	vmul.f32 $5.000000000e-01, v2;
	_ =	sdelay $0x1  }
0x424: {  	(erf) = vrcp.f32 v2;
	_ =	sdelay $0x8  }
0x425: {  	v4 =	vpop (erf)  }
0x426: {  	v4 =	vmul.f32 v4, v38;
	_ =	sdelay $0x1  }
0x427: {  	v2 =	vadd.f32 v4, v2;
	_ =	sdelay $0x1  }
0x428: {  	v2 =	vmul.f32 $5.000000000e-01, v2;
	_ =	sdelay $0x1  }
0x429: {  	(erf) = vrcp.f32 v2;
	_ =	sdelay $0x8  }
0x42a: {  	v4 =	vpop (erf)  }
0x42b: {  	v4 =	vmul.f32 v4, v38;
	_ =	sdelay $0x1  }
0x42c: {  	v2 =	vadd.f32 v4, v2;
	_ =	sdelay $0x1  }
0x42d: {  	v2 =	vmul.f32 $5.000000000e-01, v2;
	_ =	sdelay $0x1  }
0x42e: {  	(erf) = vrcp.f32 v2;
	_ =	sdelay $0x8  }
0x42f: {  	v4 =	vpop (erf)  }
0x430: {  	v4 =	vmul.f32 v4, v38;
	_ =	sdelay $0x1  }
0x431: {  	v2 =	vadd.f32 v4, v2;
	_ =	sdelay $0x1  }
0x432: {  	v2 =	vmul.f32 $5.000000000e-01, v2;
	_ =	sdelay $0x1  }
0x433: {  	(erf) = vrcp.f32 v2;
	_ =	sdelay $0x8  }
0x434: {  	v4 =	vpop (erf)  }
0x435: {  	v4 =	vmul.f32 v4, v38;
	_ =	sdelay $0x1  }
0x436: {  	v2 =	vadd.f32 v4, v2;
	_ =	sdelay $0x1  }
0x437: {  	v2 =	vmul.f32 $5.000000000e-01, v2;
	_ =	sdelay $0x1  }
0x438: {  	(erf) = vrcp.f32 v2;
	_ =	sdelay $0x8  }
0x439: {  	v4 =	vpop (erf)  }
0x43a: {  	v4 =	vmul.f32 v4, v38;
	_ =	sdelay $0x1  }
0x43b: {  	v2 =	vadd.f32 v4, v2;
	_ =	sdelay $0x1  }
0x43c: {  	v2 =	vmul.f32 $5.000000000e-01, v2;
	_ =	sdelay $0x1  }
0x43d: {  	(erf) = vrcp.f32 v2;
	_ =	sdelay $0x8  }
0x43e: {  	v4 =	vpop (erf)  }
0x43f: {  	v4 =	vmul.f32 v4, v38;
	_ =	sdelay $0x1  }
0x440: {  	v2 =	vadd.f32 v4, v2;
	_ =	sdelay $0x1  }
0x441: {  	v2 =	vmul.f32 $5.000000000e-01, v2;
	_ =	sdelay $0x1  }
0x442: {  	(erf) = vrcp.f32 v2;
	_ =	sdelay $0x8  }
0x443: {  	v4 =	vpop (erf)  }
0x444: {  	v4 =	vmul.f32 v4, v38;
	_ =	sdelay $0x1  }
0x445: {  	v2 =	vadd.f32 v4, v2;
	_ =	sdelay $0x1  }
0x446: {  	v2 =	vmul.f32 $5.000000000e-01, v2;
	_ =	sdelay $0x1  }
0x447: {  	(erf) = vrcp.f32 v2;
	_ =	sdelay $0x8  }
0x448: {  	v4 =	vpop (erf)  }
0x449: {  	v4 =	vmul.f32 v4, v38;
	_ =	sdelay $0x1  }
0x44a: {  	v2 =	vadd.f32 v4, v2;
	_ =	sdelay $0x1  }
0x44b: {  	v2 =	vmul.f32 $5.000000000e-01, v2;
	_ =	sdelay $0x1  }
0x44c: {  	(erf) = vrcp.f32 v2;
	_ =	sdelay $0x8  }
0x44d: {  	v4 =	vpop (erf)  }
0x44e: {  	v4 =	vmul.f32 v4, v38;
	_ =	sdelay $0x1  }
0x44f: {  	v2 =	vadd.f32 v4, v2;
	_ =	sdelay $0x1  }
0x450: {  	v2 =	vmul.f32 $5.000000000e-01, v2;
	_ =	sdelay $0x1  }
0x451: {  	(erf) = vrcp.f32 v2;
	_ =	sdelay $0x8  }
0x452: {  	v4 =	vpop (erf)  }
0x453: {  	v4 =	vmul.f32 v4, v38;
	_ =	sdelay $0x1  }
0x454: {  	v2 =	vadd.f32 v4, v2;
	_ =	sdelay $0x1  }
0x455: {  	v2 =	vmul.f32 $5.000000000e-01, v2;
	_ =	sdelay $0x1  }
0x456: {  	(erf) = vrcp.f32 v2;
	_ =	sdelay $0x8  }
0x457: {  	v4 =	vpop (erf)  }
0x458: {  	v4 =	vmul.f32 v4, v38;
	_ =	sdelay $0x1  }
0x459: {  	v2 =	vadd.f32 v4, v2;
	_ =	sdelay $0x1  }
0x45a: {  	v2 =	vmul.f32 $5.000000000e-01, v2;
	_ =	sdelay $0x1  }
0x45b: {  	(erf) = vrcp.f32 v2;
	_ =	sdelay $0x5  }
0x45c: {  	v4 =	vsub.f32 v51, v10;
	_ =	sdelay $0x1  }
0x45d: {  	v4 =	vsub.f32 v4, v62  }
0x45e: {  	v27 =	vpop (erf)  }
0x45f: {  	v4 =	vsub.f32 v4, v63;
	v10 =	vmul.f32 v27, v38;
	_ =	sdelay $0x1  }
0x460: {  	v4 =	vmax.f32 v18, v4;
	v2 =	vadd.f32 v10, v2  }
0x461: {  	v4 =	vsel vm15, v18, v4  }
0x462: {  	v55 =	vld [tilespmem:$0x1FC70];
	v10 =	vmul.f32 $5.000000000e-01, v2;
	v2 =	vperm.xlane v4, v3;
	_ =	sdelay $0x1  }
0x463: {  	v2 =	vmax.f32 v4, v2;
	v4 =	vld [tilespmem:$0x1FC60];
	_ =	sdelay $0x1  }
0x464: {  	v63 =	vld [tilespmem:$0x1FC80]  }
0x465: {  	v18 =	vmul.f32 v55, v55;
	_ =	sdelay $0x1  }
0x466: {  	v18 =	vmul.f32 v18, v24;
	v4 =	vmul.f32 v4, v4  }
0x467: {  	(erf) = vrcp.f32 v10;
	v62 =	vperm.xlane v2, v33  }
0x468: {  	v25 =	vmul.f32 v63, v63;
	v4 =	vmul.f32 v4, v23  }
0x469: {  	v2 =	vmax.f32 v2, v62  }
0x46a: {  	v62 =	vmul.f32 v25, v22;
	v55 =	vperm.xlane v2, v34;
	v4 =	vadd.f32 v18, v4;
	_ =	sdelay $0x1  }
0x46b: {  	v2 =	vmax.f32 v2, v55;
	v4 =	vadd.f32 v62, v4  }
0x46c: {  	v63 =	vperm.xlane v2, v35;
	_ =	sdelay $0x1  }
0x46d: {  	v2 =	vmax.f32 v2, v63  }
0x46e: {  	v2 =	vadd.f32 v2, v4;
	v4 =	vpop (erf)  }
0x46f: {  	v4 =	vmul.f32 v4, v38  }
0x470: {  	vm15 =	vgt.f32 v2, $0.0e+00  }
0x471: {  	v25 =	vnsel vm15, $0x3F800000, v2;
	v4 =	vadd.f32 v4, v10  }
0x472: {  	v18 =	vadd.f32 $1.000000000e+00, v25  }
0x473: {  	v27 =	vmul.f32 $5.000000000e-01, v4  }
0x474: {  	v4 =	vmul.f32 $5.000000000e-01, v18  }
0x475: {  	(erf) = vrcp.f32 v27  }
0x476: {  	(erf) = vrcp.f32 v4;
	_ =	sdelay $0x7  }
0x477: {  	v62 =	vpop (erf)  }
0x478: {  	v55 =	vpop (erf)  }
0x479: {  	v10 =	vmul.f32 v55, v25;
	_ =	sdelay $0x1  }
0x47a: {  	v4 =	vadd.f32 v10, v4;
	_ =	sdelay $0x1  }
0x47b: {  	v4 =	vmul.f32 $5.000000000e-01, v4;
	_ =	sdelay $0x1  }
0x47c: {  	(erf) = vrcp.f32 v4;
	_ =	sdelay $0x8  }
0x47d: {  	v63 =	vpop (erf)  }
0x47e: {  	v10 =	vmul.f32 v63, v25;
	_ =	sdelay $0x1  }
0x47f: {  	v4 =	vadd.f32 v10, v4;
	_ =	sdelay $0x1  }
0x480: {  	v4 =	vmul.f32 $5.000000000e-01, v4;
	_ =	sdelay $0x1  }
0x481: {  	(erf) = vrcp.f32 v4;
	_ =	sdelay $0x8  }
0x482: {  	v18 =	vpop (erf)  }
0x483: {  	v10 =	vmul.f32 v18, v25;
	_ =	sdelay $0x1  }
0x484: {  	v4 =	vadd.f32 v10, v4;
	_ =	sdelay $0x1  }
0x485: {  	v4 =	vmul.f32 $5.000000000e-01, v4;
	_ =	sdelay $0x1  }
0x486: {  	(erf) = vrcp.f32 v4;
	_ =	sdelay $0x8  }
0x487: {  	v55 =	vpop (erf)  }
0x488: {  	v10 =	vmul.f32 v55, v25;
	_ =	sdelay $0x1  }
0x489: {  	v4 =	vadd.f32 v10, v4;
	_ =	sdelay $0x1  }
0x48a: {  	v4 =	vmul.f32 $5.000000000e-01, v4;
	_ =	sdelay $0x1  }
0x48b: {  	(erf) = vrcp.f32 v4;
	_ =	sdelay $0x8  }
0x48c: {  	v63 =	vpop (erf)  }
0x48d: {  	v10 =	vmul.f32 v63, v25;
	_ =	sdelay $0x1  }
0x48e: {  	v4 =	vadd.f32 v10, v4;
	_ =	sdelay $0x1  }
0x48f: {  	v4 =	vmul.f32 $5.000000000e-01, v4;
	_ =	sdelay $0x1  }
0x490: {  	(erf) = vrcp.f32 v4;
	_ =	sdelay $0x8  }
0x491: {  	v18 =	vpop (erf)  }
0x492: {  	v10 =	vmul.f32 v18, v25;
	_ =	sdelay $0x1  }
0x493: {  	v4 =	vadd.f32 v10, v4;
	_ =	sdelay $0x1  }
0x494: {  	v4 =	vmul.f32 $5.000000000e-01, v4;
	_ =	sdelay $0x1  }
0x495: {  	(erf) = vrcp.f32 v4;
	_ =	sdelay $0x8  }
0x496: {  	v55 =	vpop (erf)  }
0x497: {  	v10 =	vmul.f32 v55, v25;
	_ =	sdelay $0x1  }
0x498: {  	v4 =	vadd.f32 v10, v4;
	_ =	sdelay $0x1  }
0x499: {  	v4 =	vmul.f32 $5.000000000e-01, v4;
	_ =	sdelay $0x1  }
0x49a: {  	(erf) = vrcp.f32 v4;
	_ =	sdelay $0x8  }
0x49b: {  	v63 =	vpop (erf)  }
0x49c: {  	v10 =	vmul.f32 v63, v25;
	_ =	sdelay $0x1  }
0x49d: {  	v4 =	vadd.f32 v10, v4;
	_ =	sdelay $0x1  }
0x49e: {  	v4 =	vmul.f32 $5.000000000e-01, v4;
	_ =	sdelay $0x1  }
0x49f: {  	(erf) = vrcp.f32 v4;
	_ =	sdelay $0x8  }
0x4a0: {  	v18 =	vpop (erf)  }
0x4a1: {  	v10 =	vmul.f32 v18, v25;
	_ =	sdelay $0x1  }
0x4a2: {  	v4 =	vadd.f32 v10, v4;
	_ =	sdelay $0x1  }
0x4a3: {  	v4 =	vmul.f32 $5.000000000e-01, v4;
	_ =	sdelay $0x1  }
0x4a4: {  	(erf) = vrcp.f32 v4;
	_ =	sdelay $0x8  }
0x4a5: {  	v55 =	vpop (erf)  }
0x4a6: {  	v10 =	vmul.f32 v55, v25;
	_ =	sdelay $0x1  }
0x4a7: {  	v4 =	vadd.f32 v10, v4;
	_ =	sdelay $0x1  }
0x4a8: {  	v4 =	vmul.f32 $5.000000000e-01, v4;
	_ =	sdelay $0x1  }
0x4a9: {  	(erf) = vrcp.f32 v4;
	_ =	sdelay $0x8  }
0x4aa: {  	v63 =	vpop (erf)  }
0x4ab: {  	v10 =	vmul.f32 v63, v25;
	_ =	sdelay $0x1  }
0x4ac: {  	v4 =	vadd.f32 v10, v4;
	_ =	sdelay $0x1  }
0x4ad: {  	v4 =	vmul.f32 $5.000000000e-01, v4;
	_ =	sdelay $0x1  }
0x4ae: {  	(erf) = vrcp.f32 v4;
	_ =	sdelay $0x8  }
0x4af: {  	v18 =	vpop (erf)  }
0x4b0: {  	v10 =	vmul.f32 v18, v25;
	_ =	sdelay $0x1  }
0x4b1: {  	v4 =	vadd.f32 v10, v4;
	_ =	sdelay $0x1  }
0x4b2: {  	v4 =	vmul.f32 $5.000000000e-01, v4;
	_ =	sdelay $0x1  }
0x4b3: {  	(erf) = vrcp.f32 v4;
	_ =	sdelay $0x8  }
0x4b4: {  	v55 =	vpop (erf)  }
0x4b5: {  	v10 =	vmul.f32 v55, v25;
	_ =	sdelay $0x1  }
0x4b6: {  	v4 =	vadd.f32 v10, v4;
	_ =	sdelay $0x1  }
0x4b7: {  	v4 =	vmul.f32 $5.000000000e-01, v4;
	_ =	sdelay $0x1  }
0x4b8: {  	(erf) = vrcp.f32 v4;
	_ =	sdelay $0x8  }
0x4b9: {  	v63 =	vpop (erf)  }
0x4ba: {  	v10 =	vmul.f32 v63, v25;
	_ =	sdelay $0x1  }
0x4bb: {  	v4 =	vadd.f32 v10, v4;
	_ =	sdelay $0x1  }
0x4bc: {  	v4 =	vmul.f32 $5.000000000e-01, v4;
	_ =	sdelay $0x1  }
0x4bd: {  	(erf) = vrcp.f32 v4;
	_ =	sdelay $0x8  }
0x4be: {  	v18 =	vpop (erf)  }
0x4bf: {  	v10 =	vmul.f32 v18, v25;
	_ =	sdelay $0x1  }
0x4c0: {  	v4 =	vadd.f32 v10, v4;
	_ =	sdelay $0x1  }
0x4c1: {  	v4 =	vmul.f32 $5.000000000e-01, v4;
	_ =	sdelay $0x1  }
0x4c2: {  	(erf) = vrcp.f32 v4;
	_ =	sdelay $0x8  }
0x4c3: {  	v55 =	vpop (erf)  }
0x4c4: {  	v10 =	vmul.f32 v55, v25;
	_ =	sdelay $0x1  }
0x4c5: {  	v4 =	vadd.f32 v10, v4;
	_ =	sdelay $0x1  }
0x4c6: {  	v4 =	vmul.f32 $5.000000000e-01, v4;
	_ =	sdelay $0x1  }
0x4c7: {  	(erf) = vrcp.f32 v4;
	_ =	sdelay $0x8  }
0x4c8: {  	v63 =	vpop (erf)  }
0x4c9: {  	v10 =	vmul.f32 v63, v25;
	_ =	sdelay $0x1  }
0x4ca: {  	v4 =	vadd.f32 v10, v4;
	_ =	sdelay $0x1  }
0x4cb: {  	v4 =	vmul.f32 $5.000000000e-01, v4;
	_ =	sdelay $0x1  }
0x4cc: {  	(erf) = vrcp.f32 v4;
	_ =	sdelay $0x3  }
0x4cd: {  	v18 =	vsub.f32 v51, v11;
	_ =	sdelay $0x1  }
0x4ce: {  	v10 =	vsub.f32 v18, v59;
	_ =	sdelay $0x1  }
0x4cf: {  	v10 =	vsub.f32 v10, v44  }
0x4d0: {  	v44 =	vpop (erf)  }
0x4d1: {  	v10 =	vmax.f32 v1, v10;
	v11 =	vmul.f32 v44, v25  }
0x4d2: {  	v55 =	vld [tilespmem:$0x1FC90];
	v1 =	vsel vm14, v1, v10  }
0x4d3: {  	v59 =	vld [tilespmem:$0x1FCA0];
	v10 =	vperm.xlane v1, v3;
	v4 =	vadd.f32 v11, v4;
	_ =	sdelay $0x1  }
0x4d4: {  	v1 =	vmax.f32 v1, v10;
	v44 =	vld [tilespmem:$0x1FCB0];
	v4 =	vmul.f32 $5.000000000e-01, v4  }
0x4d5: {  	v63 =	vperm.xlane v1, v33  }
0x4d6: {  	v10 =	vmul.f32 v55, v55;
	(erf) = vrcp.f32 v4  }
0x4d7: {  	v1 =	vmax.f32 v1, v63;
	v11 =	vmul.f32 v59, v59  }
0x4d8: {  	v10 =	vmul.f32 v10, v23;
	v55 =	vperm.xlane v1, v34  }
0x4d9: {  	v11 =	vmul.f32 v11, v24;
	v18 =	vmul.f32 v44, v44;
	_ =	sdelay $0x1  }
0x4da: {  	v1 =	vmax.f32 v1, v55;
	v10 =	vadd.f32 v11, v10;
	v59 =	vmul.f32 v18, v22  }
0x4db: {  	v63 =	vperm.xlane v1, v35  }
0x4dc: {  	v10 =	vadd.f32 v59, v10  }
0x4dd: {  	v1 =	vmax.f32 v1, v63  }
0x4de: {  	v1 =	vadd.f32 v1, v10;
	v44 =	vpop (erf)  }
0x4df: {  	v10 =	vmul.f32 v44, v25  }
0x4e0: {  	vm14 =	vgt.f32 v1, $0.0e+00  }
0x4e1: {  	v10 =	vadd.f32 v10, v4;
	v4 =	vnsel vm14, $0x3F800000, v1  }
0x4e2: {  	v55 =	vadd.f32 $1.000000000e+00, v4  }
0x4e3: {  	v10 =	vmul.f32 $5.000000000e-01, v10  }
0x4e4: {  	v59 =	vmul.f32 $5.000000000e-01, v55  }
0x4e5: {  	(erf) = vrcp.f32 v10  }
0x4e6: {  	(erf) = vrcp.f32 v59;
	_ =	sdelay $0x7  }
0x4e7: {  	v11 =	vpop (erf)  }
0x4e8: {  	v63 =	vpop (erf)  }
0x4e9: {  	v44 =	vmul.f32 v63, v4;
	_ =	sdelay $0x1  }
0x4ea: {  	v18 =	vadd.f32 v44, v59;
	_ =	sdelay $0x1  }
0x4eb: {  	v18 =	vmul.f32 $5.000000000e-01, v18;
	_ =	sdelay $0x1  }
0x4ec: {  	(erf) = vrcp.f32 v18;
	_ =	sdelay $0x8  }
0x4ed: {  	v55 =	vpop (erf)  }
0x4ee: {  	v44 =	vmul.f32 v55, v4;
	_ =	sdelay $0x1  }
0x4ef: {  	v18 =	vadd.f32 v44, v18;
	_ =	sdelay $0x1  }
0x4f0: {  	v18 =	vmul.f32 $5.000000000e-01, v18;
	_ =	sdelay $0x1  }
0x4f1: {  	(erf) = vrcp.f32 v18;
	_ =	sdelay $0x8  }
0x4f2: {  	v59 =	vpop (erf)  }
0x4f3: {  	v44 =	vmul.f32 v59, v4;
	_ =	sdelay $0x1  }
0x4f4: {  	v18 =	vadd.f32 v44, v18;
	_ =	sdelay $0x1  }
0x4f5: {  	v18 =	vmul.f32 $5.000000000e-01, v18;
	_ =	sdelay $0x1  }
0x4f6: {  	(erf) = vrcp.f32 v18;
	_ =	sdelay $0x8  }
0x4f7: {  	v63 =	vpop (erf)  }
0x4f8: {  	v44 =	vmul.f32 v63, v4;
	_ =	sdelay $0x1  }
0x4f9: {  	v18 =	vadd.f32 v44, v18;
	_ =	sdelay $0x1  }
0x4fa: {  	v18 =	vmul.f32 $5.000000000e-01, v18;
	_ =	sdelay $0x1  }
0x4fb: {  	(erf) = vrcp.f32 v18;
	_ =	sdelay $0x8  }
0x4fc: {  	v55 =	vpop (erf)  }
0x4fd: {  	v44 =	vmul.f32 v55, v4;
	_ =	sdelay $0x1  }
0x4fe: {  	v18 =	vadd.f32 v44, v18;
	_ =	sdelay $0x1  }
0x4ff: {  	v18 =	vmul.f32 $5.000000000e-01, v18;
	_ =	sdelay $0x1  }
0x500: {  	(erf) = vrcp.f32 v18;
	_ =	sdelay $0x8  }
0x501: {  	v59 =	vpop (erf)  }
0x502: {  	v44 =	vmul.f32 v59, v4;
	_ =	sdelay $0x1  }
0x503: {  	v18 =	vadd.f32 v44, v18;
	_ =	sdelay $0x1  }
0x504: {  	v18 =	vmul.f32 $5.000000000e-01, v18;
	_ =	sdelay $0x1  }
0x505: {  	(erf) = vrcp.f32 v18;
	_ =	sdelay $0x8  }
0x506: {  	v63 =	vpop (erf)  }
0x507: {  	v44 =	vmul.f32 v63, v4;
	_ =	sdelay $0x1  }
0x508: {  	v18 =	vadd.f32 v44, v18;
	_ =	sdelay $0x1  }
0x509: {  	v18 =	vmul.f32 $5.000000000e-01, v18;
	_ =	sdelay $0x1  }
0x50a: {  	(erf) = vrcp.f32 v18;
	_ =	sdelay $0x8  }
0x50b: {  	v55 =	vpop (erf)  }
0x50c: {  	v44 =	vmul.f32 v55, v4;
	_ =	sdelay $0x1  }
0x50d: {  	v18 =	vadd.f32 v44, v18;
	_ =	sdelay $0x1  }
0x50e: {  	v18 =	vmul.f32 $5.000000000e-01, v18;
	_ =	sdelay $0x1  }
0x50f: {  	(erf) = vrcp.f32 v18;
	_ =	sdelay $0x8  }
0x510: {  	v59 =	vpop (erf)  }
0x511: {  	v44 =	vmul.f32 v59, v4;
	_ =	sdelay $0x1  }
0x512: {  	v18 =	vadd.f32 v44, v18;
	_ =	sdelay $0x1  }
0x513: {  	v18 =	vmul.f32 $5.000000000e-01, v18;
	_ =	sdelay $0x1  }
0x514: {  	(erf) = vrcp.f32 v18;
	_ =	sdelay $0x8  }
0x515: {  	v63 =	vpop (erf)  }
0x516: {  	v44 =	vmul.f32 v63, v4;
	_ =	sdelay $0x1  }
0x517: {  	v18 =	vadd.f32 v44, v18;
	_ =	sdelay $0x1  }
0x518: {  	v18 =	vmul.f32 $5.000000000e-01, v18;
	_ =	sdelay $0x1  }
0x519: {  	(erf) = vrcp.f32 v18;
	_ =	sdelay $0x8  }
0x51a: {  	v55 =	vpop (erf)  }
0x51b: {  	v44 =	vmul.f32 v55, v4;
	_ =	sdelay $0x1  }
0x51c: {  	v18 =	vadd.f32 v44, v18;
	_ =	sdelay $0x1  }
0x51d: {  	v18 =	vmul.f32 $5.000000000e-01, v18;
	_ =	sdelay $0x1  }
0x51e: {  	(erf) = vrcp.f32 v18;
	_ =	sdelay $0x8  }
0x51f: {  	v59 =	vpop (erf)  }
0x520: {  	v44 =	vmul.f32 v59, v4;
	_ =	sdelay $0x1  }
0x521: {  	v18 =	vadd.f32 v44, v18;
	_ =	sdelay $0x1  }
0x522: {  	v18 =	vmul.f32 $5.000000000e-01, v18;
	_ =	sdelay $0x1  }
0x523: {  	(erf) = vrcp.f32 v18;
	_ =	sdelay $0x8  }
0x524: {  	v63 =	vpop (erf)  }
0x525: {  	v44 =	vmul.f32 v63, v4;
	_ =	sdelay $0x1  }
0x526: {  	v18 =	vadd.f32 v44, v18;
	_ =	sdelay $0x1  }
0x527: {  	v18 =	vmul.f32 $5.000000000e-01, v18;
	_ =	sdelay $0x1  }
0x528: {  	(erf) = vrcp.f32 v18;
	_ =	sdelay $0x8  }
0x529: {  	v55 =	vpop (erf)  }
0x52a: {  	v44 =	vmul.f32 v55, v4;
	_ =	sdelay $0x1  }
0x52b: {  	v18 =	vadd.f32 v44, v18;
	_ =	sdelay $0x1  }
0x52c: {  	v18 =	vmul.f32 $5.000000000e-01, v18;
	_ =	sdelay $0x1  }
0x52d: {  	(erf) = vrcp.f32 v18;
	_ =	sdelay $0x8  }
0x52e: {  	v59 =	vpop (erf)  }
0x52f: {  	v44 =	vmul.f32 v59, v4;
	_ =	sdelay $0x1  }
0x530: {  	v18 =	vadd.f32 v44, v18;
	_ =	sdelay $0x1  }
0x531: {  	v18 =	vmul.f32 $5.000000000e-01, v18;
	_ =	sdelay $0x1  }
0x532: {  	(erf) = vrcp.f32 v18;
	_ =	sdelay $0x8  }
0x533: {  	v63 =	vpop (erf)  }
0x534: {  	v44 =	vmul.f32 v63, v4;
	_ =	sdelay $0x1  }
0x535: {  	v18 =	vadd.f32 v44, v18;
	_ =	sdelay $0x1  }
0x536: {  	v18 =	vmul.f32 $5.000000000e-01, v18;
	_ =	sdelay $0x1  }
0x537: {  	(erf) = vrcp.f32 v18;
	_ =	sdelay $0x8  }
0x538: {  	v55 =	vpop (erf)  }
0x539: {  	v44 =	vmul.f32 v55, v4;
	_ =	sdelay $0x1  }
0x53a: {  	v18 =	vadd.f32 v44, v18;
	_ =	sdelay $0x1  }
0x53b: {  	v18 =	vmul.f32 $5.000000000e-01, v18;
	_ =	sdelay $0x1  }
0x53c: {  	(erf) = vrcp.f32 v18;
	_ =	sdelay $0x3  }
0x53d: {  	v5 =	vsub.f32 v51, v5;
	_ =	sdelay $0x1  }
0x53e: {  	v5 =	vsub.f32 v5, v15;
	_ =	sdelay $0x1  }
0x53f: {  	v5 =	vsub.f32 v5, v13  }
0x540: {  	v59 =	vpop (erf)  }
0x541: {  	v5 =	vmax.f32 v58, v5;
	v13 =	vmul.f32 v59, v4  }
0x542: {  	v5 =	vsel vm11, v58, v5;
	v44 =	vld [tilespmem:$0x1FCD0]  }
0x543: {  	v63 =	vperm.xlane v5, v3;
	v13 =	vadd.f32 v13, v18;
	v18 =	vld [tilespmem:$0x1FCC0]  }
0x544: {  	v58 =	vld [tilespmem:$0x1FCE0]  }
0x545: {  	v5 =	vmax.f32 v5, v63;
	v13 =	vmul.f32 $5.000000000e-01, v13  }
0x546: {  	v55 =	vperm.xlane v5, v33  }
0x547: {  	(erf) = vrcp.f32 v13  }
0x548: {  	v5 =	vmax.f32 v5, v55;
	v15 =	vmul.f32 v18, v18;
	v18 =	vmul.f32 v44, v44  }
0x549: {  	v59 =	vperm.xlane v5, v34;
	v44 =	vmul.f32 v58, v58  }
0x54a: {  	v15 =	vmul.f32 v15, v23;
	v18 =	vmul.f32 v18, v24;
	_ =	sdelay $0x1  }
0x54b: {  	v5 =	vmax.f32 v5, v59;
	v63 =	vmul.f32 v44, v22;
	v15 =	vadd.f32 v18, v15  }
0x54c: {  	v55 =	vperm.xlane v5, v35  }
0x54d: {  	v15 =	vadd.f32 v63, v15  }
0x54e: {  	v5 =	vmax.f32 v5, v55  }
0x54f: {  	v5 =	vadd.f32 v5, v15;
	v58 =	vpop (erf)  }
0x550: {  	v15 =	vmul.f32 v58, v4  }
0x551: {  	vm11 =	vgt.f32 v5, $0.0e+00  }
0x552: {  	v15 =	vadd.f32 v15, v13;
	v13 =	vnsel vm11, $0x3F800000, v5  }
0x553: {  	v59 =	vadd.f32 $1.000000000e+00, v13  }
0x554: {  	v15 =	vmul.f32 $5.000000000e-01, v15  }
0x555: {  	v63 =	vmul.f32 $5.000000000e-01, v59  }
0x556: {  	(erf) = vrcp.f32 v15  }
0x557: {  	(erf) = vrcp.f32 v63;
	_ =	sdelay $0x7  }
0x558: {  	v18 =	vpop (erf)  }
0x559: {  	v58 =	vpop (erf)  }
0x55a: {  	v55 =	vmul.f32 v58, v13;
	_ =	sdelay $0x1  }
0x55b: {  	v44 =	vadd.f32 v55, v63;
	_ =	sdelay $0x1  }
0x55c: {  	v44 =	vmul.f32 $5.000000000e-01, v44;
	_ =	sdelay $0x1  }
0x55d: {  	(erf) = vrcp.f32 v44;
	_ =	sdelay $0x8  }
0x55e: {  	v59 =	vpop (erf)  }
0x55f: {  	v55 =	vmul.f32 v59, v13;
	_ =	sdelay $0x1  }
0x560: {  	v44 =	vadd.f32 v55, v44;
	_ =	sdelay $0x1  }
0x561: {  	v44 =	vmul.f32 $5.000000000e-01, v44;
	_ =	sdelay $0x1  }
0x562: {  	(erf) = vrcp.f32 v44;
	_ =	sdelay $0x8  }
0x563: {  	v63 =	vpop (erf)  }
0x564: {  	v55 =	vmul.f32 v63, v13;
	_ =	sdelay $0x1  }
0x565: {  	v44 =	vadd.f32 v55, v44;
	_ =	sdelay $0x1  }
0x566: {  	v44 =	vmul.f32 $5.000000000e-01, v44;
	_ =	sdelay $0x1  }
0x567: {  	(erf) = vrcp.f32 v44;
	_ =	sdelay $0x8  }
0x568: {  	v58 =	vpop (erf)  }
0x569: {  	v55 =	vmul.f32 v58, v13;
	_ =	sdelay $0x1  }
0x56a: {  	v44 =	vadd.f32 v55, v44;
	_ =	sdelay $0x1  }
0x56b: {  	v44 =	vmul.f32 $5.000000000e-01, v44;
	_ =	sdelay $0x1  }
0x56c: {  	(erf) = vrcp.f32 v44;
	_ =	sdelay $0x8  }
0x56d: {  	v59 =	vpop (erf)  }
0x56e: {  	v55 =	vmul.f32 v59, v13;
	_ =	sdelay $0x1  }
0x56f: {  	v44 =	vadd.f32 v55, v44;
	_ =	sdelay $0x1  }
0x570: {  	v44 =	vmul.f32 $5.000000000e-01, v44;
	_ =	sdelay $0x1  }
0x571: {  	(erf) = vrcp.f32 v44;
	_ =	sdelay $0x8  }
0x572: {  	v63 =	vpop (erf)  }
0x573: {  	v55 =	vmul.f32 v63, v13;
	_ =	sdelay $0x1  }
0x574: {  	v44 =	vadd.f32 v55, v44;
	_ =	sdelay $0x1  }
0x575: {  	v44 =	vmul.f32 $5.000000000e-01, v44;
	_ =	sdelay $0x1  }
0x576: {  	(erf) = vrcp.f32 v44;
	_ =	sdelay $0x8  }
0x577: {  	v58 =	vpop (erf)  }
0x578: {  	v55 =	vmul.f32 v58, v13;
	_ =	sdelay $0x1  }
0x579: {  	v44 =	vadd.f32 v55, v44;
	_ =	sdelay $0x1  }
0x57a: {  	v44 =	vmul.f32 $5.000000000e-01, v44;
	_ =	sdelay $0x1  }
0x57b: {  	(erf) = vrcp.f32 v44;
	_ =	sdelay $0x8  }
0x57c: {  	v59 =	vpop (erf)  }
0x57d: {  	v55 =	vmul.f32 v59, v13;
	_ =	sdelay $0x1  }
0x57e: {  	v44 =	vadd.f32 v55, v44;
	_ =	sdelay $0x1  }
0x57f: {  	v44 =	vmul.f32 $5.000000000e-01, v44;
	_ =	sdelay $0x1  }
0x580: {  	(erf) = vrcp.f32 v44;
	_ =	sdelay $0x8  }
0x581: {  	v63 =	vpop (erf)  }
0x582: {  	v55 =	vmul.f32 v63, v13;
	_ =	sdelay $0x1  }
0x583: {  	v44 =	vadd.f32 v55, v44;
	_ =	sdelay $0x1  }
0x584: {  	v44 =	vmul.f32 $5.000000000e-01, v44;
	_ =	sdelay $0x1  }
0x585: {  	(erf) = vrcp.f32 v44;
	_ =	sdelay $0x8  }
0x586: {  	v58 =	vpop (erf)  }
0x587: {  	v55 =	vmul.f32 v58, v13;
	_ =	sdelay $0x1  }
0x588: {  	v44 =	vadd.f32 v55, v44;
	_ =	sdelay $0x1  }
0x589: {  	v44 =	vmul.f32 $5.000000000e-01, v44;
	_ =	sdelay $0x1  }
0x58a: {  	(erf) = vrcp.f32 v44;
	_ =	sdelay $0x8  }
0x58b: {  	v59 =	vpop (erf)  }
0x58c: {  	v55 =	vmul.f32 v59, v13;
	_ =	sdelay $0x1  }
0x58d: {  	v44 =	vadd.f32 v55, v44;
	_ =	sdelay $0x1  }
0x58e: {  	v44 =	vmul.f32 $5.000000000e-01, v44;
	_ =	sdelay $0x1  }
0x58f: {  	(erf) = vrcp.f32 v44;
	_ =	sdelay $0x8  }
0x590: {  	v63 =	vpop (erf)  }
0x591: {  	v55 =	vmul.f32 v63, v13;
	_ =	sdelay $0x1  }
0x592: {  	v44 =	vadd.f32 v55, v44;
	_ =	sdelay $0x1  }
0x593: {  	v44 =	vmul.f32 $5.000000000e-01, v44;
	_ =	sdelay $0x1  }
0x594: {  	(erf) = vrcp.f32 v44;
	_ =	sdelay $0x8  }
0x595: {  	v58 =	vpop (erf)  }
0x596: {  	v55 =	vmul.f32 v58, v13;
	_ =	sdelay $0x1  }
0x597: {  	v44 =	vadd.f32 v55, v44;
	_ =	sdelay $0x1  }
0x598: {  	v44 =	vmul.f32 $5.000000000e-01, v44;
	_ =	sdelay $0x1  }
0x599: {  	(erf) = vrcp.f32 v44;
	_ =	sdelay $0x8  }
0x59a: {  	v59 =	vpop (erf)  }
0x59b: {  	v55 =	vmul.f32 v59, v13;
	_ =	sdelay $0x1  }
0x59c: {  	v44 =	vadd.f32 v55, v44;
	_ =	sdelay $0x1  }
0x59d: {  	v44 =	vmul.f32 $5.000000000e-01, v44;
	_ =	sdelay $0x1  }
0x59e: {  	(erf) = vrcp.f32 v44;
	_ =	sdelay $0x8  }
0x59f: {  	v63 =	vpop (erf)  }
0x5a0: {  	v55 =	vmul.f32 v63, v13;
	_ =	sdelay $0x1  }
0x5a1: {  	v44 =	vadd.f32 v55, v44;
	_ =	sdelay $0x1  }
0x5a2: {  	v44 =	vmul.f32 $5.000000000e-01, v44;
	_ =	sdelay $0x1  }
0x5a3: {  	(erf) = vrcp.f32 v44;
	_ =	sdelay $0x8  }
0x5a4: {  	v58 =	vpop (erf)  }
0x5a5: {  	v55 =	vmul.f32 v58, v13;
	_ =	sdelay $0x1  }
0x5a6: {  	v44 =	vadd.f32 v55, v44;
	_ =	sdelay $0x1  }
0x5a7: {  	v44 =	vmul.f32 $5.000000000e-01, v44;
	_ =	sdelay $0x1  }
0x5a8: {  	(erf) = vrcp.f32 v44;
	_ =	sdelay $0x8  }
0x5a9: {  	v59 =	vpop (erf)  }
0x5aa: {  	v55 =	vmul.f32 v59, v13;
	_ =	sdelay $0x1  }
0x5ab: {  	v44 =	vadd.f32 v55, v44;
	_ =	sdelay $0x1  }
0x5ac: {  	v44 =	vmul.f32 $5.000000000e-01, v44;
	_ =	sdelay $0x1  }
0x5ad: {  	(erf) = vrcp.f32 v44;
	_ =	sdelay $0x3  }
0x5ae: {  	v49 =	vsub.f32 v51, v49;
	_ =	sdelay $0x1  }
0x5af: {  	v26 =	vmul.f32 v39, v26;
	v29 =	vsub.f32 v49, v29;
	_ =	sdelay $0x1  }
0x5b0: {  	v26 =	vsub.f32 v29, v26  }
0x5b1: {  	v63 =	vpop (erf)  }
0x5b2: {  	v26 =	vmax.f32 v31, v26;
	v29 =	vmul.f32 v63, v13  }
0x5b3: {  	v26 =	vsel vm9, v31, v26;
	v49 =	vld [tilespmem:$0x1FD10]  }
0x5b4: {  	v31 =	vperm.xlane v26, v3;
	v29 =	vadd.f32 v29, v44;
	v44 =	vld [tilespmem:$0x1FCF0]  }
0x5b5: {  	v58 =	vld [tilespmem:$0x1FD20]  }
0x5b6: {  	v26 =	vmax.f32 v26, v31;
	v29 =	vmul.f32 $5.000000000e-01, v29  }
0x5b7: {  	v55 =	vperm.xlane v26, v33  }
0x5b8: {  	(erf) = vrcp.f32 v29  }
0x5b9: {  	v26 =	vmax.f32 v26, v55;
	v31 =	vmul.f32 v44, v44;
	v44 =	vmul.f32 v49, v49  }
0x5ba: {  	v59 =	vperm.xlane v26, v34;
	v49 =	vmul.f32 v58, v58  }
0x5bb: {  	v31 =	vmul.f32 v31, v23;
	v44 =	vmul.f32 v44, v24;
	_ =	sdelay $0x1  }
0x5bc: {  	v26 =	vmax.f32 v26, v59;
	v63 =	vmul.f32 v49, v22;
	v31 =	vadd.f32 v44, v31  }
0x5bd: {  	v55 =	vperm.xlane v26, v35  }
0x5be: {  	v31 =	vadd.f32 v63, v31  }
0x5bf: {  	v26 =	vmax.f32 v26, v55  }
0x5c0: {  	v26 =	vadd.f32 v26, v31;
	v58 =	vpop (erf)  }
0x5c1: {  	v31 =	vmul.f32 v58, v13  }
0x5c2: {  	vm9 =	vgt.f32 v26, $0.0e+00  }
0x5c3: {  	v31 =	vadd.f32 v31, v29;
	v29 =	vnsel vm9, $0x3F800000, v26  }
0x5c4: {  	v59 =	vadd.f32 $1.000000000e+00, v29  }
0x5c5: {  	v31 =	vmul.f32 $5.000000000e-01, v31  }
0x5c6: {  	v63 =	vmul.f32 $5.000000000e-01, v59  }
0x5c7: {  	(erf) = vrcp.f32 v31  }
0x5c8: {  	(erf) = vrcp.f32 v63;
	_ =	sdelay $0x7  }
0x5c9: {  	v44 =	vpop (erf)  }
0x5ca: {  	v58 =	vpop (erf)  }
0x5cb: {  	v55 =	vmul.f32 v58, v29;
	_ =	sdelay $0x1  }
0x5cc: {  	v49 =	vadd.f32 v55, v63;
	_ =	sdelay $0x1  }
0x5cd: {  	v49 =	vmul.f32 $5.000000000e-01, v49;
	_ =	sdelay $0x1  }
0x5ce: {  	(erf) = vrcp.f32 v49;
	_ =	sdelay $0x8  }
0x5cf: {  	v59 =	vpop (erf)  }
0x5d0: {  	v55 =	vmul.f32 v59, v29;
	_ =	sdelay $0x1  }
0x5d1: {  	v49 =	vadd.f32 v55, v49;
	_ =	sdelay $0x1  }
0x5d2: {  	v49 =	vmul.f32 $5.000000000e-01, v49;
	_ =	sdelay $0x1  }
0x5d3: {  	(erf) = vrcp.f32 v49;
	_ =	sdelay $0x8  }
0x5d4: {  	v63 =	vpop (erf)  }
0x5d5: {  	v55 =	vmul.f32 v63, v29;
	_ =	sdelay $0x1  }
0x5d6: {  	v49 =	vadd.f32 v55, v49;
	_ =	sdelay $0x1  }
0x5d7: {  	v49 =	vmul.f32 $5.000000000e-01, v49;
	_ =	sdelay $0x1  }
0x5d8: {  	(erf) = vrcp.f32 v49;
	_ =	sdelay $0x8  }
0x5d9: {  	v58 =	vpop (erf)  }
0x5da: {  	v55 =	vmul.f32 v58, v29;
	_ =	sdelay $0x1  }
0x5db: {  	v49 =	vadd.f32 v55, v49;
	_ =	sdelay $0x1  }
0x5dc: {  	v49 =	vmul.f32 $5.000000000e-01, v49;
	_ =	sdelay $0x1  }
0x5dd: {  	(erf) = vrcp.f32 v49;
	_ =	sdelay $0x8  }
0x5de: {  	v59 =	vpop (erf)  }
0x5df: {  	v55 =	vmul.f32 v59, v29;
	_ =	sdelay $0x1  }
0x5e0: {  	v49 =	vadd.f32 v55, v49;
	_ =	sdelay $0x1  }
0x5e1: {  	v49 =	vmul.f32 $5.000000000e-01, v49;
	_ =	sdelay $0x1  }
0x5e2: {  	(erf) = vrcp.f32 v49;
	_ =	sdelay $0x8  }
0x5e3: {  	v63 =	vpop (erf)  }
0x5e4: {  	v55 =	vmul.f32 v63, v29;
	_ =	sdelay $0x1  }
0x5e5: {  	v49 =	vadd.f32 v55, v49;
	_ =	sdelay $0x1  }
0x5e6: {  	v49 =	vmul.f32 $5.000000000e-01, v49;
	_ =	sdelay $0x1  }
0x5e7: {  	(erf) = vrcp.f32 v49;
	_ =	sdelay $0x8  }
0x5e8: {  	v58 =	vpop (erf)  }
0x5e9: {  	v55 =	vmul.f32 v58, v29;
	_ =	sdelay $0x1  }
0x5ea: {  	v49 =	vadd.f32 v55, v49;
	_ =	sdelay $0x1  }
0x5eb: {  	v49 =	vmul.f32 $5.000000000e-01, v49;
	_ =	sdelay $0x1  }
0x5ec: {  	(erf) = vrcp.f32 v49;
	_ =	sdelay $0x8  }
0x5ed: {  	v59 =	vpop (erf)  }
0x5ee: {  	v55 =	vmul.f32 v59, v29;
	_ =	sdelay $0x1  }
0x5ef: {  	v49 =	vadd.f32 v55, v49;
	_ =	sdelay $0x1  }
0x5f0: {  	v49 =	vmul.f32 $5.000000000e-01, v49;
	_ =	sdelay $0x1  }
0x5f1: {  	(erf) = vrcp.f32 v49;
	_ =	sdelay $0x8  }
0x5f2: {  	v63 =	vpop (erf)  }
0x5f3: {  	v55 =	vmul.f32 v63, v29;
	_ =	sdelay $0x1  }
0x5f4: {  	v49 =	vadd.f32 v55, v49;
	_ =	sdelay $0x1  }
0x5f5: {  	v49 =	vmul.f32 $5.000000000e-01, v49;
	_ =	sdelay $0x1  }
0x5f6: {  	(erf) = vrcp.f32 v49;
	_ =	sdelay $0x8  }
0x5f7: {  	v58 =	vpop (erf)  }
0x5f8: {  	v55 =	vmul.f32 v58, v29;
	_ =	sdelay $0x1  }
0x5f9: {  	v49 =	vadd.f32 v55, v49;
	_ =	sdelay $0x1  }
0x5fa: {  	v49 =	vmul.f32 $5.000000000e-01, v49;
	_ =	sdelay $0x1  }
0x5fb: {  	(erf) = vrcp.f32 v49;
	_ =	sdelay $0x8  }
0x5fc: {  	v59 =	vpop (erf)  }
0x5fd: {  	v55 =	vmul.f32 v59, v29;
	_ =	sdelay $0x1  }
0x5fe: {  	v49 =	vadd.f32 v55, v49;
	_ =	sdelay $0x1  }
0x5ff: {  	v49 =	vmul.f32 $5.000000000e-01, v49;
	_ =	sdelay $0x1  }
0x600: {  	(erf) = vrcp.f32 v49;
	_ =	sdelay $0x8  }
0x601: {  	v63 =	vpop (erf)  }
0x602: {  	v55 =	vmul.f32 v63, v29;
	_ =	sdelay $0x1  }
0x603: {  	v49 =	vadd.f32 v55, v49;
	_ =	sdelay $0x1  }
0x604: {  	v49 =	vmul.f32 $5.000000000e-01, v49;
	_ =	sdelay $0x1  }
0x605: {  	(erf) = vrcp.f32 v49;
	_ =	sdelay $0x8  }
0x606: {  	v58 =	vpop (erf)  }
0x607: {  	v55 =	vmul.f32 v58, v29;
	_ =	sdelay $0x1  }
0x608: {  	v49 =	vadd.f32 v55, v49;
	_ =	sdelay $0x1  }
0x609: {  	v49 =	vmul.f32 $5.000000000e-01, v49;
	_ =	sdelay $0x1  }
0x60a: {  	(erf) = vrcp.f32 v49;
	_ =	sdelay $0x8  }
0x60b: {  	v59 =	vpop (erf)  }
0x60c: {  	v55 =	vmul.f32 v59, v29;
	_ =	sdelay $0x1  }
0x60d: {  	v49 =	vadd.f32 v55, v49;
	_ =	sdelay $0x1  }
0x60e: {  	v49 =	vmul.f32 $5.000000000e-01, v49;
	_ =	sdelay $0x1  }
0x60f: {  	(erf) = vrcp.f32 v49;
	_ =	sdelay $0x8  }
0x610: {  	v63 =	vpop (erf)  }
0x611: {  	v55 =	vmul.f32 v63, v29;
	_ =	sdelay $0x1  }
0x612: {  	v49 =	vadd.f32 v55, v49;
	_ =	sdelay $0x1  }
0x613: {  	v49 =	vmul.f32 $5.000000000e-01, v49;
	_ =	sdelay $0x1  }
0x614: {  	(erf) = vrcp.f32 v49;
	_ =	sdelay $0x8  }
0x615: {  	v58 =	vpop (erf)  }
0x616: {  	v55 =	vmul.f32 v58, v29;
	_ =	sdelay $0x1  }
0x617: {  	v49 =	vadd.f32 v55, v49;
	_ =	sdelay $0x1  }
0x618: {  	v49 =	vmul.f32 $5.000000000e-01, v49;
	_ =	sdelay $0x1  }
0x619: {  	(erf) = vrcp.f32 v49;
	_ =	sdelay $0x8  }
0x61a: {  	v59 =	vpop (erf)  }
0x61b: {  	v55 =	vmul.f32 v59, v29;
	_ =	sdelay $0x1  }
0x61c: {  	v49 =	vadd.f32 v55, v49;
	_ =	sdelay $0x1  }
0x61d: {  	v49 =	vmul.f32 $5.000000000e-01, v49;
	_ =	sdelay $0x1  }
0x61e: {  	(erf) = vrcp.f32 v49;
	_ =	sdelay $0x3  }
0x61f: {  	v17 =	vmul.f32 v45, v17;
	v30 =	vsub.f32 v51, v30;
	_ =	sdelay $0x1  }
0x620: {  	v6 =	vmul.f32 v39, v6;
	v17 =	vsub.f32 v30, v17;
	_ =	sdelay $0x1  }
0x621: {  	v6 =	vsub.f32 v17, v6  }
0x622: {  	v63 =	vpop (erf)  }
0x623: {  	v6 =	vmax.f32 v21, v6;
	v17 =	vmul.f32 v63, v29  }
0x624: {  	v6 =	vsel vm7, v21, v6;
	v30 =	vld [tilespmem:$0x1FD30]  }
0x625: {  	v21 =	vperm.xlane v6, v3;
	v17 =	vadd.f32 v17, v49;
	v49 =	vld [tilespmem:$0x1FD40];
	_ =	sdelay $0x1  }
0x626: {  	v6 =	vmax.f32 v6, v21;
	v58 =	vld [tilespmem:$0x1FD70];
	v17 =	vmul.f32 $5.000000000e-01, v17  }
0x627: {  	v55 =	vperm.xlane v6, v33  }
0x628: {  	v21 =	vmul.f32 v30, v30;
	(erf) = vrcp.f32 v17  }
0x629: {  	v6 =	vmax.f32 v6, v55;
	v30 =	vmul.f32 v49, v49  }
0x62a: {  	v21 =	vmul.f32 v21, v23;
	v59 =	vperm.xlane v6, v34  }
0x62b: {  	v49 =	vmul.f32 v58, v58;
	v30 =	vmul.f32 v30, v24;
	_ =	sdelay $0x1  }
0x62c: {  	v6 =	vmax.f32 v6, v59;
	v63 =	vmul.f32 v49, v22;
	v21 =	vadd.f32 v30, v21  }
0x62d: {  	v55 =	vperm.xlane v6, v35  }
0x62e: {  	v21 =	vadd.f32 v63, v21  }
0x62f: {  	v6 =	vmax.f32 v6, v55  }
0x630: {  	v6 =	vadd.f32 v6, v21;
	v58 =	vpop (erf)  }
0x631: {  	v21 =	vmul.f32 v58, v29  }
0x632: {  	vm7 =	vgt.f32 v6, $0.0e+00  }
0x633: {  	v21 =	vadd.f32 v21, v17;
	v17 =	vnsel vm7, $0x3F800000, v6  }
0x634: {  	v59 =	vadd.f32 $1.000000000e+00, v17  }
0x635: {  	v21 =	vmul.f32 $5.000000000e-01, v21  }
0x636: {  	v63 =	vmul.f32 $5.000000000e-01, v59  }
0x637: {  	(erf) = vrcp.f32 v21  }
0x638: {  	(erf) = vrcp.f32 v63;
	_ =	sdelay $0x7  }
0x639: {  	v30 =	vpop (erf)  }
0x63a: {  	v58 =	vpop (erf)  }
0x63b: {  	v55 =	vmul.f32 v58, v17;
	_ =	sdelay $0x1  }
0x63c: {  	v49 =	vadd.f32 v55, v63;
	_ =	sdelay $0x1  }
0x63d: {  	v49 =	vmul.f32 $5.000000000e-01, v49;
	_ =	sdelay $0x1  }
0x63e: {  	(erf) = vrcp.f32 v49;
	_ =	sdelay $0x8  }
0x63f: {  	v59 =	vpop (erf)  }
0x640: {  	v55 =	vmul.f32 v59, v17;
	_ =	sdelay $0x1  }
0x641: {  	v49 =	vadd.f32 v55, v49;
	_ =	sdelay $0x1  }
0x642: {  	v49 =	vmul.f32 $5.000000000e-01, v49;
	_ =	sdelay $0x1  }
0x643: {  	(erf) = vrcp.f32 v49;
	_ =	sdelay $0x8  }
0x644: {  	v63 =	vpop (erf)  }
0x645: {  	v55 =	vmul.f32 v63, v17;
	_ =	sdelay $0x1  }
0x646: {  	v49 =	vadd.f32 v55, v49;
	_ =	sdelay $0x1  }
0x647: {  	v49 =	vmul.f32 $5.000000000e-01, v49;
	_ =	sdelay $0x1  }
0x648: {  	(erf) = vrcp.f32 v49;
	_ =	sdelay $0x8  }
0x649: {  	v58 =	vpop (erf)  }
0x64a: {  	v55 =	vmul.f32 v58, v17;
	_ =	sdelay $0x1  }
0x64b: {  	v49 =	vadd.f32 v55, v49;
	_ =	sdelay $0x1  }
0x64c: {  	v49 =	vmul.f32 $5.000000000e-01, v49;
	_ =	sdelay $0x1  }
0x64d: {  	(erf) = vrcp.f32 v49;
	_ =	sdelay $0x8  }
0x64e: {  	v59 =	vpop (erf)  }
0x64f: {  	v55 =	vmul.f32 v59, v17;
	_ =	sdelay $0x1  }
0x650: {  	v49 =	vadd.f32 v55, v49;
	_ =	sdelay $0x1  }
0x651: {  	v49 =	vmul.f32 $5.000000000e-01, v49;
	_ =	sdelay $0x1  }
0x652: {  	(erf) = vrcp.f32 v49;
	_ =	sdelay $0x8  }
0x653: {  	v63 =	vpop (erf)  }
0x654: {  	v55 =	vmul.f32 v63, v17;
	_ =	sdelay $0x1  }
0x655: {  	v49 =	vadd.f32 v55, v49;
	_ =	sdelay $0x1  }
0x656: {  	v49 =	vmul.f32 $5.000000000e-01, v49;
	_ =	sdelay $0x1  }
0x657: {  	(erf) = vrcp.f32 v49;
	_ =	sdelay $0x8  }
0x658: {  	v58 =	vpop (erf)  }
0x659: {  	v55 =	vmul.f32 v58, v17;
	_ =	sdelay $0x1  }
0x65a: {  	v49 =	vadd.f32 v55, v49;
	_ =	sdelay $0x1  }
0x65b: {  	v49 =	vmul.f32 $5.000000000e-01, v49;
	_ =	sdelay $0x1  }
0x65c: {  	(erf) = vrcp.f32 v49;
	_ =	sdelay $0x8  }
0x65d: {  	v59 =	vpop (erf)  }
0x65e: {  	v55 =	vmul.f32 v59, v17;
	_ =	sdelay $0x1  }
0x65f: {  	v49 =	vadd.f32 v55, v49;
	_ =	sdelay $0x1  }
0x660: {  	v49 =	vmul.f32 $5.000000000e-01, v49;
	_ =	sdelay $0x1  }
0x661: {  	(erf) = vrcp.f32 v49;
	_ =	sdelay $0x8  }
0x662: {  	v63 =	vpop (erf)  }
0x663: {  	v55 =	vmul.f32 v63, v17;
	_ =	sdelay $0x1  }
0x664: {  	v49 =	vadd.f32 v55, v49;
	_ =	sdelay $0x1  }
0x665: {  	v49 =	vmul.f32 $5.000000000e-01, v49;
	_ =	sdelay $0x1  }
0x666: {  	(erf) = vrcp.f32 v49;
	_ =	sdelay $0x8  }
0x667: {  	v58 =	vpop (erf)  }
0x668: {  	v55 =	vmul.f32 v58, v17;
	_ =	sdelay $0x1  }
0x669: {  	v49 =	vadd.f32 v55, v49;
	_ =	sdelay $0x1  }
0x66a: {  	v49 =	vmul.f32 $5.000000000e-01, v49;
	_ =	sdelay $0x1  }
0x66b: {  	(erf) = vrcp.f32 v49;
	_ =	sdelay $0x8  }
0x66c: {  	v59 =	vpop (erf)  }
0x66d: {  	v55 =	vmul.f32 v59, v17;
	_ =	sdelay $0x1  }
0x66e: {  	v49 =	vadd.f32 v55, v49;
	_ =	sdelay $0x1  }
0x66f: {  	v49 =	vmul.f32 $5.000000000e-01, v49;
	_ =	sdelay $0x1  }
0x670: {  	(erf) = vrcp.f32 v49;
	_ =	sdelay $0x8  }
0x671: {  	v63 =	vpop (erf)  }
0x672: {  	v55 =	vmul.f32 v63, v17;
	_ =	sdelay $0x1  }
0x673: {  	v49 =	vadd.f32 v55, v49;
	_ =	sdelay $0x1  }
0x674: {  	v49 =	vmul.f32 $5.000000000e-01, v49;
	_ =	sdelay $0x1  }
0x675: {  	(erf) = vrcp.f32 v49;
	_ =	sdelay $0x8  }
0x676: {  	v58 =	vpop (erf)  }
0x677: {  	v55 =	vmul.f32 v58, v17;
	_ =	sdelay $0x1  }
0x678: {  	v49 =	vadd.f32 v55, v49;
	_ =	sdelay $0x1  }
0x679: {  	v49 =	vmul.f32 $5.000000000e-01, v49;
	_ =	sdelay $0x1  }
0x67a: {  	(erf) = vrcp.f32 v49;
	_ =	sdelay $0x8  }
0x67b: {  	v59 =	vpop (erf)  }
0x67c: {  	v55 =	vmul.f32 v59, v17;
	_ =	sdelay $0x1  }
0x67d: {  	v49 =	vadd.f32 v55, v49;
	_ =	sdelay $0x1  }
0x67e: {  	v49 =	vmul.f32 $5.000000000e-01, v49;
	_ =	sdelay $0x1  }
0x67f: {  	(erf) = vrcp.f32 v49;
	_ =	sdelay $0x8  }
0x680: {  	v63 =	vpop (erf)  }
0x681: {  	v55 =	vmul.f32 v63, v17;
	_ =	sdelay $0x1  }
0x682: {  	v49 =	vadd.f32 v55, v49;
	_ =	sdelay $0x1  }
0x683: {  	v49 =	vmul.f32 $5.000000000e-01, v49;
	_ =	sdelay $0x1  }
0x684: {  	(erf) = vrcp.f32 v49;
	_ =	sdelay $0x8  }
0x685: {  	v58 =	vpop (erf)  }
0x686: {  	v55 =	vmul.f32 v58, v17;
	_ =	sdelay $0x1  }
0x687: {  	v49 =	vadd.f32 v55, v49;
	_ =	sdelay $0x1  }
0x688: {  	v49 =	vmul.f32 $5.000000000e-01, v49;
	_ =	sdelay $0x1  }
0x689: {  	(erf) = vrcp.f32 v49;
	_ =	sdelay $0x8  }
0x68a: {  	v59 =	vpop (erf)  }
0x68b: {  	v55 =	vmul.f32 v59, v17;
	_ =	sdelay $0x1  }
0x68c: {  	v49 =	vadd.f32 v55, v49;
	_ =	sdelay $0x1  }
0x68d: {  	v49 =	vmul.f32 $5.000000000e-01, v49;
	_ =	sdelay $0x1  }
0x68e: {  	(erf) = vrcp.f32 v49;
	_ =	sdelay $0x3  }
0x68f: {  	v8 =	vmul.f32 v45, v8;
	v19 =	vsub.f32 v51, v19;
	_ =	sdelay $0x1  }
0x690: {  	v7 =	vmul.f32 v39, v7;
	v8 =	vsub.f32 v19, v8;
	_ =	sdelay $0x1  }
0x691: {  	v7 =	vsub.f32 v8, v7  }
0x692: {  	v63 =	vpop (erf)  }
0x693: {  	v7 =	vmax.f32 v12, v7;
	v8 =	vmul.f32 v63, v17  }
0x694: {  	v7 =	vsel vm5, v12, v7;
	v19 =	vld [tilespmem:$0x1FD80]  }
0x695: {  	v12 =	vperm.xlane v7, v3;
	v8 =	vadd.f32 v8, v49;
	v49 =	vld [tilespmem:$0x1FDB0];
	_ =	sdelay $0x1  }
0x696: {  	v7 =	vmax.f32 v7, v12;
	v58 =	vld [tilespmem:$0x1FDC0];
	v8 =	vmul.f32 $5.000000000e-01, v8  }
0x697: {  	v55 =	vperm.xlane v7, v33  }
0x698: {  	v12 =	vmul.f32 v19, v19;
	(erf) = vrcp.f32 v8  }
0x699: {  	v7 =	vmax.f32 v7, v55;
	v19 =	vmul.f32 v49, v49  }
0x69a: {  	v12 =	vmul.f32 v12, v23;
	v59 =	vperm.xlane v7, v34  }
0x69b: {  	v49 =	vmul.f32 v58, v58;
	v19 =	vmul.f32 v19, v24;
	_ =	sdelay $0x1  }
0x69c: {  	v7 =	vmax.f32 v7, v59;
	v63 =	vmul.f32 v49, v22;
	v12 =	vadd.f32 v19, v12  }
0x69d: {  	v55 =	vperm.xlane v7, v35  }
0x69e: {  	v12 =	vadd.f32 v63, v12  }
0x69f: {  	v7 =	vmax.f32 v7, v55  }
0x6a0: {  	v7 =	vadd.f32 v7, v12;
	v58 =	vpop (erf)  }
0x6a1: {  	v12 =	vmul.f32 v58, v17  }
0x6a2: {  	vm5 =	vgt.f32 v7, $0.0e+00  }
0x6a3: {  	v12 =	vadd.f32 v12, v8;
	v8 =	vnsel vm5, $0x3F800000, v7  }
0x6a4: {  	v59 =	vadd.f32 $1.000000000e+00, v8  }
0x6a5: {  	v12 =	vmul.f32 $5.000000000e-01, v12  }
0x6a6: {  	v63 =	vmul.f32 $5.000000000e-01, v59  }
0x6a7: {  	(erf) = vrcp.f32 v12  }
0x6a8: {  	(erf) = vrcp.f32 v63;
	_ =	sdelay $0x7  }
0x6a9: {  	v19 =	vpop (erf)  }
0x6aa: {  	v58 =	vpop (erf)  }
0x6ab: {  	v55 =	vmul.f32 v58, v8;
	_ =	sdelay $0x1  }
0x6ac: {  	v49 =	vadd.f32 v55, v63;
	_ =	sdelay $0x1  }
0x6ad: {  	v49 =	vmul.f32 $5.000000000e-01, v49;
	_ =	sdelay $0x1  }
0x6ae: {  	(erf) = vrcp.f32 v49;
	_ =	sdelay $0x8  }
0x6af: {  	v59 =	vpop (erf)  }
0x6b0: {  	v55 =	vmul.f32 v59, v8;
	_ =	sdelay $0x1  }
0x6b1: {  	v49 =	vadd.f32 v55, v49;
	_ =	sdelay $0x1  }
0x6b2: {  	v49 =	vmul.f32 $5.000000000e-01, v49;
	_ =	sdelay $0x1  }
0x6b3: {  	(erf) = vrcp.f32 v49;
	_ =	sdelay $0x8  }
0x6b4: {  	v63 =	vpop (erf)  }
0x6b5: {  	v55 =	vmul.f32 v63, v8;
	_ =	sdelay $0x1  }
0x6b6: {  	v49 =	vadd.f32 v55, v49;
	_ =	sdelay $0x1  }
0x6b7: {  	v49 =	vmul.f32 $5.000000000e-01, v49;
	_ =	sdelay $0x1  }
0x6b8: {  	(erf) = vrcp.f32 v49;
	_ =	sdelay $0x8  }
0x6b9: {  	v58 =	vpop (erf)  }
0x6ba: {  	v55 =	vmul.f32 v58, v8;
	_ =	sdelay $0x1  }
0x6bb: {  	v49 =	vadd.f32 v55, v49;
	_ =	sdelay $0x1  }
0x6bc: {  	v49 =	vmul.f32 $5.000000000e-01, v49;
	_ =	sdelay $0x1  }
0x6bd: {  	(erf) = vrcp.f32 v49;
	_ =	sdelay $0x8  }
0x6be: {  	v59 =	vpop (erf)  }
0x6bf: {  	v55 =	vmul.f32 v59, v8;
	_ =	sdelay $0x1  }
0x6c0: {  	v49 =	vadd.f32 v55, v49;
	_ =	sdelay $0x1  }
0x6c1: {  	v49 =	vmul.f32 $5.000000000e-01, v49;
	_ =	sdelay $0x1  }
0x6c2: {  	(erf) = vrcp.f32 v49;
	_ =	sdelay $0x8  }
0x6c3: {  	v63 =	vpop (erf)  }
0x6c4: {  	v55 =	vmul.f32 v63, v8;
	_ =	sdelay $0x1  }
0x6c5: {  	v49 =	vadd.f32 v55, v49;
	_ =	sdelay $0x1  }
0x6c6: {  	v49 =	vmul.f32 $5.000000000e-01, v49;
	_ =	sdelay $0x1  }
0x6c7: {  	(erf) = vrcp.f32 v49;
	_ =	sdelay $0x8  }
0x6c8: {  	v58 =	vpop (erf)  }
0x6c9: {  	v55 =	vmul.f32 v58, v8;
	_ =	sdelay $0x1  }
0x6ca: {  	v49 =	vadd.f32 v55, v49;
	_ =	sdelay $0x1  }
0x6cb: {  	v49 =	vmul.f32 $5.000000000e-01, v49;
	_ =	sdelay $0x1  }
0x6cc: {  	(erf) = vrcp.f32 v49;
	_ =	sdelay $0x8  }
0x6cd: {  	v59 =	vpop (erf)  }
0x6ce: {  	v55 =	vmul.f32 v59, v8;
	_ =	sdelay $0x1  }
0x6cf: {  	v49 =	vadd.f32 v55, v49;
	_ =	sdelay $0x1  }
0x6d0: {  	v49 =	vmul.f32 $5.000000000e-01, v49;
	_ =	sdelay $0x1  }
0x6d1: {  	(erf) = vrcp.f32 v49;
	_ =	sdelay $0x8  }
0x6d2: {  	v63 =	vpop (erf)  }
0x6d3: {  	v55 =	vmul.f32 v63, v8;
	_ =	sdelay $0x1  }
0x6d4: {  	v49 =	vadd.f32 v55, v49;
	_ =	sdelay $0x1  }
0x6d5: {  	v49 =	vmul.f32 $5.000000000e-01, v49;
	_ =	sdelay $0x1  }
0x6d6: {  	(erf) = vrcp.f32 v49;
	_ =	sdelay $0x8  }
0x6d7: {  	v58 =	vpop (erf)  }
0x6d8: {  	v55 =	vmul.f32 v58, v8;
	_ =	sdelay $0x1  }
0x6d9: {  	v49 =	vadd.f32 v55, v49;
	_ =	sdelay $0x1  }
0x6da: {  	v49 =	vmul.f32 $5.000000000e-01, v49;
	_ =	sdelay $0x1  }
0x6db: {  	(erf) = vrcp.f32 v49;
	_ =	sdelay $0x8  }
0x6dc: {  	v59 =	vpop (erf)  }
0x6dd: {  	v55 =	vmul.f32 v59, v8;
	_ =	sdelay $0x1  }
0x6de: {  	v49 =	vadd.f32 v55, v49;
	_ =	sdelay $0x1  }
0x6df: {  	v49 =	vmul.f32 $5.000000000e-01, v49;
	_ =	sdelay $0x1  }
0x6e0: {  	(erf) = vrcp.f32 v49;
	_ =	sdelay $0x8  }
0x6e1: {  	v63 =	vpop (erf)  }
0x6e2: {  	v55 =	vmul.f32 v63, v8;
	_ =	sdelay $0x1  }
0x6e3: {  	v49 =	vadd.f32 v55, v49;
	_ =	sdelay $0x1  }
0x6e4: {  	v49 =	vmul.f32 $5.000000000e-01, v49;
	_ =	sdelay $0x1  }
0x6e5: {  	(erf) = vrcp.f32 v49;
	_ =	sdelay $0x8  }
0x6e6: {  	v58 =	vpop (erf)  }
0x6e7: {  	v55 =	vmul.f32 v58, v8;
	_ =	sdelay $0x1  }
0x6e8: {  	v49 =	vadd.f32 v55, v49;
	_ =	sdelay $0x1  }
0x6e9: {  	v49 =	vmul.f32 $5.000000000e-01, v49;
	_ =	sdelay $0x1  }
0x6ea: {  	(erf) = vrcp.f32 v49;
	_ =	sdelay $0x8  }
0x6eb: {  	v59 =	vpop (erf)  }
0x6ec: {  	v55 =	vmul.f32 v59, v8;
	_ =	sdelay $0x1  }
0x6ed: {  	v49 =	vadd.f32 v55, v49;
	_ =	sdelay $0x1  }
0x6ee: {  	v49 =	vmul.f32 $5.000000000e-01, v49;
	_ =	sdelay $0x1  }
0x6ef: {  	(erf) = vrcp.f32 v49;
	_ =	sdelay $0x8  }
0x6f0: {  	v63 =	vpop (erf)  }
0x6f1: {  	v55 =	vmul.f32 v63, v8;
	_ =	sdelay $0x1  }
0x6f2: {  	v49 =	vadd.f32 v55, v49;
	_ =	sdelay $0x1  }
0x6f3: {  	v49 =	vmul.f32 $5.000000000e-01, v49;
	_ =	sdelay $0x1  }
0x6f4: {  	(erf) = vrcp.f32 v49;
	_ =	sdelay $0x8  }
0x6f5: {  	v58 =	vpop (erf)  }
0x6f6: {  	v55 =	vmul.f32 v58, v8;
	_ =	sdelay $0x1  }
0x6f7: {  	v49 =	vadd.f32 v55, v49;
	_ =	sdelay $0x1  }
0x6f8: {  	v49 =	vmul.f32 $5.000000000e-01, v49;
	_ =	sdelay $0x1  }
0x6f9: {  	(erf) = vrcp.f32 v49;
	_ =	sdelay $0x8  }
0x6fa: {  	v59 =	vpop (erf)  }
0x6fb: {  	v55 =	vmul.f32 v59, v8;
	_ =	sdelay $0x1  }
0x6fc: {  	v49 =	vadd.f32 v55, v49;
	_ =	sdelay $0x1  }
0x6fd: {  	v49 =	vmul.f32 $5.000000000e-01, v49  }
0x6fe: {  	v54 =	vmul.f32 v47, v54  }
0x6ff: {  	(erf) = vrcp.f32 v49  }
0x700: {  	v52 =	vmul.f32 v45, v52;
	v54 =	vsub.f32 v51, v54;
	_ =	sdelay $0x1  }
0x701: {  	v53 =	vmul.f32 v39, v53;
	v52 =	vsub.f32 v54, v52;
	_ =	sdelay $0x1  }
0x702: {  	v52 =	vsub.f32 v52, v53;
	_ =	sdelay $0x1  }
0x703: {  	v52 =	vmax.f32 v56, v52  }
0x704: {  	v52 =	vsel vm2, v56, v52  }
0x705: {  	v58 =	vperm.xlane v52, v3;
	v63 =	vpop (erf)  }
0x706: {  	v53 =	vmul.f32 v63, v8  }
0x707: {  	v56 =	vld [tilespmem:$0x1FDE0];
	v59 =	vmax.f32 v52, v58  }
0x708: {  	v58 =	vperm.xlane v59, v33;
	v63 =	vld [tilespmem:$0x1FDD0];
	v49 =	vadd.f32 v53, v49;
	_ =	sdelay $0x1  }
0x709: {  	v54 =	vmul.f32 $5.000000000e-01, v49;
	v49 =	vmax.f32 v59, v58;
	v59 =	vld [tilespmem:$0x1FDF0];
	_ =	sdelay $0x1  }
0x70a: {  	v53 =	vmul.f32 v56, v56;
	(erf) = vrcp.f32 v54  }
0x70b: {  	v52 =	vmul.f32 v63, v63  }
0x70c: {  	v53 =	vmul.f32 v53, v24;
	v63 =	vperm.xlane v49, v34  }
0x70d: {  	v52 =	vmul.f32 v52, v23;
	v55 =	vmul.f32 v59, v59;
	_ =	sdelay $0x1  }
0x70e: {  	v49 =	vmax.f32 v49, v63;
	v52 =	vadd.f32 v53, v52;
	v59 =	vmul.f32 v55, v22  }
0x70f: {  	v63 =	vperm.xlane v49, v35  }
0x710: {  	v52 =	vadd.f32 v59, v52  }
0x711: {  	v49 =	vmax.f32 v49, v63  }
0x712: {  	v49 =	vadd.f32 v49, v52;
	v56 =	vpop (erf)  }
0x713: {  	v52 =	vmul.f32 v56, v8  }
0x714: {  	vm2 =	vgt.f32 v49, $0.0e+00  }
0x715: {  	v58 =	vadd.f32 v52, v54;
	v52 =	vnsel vm2, $0x3F800000, v49  }
0x716: {  	v59 =	vadd.f32 $1.000000000e+00, v52  }
0x717: {  	v53 =	vmul.f32 $5.000000000e-01, v58  }
0x718: {  	v55 =	vmul.f32 $5.000000000e-01, v59  }
0x719: {  	(erf) = vrcp.f32 v53  }
0x71a: {  	(erf) = vrcp.f32 v55;
	_ =	sdelay $0x7  }
0x71b: {  	v54 =	vpop (erf)  }
0x71c: {  	v63 =	vpop (erf)  }
0x71d: {  	v56 =	vmul.f32 v63, v52;
	_ =	sdelay $0x1  }
0x71e: {  	v55 =	vadd.f32 v56, v55;
	_ =	sdelay $0x1  }
0x71f: {  	v55 =	vmul.f32 $5.000000000e-01, v55;
	_ =	sdelay $0x1  }
0x720: {  	(erf) = vrcp.f32 v55;
	_ =	sdelay $0x8  }
0x721: {  	v63 =	vpop (erf)  }
0x722: {  	v56 =	vmul.f32 v63, v52;
	_ =	sdelay $0x1  }
0x723: {  	v55 =	vadd.f32 v56, v55;
	_ =	sdelay $0x1  }
0x724: {  	v55 =	vmul.f32 $5.000000000e-01, v55;
	_ =	sdelay $0x1  }
0x725: {  	(erf) = vrcp.f32 v55;
	_ =	sdelay $0x8  }
0x726: {  	v63 =	vpop (erf)  }
0x727: {  	v56 =	vmul.f32 v63, v52;
	_ =	sdelay $0x1  }
0x728: {  	v55 =	vadd.f32 v56, v55;
	_ =	sdelay $0x1  }
0x729: {  	v55 =	vmul.f32 $5.000000000e-01, v55;
	_ =	sdelay $0x1  }
0x72a: {  	(erf) = vrcp.f32 v55;
	_ =	sdelay $0x8  }
0x72b: {  	v63 =	vpop (erf)  }
0x72c: {  	v56 =	vmul.f32 v63, v52;
	_ =	sdelay $0x1  }
0x72d: {  	v55 =	vadd.f32 v56, v55;
	_ =	sdelay $0x1  }
0x72e: {  	v55 =	vmul.f32 $5.000000000e-01, v55;
	_ =	sdelay $0x1  }
0x72f: {  	(erf) = vrcp.f32 v55;
	_ =	sdelay $0x8  }
0x730: {  	v63 =	vpop (erf)  }
0x731: {  	v56 =	vmul.f32 v63, v52;
	_ =	sdelay $0x1  }
0x732: {  	v55 =	vadd.f32 v56, v55;
	_ =	sdelay $0x1  }
0x733: {  	v55 =	vmul.f32 $5.000000000e-01, v55;
	_ =	sdelay $0x1  }
0x734: {  	(erf) = vrcp.f32 v55;
	_ =	sdelay $0x8  }
0x735: {  	v63 =	vpop (erf)  }
0x736: {  	v56 =	vmul.f32 v63, v52;
	_ =	sdelay $0x1  }
0x737: {  	v55 =	vadd.f32 v56, v55;
	_ =	sdelay $0x1  }
0x738: {  	v55 =	vmul.f32 $5.000000000e-01, v55;
	_ =	sdelay $0x1  }
0x739: {  	(erf) = vrcp.f32 v55;
	_ =	sdelay $0x8  }
0x73a: {  	v63 =	vpop (erf)  }
0x73b: {  	v56 =	vmul.f32 v63, v52;
	_ =	sdelay $0x1  }
0x73c: {  	v55 =	vadd.f32 v56, v55;
	_ =	sdelay $0x1  }
0x73d: {  	v55 =	vmul.f32 $5.000000000e-01, v55;
	_ =	sdelay $0x1  }
0x73e: {  	(erf) = vrcp.f32 v55;
	_ =	sdelay $0x8  }
0x73f: {  	v63 =	vpop (erf)  }
0x740: {  	v56 =	vmul.f32 v63, v52;
	_ =	sdelay $0x1  }
0x741: {  	v55 =	vadd.f32 v56, v55;
	_ =	sdelay $0x1  }
0x742: {  	v55 =	vmul.f32 $5.000000000e-01, v55;
	_ =	sdelay $0x1  }
0x743: {  	(erf) = vrcp.f32 v55;
	_ =	sdelay $0x8  }
0x744: {  	v63 =	vpop (erf)  }
0x745: {  	v56 =	vmul.f32 v63, v52;
	_ =	sdelay $0x1  }
0x746: {  	v55 =	vadd.f32 v56, v55;
	_ =	sdelay $0x1  }
0x747: {  	v55 =	vmul.f32 $5.000000000e-01, v55;
	_ =	sdelay $0x1  }
0x748: {  	(erf) = vrcp.f32 v55;
	_ =	sdelay $0x8  }
0x749: {  	v63 =	vpop (erf)  }
0x74a: {  	v56 =	vmul.f32 v63, v52;
	_ =	sdelay $0x1  }
0x74b: {  	v55 =	vadd.f32 v56, v55;
	_ =	sdelay $0x1  }
0x74c: {  	v55 =	vmul.f32 $5.000000000e-01, v55;
	_ =	sdelay $0x1  }
0x74d: {  	(erf) = vrcp.f32 v55;
	_ =	sdelay $0x8  }
0x74e: {  	v63 =	vpop (erf)  }
0x74f: {  	v56 =	vmul.f32 v63, v52;
	_ =	sdelay $0x1  }
0x750: {  	v55 =	vadd.f32 v56, v55;
	_ =	sdelay $0x1  }
0x751: {  	v55 =	vmul.f32 $5.000000000e-01, v55;
	_ =	sdelay $0x1  }
0x752: {  	(erf) = vrcp.f32 v55;
	_ =	sdelay $0x8  }
0x753: {  	v63 =	vpop (erf)  }
0x754: {  	v56 =	vmul.f32 v63, v52;
	_ =	sdelay $0x1  }
0x755: {  	v55 =	vadd.f32 v56, v55;
	_ =	sdelay $0x1  }
0x756: {  	v55 =	vmul.f32 $5.000000000e-01, v55;
	_ =	sdelay $0x1  }
0x757: {  	(erf) = vrcp.f32 v55;
	_ =	sdelay $0x8  }
0x758: {  	v63 =	vpop (erf)  }
0x759: {  	v56 =	vmul.f32 v63, v52;
	_ =	sdelay $0x1  }
0x75a: {  	v55 =	vadd.f32 v56, v55;
	_ =	sdelay $0x1  }
0x75b: {  	v55 =	vmul.f32 $5.000000000e-01, v55;
	_ =	sdelay $0x1  }
0x75c: {  	(erf) = vrcp.f32 v55;
	_ =	sdelay $0x8  }
0x75d: {  	v63 =	vpop (erf)  }
0x75e: {  	v56 =	vmul.f32 v63, v52;
	_ =	sdelay $0x1  }
0x75f: {  	v55 =	vadd.f32 v56, v55;
	_ =	sdelay $0x1  }
0x760: {  	v55 =	vmul.f32 $5.000000000e-01, v55;
	_ =	sdelay $0x1  }
0x761: {  	(erf) = vrcp.f32 v55;
	_ =	sdelay $0x8  }
0x762: {  	v63 =	vpop (erf)  }
0x763: {  	v56 =	vmul.f32 v63, v52;
	_ =	sdelay $0x1  }
0x764: {  	v55 =	vadd.f32 v56, v55;
	_ =	sdelay $0x1  }
0x765: {  	v55 =	vmul.f32 $5.000000000e-01, v55;
	_ =	sdelay $0x1  }
0x766: {  	(erf) = vrcp.f32 v55;
	_ =	sdelay $0x8  }
0x767: {  	v63 =	vpop (erf)  }
0x768: {  	v56 =	vmul.f32 v63, v52;
	_ =	sdelay $0x1  }
0x769: {  	v55 =	vadd.f32 v56, v55;
	_ =	sdelay $0x1  }
0x76a: {  	v55 =	vmul.f32 $5.000000000e-01, v55;
	_ =	sdelay $0x1  }
0x76b: {  	(erf) = vrcp.f32 v55;
	_ =	sdelay $0x8  }
0x76c: {  	v63 =	vpop (erf)  }
0x76d: {  	v56 =	vmul.f32 v63, v52;
	_ =	sdelay $0x1  }
0x76e: {  	v55 =	vadd.f32 v56, v55;
	_ =	sdelay $0x1  }
0x76f: {  	v55 =	vmul.f32 $5.000000000e-01, v55;
	_ =	sdelay $0x1  }
0x770: {  	(erf) = vrcp.f32 v55;
	_ =	sdelay $0x2  }
0x771: {  	v40 =	vmul.f32 v47, v40;
	_ =	sdelay $0x1  }
0x772: {  	v41 =	vmul.f32 v45, v41;
	v40 =	vsub.f32 v51, v40;
	_ =	sdelay $0x1  }
0x773: {  	v40 =	vsub.f32 v40, v41;
	v58 =	vmul.f32 v39, v42;
	_ =	sdelay $0x1  }
0x774: {  	v39 =	vsub.f32 v40, v58;
	v59 =	vpop (erf)  }
0x775: {  	v47 =	vld [tilespmem:$0x1FE10];
	v40 =	vmul.f32 v59, v52  }
0x776: {  	v39 =	vmax.f32 v43, v39  }
0x777: {  	v45 =	vld [tilespmem:$0x1FE00];
	v39 =	vsel vm0, v43, v39;
	v40 =	vadd.f32 v40, v55  }
0x778: {  	v58 =	vld [tilespmem:$0x1FE20];
	v63 =	vperm.xlane v39, v3  }
0x779: {  	v40 =	vmul.f32 $5.000000000e-01, v40  }
0x77a: {  	v42 =	vmul.f32 v47, v47;
	v39 =	vmax.f32 v39, v63  }
0x77b: {  	v51 =	vperm.xlane v39, v33;
	(erf) = vrcp.f32 v40  }
0x77c: {  	v41 =	vmul.f32 v45, v45  }
0x77d: {  	v56 =	vmul.f32 v42, v24;
	v33 =	vmax.f32 v39, v51;
	v39 =	vmul.f32 v58, v58  }
0x77e: {  	v59 =	vperm.xlane v33, v34;
	v55 =	vmul.f32 v41, v23;
	_ =	sdelay $0x1  }
0x77f: {  	v63 =	vmul.f32 v39, v22;
	v39 =	vmax.f32 v33, v59;
	v23 =	vadd.f32 v56, v55  }
0x780: {  	v33 =	vperm.xlane v39, v35  }
0x781: {  	v22 =	vadd.f32 v63, v23  }
0x782: {  	v41 =	vmax.f32 v39, v33  }
0x783: {  	v22 =	vadd.f32 v41, v22;
	v42 =	vpop (erf)  }
0x784: {  	v23 =	vmul.f32 v42, v52  }
0x785: {  	vm0 =	vgt.f32 v22, $0.0e+00  }
0x786: {  	v24 =	vnsel vm0, $0x3F800000, v22;
	v23 =	vadd.f32 v23, v40  }
0x787: {  	v43 =	vadd.f32 $1.000000000e+00, v24  }
0x788: {  	v23 =	vmul.f32 $5.000000000e-01, v23  }
0x789: {  	v45 =	vmul.f32 $5.000000000e-01, v43  }
0x78a: {  	(erf) = vrcp.f32 v23  }
0x78b: {  	(erf) = vrcp.f32 v45;
	_ =	sdelay $0x7  }
0x78c: {  	v33 =	vpop (erf)  }
0x78d: {  	v47 =	vpop (erf)  }
0x78e: {  	v35 =	vmul.f32 v47, v24;
	_ =	sdelay $0x1  }
0x78f: {  	v34 =	vadd.f32 v35, v45;
	_ =	sdelay $0x1  }
0x790: {  	v34 =	vmul.f32 $5.000000000e-01, v34;
	_ =	sdelay $0x1  }
0x791: {  	(erf) = vrcp.f32 v34;
	_ =	sdelay $0x8  }
0x792: {  	v51 =	vpop (erf)  }
0x793: {  	v35 =	vmul.f32 v51, v24;
	_ =	sdelay $0x1  }
0x794: {  	v34 =	vadd.f32 v35, v34;
	_ =	sdelay $0x1  }
0x795: {  	v34 =	vmul.f32 $5.000000000e-01, v34;
	_ =	sdelay $0x1  }
0x796: {  	(erf) = vrcp.f32 v34;
	_ =	sdelay $0x8  }
0x797: {  	v55 =	vpop (erf)  }
0x798: {  	v35 =	vmul.f32 v55, v24;
	_ =	sdelay $0x1  }
0x799: {  	v34 =	vadd.f32 v35, v34;
	_ =	sdelay $0x1  }
0x79a: {  	v34 =	vmul.f32 $5.000000000e-01, v34;
	_ =	sdelay $0x1  }
0x79b: {  	(erf) = vrcp.f32 v34;
	_ =	sdelay $0x8  }
0x79c: {  	v56 =	vpop (erf)  }
0x79d: {  	v35 =	vmul.f32 v56, v24;
	_ =	sdelay $0x1  }
0x79e: {  	v34 =	vadd.f32 v35, v34;
	_ =	sdelay $0x1  }
0x79f: {  	v34 =	vmul.f32 $5.000000000e-01, v34;
	_ =	sdelay $0x1  }
0x7a0: {  	(erf) = vrcp.f32 v34;
	_ =	sdelay $0x8  }
0x7a1: {  	v58 =	vpop (erf)  }
0x7a2: {  	v35 =	vmul.f32 v58, v24;
	_ =	sdelay $0x1  }
0x7a3: {  	v34 =	vadd.f32 v35, v34;
	_ =	sdelay $0x1  }
0x7a4: {  	v34 =	vmul.f32 $5.000000000e-01, v34;
	_ =	sdelay $0x1  }
0x7a5: {  	(erf) = vrcp.f32 v34;
	_ =	sdelay $0x8  }
0x7a6: {  	v59 =	vpop (erf)  }
0x7a7: {  	v35 =	vmul.f32 v59, v24;
	_ =	sdelay $0x1  }
0x7a8: {  	v34 =	vadd.f32 v35, v34;
	_ =	sdelay $0x1  }
0x7a9: {  	v34 =	vmul.f32 $5.000000000e-01, v34;
	_ =	sdelay $0x1  }
0x7aa: {  	(erf) = vrcp.f32 v34;
	_ =	sdelay $0x8  }
0x7ab: {  	v63 =	vpop (erf)  }
0x7ac: {  	v35 =	vmul.f32 v63, v24;
	_ =	sdelay $0x1  }
0x7ad: {  	v34 =	vadd.f32 v35, v34;
	_ =	sdelay $0x1  }
0x7ae: {  	v34 =	vmul.f32 $5.000000000e-01, v34;
	_ =	sdelay $0x1  }
0x7af: {  	(erf) = vrcp.f32 v34;
	_ =	sdelay $0x8  }
0x7b0: {  	v39 =	vpop (erf)  }
0x7b1: {  	v35 =	vmul.f32 v39, v24;
	_ =	sdelay $0x1  }
0x7b2: {  	v34 =	vadd.f32 v35, v34;
	_ =	sdelay $0x1  }
0x7b3: {  	v34 =	vmul.f32 $5.000000000e-01, v34;
	_ =	sdelay $0x1  }
0x7b4: {  	(erf) = vrcp.f32 v34;
	_ =	sdelay $0x8  }
0x7b5: {  	v40 =	vpop (erf)  }
0x7b6: {  	v35 =	vmul.f32 v40, v24;
	_ =	sdelay $0x1  }
0x7b7: {  	v34 =	vadd.f32 v35, v34;
	_ =	sdelay $0x1  }
0x7b8: {  	v34 =	vmul.f32 $5.000000000e-01, v34;
	_ =	sdelay $0x1  }
0x7b9: {  	(erf) = vrcp.f32 v34;
	_ =	sdelay $0x8  }
0x7ba: {  	v41 =	vpop (erf)  }
0x7bb: {  	v35 =	vmul.f32 v41, v24;
	_ =	sdelay $0x1  }
0x7bc: {  	v34 =	vadd.f32 v35, v34;
	_ =	sdelay $0x1  }
0x7bd: {  	v34 =	vmul.f32 $5.000000000e-01, v34;
	_ =	sdelay $0x1  }
0x7be: {  	(erf) = vrcp.f32 v34;
	_ =	sdelay $0x8  }
0x7bf: {  	v42 =	vpop (erf)  }
0x7c0: {  	v35 =	vmul.f32 v42, v24;
	_ =	sdelay $0x1  }
0x7c1: {  	v34 =	vadd.f32 v35, v34;
	_ =	sdelay $0x1  }
0x7c2: {  	v34 =	vmul.f32 $5.000000000e-01, v34;
	_ =	sdelay $0x1  }
0x7c3: {  	(erf) = vrcp.f32 v34;
	_ =	sdelay $0x8  }
0x7c4: {  	v43 =	vpop (erf)  }
0x7c5: {  	v35 =	vmul.f32 v43, v24;
	_ =	sdelay $0x1  }
0x7c6: {  	v34 =	vadd.f32 v35, v34;
	_ =	sdelay $0x1  }
0x7c7: {  	v34 =	vmul.f32 $5.000000000e-01, v34;
	_ =	sdelay $0x1  }
0x7c8: {  	(erf) = vrcp.f32 v34;
	_ =	sdelay $0x8  }
0x7c9: {  	v45 =	vpop (erf)  }
0x7ca: {  	v35 =	vmul.f32 v45, v24;
	_ =	sdelay $0x1  }
0x7cb: {  	v34 =	vadd.f32 v35, v34;
	_ =	sdelay $0x1  }
0x7cc: {  	v34 =	vmul.f32 $5.000000000e-01, v34;
	_ =	sdelay $0x1  }
0x7cd: {  	(erf) = vrcp.f32 v34;
	_ =	sdelay $0x8  }
0x7ce: {  	v47 =	vpop (erf)  }
0x7cf: {  	v35 =	vmul.f32 v47, v24;
	_ =	sdelay $0x1  }
0x7d0: {  	v34 =	vadd.f32 v35, v34;
	_ =	sdelay $0x1  }
0x7d1: {  	v34 =	vmul.f32 $5.000000000e-01, v34;
	_ =	sdelay $0x1  }
0x7d2: {  	(erf) = vrcp.f32 v34;
	_ =	sdelay $0x8  }
0x7d3: {  	v51 =	vpop (erf)  }
0x7d4: {  	v35 =	vmul.f32 v51, v24;
	_ =	sdelay $0x1  }
0x7d5: {  	v34 =	vadd.f32 v35, v34;
	_ =	sdelay $0x1  }
0x7d6: {  	v34 =	vmul.f32 $5.000000000e-01, v34;
	_ =	sdelay $0x1  }
0x7d7: {  	(erf) = vrcp.f32 v34;
	_ =	sdelay $0x8  }
0x7d8: {  	v55 =	vpop (erf)  }
0x7d9: {  	v35 =	vmul.f32 v55, v24  }
0x7da: {  	v59 =	vld [tilespmem:$0x1FAB0]  }
0x7db: {  	v56 =	vld [tilespmem:$0x1FA90];
	v34 =	vadd.f32 v35, v34  }
0x7dc: {  	v63 =	vld [tilespmem:$0x1FAC0]  }
0x7dd: {  	v43 =	vld [tilespmem:$0x1FB30];
	v34 =	vmul.f32 $5.000000000e-01, v34  }
0x7de: {  	v11 =	vmul.f32 v11, v25;
	v4 =	vmul.f32 v18, v4;
	v58 =	vld [tilespmem:$0x1FAA0]  }
0x7df: {  	v39 =	vmul.f32 v59, v57;
	v57 =	vld [tilespmem:$0x1FB00];
	(erf) = vrcp.f32 v34  }
0x7e0: {  	v10 =	vadd.f32 v11, v10;
	v51 =	vld [tilespmem:$0x1FAE0]  }
0x7e1: {  	v4 =	vadd.f32 v4, v15;
	v39 =	vadd.f32 v39, v63;
	v63 =	vld [tilespmem:$0x1FB20]  }
0x7e2: {  	v10 =	vmul.f32 $5.000000000e-01, v10;
	v28 =	vmul.f32 v43, v28;
	v45 =	vld [tilespmem:$0x1FFB0]  }
0x7e3: {  	v4 =	vmul.f32 $5.000000000e-01, v4;
	v47 =	vld [tilespmem:$0x1FAD0]  }
0x7e4: {  	v10 =	vnsel vm15, $0x0, v10;
	v28 =	vadd.f32 v28, v36;
	v35 =	vmul.f32 v56, v46;
	v46 =	vld [tilespmem:$0x1FFC0]  }
0x7e5: {  	v4 =	vnsel vm14, $0x0, v4;
	v39 =	vmul.f32 $5.000000000e-01, v39;
	v9 =	vmul.f32 v51, v9;
	v51 =	vld [tilespmem:$0x1FB90]  }
0x7e6: {  	vm14 =	vmmov $0x1ff;
	vm15 =	veq.f32 v26, $-Inf;
	v28 =	vmul.f32 $5.000000000e-01, v28;
	v56 =	vld [tilespmem:$0x1FAF0]  }
0x7e7: {  	v8 =	vmul.f32 v54, v8;
	v59 =	vnsel vm3, $0x0, v39;
	v35 =	vadd.f32 v35, v58;
	v58 =	vld [tilespmem:$0x1FB10]  }
0x7e8: {  	vm3 =	veq.f32 v63, $-Inf;
	v42 =	vadd.f32 v9, v57;
	v57 =	vnsel vm8, $0x0, v28;
	v55 =	vpop (erf)  }
0x7e9: {  	v35 =	vmul.f32 $5.000000000e-01, v35;
	v40 =	vadd.f32 v46, v45;
	v45 =	vld [tilespmem:$0x1FB40];
	v41 =	vmul.f32 v55, v24  }
0x7ea: {  	vm8 =	vmmov $0x7;
	v46 =	vmul.f32 $5.000000000e-01, v42;
	v42 =	vmul.f32 $5.000000000e-01, v51  }
0x7eb: {  	v35 =	vnsel vm1, $0x0, v35;
	vm1 =	veq.f32 v47, $-Inf;
	v34 =	vadd.f32 v41, v34  }
0x7ec: {  	v35 =	vsel vm1, $0xFF800000, v35;
	vm1 =	veq.f32 v56, $-Inf;
	v9 =	vmul.f32 v58, v16;
	v56 =	vld [tilespmem:$0x1FB50]  }
0x7ed: {  	v51 =	vimm.s32 $0x9;
	v58 =	vld [tilespmem:$0x1FBE0];
	v16 =	vsel vm1, $0xFF800000, v59;
	v34 =	vmul.f32 $5.000000000e-01, v34  }
0x7ee: {  	vm1 =	veq.f32 v14, $-Inf;
	v39 =	vadd.f32 v9, v45;
	v9 =	vmul.f32 $1.953125000e-03, v40  }
0x7ef: {  	v47 =	vld [tilespmem:$0x1FB70];
	v40 =	vnsel vm4, $0x0, v46;
	vm4 =	vmmov $0x1;
	(erf) = vrcp.f32 v34  }
0x7f0: {  	v59 =	vld [tilespmem:$0x1FC10];
	v40 =	vsel vm3, $0xFF800000, v40;
	v35 =	vmul.f32 v35, v9;
	v16 =	vmul.f32 v16, v9  }
0x7f1: {  	vm3 =	veq.f32 v0, $-Inf;
	v40 =	vmul.f32 v40, v9;
	v39 =	vmul.f32 $5.000000000e-01, v39  }
0x7f2: {  	v14 =	vmul.f32 v56, v20;
	v28 =	vmul.f32 $5.000000000e-01, v58;
	v20 =	vsel vm3, $0xFF800000, v57;
	v55 =	vld [tilespmem:$0x1FBB0]  }
0x7f3: {  	v57 =	vimm.s32 $0xB;
	v20 =	vmul.f32 v20, v9;
	v0 =	vnsel vm6, $0x0, v39  }
0x7f4: {  	v63 =	vld [tilespmem:$0x1FB60];
	v14 =	vadd.f32 v14, v61;
	v0 =	vsel vm1, $0xFF800000, v0;
	v41 =	vmul.f32 $5.000000000e-01, v47  }
0x7f5: {  	v16 =	vadd.f32 v16, v42;
	v39 =	vmul.f32 $5.000000000e-01, v59;
	v0 =	vmul.f32 v0, v9  }
0x7f6: {  	vm6 =	vmmov $0x3;
	v14 =	vmul.f32 $5.000000000e-01, v14;
	v35 =	vadd.f32 v35, v41  }
0x7f7: {  	v20 =	vadd.f32 v20, v39;
	v0 =	vadd.f32 v0, v28;
	v41 =	vld [tilespmem:$0x1FC40];
	v36 =	vmul.f32 $5.000000000e-01, v55  }
0x7f8: {  	v14 =	vnsel vm10, $0x0, v14;
	vm10 =	vmmov $0x1f;
	v16 =	vsel vm4, v35, v16;
	v61 =	vpop (erf)  }
0x7f9: {  	v35 =	vmul.f32 v63, v60;
	v36 =	vadd.f32 v40, v36;
	v28 =	vmul.f32 v61, v24  }
0x7fa: {  	v55 =	vmul.f32 v30, v29;
	vm4 =	vmmov $0xf;
	v40 =	vmul.f32 v62, v38  }
0x7fb: {  	v16 =	vsel vm6, v16, v36;
	v36 =	vadd.f32 v35, v48;
	v39 =	vadd.f32 v28, v34  }
0x7fc: {  	vm6 =	veq.f32 v32, $-Inf;
	v32 =	vmul.f32 $5.000000000e-01, v41;
	v0 =	vsel vm8, v16, v0  }
0x7fd: {  	v27 =	vadd.f32 v40, v27;
	v0 =	vsel vm4, v0, v20;
	v20 =	vmul.f32 $5.000000000e-01, v39  }
0x7fe: {  	v14 =	vsel vm6, $0xFF800000, v14;
	vm8 =	veq.f32 v50, $-Inf;
	vm6 =	veq.f32 v2, $-Inf  }
0x7ff: {  	v48 =	vld [tilespmem:$0x10000];
	v50 =	vimm.s32 $0x8;
	v16 =	vmul.f32 $5.000000000e-01, v36;
	(erf) = vrcp.f32 v20  }
0x800: {  	v14 =	vmul.f32 v14, v9;
	v27 =	vmul.f32 $5.000000000e-01, v27;
	v10 =	vsel vm6, $0xFF800000, v10  }
0x801: {  	vm4 =	vmmov $0x3f;
	v10 =	vmul.f32 v10, v9;
	v16 =	vnsel vm12, $0x0, v16  }
0x802: {  	v42 =	vld [tilespmem:$0x1FC50];
	v14 =	vadd.f32 v14, v32;
	vm12 =	veq.f32 v37, $-Inf;
	v45 =	vnsel vm13, $0x0, v27  }
0x803: {  	v16 =	vsel vm8, $0xFF800000, v16;
	v46 =	vsel vm12, $0xFF800000, v45;
	vm8 =	veq.f32 v1, $-Inf  }
0x804: {  	v47 =	vld [tilespmem:$0x1FD00];
	v1 =	vmul.f32 v44, v13;
	v13 =	vperm.xlane v48, v50;
	vm12 =	veq.f32 v5, $-Inf  }
0x805: {  	v5 =	vimm.s32 $0xA;
	v16 =	vmul.f32 v16, v9;
	v0 =	vsel vm10, v0, v14  }
0x806: {  	v11 =	vmul.f32 v46, v9;
	v14 =	vperm.xlane v48, v51;
	v1 =	vadd.f32 v1, v31  }
0x807: {  	vm13 =	vmmov $0xff;
	v5 =	vperm.xlane v48, v5;
	v28 =	vmul.f32 $5.000000000e-01, v42  }
0x808: {  	v4 =	vsel vm8, $0xFF800000, v4;
	v13 =	vmul.f32 $5.000000000e-01, v13;
	v1 =	vmul.f32 $5.000000000e-01, v1;
	v2 =	vpop (erf)  }
0x809: {  	v43 =	vadd.f32 v16, v28;
	v16 =	vmul.f32 $5.000000000e-01, v47;
	v2 =	vmul.f32 v2, v24  }
0x80a: {  	vm10 =	vmmov $0x7f;
	v4 =	vmul.f32 v4, v9;
	v14 =	vmul.f32 $5.000000000e-01, v14  }
0x80b: {  	v1 =	vnsel vm11, $0x0, v1;
	v11 =	vadd.f32 v11, v16;
	v2 =	vadd.f32 v2, v20  }
0x80c: {  	v10 =	vadd.f32 v10, v13;
	v1 =	vsel vm12, $0xFF800000, v1;
	v0 =	vsel vm4, v0, v43  }
0x80d: {  	v0 =	vsel vm10, v0, v11;
	v11 =	vadd.f32 v55, v21;
	v2 =	vmul.f32 $5.000000000e-01, v2  }
0x80e: {  	v5 =	vmul.f32 $5.000000000e-01, v5;
	v4 =	vadd.f32 v4, v14;
	v1 =	vmul.f32 v1, v9  }
0x80f: {  	v0 =	vsel vm13, v0, v10;
	v56 =	vmul.f32 $5.000000000e-01, v11;
	(erf) = vrcp.f32 v2  }
0x810: {  	v58 =	vmul.f32 v33, v52;
	v0 =	vsel vm14, v0, v4;
	v4 =	vmul.f32 v19, v17  }
0x811: {  	v1 =	vadd.f32 v1, v5;
	v10 =	vperm.xlane v48, v57;
	v5 =	vnsel vm9, $0x0, v56  }
0x812: {  	v60 =	vimm.s32 $0xC;
	v4 =	vadd.f32 v4, v12;
	v5 =	vsel vm15, $0xFF800000, v5  }
0x813: {  	v63 =	vimm.s32 $0xF;
	v10 =	vmul.f32 $5.000000000e-01, v10;
	v5 =	vmul.f32 v5, v9  }
0x814: {  	vm6 =	veq.f32 v6, $-Inf;
	vm4 =	vmmov $0x3ff;
	v4 =	vmul.f32 $5.000000000e-01, v4  }
0x815: {  	v0 =	vsel vm4, v0, v1;
	v1 =	vadd.f32 v5, v10;
	v5 =	vadd.f32 v8, v53  }
0x816: {  	v6 =	vadd.f32 v58, v23;
	v4 =	vnsel vm7, $0x0, v4;
	v8 =	vperm.xlane v48, v60  }
0x817: {  	vm8 =	veq.f32 v7, $-Inf;
	v4 =	vsel vm6, $0xFF800000, v4;
	v5 =	vmul.f32 $5.000000000e-01, v5  }
0x818: {  	vm9 =	vmmov $0x7ff;
	v8 =	vmul.f32 $5.000000000e-01, v8;
	v4 =	vmul.f32 v4, v9;
	v59 =	vpop (erf)  }
0x819: {  	v61 =	vimm.s32 $0xD;
	v0 =	vsel vm9, v0, v1;
	v7 =	vmul.f32 v59, v24  }
0x81a: {  	v5 =	vnsel vm5, $0x0, v5;
	v1 =	vadd.f32 v4, v8;
	v4 =	vmul.f32 $5.000000000e-01, v6  }
0x81b: {  	v5 =	vsel vm8, $0xFF800000, v5;
	v2 =	vadd.f32 v7, v2;
	v7 =	vperm.xlane v48, v61  }
0x81c: {  	v62 =	vimm.s32 $0xE;
	vm10 =	veq.f32 v49, $-Inf;
	v5 =	vmul.f32 v5, v9  }
0x81d: {  	v4 =	vnsel vm2, $0x0, v4;
	v7 =	vmul.f32 $5.000000000e-01, v7;
	v2 =	vmul.f32 $5.000000000e-01, v2  }
0x81e: {  	vm11 =	veq.f32 v22, $-Inf;
	v6 =	vperm.xlane v48, v62;
	v4 =	vsel vm10, $0xFF800000, v4  }
0x81f: {  	v5 =	vadd.f32 v5, v7;
	v2 =	vnsel vm0, $0x0, v2;
	v7 =	vperm.xlane v48, v63  }
0x820: {  	v6 =	vmul.f32 $5.000000000e-01, v6;
	v4 =	vmul.f32 v4, v9;
	v2 =	vsel vm11, $0xFF800000, v2  }
0x821: {  	vm12 =	vmmov $0xfff;
	v2 =	vmul.f32 v2, v9;
	v7 =	vmul.f32 $5.000000000e-01, v7  }
0x822: {  	vm13 =	vmmov $0x1fff;
	v0 =	vsel vm12, v0, v1;
	v1 =	vadd.f32 v4, v6  }
0x823: {  	vm14 =	vmmov $0x3fff;
	v0 =	vsel vm13, v0, v5;
	v2 =	vadd.f32 v2, v7  }
0x824: {  	vm15 =	vmmov $0x7fff;
	v0 =	vsel vm14, v0, v1  }
0x825: {  	s18 =	sadd.s32 $0x1, s18;
	v0 =	vsel vm15, v0, v2  }
0x826: {  	p0 =	sne.s32 s18, s11;
	[tilespmem:$0x10080] =	vst v0  }
0x827: {  	[hbm4b:s10+s4] =	stream.linear.scatter [tilespmem:s17], [sflag:$0x1], $0x10, $0x38;
	[tilespmem:$0x10280] =	vst v63  }
.Ltmp3:
0x828: {  	_ = 	snop;
	(pc) =	sbr.rel @p0 .LBB2_1-.Ltmp3, $4  }
0x829: {  	_ =	swait.ge [sflag:s12], $0x10  }
0x82a: {  	v60 =	vld [tilespmem:$0x1FFD0]  }
0x82b: {  	v36 =	vimm.s32 $0x0;
	[sflag:s12] =	ssyncset.done $0x0;
	v61 =	vld [tilespmem:$0x1FFE0]  }
0x82c: {  	v46 =	vimm.s32 $0x1;
	v59 =	vimm.s32 $0x2;
	v63 =	vimm.s32 $0x3;
	v62 =	vld [tilespmem:$0x1FFF0];
	[sflag:s12] =	ssyncadd.s32 $0xFFFFFFF0  }
0x82d: {  	_ =	sfence.sel $0x180000  }
0x82e: {  	[bflag:$0x0] =	sbarrier.arrive $0xFFFF  }
0x82f: {  	p0 =	sne.s32 s3, $0x0;
	_ =	strace $0x90000047  }
0x830: {  	s0 =	sadd.s32 @!p0 $0x100000, s5;
	[bflag:$0x2] =	sbarrier.arrive $0xFFFF  }
0x831: {  	[sflag:s0] =	ssyncadd.tile.s32 @!p0 $0x1;
	_ =	shalt  }
.Lfunc_end2:
_tile_overlayer_lowered:
.L_overlay_start_2:
0x832: {  	(tag) =	ssettag $0x2  }
0x833: {  	s0 =	rddreg [dreg:$0x0];
	s2 =	stileid.u32  }
0x834: {  	s1 =	rddreg [dreg:$0x1];
	p0 =	sne.s32 s2, $0x0  }
0x835: {  	s3 =	rddreg [dreg:$0x2];
	[bflag:$0x3] =	sbarrier.arrive $0xFFFF;
	s2 =	simm.s32 @!p0 $0x1C01  }
0x836: {  	[timem:s3], [sflag:s2] =	dma.local @!p0 [hbm:s0], s1  }
0x837: {  	s0 =	simm.s32 @!p0 $0x1  }
0x838: {  	_ =	swait.ge @!p0 [sflag:s0], s1  }
0x839: {  	s1 =	ssub.s32 @!p0 $0x0, s1;
	[sflag:s0] =	ssyncset.done @!p0 $0x0  }
0x83a: {  	[sflag:s0] =	ssyncadd.s32 @!p0 s1  }
0x83b: {  	[bflag:$0x3] =	sbarrier.arrive $0xFFFF  }
0x83c: {  	_ =	shalt  }

</sc_bundles>
